<compile_context>
chip_gen: v7x
topology: tpu7x:2x2x1
jax: 0.10.2.dev20260603
libtpu: 0.0.44.dev20260713+nightly
codegen_flags: <defaults>
</compile_context>

<pallas_src>
import functools

import jax
import jax.numpy as jnp
from jax import lax
from jax.experimental import pallas as pl
from jax.experimental.pallas import tpu as pltpu
from jax.experimental.pallas import tpu_sc as plsc

N = 10000
E = 320000
D = 128
NC = 2
NS = 16
NW = NC * NS
EPW = E // NW
CHUNK = 100
NCHUNK = EPW // CHUNK
NBUF = 3
IBUF = 2
STEP = 6
TAIL = NCHUNK % STEP
MAIN = NCHUNK - TAIL
STRIPE = 624
ZROWS = 16
NPAD = N


def _make_agg():
  mesh = plsc.VectorSubcoreMesh(core_axis_name="c", subcore_axis_name="s")

  @functools.partial(
      pl.kernel,
      out_type=jax.ShapeDtypeStruct((NC, NPAD, D), jnp.float32),
      mesh=mesh,
      compiler_params=pltpu.CompilerParams(use_tc_tiling_on_sc=False),
      scratch_types=[
          pltpu.VMEM_SHARED((NPAD, D), jnp.float32),
          pltpu.VMEM((NCHUNK, CHUNK), jnp.int32),
          pltpu.VMEM((IBUF, CHUNK), jnp.int32),
          pltpu.VMEM((NBUF, CHUNK, D), jnp.float32),
          pltpu.VMEM((ZROWS, D), jnp.float32),
          [pltpu.SemaphoreType.DMA] * NBUF,
          [pltpu.SemaphoreType.DMA] * IBUF,
          pltpu.SemaphoreType.DMA,
      ],
  )
  def agg(x_hbm, src_hbm, dst_hbm, zeros_hbm, out_hbm, acc, src_v, dst_v,
          rows_v, zbuf, sems, isems, zsem):
    c = lax.axis_index("c")
    s = lax.axis_index("s")
    wid = s * NC + c
    base = s * STRIPE
    pltpu.sync_copy(src_hbm.at[wid], src_v)
    pltpu.sync_copy(zeros_hbm, zbuf)
    for t in range(STRIPE // ZROWS):
      pltpu.async_copy(zbuf, acc.at[pl.ds(base + t * ZROWS, ZROWS)], zsem)

    @pl.when(s == NS - 1)
    def _():
      pltpu.async_copy(zbuf, acc.at[pl.ds(base + STRIPE, ZROWS)], zsem)

    for b in range(NBUF):
      pltpu.async_copy(x_hbm.at[src_v.at[b]], rows_v.at[b], sems[b])
    for k in range(IBUF):
      pltpu.async_copy(dst_hbm.at[wid, k], dst_v.at[k], isems[k])
    for t in range(STRIPE // ZROWS):
      pltpu.make_async_copy(
          zbuf, acc.at[pl.ds(base + t * ZROWS, ZROWS)], zsem).wait()

    @pl.when(s == NS - 1)
    def _():
      pltpu.make_async_copy(
          zbuf, acc.at[pl.ds(base + STRIPE, ZROWS)], zsem).wait()

    plsc.subcore_barrier()

    def slot(i, b):
      rb = b % NBUF
      kb = b % IBUF
      pltpu.make_async_copy(
          x_hbm.at[src_v.at[i]], rows_v.at[rb], sems[rb]).wait()
      pltpu.make_async_copy(
          dst_hbm.at[wid, i], dst_v.at[kb], isems[kb]).wait()
      pltpu.sync_copy(rows_v.at[rb], acc.at[dst_v.at[kb]], add=True)
      return rb, kb

    @pl.loop(0, MAIN, step=STEP)
    def _(g):
      for b in range(STEP):
        i = g + b
        rb, kb = slot(i, b)
        pltpu.async_copy(dst_hbm.at[wid, i + IBUF], dst_v.at[kb], isems[kb])
        pltpu.async_copy(x_hbm.at[src_v.at[i + NBUF]], rows_v.at[rb], sems[rb])

    for b in range(TAIL):
      i = MAIN + b
      rb, kb = slot(i, b)
      if i + IBUF < NCHUNK:
        pltpu.async_copy(dst_hbm.at[wid, i + IBUF], dst_v.at[kb], isems[kb])
      if i + NBUF < NCHUNK:
        pltpu.async_copy(x_hbm.at[src_v.at[i + NBUF]], rows_v.at[rb], sems[rb])

    plsc.subcore_barrier()
    pltpu.sync_copy(
        acc.at[pl.ds(base, STRIPE)], out_hbm.at[c, pl.ds(base, STRIPE)])

    @pl.when(s == NS - 1)
    def _():
      pltpu.sync_copy(
          acc.at[pl.ds(base + STRIPE, ZROWS)],
          out_hbm.at[c, pl.ds(base + STRIPE, ZROWS)])

  return agg


_BLK = 2000


def _mlp_body(x_ref, p_ref, wa_ref, ba_ref, wb_ref, bb_ref, o_ref):
  h = x_ref[...] + p_ref[0] + p_ref[1]
  h = jnp.dot(h, wa_ref[...], preferred_element_type=jnp.float32) + ba_ref[...]
  h = jnp.maximum(h, 0.0)
  o_ref[...] = (
      jnp.dot(h, wb_ref[...], preferred_element_type=jnp.float32) + bb_ref[...])


def _mlp(x, p, Wa, ba, Wb, bb):
  return pl.pallas_call(
      _mlp_body,
      grid=(N // _BLK,),
      in_specs=[
          pl.BlockSpec((_BLK, D), lambda i: (i, 0)),
          pl.BlockSpec((NC, _BLK, D), lambda i: (0, i, 0)),
          pl.BlockSpec((D, D), lambda i: (0, 0)),
          pl.BlockSpec((1, D), lambda i: (0, 0)),
          pl.BlockSpec((D, D), lambda i: (0, 0)),
          pl.BlockSpec((1, D), lambda i: (0, 0)),
      ],
      out_specs=pl.BlockSpec((_BLK, D), lambda i: (i, 0)),
      out_shape=jax.ShapeDtypeStruct((N, D), jnp.float32),
  )(x, p, Wa, ba, Wb, bb)


def kernel(x, edge_index, W1a, b1a, W1b, b1b, W2a, b2a, W2b, b2b):
  src = edge_index[0].reshape(NW, NCHUNK, CHUNK)
  dst = edge_index[1].reshape(NW, NCHUNK, CHUNK)
  zeros = jnp.zeros((ZROWS, D), jnp.float32)
  agg = _make_agg()
  p1 = agg(x, src, dst, zeros)
  h1 = _mlp(x, p1, W1a, b1a.reshape(1, D), W1b, b1b.reshape(1, D))
  p2 = agg(h1, src, dst, zeros)
  h2 = _mlp(h1, p2, W2a, b2a.reshape(1, D), W2b, b2b.reshape(1, D))
  return h2

# --- scband reference (transcript-rebuilt; emitter-appended) ---
"""Pipeline reference for scband-ginencoder-41351945125992 (READ-ONLY COPY).

The authoritative reference and input builder live on the scoring server;
editing this copy changes nothing except your own understanding.
"""

import jax, jax.numpy as jnp
import numpy as np

N_NODES = 10000
N_EDGES = 320000
D = 128


def setup_inputs(seed: int = 0) -> dict:
    key = jax.random.key(seed)
    ks = jax.random.split(key, 10)
    x = jax.random.normal(ks[0], (N_NODES, D), dtype=jnp.float32)
    edge_index = jax.random.randint(ks[1], (2, N_EDGES), 0, N_NODES, dtype=jnp.int32)
    s = 1.0 / np.sqrt(D)
    W1a = jax.random.normal(ks[2], (D, D), dtype=jnp.float32) * s
    b1a = jnp.zeros((D,), dtype=jnp.float32)
    W1b = jax.random.normal(ks[3], (D, D), dtype=jnp.float32) * s
    b1b = jnp.zeros((D,), dtype=jnp.float32)
    W2a = jax.random.normal(ks[4], (D, D), dtype=jnp.float32) * s
    b2a = jnp.zeros((D,), dtype=jnp.float32)
    W2b = jax.random.normal(ks[5], (D, D), dtype=jnp.float32) * s
    b2b = jnp.zeros((D,), dtype=jnp.float32)
    return {"x": x, "edge_index": edge_index, "W1a": W1a, "b1a": b1a, "W1b": W1b, "b1b": b1b, "W2a": W2a, "b2a": b2a, "W2b": W2b, "b2b": b2b}


def _gin_conv(x, edge_index, Wa, ba, Wb, bb):
    # PyG GINConv with eps=0: mlp((1+eps)*x + sum_{j->i} x_j)
    src = edge_index[0]
    dst = edge_index[1]
    msgs = jnp.take(x, src, axis=0)
    agg = jax.ops.segment_sum(msgs, dst, num_segments=N_NODES)
    h = x + agg
    h = h @ Wa + ba
    h = jax.nn.relu(h)
    h = h @ Wb + bb
    return h


def reference(x, edge_index, W1a, b1a, W1b, b1b, W2a, b2a, W2b, b2b):
    h = _gin_conv(x, edge_index, W1a, b1a, W1b, b1b)
    h = _gin_conv(h, edge_index, W2a, b2a, W2b, b2b)
    return h

if __name__ == "__main__":
    import jax
    _d = setup_inputs()
    print(jax.jit(kernel)(*tuple(_d.values())))

</pallas_src>

<mosaic_0001>
#map = affine_map<(d0, d1) -> (0, 0)>
#map1 = affine_map<(d0, d1) -> (0, 0, 0)>
module attributes {stable_mosaic.version = 14 : i64} {
  func.func @agg(%arg0: i32, %arg1: i32, %arg2: memref<10000x128xf32, #tpu.memory_space<hbm>>, %arg3: memref<32x100x100xi32, #tpu.memory_space<hbm>>, %arg4: memref<32x100x100xi32, #tpu.memory_space<hbm>>, %arg5: memref<16x128xf32, #tpu.memory_space<hbm>>, %arg6: memref<2x10000x128xf32, #tpu.memory_space<hbm>>, %arg7: memref<10000x128xf32, #tpu.memory_space<vmem_shared>>, %arg8: memref<100x100xi32, #tpu.memory_space<vmem>>, %arg9: memref<2x100xi32, #tpu.memory_space<vmem>>, %arg10: memref<3x100x128xf32, #tpu.memory_space<vmem>>, %arg11: memref<16x128xf32, #tpu.memory_space<vmem>>, %arg12: memref<!tpu.dma_semaphore, #tpu.memory_space<semaphore_mem>>, %arg13: memref<!tpu.dma_semaphore, #tpu.memory_space<semaphore_mem>>, %arg14: memref<!tpu.dma_semaphore, #tpu.memory_space<semaphore_mem>>, %arg15: memref<!tpu.dma_semaphore, #tpu.memory_space<semaphore_mem>>, %arg16: memref<!tpu.dma_semaphore, #tpu.memory_space<semaphore_mem>>, %arg17: memref<!tpu.dma_semaphore, #tpu.memory_space<semaphore_mem>>) attributes {dimension_semantics = [#tpu.dimension_semantics<core_parallel>, #tpu.dimension_semantics<subcore_parallel>], iteration_bounds = array<i64: 2, 16>, scalar_prefetch = 0 : i64, scratch_operands = 11 : i64, tpu.core_type = #tpu.core_type<sc_vector_subcore>, window_params = [{transform_indices = #map}, {transform_indices = #map1}, {transform_indices = #map1}, {transform_indices = #map}, {transform_indices = #map1}]} {
    %mul3A = arith.constant 2 : i32
    %mul3A_0 = arith.muli %arg1, %mul3A : i32
    %add3A = arith.addi %mul3A_0, %arg0 : i32
    %mul3A_1 = arith.constant 624 : i32
    %mul3A_2 = arith.muli %arg1, %mul3A_1 : i32
    "tpu.region"() ({
      %run_scoped3A_701 = tpu.sem_alloc : memref<!tpu.dma_semaphore, #tpu.memory_space<semaphore_mem>>
      %dma_start3A_702 = arith.constant 0 : i32
      %dma_start3A_703 = arith.constant 0 : i32
      %dma_start3A_704 = tpu.memref_slice %arg3[%add3A, %dma_start3A_702, %dma_start3A_703] : memref<32x100x100xi32, #tpu.memory_space<hbm>> -> memref<1x100x100xi32, #tpu.memory_space<hbm>>
      %dma_start3A_705 = tpu.memref_squeeze %dma_start3A_704 : memref<1x100x100xi32, #tpu.memory_space<hbm>> -> memref<100x100xi32, #tpu.memory_space<hbm>>
      %dma_start3A_706 = arith.constant 0 : i32
      %dma_start3A_707 = arith.constant 0 : i32
      %dma_start3A_708 = tpu.memref_slice %arg3[%add3A, %dma_start3A_706, %dma_start3A_707] : memref<32x100x100xi32, #tpu.memory_space<hbm>> -> memref<1x100x100xi32, #tpu.memory_space<hbm>>
      %dma_start3A_709 = tpu.memref_squeeze %dma_start3A_708 : memref<1x100x100xi32, #tpu.memory_space<hbm>> -> memref<100x100xi32, #tpu.memory_space<hbm>>
      tpu.enqueue_dma source(%dma_start3A_709 : memref<100x100xi32, #tpu.memory_space<hbm>>) target(%arg8 : memref<100x100xi32, #tpu.memory_space<vmem>>) target_semaphore(%run_scoped3A_701 : memref<!tpu.dma_semaphore, #tpu.memory_space<semaphore_mem>>)
      %dma_wait3A_710 = arith.constant 0 : i32
      %dma_wait3A_711 = arith.constant 0 : i32
      %dma_wait3A_712 = tpu.memref_slice %arg3[%add3A, %dma_wait3A_710, %dma_wait3A_711] : memref<32x100x100xi32, #tpu.memory_space<hbm>> -> memref<1x100x100xi32, #tpu.memory_space<hbm>>
      %dma_wait3A_713 = tpu.memref_squeeze %dma_wait3A_712 : memref<1x100x100xi32, #tpu.memory_space<hbm>> -> memref<100x100xi32, #tpu.memory_space<hbm>>
      %dma_wait3A_714 = arith.constant 0 : i32
      %dma_wait3A_715 = arith.constant 0 : i32
      %dma_wait3A_716 = tpu.memref_slice %arg3[%add3A, %dma_wait3A_714, %dma_wait3A_715] : memref<32x100x100xi32, #tpu.memory_space<hbm>> -> memref<1x100x100xi32, #tpu.memory_space<hbm>>
      %dma_wait3A_717 = tpu.memref_squeeze %dma_wait3A_716 : memref<1x100x100xi32, #tpu.memory_space<hbm>> -> memref<100x100xi32, #tpu.memory_space<hbm>>
      tpu.wait_dma2 semaphore(%run_scoped3A_701 : memref<!tpu.dma_semaphore, #tpu.memory_space<semaphore_mem>>) src(%dma_wait3A_717 : memref<100x100xi32, #tpu.memory_space<hbm>>) dst(%arg8 : memref<100x100xi32, #tpu.memory_space<vmem>>)
      tpu.yield
    }) : () -> ()
    "tpu.region"() ({
      %run_scoped3A_701 = tpu.sem_alloc : memref<!tpu.dma_semaphore, #tpu.memory_space<semaphore_mem>>
      tpu.enqueue_dma source(%arg5 : memref<16x128xf32, #tpu.memory_space<hbm>>) target(%arg11 : memref<16x128xf32, #tpu.memory_space<vmem>>) target_semaphore(%run_scoped3A_701 : memref<!tpu.dma_semaphore, #tpu.memory_space<semaphore_mem>>)
      tpu.wait_dma2 semaphore(%run_scoped3A_701 : memref<!tpu.dma_semaphore, #tpu.memory_space<semaphore_mem>>) src(%arg5 : memref<16x128xf32, #tpu.memory_space<hbm>>) dst(%arg11 : memref<16x128xf32, #tpu.memory_space<vmem>>)
      tpu.yield
    }) : () -> ()
    %add3A_3 = arith.constant 0 : i32
    %add3A_4 = arith.addi %mul3A_2, %add3A_3 : i32
    %dma_start3A = arith.constant 0 : i32
    %dma_start3A_5 = tpu.memref_slice %arg7[%add3A_4, %dma_start3A] : memref<10000x128xf32, #tpu.memory_space<vmem_shared>> -> memref<16x128xf32, #tpu.memory_space<vmem_shared>>
    %dma_start3A_6 = arith.constant 0 : i32
    %dma_start3A_7 = tpu.memref_slice %arg7[%add3A_4, %dma_start3A_6] : memref<10000x128xf32, #tpu.memory_space<vmem_shared>> -> memref<16x128xf32, #tpu.memory_space<vmem_shared>>
    tpu.enqueue_dma source(%arg11 : memref<16x128xf32, #tpu.memory_space<vmem>>) target(%dma_start3A_7 : memref<16x128xf32, #tpu.memory_space<vmem_shared>>) target_semaphore(%arg17 : memref<!tpu.dma_semaphore, #tpu.memory_space<semaphore_mem>>)
    %add3A_8 = arith.constant 16 : i32
    %add3A_9 = arith.addi %mul3A_2, %add3A_8 : i32
    %dma_start3A_10 = arith.constant 0 : i32
    %dma_start3A_11 = tpu.memref_slice %arg7[%add3A_9, %dma_start3A_10] : memref<10000x128xf32, #tpu.memory_space<vmem_shared>> -> memref<16x128xf32, #tpu.memory_space<vmem_shared>>
    %dma_start3A_12 = arith.constant 0 : i32
    %dma_start3A_13 = tpu.memref_slice %arg7[%add3A_9, %dma_start3A_12] : memref<10000x128xf32, #tpu.memory_space<vmem_shared>> -> memref<16x128xf32, #tpu.memory_space<vmem_shared>>
    tpu.enqueue_dma source(%arg11 : memref<16x128xf32, #tpu.memory_space<vmem>>) target(%dma_start3A_13 : memref<16x128xf32, #tpu.memory_space<vmem_shared>>) target_semaphore(%arg17 : memref<!tpu.dma_semaphore, #tpu.memory_space<semaphore_mem>>)
    %add3A_14 = arith.constant 32 : i32
    %add3A_15 = arith.addi %mul3A_2, %add3A_14 : i32
    %dma_start3A_16 = arith.constant 0 : i32
    %dma_start3A_17 = tpu.memref_slice %arg7[%add3A_15, %dma_start3A_16] : memref<10000x128xf32, #tpu.memory_space<vmem_shared>> -> memref<16x128xf32, #tpu.memory_space<vmem_shared>>
    %dma_start3A_18 = arith.constant 0 : i32
    %dma_start3A_19 = tpu.memref_slice %arg7[%add3A_15, %dma_start3A_18] : memref<10000x128xf32, #tpu.memory_space<vmem_shared>> -> memref<16x128xf32, #tpu.memory_space<vmem_shared>>
    tpu.enqueue_dma source(%arg11 : memref<16x128xf32, #tpu.memory_space<vmem>>) target(%dma_start3A_19 : memref<16x128xf32, #tpu.memory_space<vmem_shared>>) target_semaphore(%arg17 : memref<!tpu.dma_semaphore, #tpu.memory_space<semaphore_mem>>)
    %add3A_20 = arith.constant 48 : i32
    %add3A_21 = arith.addi %mul3A_2, %add3A_20 : i32
    %dma_start3A_22 = arith.constant 0 : i32
    %dma_start3A_23 = tpu.memref_slice %arg7[%add3A_21, %dma_start3A_22] : memref<10000x128xf32, #tpu.memory_space<vmem_shared>> -> memref<16x128xf32, #tpu.memory_space<vmem_shared>>
    %dma_start3A_24 = arith.constant 0 : i32
    %dma_start3A_25 = tpu.memref_slice %arg7[%add3A_21, %dma_start3A_24] : memref<10000x128xf32, #tpu.memory_space<vmem_shared>> -> memref<16x128xf32, #tpu.memory_space<vmem_shared>>
    tpu.enqueue_dma source(%arg11 : memref<16x128xf32, #tpu.memory_space<vmem>>) target(%dma_start3A_25 : memref<16x128xf32, #tpu.memory_space<vmem_shared>>) target_semaphore(%arg17 : memref<!tpu.dma_semaphore, #tpu.memory_space<semaphore_mem>>)
    %add3A_26 = arith.constant 64 : i32
    %add3A_27 = arith.addi %mul3A_2, %add3A_26 : i32
    %dma_start3A_28 = arith.constant 0 : i32
    %dma_start3A_29 = tpu.memref_slice %arg7[%add3A_27, %dma_start3A_28] : memref<10000x128xf32, #tpu.memory_space<vmem_shared>> -> memref<16x128xf32, #tpu.memory_space<vmem_shared>>
    %dma_start3A_30 = arith.constant 0 : i32
    %dma_start3A_31 = tpu.memref_slice %arg7[%add3A_27, %dma_start3A_30] : memref<10000x128xf32, #tpu.memory_space<vmem_shared>> -> memref<16x128xf32, #tpu.memory_space<vmem_shared>>
    tpu.enqueue_dma source(%arg11 : memref<16x128xf32, #tpu.memory_space<vmem>>) target(%dma_start3A_31 : memref<16x128xf32, #tpu.memory_space<vmem_shared>>) target_semaphore(%arg17 : memref<!tpu.dma_semaphore, #tpu.memory_space<semaphore_mem>>)
    %add3A_32 = arith.constant 80 : i32
    %add3A_33 = arith.addi %mul3A_2, %add3A_32 : i32
    %dma_start3A_34 = arith.constant 0 : i32
    %dma_start3A_35 = tpu.memref_slice %arg7[%add3A_33, %dma_start3A_34] : memref<10000x128xf32, #tpu.memory_space<vmem_shared>> -> memref<16x128xf32, #tpu.memory_space<vmem_shared>>
    %dma_start3A_36 = arith.constant 0 : i32
    %dma_start3A_37 = tpu.memref_slice %arg7[%add3A_33, %dma_start3A_36] : memref<10000x128xf32, #tpu.memory_space<vmem_shared>> -> memref<16x128xf32, #tpu.memory_space<vmem_shared>>
    tpu.enqueue_dma source(%arg11 : memref<16x128xf32, #tpu.memory_space<vmem>>) target(%dma_start3A_37 : memref<16x128xf32, #tpu.memory_space<vmem_shared>>) target_semaphore(%arg17 : memref<!tpu.dma_semaphore, #tpu.memory_space<semaphore_mem>>)
    %add3A_38 = arith.constant 96 : i32
    %add3A_39 = arith.addi %mul3A_2, %add3A_38 : i32
    %dma_start3A_40 = arith.constant 0 : i32
    %dma_start3A_41 = tpu.memref_slice %arg7[%add3A_39, %dma_start3A_40] : memref<10000x128xf32, #tpu.memory_space<vmem_shared>> -> memref<16x128xf32, #tpu.memory_space<vmem_shared>>
    %dma_start3A_42 = arith.constant 0 : i32
    %dma_start3A_43 = tpu.memref_slice %arg7[%add3A_39, %dma_start3A_42] : memref<10000x128xf32, #tpu.memory_space<vmem_shared>> -> memref<16x128xf32, #tpu.memory_space<vmem_shared>>
    tpu.enqueue_dma source(%arg11 : memref<16x128xf32, #tpu.memory_space<vmem>>) target(%dma_start3A_43 : memref<16x128xf32, #tpu.memory_space<vmem_shared>>) target_semaphore(%arg17 : memref<!tpu.dma_semaphore, #tpu.memory_space<semaphore_mem>>)
    %add3A_44 = arith.constant 112 : i32
    %add3A_45 = arith.addi %mul3A_2, %add3A_44 : i32
    %dma_start3A_46 = arith.constant 0 : i32
    %dma_start3A_47 = tpu.memref_slice %arg7[%add3A_45, %dma_start3A_46] : memref<10000x128xf32, #tpu.memory_space<vmem_shared>> -> memref<16x128xf32, #tpu.memory_space<vmem_shared>>
    %dma_start3A_48 = arith.constant 0 : i32
    %dma_start3A_49 = tpu.memref_slice %arg7[%add3A_45, %dma_start3A_48] : memref<10000x128xf32, #tpu.memory_space<vmem_shared>> -> memref<16x128xf32, #tpu.memory_space<vmem_shared>>
    tpu.enqueue_dma source(%arg11 : memref<16x128xf32, #tpu.memory_space<vmem>>) target(%dma_start3A_49 : memref<16x128xf32, #tpu.memory_space<vmem_shared>>) target_semaphore(%arg17 : memref<!tpu.dma_semaphore, #tpu.memory_space<semaphore_mem>>)
    %add3A_50 = arith.constant 128 : i32
    %add3A_51 = arith.addi %mul3A_2, %add3A_50 : i32
    %dma_start3A_52 = arith.constant 0 : i32
    %dma_start3A_53 = tpu.memref_slice %arg7[%add3A_51, %dma_start3A_52] : memref<10000x128xf32, #tpu.memory_space<vmem_shared>> -> memref<16x128xf32, #tpu.memory_space<vmem_shared>>
    %dma_start3A_54 = arith.constant 0 : i32
    %dma_start3A_55 = tpu.memref_slice %arg7[%add3A_51, %dma_start3A_54] : memref<10000x128xf32, #tpu.memory_space<vmem_shared>> -> memref<16x128xf32, #tpu.memory_space<vmem_shared>>
    tpu.enqueue_dma source(%arg11 : memref<16x128xf32, #tpu.memory_space<vmem>>) target(%dma_start3A_55 : memref<16x128xf32, #tpu.memory_space<vmem_shared>>) target_semaphore(%arg17 : memref<!tpu.dma_semaphore, #tpu.memory_space<semaphore_mem>>)
    %add3A_56 = arith.constant 144 : i32
    %add3A_57 = arith.addi %mul3A_2, %add3A_56 : i32
    %dma_start3A_58 = arith.constant 0 : i32
    %dma_start3A_59 = tpu.memref_slice %arg7[%add3A_57, %dma_start3A_58] : memref<10000x128xf32, #tpu.memory_space<vmem_shared>> -> memref<16x128xf32, #tpu.memory_space<vmem_shared>>
    %dma_start3A_60 = arith.constant 0 : i32
    %dma_start3A_61 = tpu.memref_slice %arg7[%add3A_57, %dma_start3A_60] : memref<10000x128xf32, #tpu.memory_space<vmem_shared>> -> memref<16x128xf32, #tpu.memory_space<vmem_shared>>
    tpu.enqueue_dma source(%arg11 : memref<16x128xf32, #tpu.memory_space<vmem>>) target(%dma_start3A_61 : memref<16x128xf32, #tpu.memory_space<vmem_shared>>) target_semaphore(%arg17 : memref<!tpu.dma_semaphore, #tpu.memory_space<semaphore_mem>>)
    %add3A_62 = arith.constant 160 : i32
    %add3A_63 = arith.addi %mul3A_2, %add3A_62 : i32
    %dma_start3A_64 = arith.constant 0 : i32
    %dma_start3A_65 = tpu.memref_slice %arg7[%add3A_63, %dma_start3A_64] : memref<10000x128xf32, #tpu.memory_space<vmem_shared>> -> memref<16x128xf32, #tpu.memory_space<vmem_shared>>
    %dma_start3A_66 = arith.constant 0 : i32
    %dma_start3A_67 = tpu.memref_slice %arg7[%add3A_63, %dma_start3A_66] : memref<10000x128xf32, #tpu.memory_space<vmem_shared>> -> memref<16x128xf32, #tpu.memory_space<vmem_shared>>
    tpu.enqueue_dma source(%arg11 : memref<16x128xf32, #tpu.memory_space<vmem>>) target(%dma_start3A_67 : memref<16x128xf32, #tpu.memory_space<vmem_shared>>) target_semaphore(%arg17 : memref<!tpu.dma_semaphore, #tpu.memory_space<semaphore_mem>>)
    %add3A_68 = arith.constant 176 : i32
    %add3A_69 = arith.addi %mul3A_2, %add3A_68 : i32
    %dma_start3A_70 = arith.constant 0 : i32
    %dma_start3A_71 = tpu.memref_slice %arg7[%add3A_69, %dma_start3A_70] : memref<10000x128xf32, #tpu.memory_space<vmem_shared>> -> memref<16x128xf32, #tpu.memory_space<vmem_shared>>
    %dma_start3A_72 = arith.constant 0 : i32
    %dma_start3A_73 = tpu.memref_slice %arg7[%add3A_69, %dma_start3A_72] : memref<10000x128xf32, #tpu.memory_space<vmem_shared>> -> memref<16x128xf32, #tpu.memory_space<vmem_shared>>
    tpu.enqueue_dma source(%arg11 : memref<16x128xf32, #tpu.memory_space<vmem>>) target(%dma_start3A_73 : memref<16x128xf32, #tpu.memory_space<vmem_shared>>) target_semaphore(%arg17 : memref<!tpu.dma_semaphore, #tpu.memory_space<semaphore_mem>>)
    %add3A_74 = arith.constant 192 : i32
    %add3A_75 = arith.addi %mul3A_2, %add3A_74 : i32
    %dma_start3A_76 = arith.constant 0 : i32
    %dma_start3A_77 = tpu.memref_slice %arg7[%add3A_75, %dma_start3A_76] : memref<10000x128xf32, #tpu.memory_space<vmem_shared>> -> memref<16x128xf32, #tpu.memory_space<vmem_shared>>
    %dma_start3A_78 = arith.constant 0 : i32
    %dma_start3A_79 = tpu.memref_slice %arg7[%add3A_75, %dma_start3A_78] : memref<10000x128xf32, #tpu.memory_space<vmem_shared>> -> memref<16x128xf32, #tpu.memory_space<vmem_shared>>
    tpu.enqueue_dma source(%arg11 : memref<16x128xf32, #tpu.memory_space<vmem>>) target(%dma_start3A_79 : memref<16x128xf32, #tpu.memory_space<vmem_shared>>) target_semaphore(%arg17 : memref<!tpu.dma_semaphore, #tpu.memory_space<semaphore_mem>>)
    %add3A_80 = arith.constant 208 : i32
    %add3A_81 = arith.addi %mul3A_2, %add3A_80 : i32
    %dma_start3A_82 = arith.constant 0 : i32
    %dma_start3A_83 = tpu.memref_slice %arg7[%add3A_81, %dma_start3A_82] : memref<10000x128xf32, #tpu.memory_space<vmem_shared>> -> memref<16x128xf32, #tpu.memory_space<vmem_shared>>
    %dma_start3A_84 = arith.constant 0 : i32
    %dma_start3A_85 = tpu.memref_slice %arg7[%add3A_81, %dma_start3A_84] : memref<10000x128xf32, #tpu.memory_space<vmem_shared>> -> memref<16x128xf32, #tpu.memory_space<vmem_shared>>
    tpu.enqueue_dma source(%arg11 : memref<16x128xf32, #tpu.memory_space<vmem>>) target(%dma_start3A_85 : memref<16x128xf32, #tpu.memory_space<vmem_shared>>) target_semaphore(%arg17 : memref<!tpu.dma_semaphore, #tpu.memory_space<semaphore_mem>>)
    %add3A_86 = arith.constant 224 : i32
    %add3A_87 = arith.addi %mul3A_2, %add3A_86 : i32
    %dma_start3A_88 = arith.constant 0 : i32
    %dma_start3A_89 = tpu.memref_slice %arg7[%add3A_87, %dma_start3A_88] : memref<10000x128xf32, #tpu.memory_space<vmem_shared>> -> memref<16x128xf32, #tpu.memory_space<vmem_shared>>
    %dma_start3A_90 = arith.constant 0 : i32
    %dma_start3A_91 = tpu.memref_slice %arg7[%add3A_87, %dma_start3A_90] : memref<10000x128xf32, #tpu.memory_space<vmem_shared>> -> memref<16x128xf32, #tpu.memory_space<vmem_shared>>
    tpu.enqueue_dma source(%arg11 : memref<16x128xf32, #tpu.memory_space<vmem>>) target(%dma_start3A_91 : memref<16x128xf32, #tpu.memory_space<vmem_shared>>) target_semaphore(%arg17 : memref<!tpu.dma_semaphore, #tpu.memory_space<semaphore_mem>>)
    %add3A_92 = arith.constant 240 : i32
    %add3A_93 = arith.addi %mul3A_2, %add3A_92 : i32
    %dma_start3A_94 = arith.constant 0 : i32
    %dma_start3A_95 = tpu.memref_slice %arg7[%add3A_93, %dma_start3A_94] : memref<10000x128xf32, #tpu.memory_space<vmem_shared>> -> memref<16x128xf32, #tpu.memory_space<vmem_shared>>
    %dma_start3A_96 = arith.constant 0 : i32
    %dma_start3A_97 = tpu.memref_slice %arg7[%add3A_93, %dma_start3A_96] : memref<10000x128xf32, #tpu.memory_space<vmem_shared>> -> memref<16x128xf32, #tpu.memory_space<vmem_shared>>
    tpu.enqueue_dma source(%arg11 : memref<16x128xf32, #tpu.memory_space<vmem>>) target(%dma_start3A_97 : memref<16x128xf32, #tpu.memory_space<vmem_shared>>) target_semaphore(%arg17 : memref<!tpu.dma_semaphore, #tpu.memory_space<semaphore_mem>>)
    %add3A_98 = arith.constant 256 : i32
    %add3A_99 = arith.addi %mul3A_2, %add3A_98 : i32
    %dma_start3A_100 = arith.constant 0 : i32
    %dma_start3A_101 = tpu.memref_slice %arg7[%add3A_99, %dma_start3A_100] : memref<10000x128xf32, #tpu.memory_space<vmem_shared>> -> memref<16x128xf32, #tpu.memory_space<vmem_shared>>
    %dma_start3A_102 = arith.constant 0 : i32
    %dma_start3A_103 = tpu.memref_slice %arg7[%add3A_99, %dma_start3A_102] : memref<10000x128xf32, #tpu.memory_space<vmem_shared>> -> memref<16x128xf32, #tpu.memory_space<vmem_shared>>
    tpu.enqueue_dma source(%arg11 : memref<16x128xf32, #tpu.memory_space<vmem>>) target(%dma_start3A_103 : memref<16x128xf32, #tpu.memory_space<vmem_shared>>) target_semaphore(%arg17 : memref<!tpu.dma_semaphore, #tpu.memory_space<semaphore_mem>>)
    %add3A_104 = arith.constant 272 : i32
    %add3A_105 = arith.addi %mul3A_2, %add3A_104 : i32
    %dma_start3A_106 = arith.constant 0 : i32
    %dma_start3A_107 = tpu.memref_slice %arg7[%add3A_105, %dma_start3A_106] : memref<10000x128xf32, #tpu.memory_space<vmem_shared>> -> memref<16x128xf32, #tpu.memory_space<vmem_shared>>
    %dma_start3A_108 = arith.constant 0 : i32
    %dma_start3A_109 = tpu.memref_slice %arg7[%add3A_105, %dma_start3A_108] : memref<10000x128xf32, #tpu.memory_space<vmem_shared>> -> memref<16x128xf32, #tpu.memory_space<vmem_shared>>
    tpu.enqueue_dma source(%arg11 : memref<16x128xf32, #tpu.memory_space<vmem>>) target(%dma_start3A_109 : memref<16x128xf32, #tpu.memory_space<vmem_shared>>) target_semaphore(%arg17 : memref<!tpu.dma_semaphore, #tpu.memory_space<semaphore_mem>>)
    %add3A_110 = arith.constant 288 : i32
    %add3A_111 = arith.addi %mul3A_2, %add3A_110 : i32
    %dma_start3A_112 = arith.constant 0 : i32
    %dma_start3A_113 = tpu.memref_slice %arg7[%add3A_111, %dma_start3A_112] : memref<10000x128xf32, #tpu.memory_space<vmem_shared>> -> memref<16x128xf32, #tpu.memory_space<vmem_shared>>
    %dma_start3A_114 = arith.constant 0 : i32
    %dma_start3A_115 = tpu.memref_slice %arg7[%add3A_111, %dma_start3A_114] : memref<10000x128xf32, #tpu.memory_space<vmem_shared>> -> memref<16x128xf32, #tpu.memory_space<vmem_shared>>
    tpu.enqueue_dma source(%arg11 : memref<16x128xf32, #tpu.memory_space<vmem>>) target(%dma_start3A_115 : memref<16x128xf32, #tpu.memory_space<vmem_shared>>) target_semaphore(%arg17 : memref<!tpu.dma_semaphore, #tpu.memory_space<semaphore_mem>>)
    %add3A_116 = arith.constant 304 : i32
    %add3A_117 = arith.addi %mul3A_2, %add3A_116 : i32
    %dma_start3A_118 = arith.constant 0 : i32
    %dma_start3A_119 = tpu.memref_slice %arg7[%add3A_117, %dma_start3A_118] : memref<10000x128xf32, #tpu.memory_space<vmem_shared>> -> memref<16x128xf32, #tpu.memory_space<vmem_shared>>
    %dma_start3A_120 = arith.constant 0 : i32
    %dma_start3A_121 = tpu.memref_slice %arg7[%add3A_117, %dma_start3A_120] : memref<10000x128xf32, #tpu.memory_space<vmem_shared>> -> memref<16x128xf32, #tpu.memory_space<vmem_shared>>
    tpu.enqueue_dma source(%arg11 : memref<16x128xf32, #tpu.memory_space<vmem>>) target(%dma_start3A_121 : memref<16x128xf32, #tpu.memory_space<vmem_shared>>) target_semaphore(%arg17 : memref<!tpu.dma_semaphore, #tpu.memory_space<semaphore_mem>>)
    %add3A_122 = arith.constant 320 : i32
    %add3A_123 = arith.addi %mul3A_2, %add3A_122 : i32
    %dma_start3A_124 = arith.constant 0 : i32
    %dma_start3A_125 = tpu.memref_slice %arg7[%add3A_123, %dma_start3A_124] : memref<10000x128xf32, #tpu.memory_space<vmem_shared>> -> memref<16x128xf32, #tpu.memory_space<vmem_shared>>
    %dma_start3A_126 = arith.constant 0 : i32
    %dma_start3A_127 = tpu.memref_slice %arg7[%add3A_123, %dma_start3A_126] : memref<10000x128xf32, #tpu.memory_space<vmem_shared>> -> memref<16x128xf32, #tpu.memory_space<vmem_shared>>
    tpu.enqueue_dma source(%arg11 : memref<16x128xf32, #tpu.memory_space<vmem>>) target(%dma_start3A_127 : memref<16x128xf32, #tpu.memory_space<vmem_shared>>) target_semaphore(%arg17 : memref<!tpu.dma_semaphore, #tpu.memory_space<semaphore_mem>>)
    %add3A_128 = arith.constant 336 : i32
    %add3A_129 = arith.addi %mul3A_2, %add3A_128 : i32
    %dma_start3A_130 = arith.constant 0 : i32
    %dma_start3A_131 = tpu.memref_slice %arg7[%add3A_129, %dma_start3A_130] : memref<10000x128xf32, #tpu.memory_space<vmem_shared>> -> memref<16x128xf32, #tpu.memory_space<vmem_shared>>
    %dma_start3A_132 = arith.constant 0 : i32
    %dma_start3A_133 = tpu.memref_slice %arg7[%add3A_129, %dma_start3A_132] : memref<10000x128xf32, #tpu.memory_space<vmem_shared>> -> memref<16x128xf32, #tpu.memory_space<vmem_shared>>
    tpu.enqueue_dma source(%arg11 : memref<16x128xf32, #tpu.memory_space<vmem>>) target(%dma_start3A_133 : memref<16x128xf32, #tpu.memory_space<vmem_shared>>) target_semaphore(%arg17 : memref<!tpu.dma_semaphore, #tpu.memory_space<semaphore_mem>>)
    %add3A_134 = arith.constant 352 : i32
    %add3A_135 = arith.addi %mul3A_2, %add3A_134 : i32
    %dma_start3A_136 = arith.constant 0 : i32
    %dma_start3A_137 = tpu.memref_slice %arg7[%add3A_135, %dma_start3A_136] : memref<10000x128xf32, #tpu.memory_space<vmem_shared>> -> memref<16x128xf32, #tpu.memory_space<vmem_shared>>
    %dma_start3A_138 = arith.constant 0 : i32
    %dma_start3A_139 = tpu.memref_slice %arg7[%add3A_135, %dma_start3A_138] : memref<10000x128xf32, #tpu.memory_space<vmem_shared>> -> memref<16x128xf32, #tpu.memory_space<vmem_shared>>
    tpu.enqueue_dma source(%arg11 : memref<16x128xf32, #tpu.memory_space<vmem>>) target(%dma_start3A_139 : memref<16x128xf32, #tpu.memory_space<vmem_shared>>) target_semaphore(%arg17 : memref<!tpu.dma_semaphore, #tpu.memory_space<semaphore_mem>>)
    %add3A_140 = arith.constant 368 : i32
    %add3A_141 = arith.addi %mul3A_2, %add3A_140 : i32
    %dma_start3A_142 = arith.constant 0 : i32
    %dma_start3A_143 = tpu.memref_slice %arg7[%add3A_141, %dma_start3A_142] : memref<10000x128xf32, #tpu.memory_space<vmem_shared>> -> memref<16x128xf32, #tpu.memory_space<vmem_shared>>
    %dma_start3A_144 = arith.constant 0 : i32
    %dma_start3A_145 = tpu.memref_slice %arg7[%add3A_141, %dma_start3A_144] : memref<10000x128xf32, #tpu.memory_space<vmem_shared>> -> memref<16x128xf32, #tpu.memory_space<vmem_shared>>
    tpu.enqueue_dma source(%arg11 : memref<16x128xf32, #tpu.memory_space<vmem>>) target(%dma_start3A_145 : memref<16x128xf32, #tpu.memory_space<vmem_shared>>) target_semaphore(%arg17 : memref<!tpu.dma_semaphore, #tpu.memory_space<semaphore_mem>>)
    %add3A_146 = arith.constant 384 : i32
    %add3A_147 = arith.addi %mul3A_2, %add3A_146 : i32
    %dma_start3A_148 = arith.constant 0 : i32
    %dma_start3A_149 = tpu.memref_slice %arg7[%add3A_147, %dma_start3A_148] : memref<10000x128xf32, #tpu.memory_space<vmem_shared>> -> memref<16x128xf32, #tpu.memory_space<vmem_shared>>
    %dma_start3A_150 = arith.constant 0 : i32
    %dma_start3A_151 = tpu.memref_slice %arg7[%add3A_147, %dma_start3A_150] : memref<10000x128xf32, #tpu.memory_space<vmem_shared>> -> memref<16x128xf32, #tpu.memory_space<vmem_shared>>
    tpu.enqueue_dma source(%arg11 : memref<16x128xf32, #tpu.memory_space<vmem>>) target(%dma_start3A_151 : memref<16x128xf32, #tpu.memory_space<vmem_shared>>) target_semaphore(%arg17 : memref<!tpu.dma_semaphore, #tpu.memory_space<semaphore_mem>>)
    %add3A_152 = arith.constant 400 : i32
    %add3A_153 = arith.addi %mul3A_2, %add3A_152 : i32
    %dma_start3A_154 = arith.constant 0 : i32
    %dma_start3A_155 = tpu.memref_slice %arg7[%add3A_153, %dma_start3A_154] : memref<10000x128xf32, #tpu.memory_space<vmem_shared>> -> memref<16x128xf32, #tpu.memory_space<vmem_shared>>
    %dma_start3A_156 = arith.constant 0 : i32
    %dma_start3A_157 = tpu.memref_slice %arg7[%add3A_153, %dma_start3A_156] : memref<10000x128xf32, #tpu.memory_space<vmem_shared>> -> memref<16x128xf32, #tpu.memory_space<vmem_shared>>
    tpu.enqueue_dma source(%arg11 : memref<16x128xf32, #tpu.memory_space<vmem>>) target(%dma_start3A_157 : memref<16x128xf32, #tpu.memory_space<vmem_shared>>) target_semaphore(%arg17 : memref<!tpu.dma_semaphore, #tpu.memory_space<semaphore_mem>>)
    %add3A_158 = arith.constant 416 : i32
    %add3A_159 = arith.addi %mul3A_2, %add3A_158 : i32
    %dma_start3A_160 = arith.constant 0 : i32
    %dma_start3A_161 = tpu.memref_slice %arg7[%add3A_159, %dma_start3A_160] : memref<10000x128xf32, #tpu.memory_space<vmem_shared>> -> memref<16x128xf32, #tpu.memory_space<vmem_shared>>
    %dma_start3A_162 = arith.constant 0 : i32
    %dma_start3A_163 = tpu.memref_slice %arg7[%add3A_159, %dma_start3A_162] : memref<10000x128xf32, #tpu.memory_space<vmem_shared>> -> memref<16x128xf32, #tpu.memory_space<vmem_shared>>
    tpu.enqueue_dma source(%arg11 : memref<16x128xf32, #tpu.memory_space<vmem>>) target(%dma_start3A_163 : memref<16x128xf32, #tpu.memory_space<vmem_shared>>) target_semaphore(%arg17 : memref<!tpu.dma_semaphore, #tpu.memory_space<semaphore_mem>>)
    %add3A_164 = arith.constant 432 : i32
    %add3A_165 = arith.addi %mul3A_2, %add3A_164 : i32
    %dma_start3A_166 = arith.constant 0 : i32
    %dma_start3A_167 = tpu.memref_slice %arg7[%add3A_165, %dma_start3A_166] : memref<10000x128xf32, #tpu.memory_space<vmem_shared>> -> memref<16x128xf32, #tpu.memory_space<vmem_shared>>
    %dma_start3A_168 = arith.constant 0 : i32
    %dma_start3A_169 = tpu.memref_slice %arg7[%add3A_165, %dma_start3A_168] : memref<10000x128xf32, #tpu.memory_space<vmem_shared>> -> memref<16x128xf32, #tpu.memory_space<vmem_shared>>
    tpu.enqueue_dma source(%arg11 : memref<16x128xf32, #tpu.memory_space<vmem>>) target(%dma_start3A_169 : memref<16x128xf32, #tpu.memory_space<vmem_shared>>) target_semaphore(%arg17 : memref<!tpu.dma_semaphore, #tpu.memory_space<semaphore_mem>>)
    %add3A_170 = arith.constant 448 : i32
    %add3A_171 = arith.addi %mul3A_2, %add3A_170 : i32
    %dma_start3A_172 = arith.constant 0 : i32
    %dma_start3A_173 = tpu.memref_slice %arg7[%add3A_171, %dma_start3A_172] : memref<10000x128xf32, #tpu.memory_space<vmem_shared>> -> memref<16x128xf32, #tpu.memory_space<vmem_shared>>
    %dma_start3A_174 = arith.constant 0 : i32
    %dma_start3A_175 = tpu.memref_slice %arg7[%add3A_171, %dma_start3A_174] : memref<10000x128xf32, #tpu.memory_space<vmem_shared>> -> memref<16x128xf32, #tpu.memory_space<vmem_shared>>
    tpu.enqueue_dma source(%arg11 : memref<16x128xf32, #tpu.memory_space<vmem>>) target(%dma_start3A_175 : memref<16x128xf32, #tpu.memory_space<vmem_shared>>) target_semaphore(%arg17 : memref<!tpu.dma_semaphore, #tpu.memory_space<semaphore_mem>>)
    %add3A_176 = arith.constant 464 : i32
    %add3A_177 = arith.addi %mul3A_2, %add3A_176 : i32
    %dma_start3A_178 = arith.constant 0 : i32
    %dma_start3A_179 = tpu.memref_slice %arg7[%add3A_177, %dma_start3A_178] : memref<10000x128xf32, #tpu.memory_space<vmem_shared>> -> memref<16x128xf32, #tpu.memory_space<vmem_shared>>
    %dma_start3A_180 = arith.constant 0 : i32
    %dma_start3A_181 = tpu.memref_slice %arg7[%add3A_177, %dma_start3A_180] : memref<10000x128xf32, #tpu.memory_space<vmem_shared>> -> memref<16x128xf32, #tpu.memory_space<vmem_shared>>
    tpu.enqueue_dma source(%arg11 : memref<16x128xf32, #tpu.memory_space<vmem>>) target(%dma_start3A_181 : memref<16x128xf32, #tpu.memory_space<vmem_shared>>) target_semaphore(%arg17 : memref<!tpu.dma_semaphore, #tpu.memory_space<semaphore_mem>>)
    %add3A_182 = arith.constant 480 : i32
    %add3A_183 = arith.addi %mul3A_2, %add3A_182 : i32
    %dma_start3A_184 = arith.constant 0 : i32
    %dma_start3A_185 = tpu.memref_slice %arg7[%add3A_183, %dma_start3A_184] : memref<10000x128xf32, #tpu.memory_space<vmem_shared>> -> memref<16x128xf32, #tpu.memory_space<vmem_shared>>
    %dma_start3A_186 = arith.constant 0 : i32
    %dma_start3A_187 = tpu.memref_slice %arg7[%add3A_183, %dma_start3A_186] : memref<10000x128xf32, #tpu.memory_space<vmem_shared>> -> memref<16x128xf32, #tpu.memory_space<vmem_shared>>
    tpu.enqueue_dma source(%arg11 : memref<16x128xf32, #tpu.memory_space<vmem>>) target(%dma_start3A_187 : memref<16x128xf32, #tpu.memory_space<vmem_shared>>) target_semaphore(%arg17 : memref<!tpu.dma_semaphore, #tpu.memory_space<semaphore_mem>>)
    %add3A_188 = arith.constant 496 : i32
    %add3A_189 = arith.addi %mul3A_2, %add3A_188 : i32
    %dma_start3A_190 = arith.constant 0 : i32
    %dma_start3A_191 = tpu.memref_slice %arg7[%add3A_189, %dma_start3A_190] : memref<10000x128xf32, #tpu.memory_space<vmem_shared>> -> memref<16x128xf32, #tpu.memory_space<vmem_shared>>
    %dma_start3A_192 = arith.constant 0 : i32
    %dma_start3A_193 = tpu.memref_slice %arg7[%add3A_189, %dma_start3A_192] : memref<10000x128xf32, #tpu.memory_space<vmem_shared>> -> memref<16x128xf32, #tpu.memory_space<vmem_shared>>
    tpu.enqueue_dma source(%arg11 : memref<16x128xf32, #tpu.memory_space<vmem>>) target(%dma_start3A_193 : memref<16x128xf32, #tpu.memory_space<vmem_shared>>) target_semaphore(%arg17 : memref<!tpu.dma_semaphore, #tpu.memory_space<semaphore_mem>>)
    %add3A_194 = arith.constant 512 : i32
    %add3A_195 = arith.addi %mul3A_2, %add3A_194 : i32
    %dma_start3A_196 = arith.constant 0 : i32
    %dma_start3A_197 = tpu.memref_slice %arg7[%add3A_195, %dma_start3A_196] : memref<10000x128xf32, #tpu.memory_space<vmem_shared>> -> memref<16x128xf32, #tpu.memory_space<vmem_shared>>
    %dma_start3A_198 = arith.constant 0 : i32
    %dma_start3A_199 = tpu.memref_slice %arg7[%add3A_195, %dma_start3A_198] : memref<10000x128xf32, #tpu.memory_space<vmem_shared>> -> memref<16x128xf32, #tpu.memory_space<vmem_shared>>
    tpu.enqueue_dma source(%arg11 : memref<16x128xf32, #tpu.memory_space<vmem>>) target(%dma_start3A_199 : memref<16x128xf32, #tpu.memory_space<vmem_shared>>) target_semaphore(%arg17 : memref<!tpu.dma_semaphore, #tpu.memory_space<semaphore_mem>>)
    %add3A_200 = arith.constant 528 : i32
    %add3A_201 = arith.addi %mul3A_2, %add3A_200 : i32
    %dma_start3A_202 = arith.constant 0 : i32
    %dma_start3A_203 = tpu.memref_slice %arg7[%add3A_201, %dma_start3A_202] : memref<10000x128xf32, #tpu.memory_space<vmem_shared>> -> memref<16x128xf32, #tpu.memory_space<vmem_shared>>
    %dma_start3A_204 = arith.constant 0 : i32
    %dma_start3A_205 = tpu.memref_slice %arg7[%add3A_201, %dma_start3A_204] : memref<10000x128xf32, #tpu.memory_space<vmem_shared>> -> memref<16x128xf32, #tpu.memory_space<vmem_shared>>
    tpu.enqueue_dma source(%arg11 : memref<16x128xf32, #tpu.memory_space<vmem>>) target(%dma_start3A_205 : memref<16x128xf32, #tpu.memory_space<vmem_shared>>) target_semaphore(%arg17 : memref<!tpu.dma_semaphore, #tpu.memory_space<semaphore_mem>>)
    %add3A_206 = arith.constant 544 : i32
    %add3A_207 = arith.addi %mul3A_2, %add3A_206 : i32
    %dma_start3A_208 = arith.constant 0 : i32
    %dma_start3A_209 = tpu.memref_slice %arg7[%add3A_207, %dma_start3A_208] : memref<10000x128xf32, #tpu.memory_space<vmem_shared>> -> memref<16x128xf32, #tpu.memory_space<vmem_shared>>
    %dma_start3A_210 = arith.constant 0 : i32
    %dma_start3A_211 = tpu.memref_slice %arg7[%add3A_207, %dma_start3A_210] : memref<10000x128xf32, #tpu.memory_space<vmem_shared>> -> memref<16x128xf32, #tpu.memory_space<vmem_shared>>
    tpu.enqueue_dma source(%arg11 : memref<16x128xf32, #tpu.memory_space<vmem>>) target(%dma_start3A_211 : memref<16x128xf32, #tpu.memory_space<vmem_shared>>) target_semaphore(%arg17 : memref<!tpu.dma_semaphore, #tpu.memory_space<semaphore_mem>>)
    %add3A_212 = arith.constant 560 : i32
    %add3A_213 = arith.addi %mul3A_2, %add3A_212 : i32
    %dma_start3A_214 = arith.constant 0 : i32
    %dma_start3A_215 = tpu.memref_slice %arg7[%add3A_213, %dma_start3A_214] : memref<10000x128xf32, #tpu.memory_space<vmem_shared>> -> memref<16x128xf32, #tpu.memory_space<vmem_shared>>
    %dma_start3A_216 = arith.constant 0 : i32
    %dma_start3A_217 = tpu.memref_slice %arg7[%add3A_213, %dma_start3A_216] : memref<10000x128xf32, #tpu.memory_space<vmem_shared>> -> memref<16x128xf32, #tpu.memory_space<vmem_shared>>
    tpu.enqueue_dma source(%arg11 : memref<16x128xf32, #tpu.memory_space<vmem>>) target(%dma_start3A_217 : memref<16x128xf32, #tpu.memory_space<vmem_shared>>) target_semaphore(%arg17 : memref<!tpu.dma_semaphore, #tpu.memory_space<semaphore_mem>>)
    %add3A_218 = arith.constant 576 : i32
    %add3A_219 = arith.addi %mul3A_2, %add3A_218 : i32
    %dma_start3A_220 = arith.constant 0 : i32
    %dma_start3A_221 = tpu.memref_slice %arg7[%add3A_219, %dma_start3A_220] : memref<10000x128xf32, #tpu.memory_space<vmem_shared>> -> memref<16x128xf32, #tpu.memory_space<vmem_shared>>
    %dma_start3A_222 = arith.constant 0 : i32
    %dma_start3A_223 = tpu.memref_slice %arg7[%add3A_219, %dma_start3A_222] : memref<10000x128xf32, #tpu.memory_space<vmem_shared>> -> memref<16x128xf32, #tpu.memory_space<vmem_shared>>
    tpu.enqueue_dma source(%arg11 : memref<16x128xf32, #tpu.memory_space<vmem>>) target(%dma_start3A_223 : memref<16x128xf32, #tpu.memory_space<vmem_shared>>) target_semaphore(%arg17 : memref<!tpu.dma_semaphore, #tpu.memory_space<semaphore_mem>>)
    %add3A_224 = arith.constant 592 : i32
    %add3A_225 = arith.addi %mul3A_2, %add3A_224 : i32
    %dma_start3A_226 = arith.constant 0 : i32
    %dma_start3A_227 = tpu.memref_slice %arg7[%add3A_225, %dma_start3A_226] : memref<10000x128xf32, #tpu.memory_space<vmem_shared>> -> memref<16x128xf32, #tpu.memory_space<vmem_shared>>
    %dma_start3A_228 = arith.constant 0 : i32
    %dma_start3A_229 = tpu.memref_slice %arg7[%add3A_225, %dma_start3A_228] : memref<10000x128xf32, #tpu.memory_space<vmem_shared>> -> memref<16x128xf32, #tpu.memory_space<vmem_shared>>
    tpu.enqueue_dma source(%arg11 : memref<16x128xf32, #tpu.memory_space<vmem>>) target(%dma_start3A_229 : memref<16x128xf32, #tpu.memory_space<vmem_shared>>) target_semaphore(%arg17 : memref<!tpu.dma_semaphore, #tpu.memory_space<semaphore_mem>>)
    %add3A_230 = arith.constant 608 : i32
    %add3A_231 = arith.addi %mul3A_2, %add3A_230 : i32
    %dma_start3A_232 = arith.constant 0 : i32
    %dma_start3A_233 = tpu.memref_slice %arg7[%add3A_231, %dma_start3A_232] : memref<10000x128xf32, #tpu.memory_space<vmem_shared>> -> memref<16x128xf32, #tpu.memory_space<vmem_shared>>
    %dma_start3A_234 = arith.constant 0 : i32
    %dma_start3A_235 = tpu.memref_slice %arg7[%add3A_231, %dma_start3A_234] : memref<10000x128xf32, #tpu.memory_space<vmem_shared>> -> memref<16x128xf32, #tpu.memory_space<vmem_shared>>
    tpu.enqueue_dma source(%arg11 : memref<16x128xf32, #tpu.memory_space<vmem>>) target(%dma_start3A_235 : memref<16x128xf32, #tpu.memory_space<vmem_shared>>) target_semaphore(%arg17 : memref<!tpu.dma_semaphore, #tpu.memory_space<semaphore_mem>>)
    %eq3A = arith.constant 15 : i32
    %eq3A_236 = arith.cmpi eq, %arg1, %eq3A : i32
    %convert_element_type3A = arith.extui %eq3A_236 : i1 to i32
    %cond3A = arith.constant 0 : i32
    %cond3A_237 = arith.cmpi ne, %convert_element_type3A, %cond3A : i32
    scf.if %cond3A_237 {
      %add3A_701 = arith.constant 624 : i32
      %add3A_702 = arith.addi %mul3A_2, %add3A_701 : i32
      %dma_start3A_703 = arith.constant 0 : i32
      %dma_start3A_704 = tpu.memref_slice %arg7[%add3A_702, %dma_start3A_703] : memref<10000x128xf32, #tpu.memory_space<vmem_shared>> -> memref<16x128xf32, #tpu.memory_space<vmem_shared>>
      %dma_start3A_705 = arith.constant 0 : i32
      %dma_start3A_706 = tpu.memref_slice %arg7[%add3A_702, %dma_start3A_705] : memref<10000x128xf32, #tpu.memory_space<vmem_shared>> -> memref<16x128xf32, #tpu.memory_space<vmem_shared>>
      tpu.enqueue_dma source(%arg11 : memref<16x128xf32, #tpu.memory_space<vmem>>) target(%dma_start3A_706 : memref<16x128xf32, #tpu.memory_space<vmem_shared>>) target_semaphore(%arg17 : memref<!tpu.dma_semaphore, #tpu.memory_space<semaphore_mem>>)
    } else {
    }
    %dma_start3A_238 = arith.constant 0 : i32
    %dma_start3A_239 = arith.constant 0 : i32
    %dma_start3A_240 = arith.constant 0 : i32
    %dma_start3A_241 = arith.constant 0 : i32
    %dma_start3A_242 = tpu.memref_slice %arg10[%dma_start3A_239, %dma_start3A_240, %dma_start3A_241] : memref<3x100x128xf32, #tpu.memory_space<vmem>> -> memref<1x100x128xf32, #tpu.memory_space<vmem>>
    %dma_start3A_243 = tpu.memref_squeeze %dma_start3A_242 : memref<1x100x128xf32, #tpu.memory_space<vmem>> -> memref<100x128xf32, #tpu.memory_space<vmem>>
    %dma_start3A_244 = arith.constant 0 : i32
    %dma_start3A_245 = tpu.memref_slice %arg8[%dma_start3A_238, %dma_start3A_244] : memref<100x100xi32, #tpu.memory_space<vmem>> -> memref<1x100xi32, #tpu.memory_space<vmem>>
    %dma_start3A_246 = tpu.memref_squeeze %dma_start3A_245 : memref<1x100xi32, #tpu.memory_space<vmem>> -> memref<100xi32, #tpu.memory_space<vmem>>
    %dma_start3A_247 = arith.constant 0 : i32
    %dma_start3A_248 = arith.constant 0 : i32
    %dma_start3A_249 = tpu.memref_slice %arg2[%dma_start3A_247, %dma_start3A_248] : memref<10000x128xf32, #tpu.memory_space<hbm>> -> memref<10000x128xf32, #tpu.memory_space<hbm>>
    tpu.enqueue_indirect_dma source(%dma_start3A_249 : memref<10000x128xf32, #tpu.memory_space<hbm>>) target(%dma_start3A_243 : memref<100x128xf32, #tpu.memory_space<vmem>>) offsets(%dma_start3A_246 : memref<100xi32, #tpu.memory_space<vmem>>) semaphore(%arg12 : memref<!tpu.dma_semaphore, #tpu.memory_space<semaphore_mem>>)
    %dma_start3A_250 = arith.constant 1 : i32
    %dma_start3A_251 = arith.constant 1 : i32
    %dma_start3A_252 = arith.constant 0 : i32
    %dma_start3A_253 = arith.constant 0 : i32
    %dma_start3A_254 = tpu.memref_slice %arg10[%dma_start3A_251, %dma_start3A_252, %dma_start3A_253] : memref<3x100x128xf32, #tpu.memory_space<vmem>> -> memref<1x100x128xf32, #tpu.memory_space<vmem>>
    %dma_start3A_255 = tpu.memref_squeeze %dma_start3A_254 : memref<1x100x128xf32, #tpu.memory_space<vmem>> -> memref<100x128xf32, #tpu.memory_space<vmem>>
    %dma_start3A_256 = arith.constant 0 : i32
    %dma_start3A_257 = tpu.memref_slice %arg8[%dma_start3A_250, %dma_start3A_256] : memref<100x100xi32, #tpu.memory_space<vmem>> -> memref<1x100xi32, #tpu.memory_space<vmem>>
    %dma_start3A_258 = tpu.memref_squeeze %dma_start3A_257 : memref<1x100xi32, #tpu.memory_space<vmem>> -> memref<100xi32, #tpu.memory_space<vmem>>
    %dma_start3A_259 = arith.constant 0 : i32
    %dma_start3A_260 = arith.constant 0 : i32
    %dma_start3A_261 = tpu.memref_slice %arg2[%dma_start3A_259, %dma_start3A_260] : memref<10000x128xf32, #tpu.memory_space<hbm>> -> memref<10000x128xf32, #tpu.memory_space<hbm>>
    tpu.enqueue_indirect_dma source(%dma_start3A_261 : memref<10000x128xf32, #tpu.memory_space<hbm>>) target(%dma_start3A_255 : memref<100x128xf32, #tpu.memory_space<vmem>>) offsets(%dma_start3A_258 : memref<100xi32, #tpu.memory_space<vmem>>) semaphore(%arg13 : memref<!tpu.dma_semaphore, #tpu.memory_space<semaphore_mem>>)
    %dma_start3A_262 = arith.constant 2 : i32
    %dma_start3A_263 = arith.constant 2 : i32
    %dma_start3A_264 = arith.constant 0 : i32
    %dma_start3A_265 = arith.constant 0 : i32
    %dma_start3A_266 = tpu.memref_slice %arg10[%dma_start3A_263, %dma_start3A_264, %dma_start3A_265] : memref<3x100x128xf32, #tpu.memory_space<vmem>> -> memref<1x100x128xf32, #tpu.memory_space<vmem>>
    %dma_start3A_267 = tpu.memref_squeeze %dma_start3A_266 : memref<1x100x128xf32, #tpu.memory_space<vmem>> -> memref<100x128xf32, #tpu.memory_space<vmem>>
    %dma_start3A_268 = arith.constant 0 : i32
    %dma_start3A_269 = tpu.memref_slice %arg8[%dma_start3A_262, %dma_start3A_268] : memref<100x100xi32, #tpu.memory_space<vmem>> -> memref<1x100xi32, #tpu.memory_space<vmem>>
    %dma_start3A_270 = tpu.memref_squeeze %dma_start3A_269 : memref<1x100xi32, #tpu.memory_space<vmem>> -> memref<100xi32, #tpu.memory_space<vmem>>
    %dma_start3A_271 = arith.constant 0 : i32
    %dma_start3A_272 = arith.constant 0 : i32
    %dma_start3A_273 = tpu.memref_slice %arg2[%dma_start3A_271, %dma_start3A_272] : memref<10000x128xf32, #tpu.memory_space<hbm>> -> memref<10000x128xf32, #tpu.memory_space<hbm>>
    tpu.enqueue_indirect_dma source(%dma_start3A_273 : memref<10000x128xf32, #tpu.memory_space<hbm>>) target(%dma_start3A_267 : memref<100x128xf32, #tpu.memory_space<vmem>>) offsets(%dma_start3A_270 : memref<100xi32, #tpu.memory_space<vmem>>) semaphore(%arg14 : memref<!tpu.dma_semaphore, #tpu.memory_space<semaphore_mem>>)
    %dma_start3A_274 = arith.constant 0 : i32
    %dma_start3A_275 = arith.constant 0 : i32
    %dma_start3A_276 = arith.constant 0 : i32
    %dma_start3A_277 = tpu.memref_slice %arg9[%dma_start3A_275, %dma_start3A_276] : memref<2x100xi32, #tpu.memory_space<vmem>> -> memref<1x100xi32, #tpu.memory_space<vmem>>
    %dma_start3A_278 = tpu.memref_squeeze %dma_start3A_277 : memref<1x100xi32, #tpu.memory_space<vmem>> -> memref<100xi32, #tpu.memory_space<vmem>>
    %dma_start3A_279 = arith.constant 0 : i32
    %dma_start3A_280 = tpu.memref_slice %arg4[%add3A, %dma_start3A_274, %dma_start3A_279] : memref<32x100x100xi32, #tpu.memory_space<hbm>> -> memref<1x1x100xi32, #tpu.memory_space<hbm>>
    %dma_start3A_281 = tpu.memref_squeeze %dma_start3A_280 : memref<1x1x100xi32, #tpu.memory_space<hbm>> -> memref<100xi32, #tpu.memory_space<hbm>>
    %dma_start3A_282 = arith.constant 0 : i32
    %dma_start3A_283 = tpu.memref_slice %arg9[%dma_start3A_275, %dma_start3A_282] : memref<2x100xi32, #tpu.memory_space<vmem>> -> memref<1x100xi32, #tpu.memory_space<vmem>>
    %dma_start3A_284 = tpu.memref_squeeze %dma_start3A_283 : memref<1x100xi32, #tpu.memory_space<vmem>> -> memref<100xi32, #tpu.memory_space<vmem>>
    %dma_start3A_285 = arith.constant 0 : i32
    %dma_start3A_286 = tpu.memref_slice %arg4[%add3A, %dma_start3A_274, %dma_start3A_285] : memref<32x100x100xi32, #tpu.memory_space<hbm>> -> memref<1x1x100xi32, #tpu.memory_space<hbm>>
    %dma_start3A_287 = tpu.memref_squeeze %dma_start3A_286 : memref<1x1x100xi32, #tpu.memory_space<hbm>> -> memref<100xi32, #tpu.memory_space<hbm>>
    tpu.enqueue_dma source(%dma_start3A_287 : memref<100xi32, #tpu.memory_space<hbm>>) target(%dma_start3A_284 : memref<100xi32, #tpu.memory_space<vmem>>) target_semaphore(%arg15 : memref<!tpu.dma_semaphore, #tpu.memory_space<semaphore_mem>>)
    %dma_start3A_288 = arith.constant 1 : i32
    %dma_start3A_289 = arith.constant 1 : i32
    %dma_start3A_290 = arith.constant 0 : i32
    %dma_start3A_291 = tpu.memref_slice %arg9[%dma_start3A_289, %dma_start3A_290] : memref<2x100xi32, #tpu.memory_space<vmem>> -> memref<1x100xi32, #tpu.memory_space<vmem>>
    %dma_start3A_292 = tpu.memref_squeeze %dma_start3A_291 : memref<1x100xi32, #tpu.memory_space<vmem>> -> memref<100xi32, #tpu.memory_space<vmem>>
    %dma_start3A_293 = arith.constant 0 : i32
    %dma_start3A_294 = tpu.memref_slice %arg4[%add3A, %dma_start3A_288, %dma_start3A_293] : memref<32x100x100xi32, #tpu.memory_space<hbm>> -> memref<1x1x100xi32, #tpu.memory_space<hbm>>
    %dma_start3A_295 = tpu.memref_squeeze %dma_start3A_294 : memref<1x1x100xi32, #tpu.memory_space<hbm>> -> memref<100xi32, #tpu.memory_space<hbm>>
    %dma_start3A_296 = arith.constant 0 : i32
    %dma_start3A_297 = tpu.memref_slice %arg9[%dma_start3A_289, %dma_start3A_296] : memref<2x100xi32, #tpu.memory_space<vmem>> -> memref<1x100xi32, #tpu.memory_space<vmem>>
    %dma_start3A_298 = tpu.memref_squeeze %dma_start3A_297 : memref<1x100xi32, #tpu.memory_space<vmem>> -> memref<100xi32, #tpu.memory_space<vmem>>
    %dma_start3A_299 = arith.constant 0 : i32
    %dma_start3A_300 = tpu.memref_slice %arg4[%add3A, %dma_start3A_288, %dma_start3A_299] : memref<32x100x100xi32, #tpu.memory_space<hbm>> -> memref<1x1x100xi32, #tpu.memory_space<hbm>>
    %dma_start3A_301 = tpu.memref_squeeze %dma_start3A_300 : memref<1x1x100xi32, #tpu.memory_space<hbm>> -> memref<100xi32, #tpu.memory_space<hbm>>
    tpu.enqueue_dma source(%dma_start3A_301 : memref<100xi32, #tpu.memory_space<hbm>>) target(%dma_start3A_298 : memref<100xi32, #tpu.memory_space<vmem>>) target_semaphore(%arg16 : memref<!tpu.dma_semaphore, #tpu.memory_space<semaphore_mem>>)
    %add3A_302 = arith.constant 0 : i32
    %add3A_303 = arith.addi %mul3A_2, %add3A_302 : i32
    %dma_wait3A = arith.constant 0 : i32
    %dma_wait3A_304 = tpu.memref_slice %arg7[%add3A_303, %dma_wait3A] : memref<10000x128xf32, #tpu.memory_space<vmem_shared>> -> memref<16x128xf32, #tpu.memory_space<vmem_shared>>
    %dma_wait3A_305 = arith.constant 0 : i32
    %dma_wait3A_306 = tpu.memref_slice %arg7[%add3A_303, %dma_wait3A_305] : memref<10000x128xf32, #tpu.memory_space<vmem_shared>> -> memref<16x128xf32, #tpu.memory_space<vmem_shared>>
    tpu.wait_dma2 semaphore(%arg17 : memref<!tpu.dma_semaphore, #tpu.memory_space<semaphore_mem>>) src(%arg11 : memref<16x128xf32, #tpu.memory_space<vmem>>) dst(%dma_wait3A_306 : memref<16x128xf32, #tpu.memory_space<vmem_shared>>)
    %add3A_307 = arith.constant 16 : i32
    %add3A_308 = arith.addi %mul3A_2, %add3A_307 : i32
    %dma_wait3A_309 = arith.constant 0 : i32
    %dma_wait3A_310 = tpu.memref_slice %arg7[%add3A_308, %dma_wait3A_309] : memref<10000x128xf32, #tpu.memory_space<vmem_shared>> -> memref<16x128xf32, #tpu.memory_space<vmem_shared>>
    %dma_wait3A_311 = arith.constant 0 : i32
    %dma_wait3A_312 = tpu.memref_slice %arg7[%add3A_308, %dma_wait3A_311] : memref<10000x128xf32, #tpu.memory_space<vmem_shared>> -> memref<16x128xf32, #tpu.memory_space<vmem_shared>>
    tpu.wait_dma2 semaphore(%arg17 : memref<!tpu.dma_semaphore, #tpu.memory_space<semaphore_mem>>) src(%arg11 : memref<16x128xf32, #tpu.memory_space<vmem>>) dst(%dma_wait3A_312 : memref<16x128xf32, #tpu.memory_space<vmem_shared>>)
    %add3A_313 = arith.constant 32 : i32
    %add3A_314 = arith.addi %mul3A_2, %add3A_313 : i32
    %dma_wait3A_315 = arith.constant 0 : i32
    %dma_wait3A_316 = tpu.memref_slice %arg7[%add3A_314, %dma_wait3A_315] : memref<10000x128xf32, #tpu.memory_space<vmem_shared>> -> memref<16x128xf32, #tpu.memory_space<vmem_shared>>
    %dma_wait3A_317 = arith.constant 0 : i32
    %dma_wait3A_318 = tpu.memref_slice %arg7[%add3A_314, %dma_wait3A_317] : memref<10000x128xf32, #tpu.memory_space<vmem_shared>> -> memref<16x128xf32, #tpu.memory_space<vmem_shared>>
    tpu.wait_dma2 semaphore(%arg17 : memref<!tpu.dma_semaphore, #tpu.memory_space<semaphore_mem>>) src(%arg11 : memref<16x128xf32, #tpu.memory_space<vmem>>) dst(%dma_wait3A_318 : memref<16x128xf32, #tpu.memory_space<vmem_shared>>)
    %add3A_319 = arith.constant 48 : i32
    %add3A_320 = arith.addi %mul3A_2, %add3A_319 : i32
    %dma_wait3A_321 = arith.constant 0 : i32
    %dma_wait3A_322 = tpu.memref_slice %arg7[%add3A_320, %dma_wait3A_321] : memref<10000x128xf32, #tpu.memory_space<vmem_shared>> -> memref<16x128xf32, #tpu.memory_space<vmem_shared>>
    %dma_wait3A_323 = arith.constant 0 : i32
    %dma_wait3A_324 = tpu.memref_slice %arg7[%add3A_320, %dma_wait3A_323] : memref<10000x128xf32, #tpu.memory_space<vmem_shared>> -> memref<16x128xf32, #tpu.memory_space<vmem_shared>>
    tpu.wait_dma2 semaphore(%arg17 : memref<!tpu.dma_semaphore, #tpu.memory_space<semaphore_mem>>) src(%arg11 : memref<16x128xf32, #tpu.memory_space<vmem>>) dst(%dma_wait3A_324 : memref<16x128xf32, #tpu.memory_space<vmem_shared>>)
    %add3A_325 = arith.constant 64 : i32
    %add3A_326 = arith.addi %mul3A_2, %add3A_325 : i32
    %dma_wait3A_327 = arith.constant 0 : i32
    %dma_wait3A_328 = tpu.memref_slice %arg7[%add3A_326, %dma_wait3A_327] : memref<10000x128xf32, #tpu.memory_space<vmem_shared>> -> memref<16x128xf32, #tpu.memory_space<vmem_shared>>
    %dma_wait3A_329 = arith.constant 0 : i32
    %dma_wait3A_330 = tpu.memref_slice %arg7[%add3A_326, %dma_wait3A_329] : memref<10000x128xf32, #tpu.memory_space<vmem_shared>> -> memref<16x128xf32, #tpu.memory_space<vmem_shared>>
    tpu.wait_dma2 semaphore(%arg17 : memref<!tpu.dma_semaphore, #tpu.memory_space<semaphore_mem>>) src(%arg11 : memref<16x128xf32, #tpu.memory_space<vmem>>) dst(%dma_wait3A_330 : memref<16x128xf32, #tpu.memory_space<vmem_shared>>)
    %add3A_331 = arith.constant 80 : i32
    %add3A_332 = arith.addi %mul3A_2, %add3A_331 : i32
    %dma_wait3A_333 = arith.constant 0 : i32
    %dma_wait3A_334 = tpu.memref_slice %arg7[%add3A_332, %dma_wait3A_333] : memref<10000x128xf32, #tpu.memory_space<vmem_shared>> -> memref<16x128xf32, #tpu.memory_space<vmem_shared>>
    %dma_wait3A_335 = arith.constant 0 : i32
    %dma_wait3A_336 = tpu.memref_slice %arg7[%add3A_332, %dma_wait3A_335] : memref<10000x128xf32, #tpu.memory_space<vmem_shared>> -> memref<16x128xf32, #tpu.memory_space<vmem_shared>>
    tpu.wait_dma2 semaphore(%arg17 : memref<!tpu.dma_semaphore, #tpu.memory_space<semaphore_mem>>) src(%arg11 : memref<16x128xf32, #tpu.memory_space<vmem>>) dst(%dma_wait3A_336 : memref<16x128xf32, #tpu.memory_space<vmem_shared>>)
    %add3A_337 = arith.constant 96 : i32
    %add3A_338 = arith.addi %mul3A_2, %add3A_337 : i32
    %dma_wait3A_339 = arith.constant 0 : i32
    %dma_wait3A_340 = tpu.memref_slice %arg7[%add3A_338, %dma_wait3A_339] : memref<10000x128xf32, #tpu.memory_space<vmem_shared>> -> memref<16x128xf32, #tpu.memory_space<vmem_shared>>
    %dma_wait3A_341 = arith.constant 0 : i32
    %dma_wait3A_342 = tpu.memref_slice %arg7[%add3A_338, %dma_wait3A_341] : memref<10000x128xf32, #tpu.memory_space<vmem_shared>> -> memref<16x128xf32, #tpu.memory_space<vmem_shared>>
    tpu.wait_dma2 semaphore(%arg17 : memref<!tpu.dma_semaphore, #tpu.memory_space<semaphore_mem>>) src(%arg11 : memref<16x128xf32, #tpu.memory_space<vmem>>) dst(%dma_wait3A_342 : memref<16x128xf32, #tpu.memory_space<vmem_shared>>)
    %add3A_343 = arith.constant 112 : i32
    %add3A_344 = arith.addi %mul3A_2, %add3A_343 : i32
    %dma_wait3A_345 = arith.constant 0 : i32
    %dma_wait3A_346 = tpu.memref_slice %arg7[%add3A_344, %dma_wait3A_345] : memref<10000x128xf32, #tpu.memory_space<vmem_shared>> -> memref<16x128xf32, #tpu.memory_space<vmem_shared>>
    %dma_wait3A_347 = arith.constant 0 : i32
    %dma_wait3A_348 = tpu.memref_slice %arg7[%add3A_344, %dma_wait3A_347] : memref<10000x128xf32, #tpu.memory_space<vmem_shared>> -> memref<16x128xf32, #tpu.memory_space<vmem_shared>>
    tpu.wait_dma2 semaphore(%arg17 : memref<!tpu.dma_semaphore, #tpu.memory_space<semaphore_mem>>) src(%arg11 : memref<16x128xf32, #tpu.memory_space<vmem>>) dst(%dma_wait3A_348 : memref<16x128xf32, #tpu.memory_space<vmem_shared>>)
    %add3A_349 = arith.constant 128 : i32
    %add3A_350 = arith.addi %mul3A_2, %add3A_349 : i32
    %dma_wait3A_351 = arith.constant 0 : i32
    %dma_wait3A_352 = tpu.memref_slice %arg7[%add3A_350, %dma_wait3A_351] : memref<10000x128xf32, #tpu.memory_space<vmem_shared>> -> memref<16x128xf32, #tpu.memory_space<vmem_shared>>
    %dma_wait3A_353 = arith.constant 0 : i32
    %dma_wait3A_354 = tpu.memref_slice %arg7[%add3A_350, %dma_wait3A_353] : memref<10000x128xf32, #tpu.memory_space<vmem_shared>> -> memref<16x128xf32, #tpu.memory_space<vmem_shared>>
    tpu.wait_dma2 semaphore(%arg17 : memref<!tpu.dma_semaphore, #tpu.memory_space<semaphore_mem>>) src(%arg11 : memref<16x128xf32, #tpu.memory_space<vmem>>) dst(%dma_wait3A_354 : memref<16x128xf32, #tpu.memory_space<vmem_shared>>)
    %add3A_355 = arith.constant 144 : i32
    %add3A_356 = arith.addi %mul3A_2, %add3A_355 : i32
    %dma_wait3A_357 = arith.constant 0 : i32
    %dma_wait3A_358 = tpu.memref_slice %arg7[%add3A_356, %dma_wait3A_357] : memref<10000x128xf32, #tpu.memory_space<vmem_shared>> -> memref<16x128xf32, #tpu.memory_space<vmem_shared>>
    %dma_wait3A_359 = arith.constant 0 : i32
    %dma_wait3A_360 = tpu.memref_slice %arg7[%add3A_356, %dma_wait3A_359] : memref<10000x128xf32, #tpu.memory_space<vmem_shared>> -> memref<16x128xf32, #tpu.memory_space<vmem_shared>>
    tpu.wait_dma2 semaphore(%arg17 : memref<!tpu.dma_semaphore, #tpu.memory_space<semaphore_mem>>) src(%arg11 : memref<16x128xf32, #tpu.memory_space<vmem>>) dst(%dma_wait3A_360 : memref<16x128xf32, #tpu.memory_space<vmem_shared>>)
    %add3A_361 = arith.constant 160 : i32
    %add3A_362 = arith.addi %mul3A_2, %add3A_361 : i32
    %dma_wait3A_363 = arith.constant 0 : i32
    %dma_wait3A_364 = tpu.memref_slice %arg7[%add3A_362, %dma_wait3A_363] : memref<10000x128xf32, #tpu.memory_space<vmem_shared>> -> memref<16x128xf32, #tpu.memory_space<vmem_shared>>
    %dma_wait3A_365 = arith.constant 0 : i32
    %dma_wait3A_366 = tpu.memref_slice %arg7[%add3A_362, %dma_wait3A_365] : memref<10000x128xf32, #tpu.memory_space<vmem_shared>> -> memref<16x128xf32, #tpu.memory_space<vmem_shared>>
    tpu.wait_dma2 semaphore(%arg17 : memref<!tpu.dma_semaphore, #tpu.memory_space<semaphore_mem>>) src(%arg11 : memref<16x128xf32, #tpu.memory_space<vmem>>) dst(%dma_wait3A_366 : memref<16x128xf32, #tpu.memory_space<vmem_shared>>)
    %add3A_367 = arith.constant 176 : i32
    %add3A_368 = arith.addi %mul3A_2, %add3A_367 : i32
    %dma_wait3A_369 = arith.constant 0 : i32
    %dma_wait3A_370 = tpu.memref_slice %arg7[%add3A_368, %dma_wait3A_369] : memref<10000x128xf32, #tpu.memory_space<vmem_shared>> -> memref<16x128xf32, #tpu.memory_space<vmem_shared>>
    %dma_wait3A_371 = arith.constant 0 : i32
    %dma_wait3A_372 = tpu.memref_slice %arg7[%add3A_368, %dma_wait3A_371] : memref<10000x128xf32, #tpu.memory_space<vmem_shared>> -> memref<16x128xf32, #tpu.memory_space<vmem_shared>>
    tpu.wait_dma2 semaphore(%arg17 : memref<!tpu.dma_semaphore, #tpu.memory_space<semaphore_mem>>) src(%arg11 : memref<16x128xf32, #tpu.memory_space<vmem>>) dst(%dma_wait3A_372 : memref<16x128xf32, #tpu.memory_space<vmem_shared>>)
    %add3A_373 = arith.constant 192 : i32
    %add3A_374 = arith.addi %mul3A_2, %add3A_373 : i32
    %dma_wait3A_375 = arith.constant 0 : i32
    %dma_wait3A_376 = tpu.memref_slice %arg7[%add3A_374, %dma_wait3A_375] : memref<10000x128xf32, #tpu.memory_space<vmem_shared>> -> memref<16x128xf32, #tpu.memory_space<vmem_shared>>
    %dma_wait3A_377 = arith.constant 0 : i32
    %dma_wait3A_378 = tpu.memref_slice %arg7[%add3A_374, %dma_wait3A_377] : memref<10000x128xf32, #tpu.memory_space<vmem_shared>> -> memref<16x128xf32, #tpu.memory_space<vmem_shared>>
    tpu.wait_dma2 semaphore(%arg17 : memref<!tpu.dma_semaphore, #tpu.memory_space<semaphore_mem>>) src(%arg11 : memref<16x128xf32, #tpu.memory_space<vmem>>) dst(%dma_wait3A_378 : memref<16x128xf32, #tpu.memory_space<vmem_shared>>)
    %add3A_379 = arith.constant 208 : i32
    %add3A_380 = arith.addi %mul3A_2, %add3A_379 : i32
    %dma_wait3A_381 = arith.constant 0 : i32
    %dma_wait3A_382 = tpu.memref_slice %arg7[%add3A_380, %dma_wait3A_381] : memref<10000x128xf32, #tpu.memory_space<vmem_shared>> -> memref<16x128xf32, #tpu.memory_space<vmem_shared>>
    %dma_wait3A_383 = arith.constant 0 : i32
    %dma_wait3A_384 = tpu.memref_slice %arg7[%add3A_380, %dma_wait3A_383] : memref<10000x128xf32, #tpu.memory_space<vmem_shared>> -> memref<16x128xf32, #tpu.memory_space<vmem_shared>>
    tpu.wait_dma2 semaphore(%arg17 : memref<!tpu.dma_semaphore, #tpu.memory_space<semaphore_mem>>) src(%arg11 : memref<16x128xf32, #tpu.memory_space<vmem>>) dst(%dma_wait3A_384 : memref<16x128xf32, #tpu.memory_space<vmem_shared>>)
    %add3A_385 = arith.constant 224 : i32
    %add3A_386 = arith.addi %mul3A_2, %add3A_385 : i32
    %dma_wait3A_387 = arith.constant 0 : i32
    %dma_wait3A_388 = tpu.memref_slice %arg7[%add3A_386, %dma_wait3A_387] : memref<10000x128xf32, #tpu.memory_space<vmem_shared>> -> memref<16x128xf32, #tpu.memory_space<vmem_shared>>
    %dma_wait3A_389 = arith.constant 0 : i32
    %dma_wait3A_390 = tpu.memref_slice %arg7[%add3A_386, %dma_wait3A_389] : memref<10000x128xf32, #tpu.memory_space<vmem_shared>> -> memref<16x128xf32, #tpu.memory_space<vmem_shared>>
    tpu.wait_dma2 semaphore(%arg17 : memref<!tpu.dma_semaphore, #tpu.memory_space<semaphore_mem>>) src(%arg11 : memref<16x128xf32, #tpu.memory_space<vmem>>) dst(%dma_wait3A_390 : memref<16x128xf32, #tpu.memory_space<vmem_shared>>)
    %add3A_391 = arith.constant 240 : i32
    %add3A_392 = arith.addi %mul3A_2, %add3A_391 : i32
    %dma_wait3A_393 = arith.constant 0 : i32
    %dma_wait3A_394 = tpu.memref_slice %arg7[%add3A_392, %dma_wait3A_393] : memref<10000x128xf32, #tpu.memory_space<vmem_shared>> -> memref<16x128xf32, #tpu.memory_space<vmem_shared>>
    %dma_wait3A_395 = arith.constant 0 : i32
    %dma_wait3A_396 = tpu.memref_slice %arg7[%add3A_392, %dma_wait3A_395] : memref<10000x128xf32, #tpu.memory_space<vmem_shared>> -> memref<16x128xf32, #tpu.memory_space<vmem_shared>>
    tpu.wait_dma2 semaphore(%arg17 : memref<!tpu.dma_semaphore, #tpu.memory_space<semaphore_mem>>) src(%arg11 : memref<16x128xf32, #tpu.memory_space<vmem>>) dst(%dma_wait3A_396 : memref<16x128xf32, #tpu.memory_space<vmem_shared>>)
    %add3A_397 = arith.constant 256 : i32
    %add3A_398 = arith.addi %mul3A_2, %add3A_397 : i32
    %dma_wait3A_399 = arith.constant 0 : i32
    %dma_wait3A_400 = tpu.memref_slice %arg7[%add3A_398, %dma_wait3A_399] : memref<10000x128xf32, #tpu.memory_space<vmem_shared>> -> memref<16x128xf32, #tpu.memory_space<vmem_shared>>
    %dma_wait3A_401 = arith.constant 0 : i32
    %dma_wait3A_402 = tpu.memref_slice %arg7[%add3A_398, %dma_wait3A_401] : memref<10000x128xf32, #tpu.memory_space<vmem_shared>> -> memref<16x128xf32, #tpu.memory_space<vmem_shared>>
    tpu.wait_dma2 semaphore(%arg17 : memref<!tpu.dma_semaphore, #tpu.memory_space<semaphore_mem>>) src(%arg11 : memref<16x128xf32, #tpu.memory_space<vmem>>) dst(%dma_wait3A_402 : memref<16x128xf32, #tpu.memory_space<vmem_shared>>)
    %add3A_403 = arith.constant 272 : i32
    %add3A_404 = arith.addi %mul3A_2, %add3A_403 : i32
    %dma_wait3A_405 = arith.constant 0 : i32
    %dma_wait3A_406 = tpu.memref_slice %arg7[%add3A_404, %dma_wait3A_405] : memref<10000x128xf32, #tpu.memory_space<vmem_shared>> -> memref<16x128xf32, #tpu.memory_space<vmem_shared>>
    %dma_wait3A_407 = arith.constant 0 : i32
    %dma_wait3A_408 = tpu.memref_slice %arg7[%add3A_404, %dma_wait3A_407] : memref<10000x128xf32, #tpu.memory_space<vmem_shared>> -> memref<16x128xf32, #tpu.memory_space<vmem_shared>>
    tpu.wait_dma2 semaphore(%arg17 : memref<!tpu.dma_semaphore, #tpu.memory_space<semaphore_mem>>) src(%arg11 : memref<16x128xf32, #tpu.memory_space<vmem>>) dst(%dma_wait3A_408 : memref<16x128xf32, #tpu.memory_space<vmem_shared>>)
    %add3A_409 = arith.constant 288 : i32
    %add3A_410 = arith.addi %mul3A_2, %add3A_409 : i32
    %dma_wait3A_411 = arith.constant 0 : i32
    %dma_wait3A_412 = tpu.memref_slice %arg7[%add3A_410, %dma_wait3A_411] : memref<10000x128xf32, #tpu.memory_space<vmem_shared>> -> memref<16x128xf32, #tpu.memory_space<vmem_shared>>
    %dma_wait3A_413 = arith.constant 0 : i32
    %dma_wait3A_414 = tpu.memref_slice %arg7[%add3A_410, %dma_wait3A_413] : memref<10000x128xf32, #tpu.memory_space<vmem_shared>> -> memref<16x128xf32, #tpu.memory_space<vmem_shared>>
    tpu.wait_dma2 semaphore(%arg17 : memref<!tpu.dma_semaphore, #tpu.memory_space<semaphore_mem>>) src(%arg11 : memref<16x128xf32, #tpu.memory_space<vmem>>) dst(%dma_wait3A_414 : memref<16x128xf32, #tpu.memory_space<vmem_shared>>)
    %add3A_415 = arith.constant 304 : i32
    %add3A_416 = arith.addi %mul3A_2, %add3A_415 : i32
    %dma_wait3A_417 = arith.constant 0 : i32
    %dma_wait3A_418 = tpu.memref_slice %arg7[%add3A_416, %dma_wait3A_417] : memref<10000x128xf32, #tpu.memory_space<vmem_shared>> -> memref<16x128xf32, #tpu.memory_space<vmem_shared>>
    %dma_wait3A_419 = arith.constant 0 : i32
    %dma_wait3A_420 = tpu.memref_slice %arg7[%add3A_416, %dma_wait3A_419] : memref<10000x128xf32, #tpu.memory_space<vmem_shared>> -> memref<16x128xf32, #tpu.memory_space<vmem_shared>>
    tpu.wait_dma2 semaphore(%arg17 : memref<!tpu.dma_semaphore, #tpu.memory_space<semaphore_mem>>) src(%arg11 : memref<16x128xf32, #tpu.memory_space<vmem>>) dst(%dma_wait3A_420 : memref<16x128xf32, #tpu.memory_space<vmem_shared>>)
    %add3A_421 = arith.constant 320 : i32
    %add3A_422 = arith.addi %mul3A_2, %add3A_421 : i32
    %dma_wait3A_423 = arith.constant 0 : i32
    %dma_wait3A_424 = tpu.memref_slice %arg7[%add3A_422, %dma_wait3A_423] : memref<10000x128xf32, #tpu.memory_space<vmem_shared>> -> memref<16x128xf32, #tpu.memory_space<vmem_shared>>
    %dma_wait3A_425 = arith.constant 0 : i32
    %dma_wait3A_426 = tpu.memref_slice %arg7[%add3A_422, %dma_wait3A_425] : memref<10000x128xf32, #tpu.memory_space<vmem_shared>> -> memref<16x128xf32, #tpu.memory_space<vmem_shared>>
    tpu.wait_dma2 semaphore(%arg17 : memref<!tpu.dma_semaphore, #tpu.memory_space<semaphore_mem>>) src(%arg11 : memref<16x128xf32, #tpu.memory_space<vmem>>) dst(%dma_wait3A_426 : memref<16x128xf32, #tpu.memory_space<vmem_shared>>)
    %add3A_427 = arith.constant 336 : i32
    %add3A_428 = arith.addi %mul3A_2, %add3A_427 : i32
    %dma_wait3A_429 = arith.constant 0 : i32
    %dma_wait3A_430 = tpu.memref_slice %arg7[%add3A_428, %dma_wait3A_429] : memref<10000x128xf32, #tpu.memory_space<vmem_shared>> -> memref<16x128xf32, #tpu.memory_space<vmem_shared>>
    %dma_wait3A_431 = arith.constant 0 : i32
    %dma_wait3A_432 = tpu.memref_slice %arg7[%add3A_428, %dma_wait3A_431] : memref<10000x128xf32, #tpu.memory_space<vmem_shared>> -> memref<16x128xf32, #tpu.memory_space<vmem_shared>>
    tpu.wait_dma2 semaphore(%arg17 : memref<!tpu.dma_semaphore, #tpu.memory_space<semaphore_mem>>) src(%arg11 : memref<16x128xf32, #tpu.memory_space<vmem>>) dst(%dma_wait3A_432 : memref<16x128xf32, #tpu.memory_space<vmem_shared>>)
    %add3A_433 = arith.constant 352 : i32
    %add3A_434 = arith.addi %mul3A_2, %add3A_433 : i32
    %dma_wait3A_435 = arith.constant 0 : i32
    %dma_wait3A_436 = tpu.memref_slice %arg7[%add3A_434, %dma_wait3A_435] : memref<10000x128xf32, #tpu.memory_space<vmem_shared>> -> memref<16x128xf32, #tpu.memory_space<vmem_shared>>
    %dma_wait3A_437 = arith.constant 0 : i32
    %dma_wait3A_438 = tpu.memref_slice %arg7[%add3A_434, %dma_wait3A_437] : memref<10000x128xf32, #tpu.memory_space<vmem_shared>> -> memref<16x128xf32, #tpu.memory_space<vmem_shared>>
    tpu.wait_dma2 semaphore(%arg17 : memref<!tpu.dma_semaphore, #tpu.memory_space<semaphore_mem>>) src(%arg11 : memref<16x128xf32, #tpu.memory_space<vmem>>) dst(%dma_wait3A_438 : memref<16x128xf32, #tpu.memory_space<vmem_shared>>)
    %add3A_439 = arith.constant 368 : i32
    %add3A_440 = arith.addi %mul3A_2, %add3A_439 : i32
    %dma_wait3A_441 = arith.constant 0 : i32
    %dma_wait3A_442 = tpu.memref_slice %arg7[%add3A_440, %dma_wait3A_441] : memref<10000x128xf32, #tpu.memory_space<vmem_shared>> -> memref<16x128xf32, #tpu.memory_space<vmem_shared>>
    %dma_wait3A_443 = arith.constant 0 : i32
    %dma_wait3A_444 = tpu.memref_slice %arg7[%add3A_440, %dma_wait3A_443] : memref<10000x128xf32, #tpu.memory_space<vmem_shared>> -> memref<16x128xf32, #tpu.memory_space<vmem_shared>>
    tpu.wait_dma2 semaphore(%arg17 : memref<!tpu.dma_semaphore, #tpu.memory_space<semaphore_mem>>) src(%arg11 : memref<16x128xf32, #tpu.memory_space<vmem>>) dst(%dma_wait3A_444 : memref<16x128xf32, #tpu.memory_space<vmem_shared>>)
    %add3A_445 = arith.constant 384 : i32
    %add3A_446 = arith.addi %mul3A_2, %add3A_445 : i32
    %dma_wait3A_447 = arith.constant 0 : i32
    %dma_wait3A_448 = tpu.memref_slice %arg7[%add3A_446, %dma_wait3A_447] : memref<10000x128xf32, #tpu.memory_space<vmem_shared>> -> memref<16x128xf32, #tpu.memory_space<vmem_shared>>
    %dma_wait3A_449 = arith.constant 0 : i32
    %dma_wait3A_450 = tpu.memref_slice %arg7[%add3A_446, %dma_wait3A_449] : memref<10000x128xf32, #tpu.memory_space<vmem_shared>> -> memref<16x128xf32, #tpu.memory_space<vmem_shared>>
    tpu.wait_dma2 semaphore(%arg17 : memref<!tpu.dma_semaphore, #tpu.memory_space<semaphore_mem>>) src(%arg11 : memref<16x128xf32, #tpu.memory_space<vmem>>) dst(%dma_wait3A_450 : memref<16x128xf32, #tpu.memory_space<vmem_shared>>)
    %add3A_451 = arith.constant 400 : i32
    %add3A_452 = arith.addi %mul3A_2, %add3A_451 : i32
    %dma_wait3A_453 = arith.constant 0 : i32
    %dma_wait3A_454 = tpu.memref_slice %arg7[%add3A_452, %dma_wait3A_453] : memref<10000x128xf32, #tpu.memory_space<vmem_shared>> -> memref<16x128xf32, #tpu.memory_space<vmem_shared>>
    %dma_wait3A_455 = arith.constant 0 : i32
    %dma_wait3A_456 = tpu.memref_slice %arg7[%add3A_452, %dma_wait3A_455] : memref<10000x128xf32, #tpu.memory_space<vmem_shared>> -> memref<16x128xf32, #tpu.memory_space<vmem_shared>>
    tpu.wait_dma2 semaphore(%arg17 : memref<!tpu.dma_semaphore, #tpu.memory_space<semaphore_mem>>) src(%arg11 : memref<16x128xf32, #tpu.memory_space<vmem>>) dst(%dma_wait3A_456 : memref<16x128xf32, #tpu.memory_space<vmem_shared>>)
    %add3A_457 = arith.constant 416 : i32
    %add3A_458 = arith.addi %mul3A_2, %add3A_457 : i32
    %dma_wait3A_459 = arith.constant 0 : i32
    %dma_wait3A_460 = tpu.memref_slice %arg7[%add3A_458, %dma_wait3A_459] : memref<10000x128xf32, #tpu.memory_space<vmem_shared>> -> memref<16x128xf32, #tpu.memory_space<vmem_shared>>
    %dma_wait3A_461 = arith.constant 0 : i32
    %dma_wait3A_462 = tpu.memref_slice %arg7[%add3A_458, %dma_wait3A_461] : memref<10000x128xf32, #tpu.memory_space<vmem_shared>> -> memref<16x128xf32, #tpu.memory_space<vmem_shared>>
    tpu.wait_dma2 semaphore(%arg17 : memref<!tpu.dma_semaphore, #tpu.memory_space<semaphore_mem>>) src(%arg11 : memref<16x128xf32, #tpu.memory_space<vmem>>) dst(%dma_wait3A_462 : memref<16x128xf32, #tpu.memory_space<vmem_shared>>)
    %add3A_463 = arith.constant 432 : i32
    %add3A_464 = arith.addi %mul3A_2, %add3A_463 : i32
    %dma_wait3A_465 = arith.constant 0 : i32
    %dma_wait3A_466 = tpu.memref_slice %arg7[%add3A_464, %dma_wait3A_465] : memref<10000x128xf32, #tpu.memory_space<vmem_shared>> -> memref<16x128xf32, #tpu.memory_space<vmem_shared>>
    %dma_wait3A_467 = arith.constant 0 : i32
    %dma_wait3A_468 = tpu.memref_slice %arg7[%add3A_464, %dma_wait3A_467] : memref<10000x128xf32, #tpu.memory_space<vmem_shared>> -> memref<16x128xf32, #tpu.memory_space<vmem_shared>>
    tpu.wait_dma2 semaphore(%arg17 : memref<!tpu.dma_semaphore, #tpu.memory_space<semaphore_mem>>) src(%arg11 : memref<16x128xf32, #tpu.memory_space<vmem>>) dst(%dma_wait3A_468 : memref<16x128xf32, #tpu.memory_space<vmem_shared>>)
    %add3A_469 = arith.constant 448 : i32
    %add3A_470 = arith.addi %mul3A_2, %add3A_469 : i32
    %dma_wait3A_471 = arith.constant 0 : i32
    %dma_wait3A_472 = tpu.memref_slice %arg7[%add3A_470, %dma_wait3A_471] : memref<10000x128xf32, #tpu.memory_space<vmem_shared>> -> memref<16x128xf32, #tpu.memory_space<vmem_shared>>
    %dma_wait3A_473 = arith.constant 0 : i32
    %dma_wait3A_474 = tpu.memref_slice %arg7[%add3A_470, %dma_wait3A_473] : memref<10000x128xf32, #tpu.memory_space<vmem_shared>> -> memref<16x128xf32, #tpu.memory_space<vmem_shared>>
    tpu.wait_dma2 semaphore(%arg17 : memref<!tpu.dma_semaphore, #tpu.memory_space<semaphore_mem>>) src(%arg11 : memref<16x128xf32, #tpu.memory_space<vmem>>) dst(%dma_wait3A_474 : memref<16x128xf32, #tpu.memory_space<vmem_shared>>)
    %add3A_475 = arith.constant 464 : i32
    %add3A_476 = arith.addi %mul3A_2, %add3A_475 : i32
    %dma_wait3A_477 = arith.constant 0 : i32
    %dma_wait3A_478 = tpu.memref_slice %arg7[%add3A_476, %dma_wait3A_477] : memref<10000x128xf32, #tpu.memory_space<vmem_shared>> -> memref<16x128xf32, #tpu.memory_space<vmem_shared>>
    %dma_wait3A_479 = arith.constant 0 : i32
    %dma_wait3A_480 = tpu.memref_slice %arg7[%add3A_476, %dma_wait3A_479] : memref<10000x128xf32, #tpu.memory_space<vmem_shared>> -> memref<16x128xf32, #tpu.memory_space<vmem_shared>>
    tpu.wait_dma2 semaphore(%arg17 : memref<!tpu.dma_semaphore, #tpu.memory_space<semaphore_mem>>) src(%arg11 : memref<16x128xf32, #tpu.memory_space<vmem>>) dst(%dma_wait3A_480 : memref<16x128xf32, #tpu.memory_space<vmem_shared>>)
    %add3A_481 = arith.constant 480 : i32
    %add3A_482 = arith.addi %mul3A_2, %add3A_481 : i32
    %dma_wait3A_483 = arith.constant 0 : i32
    %dma_wait3A_484 = tpu.memref_slice %arg7[%add3A_482, %dma_wait3A_483] : memref<10000x128xf32, #tpu.memory_space<vmem_shared>> -> memref<16x128xf32, #tpu.memory_space<vmem_shared>>
    %dma_wait3A_485 = arith.constant 0 : i32
    %dma_wait3A_486 = tpu.memref_slice %arg7[%add3A_482, %dma_wait3A_485] : memref<10000x128xf32, #tpu.memory_space<vmem_shared>> -> memref<16x128xf32, #tpu.memory_space<vmem_shared>>
    tpu.wait_dma2 semaphore(%arg17 : memref<!tpu.dma_semaphore, #tpu.memory_space<semaphore_mem>>) src(%arg11 : memref<16x128xf32, #tpu.memory_space<vmem>>) dst(%dma_wait3A_486 : memref<16x128xf32, #tpu.memory_space<vmem_shared>>)
    %add3A_487 = arith.constant 496 : i32
    %add3A_488 = arith.addi %mul3A_2, %add3A_487 : i32
    %dma_wait3A_489 = arith.constant 0 : i32
    %dma_wait3A_490 = tpu.memref_slice %arg7[%add3A_488, %dma_wait3A_489] : memref<10000x128xf32, #tpu.memory_space<vmem_shared>> -> memref<16x128xf32, #tpu.memory_space<vmem_shared>>
    %dma_wait3A_491 = arith.constant 0 : i32
    %dma_wait3A_492 = tpu.memref_slice %arg7[%add3A_488, %dma_wait3A_491] : memref<10000x128xf32, #tpu.memory_space<vmem_shared>> -> memref<16x128xf32, #tpu.memory_space<vmem_shared>>
    tpu.wait_dma2 semaphore(%arg17 : memref<!tpu.dma_semaphore, #tpu.memory_space<semaphore_mem>>) src(%arg11 : memref<16x128xf32, #tpu.memory_space<vmem>>) dst(%dma_wait3A_492 : memref<16x128xf32, #tpu.memory_space<vmem_shared>>)
    %add3A_493 = arith.constant 512 : i32
    %add3A_494 = arith.addi %mul3A_2, %add3A_493 : i32
    %dma_wait3A_495 = arith.constant 0 : i32
    %dma_wait3A_496 = tpu.memref_slice %arg7[%add3A_494, %dma_wait3A_495] : memref<10000x128xf32, #tpu.memory_space<vmem_shared>> -> memref<16x128xf32, #tpu.memory_space<vmem_shared>>
    %dma_wait3A_497 = arith.constant 0 : i32
    %dma_wait3A_498 = tpu.memref_slice %arg7[%add3A_494, %dma_wait3A_497] : memref<10000x128xf32, #tpu.memory_space<vmem_shared>> -> memref<16x128xf32, #tpu.memory_space<vmem_shared>>
    tpu.wait_dma2 semaphore(%arg17 : memref<!tpu.dma_semaphore, #tpu.memory_space<semaphore_mem>>) src(%arg11 : memref<16x128xf32, #tpu.memory_space<vmem>>) dst(%dma_wait3A_498 : memref<16x128xf32, #tpu.memory_space<vmem_shared>>)
    %add3A_499 = arith.constant 528 : i32
    %add3A_500 = arith.addi %mul3A_2, %add3A_499 : i32
    %dma_wait3A_501 = arith.constant 0 : i32
    %dma_wait3A_502 = tpu.memref_slice %arg7[%add3A_500, %dma_wait3A_501] : memref<10000x128xf32, #tpu.memory_space<vmem_shared>> -> memref<16x128xf32, #tpu.memory_space<vmem_shared>>
    %dma_wait3A_503 = arith.constant 0 : i32
    %dma_wait3A_504 = tpu.memref_slice %arg7[%add3A_500, %dma_wait3A_503] : memref<10000x128xf32, #tpu.memory_space<vmem_shared>> -> memref<16x128xf32, #tpu.memory_space<vmem_shared>>
    tpu.wait_dma2 semaphore(%arg17 : memref<!tpu.dma_semaphore, #tpu.memory_space<semaphore_mem>>) src(%arg11 : memref<16x128xf32, #tpu.memory_space<vmem>>) dst(%dma_wait3A_504 : memref<16x128xf32, #tpu.memory_space<vmem_shared>>)
    %add3A_505 = arith.constant 544 : i32
    %add3A_506 = arith.addi %mul3A_2, %add3A_505 : i32
    %dma_wait3A_507 = arith.constant 0 : i32
    %dma_wait3A_508 = tpu.memref_slice %arg7[%add3A_506, %dma_wait3A_507] : memref<10000x128xf32, #tpu.memory_space<vmem_shared>> -> memref<16x128xf32, #tpu.memory_space<vmem_shared>>
    %dma_wait3A_509 = arith.constant 0 : i32
    %dma_wait3A_510 = tpu.memref_slice %arg7[%add3A_506, %dma_wait3A_509] : memref<10000x128xf32, #tpu.memory_space<vmem_shared>> -> memref<16x128xf32, #tpu.memory_space<vmem_shared>>
    tpu.wait_dma2 semaphore(%arg17 : memref<!tpu.dma_semaphore, #tpu.memory_space<semaphore_mem>>) src(%arg11 : memref<16x128xf32, #tpu.memory_space<vmem>>) dst(%dma_wait3A_510 : memref<16x128xf32, #tpu.memory_space<vmem_shared>>)
    %add3A_511 = arith.constant 560 : i32
    %add3A_512 = arith.addi %mul3A_2, %add3A_511 : i32
    %dma_wait3A_513 = arith.constant 0 : i32
    %dma_wait3A_514 = tpu.memref_slice %arg7[%add3A_512, %dma_wait3A_513] : memref<10000x128xf32, #tpu.memory_space<vmem_shared>> -> memref<16x128xf32, #tpu.memory_space<vmem_shared>>
    %dma_wait3A_515 = arith.constant 0 : i32
    %dma_wait3A_516 = tpu.memref_slice %arg7[%add3A_512, %dma_wait3A_515] : memref<10000x128xf32, #tpu.memory_space<vmem_shared>> -> memref<16x128xf32, #tpu.memory_space<vmem_shared>>
    tpu.wait_dma2 semaphore(%arg17 : memref<!tpu.dma_semaphore, #tpu.memory_space<semaphore_mem>>) src(%arg11 : memref<16x128xf32, #tpu.memory_space<vmem>>) dst(%dma_wait3A_516 : memref<16x128xf32, #tpu.memory_space<vmem_shared>>)
    %add3A_517 = arith.constant 576 : i32
    %add3A_518 = arith.addi %mul3A_2, %add3A_517 : i32
    %dma_wait3A_519 = arith.constant 0 : i32
    %dma_wait3A_520 = tpu.memref_slice %arg7[%add3A_518, %dma_wait3A_519] : memref<10000x128xf32, #tpu.memory_space<vmem_shared>> -> memref<16x128xf32, #tpu.memory_space<vmem_shared>>
    %dma_wait3A_521 = arith.constant 0 : i32
    %dma_wait3A_522 = tpu.memref_slice %arg7[%add3A_518, %dma_wait3A_521] : memref<10000x128xf32, #tpu.memory_space<vmem_shared>> -> memref<16x128xf32, #tpu.memory_space<vmem_shared>>
    tpu.wait_dma2 semaphore(%arg17 : memref<!tpu.dma_semaphore, #tpu.memory_space<semaphore_mem>>) src(%arg11 : memref<16x128xf32, #tpu.memory_space<vmem>>) dst(%dma_wait3A_522 : memref<16x128xf32, #tpu.memory_space<vmem_shared>>)
    %add3A_523 = arith.constant 592 : i32
    %add3A_524 = arith.addi %mul3A_2, %add3A_523 : i32
    %dma_wait3A_525 = arith.constant 0 : i32
    %dma_wait3A_526 = tpu.memref_slice %arg7[%add3A_524, %dma_wait3A_525] : memref<10000x128xf32, #tpu.memory_space<vmem_shared>> -> memref<16x128xf32, #tpu.memory_space<vmem_shared>>
    %dma_wait3A_527 = arith.constant 0 : i32
    %dma_wait3A_528 = tpu.memref_slice %arg7[%add3A_524, %dma_wait3A_527] : memref<10000x128xf32, #tpu.memory_space<vmem_shared>> -> memref<16x128xf32, #tpu.memory_space<vmem_shared>>
    tpu.wait_dma2 semaphore(%arg17 : memref<!tpu.dma_semaphore, #tpu.memory_space<semaphore_mem>>) src(%arg11 : memref<16x128xf32, #tpu.memory_space<vmem>>) dst(%dma_wait3A_528 : memref<16x128xf32, #tpu.memory_space<vmem_shared>>)
    %add3A_529 = arith.constant 608 : i32
    %add3A_530 = arith.addi %mul3A_2, %add3A_529 : i32
    %dma_wait3A_531 = arith.constant 0 : i32
    %dma_wait3A_532 = tpu.memref_slice %arg7[%add3A_530, %dma_wait3A_531] : memref<10000x128xf32, #tpu.memory_space<vmem_shared>> -> memref<16x128xf32, #tpu.memory_space<vmem_shared>>
    %dma_wait3A_533 = arith.constant 0 : i32
    %dma_wait3A_534 = tpu.memref_slice %arg7[%add3A_530, %dma_wait3A_533] : memref<10000x128xf32, #tpu.memory_space<vmem_shared>> -> memref<16x128xf32, #tpu.memory_space<vmem_shared>>
    tpu.wait_dma2 semaphore(%arg17 : memref<!tpu.dma_semaphore, #tpu.memory_space<semaphore_mem>>) src(%arg11 : memref<16x128xf32, #tpu.memory_space<vmem>>) dst(%dma_wait3A_534 : memref<16x128xf32, #tpu.memory_space<vmem_shared>>)
    %eq3A_535 = arith.constant 15 : i32
    %eq3A_536 = arith.cmpi eq, %arg1, %eq3A_535 : i32
    %convert_element_type3A_537 = arith.extui %eq3A_536 : i1 to i32
    %cond3A_538 = arith.constant 0 : i32
    %cond3A_539 = arith.cmpi ne, %convert_element_type3A_537, %cond3A_538 : i32
    scf.if %cond3A_539 {
      %add3A_701 = arith.constant 624 : i32
      %add3A_702 = arith.addi %mul3A_2, %add3A_701 : i32
      %dma_wait3A_703 = arith.constant 0 : i32
      %dma_wait3A_704 = tpu.memref_slice %arg7[%add3A_702, %dma_wait3A_703] : memref<10000x128xf32, #tpu.memory_space<vmem_shared>> -> memref<16x128xf32, #tpu.memory_space<vmem_shared>>
      %dma_wait3A_705 = arith.constant 0 : i32
      %dma_wait3A_706 = tpu.memref_slice %arg7[%add3A_702, %dma_wait3A_705] : memref<10000x128xf32, #tpu.memory_space<vmem_shared>> -> memref<16x128xf32, #tpu.memory_space<vmem_shared>>
      tpu.wait_dma2 semaphore(%arg17 : memref<!tpu.dma_semaphore, #tpu.memory_space<semaphore_mem>>) src(%arg11 : memref<16x128xf32, #tpu.memory_space<vmem>>) dst(%dma_wait3A_706 : memref<16x128xf32, #tpu.memory_space<vmem_shared>>)
    } else {
    }
    %barrier3A = arith.constant 0 : index
    tpu.barrier barrier_id(%barrier3A)
    %scan3A = arith.constant 0 : i32
    %scan3A_540 = arith.constant 16 : i32
    %scan3A_541 = arith.addi %scan3A, %scan3A_540 : i32
    %scan3A_542 = arith.constant 1 : i32
    scf.for %scan3A_701 = %scan3A to %scan3A_541 step %scan3A_542  : i32 {
      %mul3A_702 = arith.constant 6 : i32
      %mul3A_703 = arith.muli %scan3A_701, %mul3A_702 : i32
      %add3A_704 = arith.constant 0 : i32
      %add3A_705 = arith.addi %add3A_704, %mul3A_703 : i32
      %add3A_706 = arith.constant 0 : i32
      %add3A_707 = arith.addi %add3A_705, %add3A_706 : i32
      %dma_wait3A_708 = arith.constant 0 : i32
      %dma_wait3A_709 = arith.constant 0 : i32
      %dma_wait3A_710 = arith.constant 0 : i32
      %dma_wait3A_711 = tpu.memref_slice %arg10[%dma_wait3A_708, %dma_wait3A_709, %dma_wait3A_710] : memref<3x100x128xf32, #tpu.memory_space<vmem>> -> memref<1x100x128xf32, #tpu.memory_space<vmem>>
      %dma_wait3A_712 = tpu.memref_squeeze %dma_wait3A_711 : memref<1x100x128xf32, #tpu.memory_space<vmem>> -> memref<100x128xf32, #tpu.memory_space<vmem>>
      %dma_wait3A_713 = arith.constant 0 : i32
      %dma_wait3A_714 = tpu.memref_slice %arg8[%add3A_707, %dma_wait3A_713] : memref<100x100xi32, #tpu.memory_space<vmem>> -> memref<1x100xi32, #tpu.memory_space<vmem>>
      %dma_wait3A_715 = tpu.memref_squeeze %dma_wait3A_714 : memref<1x100xi32, #tpu.memory_space<vmem>> -> memref<100xi32, #tpu.memory_space<vmem>>
      %dma_wait3A_716 = arith.constant 0 : i32
      %dma_wait3A_717 = arith.constant 0 : i32
      %dma_wait3A_718 = tpu.memref_slice %arg2[%dma_wait3A_716, %dma_wait3A_717] : memref<10000x128xf32, #tpu.memory_space<hbm>> -> memref<10000x128xf32, #tpu.memory_space<hbm>>
      tpu.wait_indirect_dma semaphore(%arg12 : memref<!tpu.dma_semaphore, #tpu.memory_space<semaphore_mem>>) src(%dma_wait3A_718 : memref<10000x128xf32, #tpu.memory_space<hbm>>) dst(%dma_wait3A_712 : memref<100x128xf32, #tpu.memory_space<vmem>>)
      %dma_wait3A_719 = arith.constant 0 : i32
      %dma_wait3A_720 = arith.constant 0 : i32
      %dma_wait3A_721 = tpu.memref_slice %arg9[%dma_wait3A_719, %dma_wait3A_720] : memref<2x100xi32, #tpu.memory_space<vmem>> -> memref<1x100xi32, #tpu.memory_space<vmem>>
      %dma_wait3A_722 = tpu.memref_squeeze %dma_wait3A_721 : memref<1x100xi32, #tpu.memory_space<vmem>> -> memref<100xi32, #tpu.memory_space<vmem>>
      %dma_wait3A_723 = arith.constant 0 : i32
      %dma_wait3A_724 = tpu.memref_slice %arg4[%add3A, %add3A_707, %dma_wait3A_723] : memref<32x100x100xi32, #tpu.memory_space<hbm>> -> memref<1x1x100xi32, #tpu.memory_space<hbm>>
      %dma_wait3A_725 = tpu.memref_squeeze %dma_wait3A_724 : memref<1x1x100xi32, #tpu.memory_space<hbm>> -> memref<100xi32, #tpu.memory_space<hbm>>
      %dma_wait3A_726 = arith.constant 0 : i32
      %dma_wait3A_727 = tpu.memref_slice %arg9[%dma_wait3A_719, %dma_wait3A_726] : memref<2x100xi32, #tpu.memory_space<vmem>> -> memref<1x100xi32, #tpu.memory_space<vmem>>
      %dma_wait3A_728 = tpu.memref_squeeze %dma_wait3A_727 : memref<1x100xi32, #tpu.memory_space<vmem>> -> memref<100xi32, #tpu.memory_space<vmem>>
      %dma_wait3A_729 = arith.constant 0 : i32
      %dma_wait3A_730 = tpu.memref_slice %arg4[%add3A, %add3A_707, %dma_wait3A_729] : memref<32x100x100xi32, #tpu.memory_space<hbm>> -> memref<1x1x100xi32, #tpu.memory_space<hbm>>
      %dma_wait3A_731 = tpu.memref_squeeze %dma_wait3A_730 : memref<1x1x100xi32, #tpu.memory_space<hbm>> -> memref<100xi32, #tpu.memory_space<hbm>>
      tpu.wait_dma2 semaphore(%arg15 : memref<!tpu.dma_semaphore, #tpu.memory_space<semaphore_mem>>) src(%dma_wait3A_731 : memref<100xi32, #tpu.memory_space<hbm>>) dst(%dma_wait3A_728 : memref<100xi32, #tpu.memory_space<vmem>>)
      %run_scoped3A_732 = arith.constant 0 : i32
      %run_scoped3A_733 = arith.constant 0 : i32
      "tpu.region"() ({
        %run_scoped3A_1042 = tpu.sem_alloc : memref<!tpu.dma_semaphore, #tpu.memory_space<semaphore_mem>>
        %dma_start3A_1043 = arith.constant 0 : i32
        %dma_start3A_1044 = arith.constant 0 : i32
        %dma_start3A_1045 = tpu.memref_slice %arg10[%run_scoped3A_732, %dma_start3A_1043, %dma_start3A_1044] : memref<3x100x128xf32, #tpu.memory_space<vmem>> -> memref<1x100x128xf32, #tpu.memory_space<vmem>>
        %dma_start3A_1046 = tpu.memref_squeeze %dma_start3A_1045 : memref<1x100x128xf32, #tpu.memory_space<vmem>> -> memref<100x128xf32, #tpu.memory_space<vmem>>
        %dma_start3A_1047 = arith.constant 0 : i32
        %dma_start3A_1048 = tpu.memref_slice %arg9[%run_scoped3A_733, %dma_start3A_1047] : memref<2x100xi32, #tpu.memory_space<vmem>> -> memref<1x100xi32, #tpu.memory_space<vmem>>
        %dma_start3A_1049 = tpu.memref_squeeze %dma_start3A_1048 : memref<1x100xi32, #tpu.memory_space<vmem>> -> memref<100xi32, #tpu.memory_space<vmem>>
        %dma_start3A_1050 = arith.constant 0 : i32
        %dma_start3A_1051 = arith.constant 0 : i32
        %dma_start3A_1052 = tpu.memref_slice %arg7[%dma_start3A_1050, %dma_start3A_1051] : memref<10000x128xf32, #tpu.memory_space<vmem_shared>> -> memref<10000x128xf32, #tpu.memory_space<vmem_shared>>
        tpu.enqueue_indirect_dma source(%dma_start3A_1046 : memref<100x128xf32, #tpu.memory_space<vmem>>) target(%dma_start3A_1052 : memref<10000x128xf32, #tpu.memory_space<vmem_shared>>) offsets(%dma_start3A_1049 : memref<100xi32, #tpu.memory_space<vmem>>) semaphore(%run_scoped3A_1042 : memref<!tpu.dma_semaphore, #tpu.memory_space<semaphore_mem>>) {add = true}
        %dma_wait3A_1053 = arith.constant 0 : i32
        %dma_wait3A_1054 = arith.constant 0 : i32
        %dma_wait3A_1055 = tpu.memref_slice %arg10[%run_scoped3A_732, %dma_wait3A_1053, %dma_wait3A_1054] : memref<3x100x128xf32, #tpu.memory_space<vmem>> -> memref<1x100x128xf32, #tpu.memory_space<vmem>>
        %dma_wait3A_1056 = tpu.memref_squeeze %dma_wait3A_1055 : memref<1x100x128xf32, #tpu.memory_space<vmem>> -> memref<100x128xf32, #tpu.memory_space<vmem>>
        %dma_wait3A_1057 = arith.constant 0 : i32
        %dma_wait3A_1058 = tpu.memref_slice %arg9[%run_scoped3A_733, %dma_wait3A_1057] : memref<2x100xi32, #tpu.memory_space<vmem>> -> memref<1x100xi32, #tpu.memory_space<vmem>>
        %dma_wait3A_1059 = tpu.memref_squeeze %dma_wait3A_1058 : memref<1x100xi32, #tpu.memory_space<vmem>> -> memref<100xi32, #tpu.memory_space<vmem>>
        %dma_wait3A_1060 = arith.constant 0 : i32
        %dma_wait3A_1061 = arith.constant 0 : i32
        %dma_wait3A_1062 = tpu.memref_slice %arg7[%dma_wait3A_1060, %dma_wait3A_1061] : memref<10000x128xf32, #tpu.memory_space<vmem_shared>> -> memref<10000x128xf32, #tpu.memory_space<vmem_shared>>
        tpu.wait_indirect_dma semaphore(%run_scoped3A_1042 : memref<!tpu.dma_semaphore, #tpu.memory_space<semaphore_mem>>) src(%dma_wait3A_1056 : memref<100x128xf32, #tpu.memory_space<vmem>>) dst(%dma_wait3A_1062 : memref<10000x128xf32, #tpu.memory_space<vmem_shared>>)
        tpu.yield
      }) : () -> ()
      %add3A_734 = arith.constant 2 : i32
      %add3A_735 = arith.addi %add3A_707, %add3A_734 : i32
      %dma_start3A_736 = arith.constant 0 : i32
      %dma_start3A_737 = arith.constant 0 : i32
      %dma_start3A_738 = tpu.memref_slice %arg9[%dma_start3A_736, %dma_start3A_737] : memref<2x100xi32, #tpu.memory_space<vmem>> -> memref<1x100xi32, #tpu.memory_space<vmem>>
      %dma_start3A_739 = tpu.memref_squeeze %dma_start3A_738 : memref<1x100xi32, #tpu.memory_space<vmem>> -> memref<100xi32, #tpu.memory_space<vmem>>
      %dma_start3A_740 = arith.constant 0 : i32
      %dma_start3A_741 = tpu.memref_slice %arg4[%add3A, %add3A_735, %dma_start3A_740] : memref<32x100x100xi32, #tpu.memory_space<hbm>> -> memref<1x1x100xi32, #tpu.memory_space<hbm>>
      %dma_start3A_742 = tpu.memref_squeeze %dma_start3A_741 : memref<1x1x100xi32, #tpu.memory_space<hbm>> -> memref<100xi32, #tpu.memory_space<hbm>>
      %dma_start3A_743 = arith.constant 0 : i32
      %dma_start3A_744 = tpu.memref_slice %arg9[%dma_start3A_736, %dma_start3A_743] : memref<2x100xi32, #tpu.memory_space<vmem>> -> memref<1x100xi32, #tpu.memory_space<vmem>>
      %dma_start3A_745 = tpu.memref_squeeze %dma_start3A_744 : memref<1x100xi32, #tpu.memory_space<vmem>> -> memref<100xi32, #tpu.memory_space<vmem>>
      %dma_start3A_746 = arith.constant 0 : i32
      %dma_start3A_747 = tpu.memref_slice %arg4[%add3A, %add3A_735, %dma_start3A_746] : memref<32x100x100xi32, #tpu.memory_space<hbm>> -> memref<1x1x100xi32, #tpu.memory_space<hbm>>
      %dma_start3A_748 = tpu.memref_squeeze %dma_start3A_747 : memref<1x1x100xi32, #tpu.memory_space<hbm>> -> memref<100xi32, #tpu.memory_space<hbm>>
      tpu.enqueue_dma source(%dma_start3A_748 : memref<100xi32, #tpu.memory_space<hbm>>) target(%dma_start3A_745 : memref<100xi32, #tpu.memory_space<vmem>>) target_semaphore(%arg15 : memref<!tpu.dma_semaphore, #tpu.memory_space<semaphore_mem>>)
      %add3A_749 = arith.constant 3 : i32
      %add3A_750 = arith.addi %add3A_707, %add3A_749 : i32
      %dma_start3A_751 = arith.constant 0 : i32
      %dma_start3A_752 = arith.constant 0 : i32
      %dma_start3A_753 = arith.constant 0 : i32
      %dma_start3A_754 = tpu.memref_slice %arg10[%dma_start3A_751, %dma_start3A_752, %dma_start3A_753] : memref<3x100x128xf32, #tpu.memory_space<vmem>> -> memref<1x100x128xf32, #tpu.memory_space<vmem>>
      %dma_start3A_755 = tpu.memref_squeeze %dma_start3A_754 : memref<1x100x128xf32, #tpu.memory_space<vmem>> -> memref<100x128xf32, #tpu.memory_space<vmem>>
      %dma_start3A_756 = arith.constant 0 : i32
      %dma_start3A_757 = tpu.memref_slice %arg8[%add3A_750, %dma_start3A_756] : memref<100x100xi32, #tpu.memory_space<vmem>> -> memref<1x100xi32, #tpu.memory_space<vmem>>
      %dma_start3A_758 = tpu.memref_squeeze %dma_start3A_757 : memref<1x100xi32, #tpu.memory_space<vmem>> -> memref<100xi32, #tpu.memory_space<vmem>>
      %dma_start3A_759 = arith.constant 0 : i32
      %dma_start3A_760 = arith.constant 0 : i32
      %dma_start3A_761 = tpu.memref_slice %arg2[%dma_start3A_759, %dma_start3A_760] : memref<10000x128xf32, #tpu.memory_space<hbm>> -> memref<10000x128xf32, #tpu.memory_space<hbm>>
      tpu.enqueue_indirect_dma source(%dma_start3A_761 : memref<10000x128xf32, #tpu.memory_space<hbm>>) target(%dma_start3A_755 : memref<100x128xf32, #tpu.memory_space<vmem>>) offsets(%dma_start3A_758 : memref<100xi32, #tpu.memory_space<vmem>>) semaphore(%arg12 : memref<!tpu.dma_semaphore, #tpu.memory_space<semaphore_mem>>)
      %add3A_762 = arith.constant 1 : i32
      %add3A_763 = arith.addi %add3A_705, %add3A_762 : i32
      %dma_wait3A_764 = arith.constant 1 : i32
      %dma_wait3A_765 = arith.constant 0 : i32
      %dma_wait3A_766 = arith.constant 0 : i32
      %dma_wait3A_767 = tpu.memref_slice %arg10[%dma_wait3A_764, %dma_wait3A_765, %dma_wait3A_766] : memref<3x100x128xf32, #tpu.memory_space<vmem>> -> memref<1x100x128xf32, #tpu.memory_space<vmem>>
      %dma_wait3A_768 = tpu.memref_squeeze %dma_wait3A_767 : memref<1x100x128xf32, #tpu.memory_space<vmem>> -> memref<100x128xf32, #tpu.memory_space<vmem>>
      %dma_wait3A_769 = arith.constant 0 : i32
      %dma_wait3A_770 = tpu.memref_slice %arg8[%add3A_763, %dma_wait3A_769] : memref<100x100xi32, #tpu.memory_space<vmem>> -> memref<1x100xi32, #tpu.memory_space<vmem>>
      %dma_wait3A_771 = tpu.memref_squeeze %dma_wait3A_770 : memref<1x100xi32, #tpu.memory_space<vmem>> -> memref<100xi32, #tpu.memory_space<vmem>>
      %dma_wait3A_772 = arith.constant 0 : i32
      %dma_wait3A_773 = arith.constant 0 : i32
      %dma_wait3A_774 = tpu.memref_slice %arg2[%dma_wait3A_772, %dma_wait3A_773] : memref<10000x128xf32, #tpu.memory_space<hbm>> -> memref<10000x128xf32, #tpu.memory_space<hbm>>
      tpu.wait_indirect_dma semaphore(%arg13 : memref<!tpu.dma_semaphore, #tpu.memory_space<semaphore_mem>>) src(%dma_wait3A_774 : memref<10000x128xf32, #tpu.memory_space<hbm>>) dst(%dma_wait3A_768 : memref<100x128xf32, #tpu.memory_space<vmem>>)
      %dma_wait3A_775 = arith.constant 1 : i32
      %dma_wait3A_776 = arith.constant 0 : i32
      %dma_wait3A_777 = tpu.memref_slice %arg9[%dma_wait3A_775, %dma_wait3A_776] : memref<2x100xi32, #tpu.memory_space<vmem>> -> memref<1x100xi32, #tpu.memory_space<vmem>>
      %dma_wait3A_778 = tpu.memref_squeeze %dma_wait3A_777 : memref<1x100xi32, #tpu.memory_space<vmem>> -> memref<100xi32, #tpu.memory_space<vmem>>
      %dma_wait3A_779 = arith.constant 0 : i32
      %dma_wait3A_780 = tpu.memref_slice %arg4[%add3A, %add3A_763, %dma_wait3A_779] : memref<32x100x100xi32, #tpu.memory_space<hbm>> -> memref<1x1x100xi32, #tpu.memory_space<hbm>>
      %dma_wait3A_781 = tpu.memref_squeeze %dma_wait3A_780 : memref<1x1x100xi32, #tpu.memory_space<hbm>> -> memref<100xi32, #tpu.memory_space<hbm>>
      %dma_wait3A_782 = arith.constant 0 : i32
      %dma_wait3A_783 = tpu.memref_slice %arg9[%dma_wait3A_775, %dma_wait3A_782] : memref<2x100xi32, #tpu.memory_space<vmem>> -> memref<1x100xi32, #tpu.memory_space<vmem>>
      %dma_wait3A_784 = tpu.memref_squeeze %dma_wait3A_783 : memref<1x100xi32, #tpu.memory_space<vmem>> -> memref<100xi32, #tpu.memory_space<vmem>>
      %dma_wait3A_785 = arith.constant 0 : i32
      %dma_wait3A_786 = tpu.memref_slice %arg4[%add3A, %add3A_763, %dma_wait3A_785] : memref<32x100x100xi32, #tpu.memory_space<hbm>> -> memref<1x1x100xi32, #tpu.memory_space<hbm>>
      %dma_wait3A_787 = tpu.memref_squeeze %dma_wait3A_786 : memref<1x1x100xi32, #tpu.memory_space<hbm>> -> memref<100xi32, #tpu.memory_space<hbm>>
      tpu.wait_dma2 semaphore(%arg16 : memref<!tpu.dma_semaphore, #tpu.memory_space<semaphore_mem>>) src(%dma_wait3A_787 : memref<100xi32, #tpu.memory_space<hbm>>) dst(%dma_wait3A_784 : memref<100xi32, #tpu.memory_space<vmem>>)
      %run_scoped3A_788 = arith.constant 1 : i32
      %run_scoped3A_789 = arith.constant 1 : i32
      "tpu.region"() ({
        %run_scoped3A_1042 = tpu.sem_alloc : memref<!tpu.dma_semaphore, #tpu.memory_space<semaphore_mem>>
        %dma_start3A_1043 = arith.constant 0 : i32
        %dma_start3A_1044 = arith.constant 0 : i32
        %dma_start3A_1045 = tpu.memref_slice %arg10[%run_scoped3A_788, %dma_start3A_1043, %dma_start3A_1044] : memref<3x100x128xf32, #tpu.memory_space<vmem>> -> memref<1x100x128xf32, #tpu.memory_space<vmem>>
        %dma_start3A_1046 = tpu.memref_squeeze %dma_start3A_1045 : memref<1x100x128xf32, #tpu.memory_space<vmem>> -> memref<100x128xf32, #tpu.memory_space<vmem>>
        %dma_start3A_1047 = arith.constant 0 : i32
        %dma_start3A_1048 = tpu.memref_slice %arg9[%run_scoped3A_789, %dma_start3A_1047] : memref<2x100xi32, #tpu.memory_space<vmem>> -> memref<1x100xi32, #tpu.memory_space<vmem>>
        %dma_start3A_1049 = tpu.memref_squeeze %dma_start3A_1048 : memref<1x100xi32, #tpu.memory_space<vmem>> -> memref<100xi32, #tpu.memory_space<vmem>>
        %dma_start3A_1050 = arith.constant 0 : i32
        %dma_start3A_1051 = arith.constant 0 : i32
        %dma_start3A_1052 = tpu.memref_slice %arg7[%dma_start3A_1050, %dma_start3A_1051] : memref<10000x128xf32, #tpu.memory_space<vmem_shared>> -> memref<10000x128xf32, #tpu.memory_space<vmem_shared>>
        tpu.enqueue_indirect_dma source(%dma_start3A_1046 : memref<100x128xf32, #tpu.memory_space<vmem>>) target(%dma_start3A_1052 : memref<10000x128xf32, #tpu.memory_space<vmem_shared>>) offsets(%dma_start3A_1049 : memref<100xi32, #tpu.memory_space<vmem>>) semaphore(%run_scoped3A_1042 : memref<!tpu.dma_semaphore, #tpu.memory_space<semaphore_mem>>) {add = true}
        %dma_wait3A_1053 = arith.constant 0 : i32
        %dma_wait3A_1054 = arith.constant 0 : i32
        %dma_wait3A_1055 = tpu.memref_slice %arg10[%run_scoped3A_788, %dma_wait3A_1053, %dma_wait3A_1054] : memref<3x100x128xf32, #tpu.memory_space<vmem>> -> memref<1x100x128xf32, #tpu.memory_space<vmem>>
        %dma_wait3A_1056 = tpu.memref_squeeze %dma_wait3A_1055 : memref<1x100x128xf32, #tpu.memory_space<vmem>> -> memref<100x128xf32, #tpu.memory_space<vmem>>
        %dma_wait3A_1057 = arith.constant 0 : i32
        %dma_wait3A_1058 = tpu.memref_slice %arg9[%run_scoped3A_789, %dma_wait3A_1057] : memref<2x100xi32, #tpu.memory_space<vmem>> -> memref<1x100xi32, #tpu.memory_space<vmem>>
        %dma_wait3A_1059 = tpu.memref_squeeze %dma_wait3A_1058 : memref<1x100xi32, #tpu.memory_space<vmem>> -> memref<100xi32, #tpu.memory_space<vmem>>
        %dma_wait3A_1060 = arith.constant 0 : i32
        %dma_wait3A_1061 = arith.constant 0 : i32
        %dma_wait3A_1062 = tpu.memref_slice %arg7[%dma_wait3A_1060, %dma_wait3A_1061] : memref<10000x128xf32, #tpu.memory_space<vmem_shared>> -> memref<10000x128xf32, #tpu.memory_space<vmem_shared>>
        tpu.wait_indirect_dma semaphore(%run_scoped3A_1042 : memref<!tpu.dma_semaphore, #tpu.memory_space<semaphore_mem>>) src(%dma_wait3A_1056 : memref<100x128xf32, #tpu.memory_space<vmem>>) dst(%dma_wait3A_1062 : memref<10000x128xf32, #tpu.memory_space<vmem_shared>>)
        tpu.yield
      }) : () -> ()
      %add3A_790 = arith.constant 2 : i32
      %add3A_791 = arith.addi %add3A_763, %add3A_790 : i32
      %dma_start3A_792 = arith.constant 1 : i32
      %dma_start3A_793 = arith.constant 0 : i32
      %dma_start3A_794 = tpu.memref_slice %arg9[%dma_start3A_792, %dma_start3A_793] : memref<2x100xi32, #tpu.memory_space<vmem>> -> memref<1x100xi32, #tpu.memory_space<vmem>>
      %dma_start3A_795 = tpu.memref_squeeze %dma_start3A_794 : memref<1x100xi32, #tpu.memory_space<vmem>> -> memref<100xi32, #tpu.memory_space<vmem>>
      %dma_start3A_796 = arith.constant 0 : i32
      %dma_start3A_797 = tpu.memref_slice %arg4[%add3A, %add3A_791, %dma_start3A_796] : memref<32x100x100xi32, #tpu.memory_space<hbm>> -> memref<1x1x100xi32, #tpu.memory_space<hbm>>
      %dma_start3A_798 = tpu.memref_squeeze %dma_start3A_797 : memref<1x1x100xi32, #tpu.memory_space<hbm>> -> memref<100xi32, #tpu.memory_space<hbm>>
      %dma_start3A_799 = arith.constant 0 : i32
      %dma_start3A_800 = tpu.memref_slice %arg9[%dma_start3A_792, %dma_start3A_799] : memref<2x100xi32, #tpu.memory_space<vmem>> -> memref<1x100xi32, #tpu.memory_space<vmem>>
      %dma_start3A_801 = tpu.memref_squeeze %dma_start3A_800 : memref<1x100xi32, #tpu.memory_space<vmem>> -> memref<100xi32, #tpu.memory_space<vmem>>
      %dma_start3A_802 = arith.constant 0 : i32
      %dma_start3A_803 = tpu.memref_slice %arg4[%add3A, %add3A_791, %dma_start3A_802] : memref<32x100x100xi32, #tpu.memory_space<hbm>> -> memref<1x1x100xi32, #tpu.memory_space<hbm>>
      %dma_start3A_804 = tpu.memref_squeeze %dma_start3A_803 : memref<1x1x100xi32, #tpu.memory_space<hbm>> -> memref<100xi32, #tpu.memory_space<hbm>>
      tpu.enqueue_dma source(%dma_start3A_804 : memref<100xi32, #tpu.memory_space<hbm>>) target(%dma_start3A_801 : memref<100xi32, #tpu.memory_space<vmem>>) target_semaphore(%arg16 : memref<!tpu.dma_semaphore, #tpu.memory_space<semaphore_mem>>)
      %add3A_805 = arith.constant 3 : i32
      %add3A_806 = arith.addi %add3A_763, %add3A_805 : i32
      %dma_start3A_807 = arith.constant 1 : i32
      %dma_start3A_808 = arith.constant 0 : i32
      %dma_start3A_809 = arith.constant 0 : i32
      %dma_start3A_810 = tpu.memref_slice %arg10[%dma_start3A_807, %dma_start3A_808, %dma_start3A_809] : memref<3x100x128xf32, #tpu.memory_space<vmem>> -> memref<1x100x128xf32, #tpu.memory_space<vmem>>
      %dma_start3A_811 = tpu.memref_squeeze %dma_start3A_810 : memref<1x100x128xf32, #tpu.memory_space<vmem>> -> memref<100x128xf32, #tpu.memory_space<vmem>>
      %dma_start3A_812 = arith.constant 0 : i32
      %dma_start3A_813 = tpu.memref_slice %arg8[%add3A_806, %dma_start3A_812] : memref<100x100xi32, #tpu.memory_space<vmem>> -> memref<1x100xi32, #tpu.memory_space<vmem>>
      %dma_start3A_814 = tpu.memref_squeeze %dma_start3A_813 : memref<1x100xi32, #tpu.memory_space<vmem>> -> memref<100xi32, #tpu.memory_space<vmem>>
      %dma_start3A_815 = arith.constant 0 : i32
      %dma_start3A_816 = arith.constant 0 : i32
      %dma_start3A_817 = tpu.memref_slice %arg2[%dma_start3A_815, %dma_start3A_816] : memref<10000x128xf32, #tpu.memory_space<hbm>> -> memref<10000x128xf32, #tpu.memory_space<hbm>>
      tpu.enqueue_indirect_dma source(%dma_start3A_817 : memref<10000x128xf32, #tpu.memory_space<hbm>>) target(%dma_start3A_811 : memref<100x128xf32, #tpu.memory_space<vmem>>) offsets(%dma_start3A_814 : memref<100xi32, #tpu.memory_space<vmem>>) semaphore(%arg13 : memref<!tpu.dma_semaphore, #tpu.memory_space<semaphore_mem>>)
      %add3A_818 = arith.constant 2 : i32
      %add3A_819 = arith.addi %add3A_705, %add3A_818 : i32
      %dma_wait3A_820 = arith.constant 2 : i32
      %dma_wait3A_821 = arith.constant 0 : i32
      %dma_wait3A_822 = arith.constant 0 : i32
      %dma_wait3A_823 = tpu.memref_slice %arg10[%dma_wait3A_820, %dma_wait3A_821, %dma_wait3A_822] : memref<3x100x128xf32, #tpu.memory_space<vmem>> -> memref<1x100x128xf32, #tpu.memory_space<vmem>>
      %dma_wait3A_824 = tpu.memref_squeeze %dma_wait3A_823 : memref<1x100x128xf32, #tpu.memory_space<vmem>> -> memref<100x128xf32, #tpu.memory_space<vmem>>
      %dma_wait3A_825 = arith.constant 0 : i32
      %dma_wait3A_826 = tpu.memref_slice %arg8[%add3A_819, %dma_wait3A_825] : memref<100x100xi32, #tpu.memory_space<vmem>> -> memref<1x100xi32, #tpu.memory_space<vmem>>
      %dma_wait3A_827 = tpu.memref_squeeze %dma_wait3A_826 : memref<1x100xi32, #tpu.memory_space<vmem>> -> memref<100xi32, #tpu.memory_space<vmem>>
      %dma_wait3A_828 = arith.constant 0 : i32
      %dma_wait3A_829 = arith.constant 0 : i32
      %dma_wait3A_830 = tpu.memref_slice %arg2[%dma_wait3A_828, %dma_wait3A_829] : memref<10000x128xf32, #tpu.memory_space<hbm>> -> memref<10000x128xf32, #tpu.memory_space<hbm>>
      tpu.wait_indirect_dma semaphore(%arg14 : memref<!tpu.dma_semaphore, #tpu.memory_space<semaphore_mem>>) src(%dma_wait3A_830 : memref<10000x128xf32, #tpu.memory_space<hbm>>) dst(%dma_wait3A_824 : memref<100x128xf32, #tpu.memory_space<vmem>>)
      %dma_wait3A_831 = arith.constant 0 : i32
      %dma_wait3A_832 = arith.constant 0 : i32
      %dma_wait3A_833 = tpu.memref_slice %arg9[%dma_wait3A_831, %dma_wait3A_832] : memref<2x100xi32, #tpu.memory_space<vmem>> -> memref<1x100xi32, #tpu.memory_space<vmem>>
      %dma_wait3A_834 = tpu.memref_squeeze %dma_wait3A_833 : memref<1x100xi32, #tpu.memory_space<vmem>> -> memref<100xi32, #tpu.memory_space<vmem>>
      %dma_wait3A_835 = arith.constant 0 : i32
      %dma_wait3A_836 = tpu.memref_slice %arg4[%add3A, %add3A_819, %dma_wait3A_835] : memref<32x100x100xi32, #tpu.memory_space<hbm>> -> memref<1x1x100xi32, #tpu.memory_space<hbm>>
      %dma_wait3A_837 = tpu.memref_squeeze %dma_wait3A_836 : memref<1x1x100xi32, #tpu.memory_space<hbm>> -> memref<100xi32, #tpu.memory_space<hbm>>
      %dma_wait3A_838 = arith.constant 0 : i32
      %dma_wait3A_839 = tpu.memref_slice %arg9[%dma_wait3A_831, %dma_wait3A_838] : memref<2x100xi32, #tpu.memory_space<vmem>> -> memref<1x100xi32, #tpu.memory_space<vmem>>
      %dma_wait3A_840 = tpu.memref_squeeze %dma_wait3A_839 : memref<1x100xi32, #tpu.memory_space<vmem>> -> memref<100xi32, #tpu.memory_space<vmem>>
      %dma_wait3A_841 = arith.constant 0 : i32
      %dma_wait3A_842 = tpu.memref_slice %arg4[%add3A, %add3A_819, %dma_wait3A_841] : memref<32x100x100xi32, #tpu.memory_space<hbm>> -> memref<1x1x100xi32, #tpu.memory_space<hbm>>
      %dma_wait3A_843 = tpu.memref_squeeze %dma_wait3A_842 : memref<1x1x100xi32, #tpu.memory_space<hbm>> -> memref<100xi32, #tpu.memory_space<hbm>>
      tpu.wait_dma2 semaphore(%arg15 : memref<!tpu.dma_semaphore, #tpu.memory_space<semaphore_mem>>) src(%dma_wait3A_843 : memref<100xi32, #tpu.memory_space<hbm>>) dst(%dma_wait3A_840 : memref<100xi32, #tpu.memory_space<vmem>>)
      %run_scoped3A_844 = arith.constant 2 : i32
      %run_scoped3A_845 = arith.constant 0 : i32
      "tpu.region"() ({
        %run_scoped3A_1042 = tpu.sem_alloc : memref<!tpu.dma_semaphore, #tpu.memory_space<semaphore_mem>>
        %dma_start3A_1043 = arith.constant 0 : i32
        %dma_start3A_1044 = arith.constant 0 : i32
        %dma_start3A_1045 = tpu.memref_slice %arg10[%run_scoped3A_844, %dma_start3A_1043, %dma_start3A_1044] : memref<3x100x128xf32, #tpu.memory_space<vmem>> -> memref<1x100x128xf32, #tpu.memory_space<vmem>>
        %dma_start3A_1046 = tpu.memref_squeeze %dma_start3A_1045 : memref<1x100x128xf32, #tpu.memory_space<vmem>> -> memref<100x128xf32, #tpu.memory_space<vmem>>
        %dma_start3A_1047 = arith.constant 0 : i32
        %dma_start3A_1048 = tpu.memref_slice %arg9[%run_scoped3A_845, %dma_start3A_1047] : memref<2x100xi32, #tpu.memory_space<vmem>> -> memref<1x100xi32, #tpu.memory_space<vmem>>
        %dma_start3A_1049 = tpu.memref_squeeze %dma_start3A_1048 : memref<1x100xi32, #tpu.memory_space<vmem>> -> memref<100xi32, #tpu.memory_space<vmem>>
        %dma_start3A_1050 = arith.constant 0 : i32
        %dma_start3A_1051 = arith.constant 0 : i32
        %dma_start3A_1052 = tpu.memref_slice %arg7[%dma_start3A_1050, %dma_start3A_1051] : memref<10000x128xf32, #tpu.memory_space<vmem_shared>> -> memref<10000x128xf32, #tpu.memory_space<vmem_shared>>
        tpu.enqueue_indirect_dma source(%dma_start3A_1046 : memref<100x128xf32, #tpu.memory_space<vmem>>) target(%dma_start3A_1052 : memref<10000x128xf32, #tpu.memory_space<vmem_shared>>) offsets(%dma_start3A_1049 : memref<100xi32, #tpu.memory_space<vmem>>) semaphore(%run_scoped3A_1042 : memref<!tpu.dma_semaphore, #tpu.memory_space<semaphore_mem>>) {add = true}
        %dma_wait3A_1053 = arith.constant 0 : i32
        %dma_wait3A_1054 = arith.constant 0 : i32
        %dma_wait3A_1055 = tpu.memref_slice %arg10[%run_scoped3A_844, %dma_wait3A_1053, %dma_wait3A_1054] : memref<3x100x128xf32, #tpu.memory_space<vmem>> -> memref<1x100x128xf32, #tpu.memory_space<vmem>>
        %dma_wait3A_1056 = tpu.memref_squeeze %dma_wait3A_1055 : memref<1x100x128xf32, #tpu.memory_space<vmem>> -> memref<100x128xf32, #tpu.memory_space<vmem>>
        %dma_wait3A_1057 = arith.constant 0 : i32
        %dma_wait3A_1058 = tpu.memref_slice %arg9[%run_scoped3A_845, %dma_wait3A_1057] : memref<2x100xi32, #tpu.memory_space<vmem>> -> memref<1x100xi32, #tpu.memory_space<vmem>>
        %dma_wait3A_1059 = tpu.memref_squeeze %dma_wait3A_1058 : memref<1x100xi32, #tpu.memory_space<vmem>> -> memref<100xi32, #tpu.memory_space<vmem>>
        %dma_wait3A_1060 = arith.constant 0 : i32
        %dma_wait3A_1061 = arith.constant 0 : i32
        %dma_wait3A_1062 = tpu.memref_slice %arg7[%dma_wait3A_1060, %dma_wait3A_1061] : memref<10000x128xf32, #tpu.memory_space<vmem_shared>> -> memref<10000x128xf32, #tpu.memory_space<vmem_shared>>
        tpu.wait_indirect_dma semaphore(%run_scoped3A_1042 : memref<!tpu.dma_semaphore, #tpu.memory_space<semaphore_mem>>) src(%dma_wait3A_1056 : memref<100x128xf32, #tpu.memory_space<vmem>>) dst(%dma_wait3A_1062 : memref<10000x128xf32, #tpu.memory_space<vmem_shared>>)
        tpu.yield
      }) : () -> ()
      %add3A_846 = arith.constant 2 : i32
      %add3A_847 = arith.addi %add3A_819, %add3A_846 : i32
      %dma_start3A_848 = arith.constant 0 : i32
      %dma_start3A_849 = arith.constant 0 : i32
      %dma_start3A_850 = tpu.memref_slice %arg9[%dma_start3A_848, %dma_start3A_849] : memref<2x100xi32, #tpu.memory_space<vmem>> -> memref<1x100xi32, #tpu.memory_space<vmem>>
      %dma_start3A_851 = tpu.memref_squeeze %dma_start3A_850 : memref<1x100xi32, #tpu.memory_space<vmem>> -> memref<100xi32, #tpu.memory_space<vmem>>
      %dma_start3A_852 = arith.constant 0 : i32
      %dma_start3A_853 = tpu.memref_slice %arg4[%add3A, %add3A_847, %dma_start3A_852] : memref<32x100x100xi32, #tpu.memory_space<hbm>> -> memref<1x1x100xi32, #tpu.memory_space<hbm>>
      %dma_start3A_854 = tpu.memref_squeeze %dma_start3A_853 : memref<1x1x100xi32, #tpu.memory_space<hbm>> -> memref<100xi32, #tpu.memory_space<hbm>>
      %dma_start3A_855 = arith.constant 0 : i32
      %dma_start3A_856 = tpu.memref_slice %arg9[%dma_start3A_848, %dma_start3A_855] : memref<2x100xi32, #tpu.memory_space<vmem>> -> memref<1x100xi32, #tpu.memory_space<vmem>>
      %dma_start3A_857 = tpu.memref_squeeze %dma_start3A_856 : memref<1x100xi32, #tpu.memory_space<vmem>> -> memref<100xi32, #tpu.memory_space<vmem>>
      %dma_start3A_858 = arith.constant 0 : i32
      %dma_start3A_859 = tpu.memref_slice %arg4[%add3A, %add3A_847, %dma_start3A_858] : memref<32x100x100xi32, #tpu.memory_space<hbm>> -> memref<1x1x100xi32, #tpu.memory_space<hbm>>
      %dma_start3A_860 = tpu.memref_squeeze %dma_start3A_859 : memref<1x1x100xi32, #tpu.memory_space<hbm>> -> memref<100xi32, #tpu.memory_space<hbm>>
      tpu.enqueue_dma source(%dma_start3A_860 : memref<100xi32, #tpu.memory_space<hbm>>) target(%dma_start3A_857 : memref<100xi32, #tpu.memory_space<vmem>>) target_semaphore(%arg15 : memref<!tpu.dma_semaphore, #tpu.memory_space<semaphore_mem>>)
      %add3A_861 = arith.constant 3 : i32
      %add3A_862 = arith.addi %add3A_819, %add3A_861 : i32
      %dma_start3A_863 = arith.constant 2 : i32
      %dma_start3A_864 = arith.constant 0 : i32
      %dma_start3A_865 = arith.constant 0 : i32
      %dma_start3A_866 = tpu.memref_slice %arg10[%dma_start3A_863, %dma_start3A_864, %dma_start3A_865] : memref<3x100x128xf32, #tpu.memory_space<vmem>> -> memref<1x100x128xf32, #tpu.memory_space<vmem>>
      %dma_start3A_867 = tpu.memref_squeeze %dma_start3A_866 : memref<1x100x128xf32, #tpu.memory_space<vmem>> -> memref<100x128xf32, #tpu.memory_space<vmem>>
      %dma_start3A_868 = arith.constant 0 : i32
      %dma_start3A_869 = tpu.memref_slice %arg8[%add3A_862, %dma_start3A_868] : memref<100x100xi32, #tpu.memory_space<vmem>> -> memref<1x100xi32, #tpu.memory_space<vmem>>
      %dma_start3A_870 = tpu.memref_squeeze %dma_start3A_869 : memref<1x100xi32, #tpu.memory_space<vmem>> -> memref<100xi32, #tpu.memory_space<vmem>>
      %dma_start3A_871 = arith.constant 0 : i32
      %dma_start3A_872 = arith.constant 0 : i32
      %dma_start3A_873 = tpu.memref_slice %arg2[%dma_start3A_871, %dma_start3A_872] : memref<10000x128xf32, #tpu.memory_space<hbm>> -> memref<10000x128xf32, #tpu.memory_space<hbm>>
      tpu.enqueue_indirect_dma source(%dma_start3A_873 : memref<10000x128xf32, #tpu.memory_space<hbm>>) target(%dma_start3A_867 : memref<100x128xf32, #tpu.memory_space<vmem>>) offsets(%dma_start3A_870 : memref<100xi32, #tpu.memory_space<vmem>>) semaphore(%arg14 : memref<!tpu.dma_semaphore, #tpu.memory_space<semaphore_mem>>)
      %add3A_874 = arith.constant 3 : i32
      %add3A_875 = arith.addi %add3A_705, %add3A_874 : i32
      %dma_wait3A_876 = arith.constant 0 : i32
      %dma_wait3A_877 = arith.constant 0 : i32
      %dma_wait3A_878 = arith.constant 0 : i32
      %dma_wait3A_879 = tpu.memref_slice %arg10[%dma_wait3A_876, %dma_wait3A_877, %dma_wait3A_878] : memref<3x100x128xf32, #tpu.memory_space<vmem>> -> memref<1x100x128xf32, #tpu.memory_space<vmem>>
      %dma_wait3A_880 = tpu.memref_squeeze %dma_wait3A_879 : memref<1x100x128xf32, #tpu.memory_space<vmem>> -> memref<100x128xf32, #tpu.memory_space<vmem>>
      %dma_wait3A_881 = arith.constant 0 : i32
      %dma_wait3A_882 = tpu.memref_slice %arg8[%add3A_875, %dma_wait3A_881] : memref<100x100xi32, #tpu.memory_space<vmem>> -> memref<1x100xi32, #tpu.memory_space<vmem>>
      %dma_wait3A_883 = tpu.memref_squeeze %dma_wait3A_882 : memref<1x100xi32, #tpu.memory_space<vmem>> -> memref<100xi32, #tpu.memory_space<vmem>>
      %dma_wait3A_884 = arith.constant 0 : i32
      %dma_wait3A_885 = arith.constant 0 : i32
      %dma_wait3A_886 = tpu.memref_slice %arg2[%dma_wait3A_884, %dma_wait3A_885] : memref<10000x128xf32, #tpu.memory_space<hbm>> -> memref<10000x128xf32, #tpu.memory_space<hbm>>
      tpu.wait_indirect_dma semaphore(%arg12 : memref<!tpu.dma_semaphore, #tpu.memory_space<semaphore_mem>>) src(%dma_wait3A_886 : memref<10000x128xf32, #tpu.memory_space<hbm>>) dst(%dma_wait3A_880 : memref<100x128xf32, #tpu.memory_space<vmem>>)
      %dma_wait3A_887 = arith.constant 1 : i32
      %dma_wait3A_888 = arith.constant 0 : i32
      %dma_wait3A_889 = tpu.memref_slice %arg9[%dma_wait3A_887, %dma_wait3A_888] : memref<2x100xi32, #tpu.memory_space<vmem>> -> memref<1x100xi32, #tpu.memory_space<vmem>>
      %dma_wait3A_890 = tpu.memref_squeeze %dma_wait3A_889 : memref<1x100xi32, #tpu.memory_space<vmem>> -> memref<100xi32, #tpu.memory_space<vmem>>
      %dma_wait3A_891 = arith.constant 0 : i32
      %dma_wait3A_892 = tpu.memref_slice %arg4[%add3A, %add3A_875, %dma_wait3A_891] : memref<32x100x100xi32, #tpu.memory_space<hbm>> -> memref<1x1x100xi32, #tpu.memory_space<hbm>>
      %dma_wait3A_893 = tpu.memref_squeeze %dma_wait3A_892 : memref<1x1x100xi32, #tpu.memory_space<hbm>> -> memref<100xi32, #tpu.memory_space<hbm>>
      %dma_wait3A_894 = arith.constant 0 : i32
      %dma_wait3A_895 = tpu.memref_slice %arg9[%dma_wait3A_887, %dma_wait3A_894] : memref<2x100xi32, #tpu.memory_space<vmem>> -> memref<1x100xi32, #tpu.memory_space<vmem>>
      %dma_wait3A_896 = tpu.memref_squeeze %dma_wait3A_895 : memref<1x100xi32, #tpu.memory_space<vmem>> -> memref<100xi32, #tpu.memory_space<vmem>>
      %dma_wait3A_897 = arith.constant 0 : i32
      %dma_wait3A_898 = tpu.memref_slice %arg4[%add3A, %add3A_875, %dma_wait3A_897] : memref<32x100x100xi32, #tpu.memory_space<hbm>> -> memref<1x1x100xi32, #tpu.memory_space<hbm>>
      %dma_wait3A_899 = tpu.memref_squeeze %dma_wait3A_898 : memref<1x1x100xi32, #tpu.memory_space<hbm>> -> memref<100xi32, #tpu.memory_space<hbm>>
      tpu.wait_dma2 semaphore(%arg16 : memref<!tpu.dma_semaphore, #tpu.memory_space<semaphore_mem>>) src(%dma_wait3A_899 : memref<100xi32, #tpu.memory_space<hbm>>) dst(%dma_wait3A_896 : memref<100xi32, #tpu.memory_space<vmem>>)
      %run_scoped3A_900 = arith.constant 0 : i32
      %run_scoped3A_901 = arith.constant 1 : i32
      "tpu.region"() ({
        %run_scoped3A_1042 = tpu.sem_alloc : memref<!tpu.dma_semaphore, #tpu.memory_space<semaphore_mem>>
        %dma_start3A_1043 = arith.constant 0 : i32
        %dma_start3A_1044 = arith.constant 0 : i32
        %dma_start3A_1045 = tpu.memref_slice %arg10[%run_scoped3A_900, %dma_start3A_1043, %dma_start3A_1044] : memref<3x100x128xf32, #tpu.memory_space<vmem>> -> memref<1x100x128xf32, #tpu.memory_space<vmem>>
        %dma_start3A_1046 = tpu.memref_squeeze %dma_start3A_1045 : memref<1x100x128xf32, #tpu.memory_space<vmem>> -> memref<100x128xf32, #tpu.memory_space<vmem>>
        %dma_start3A_1047 = arith.constant 0 : i32
        %dma_start3A_1048 = tpu.memref_slice %arg9[%run_scoped3A_901, %dma_start3A_1047] : memref<2x100xi32, #tpu.memory_space<vmem>> -> memref<1x100xi32, #tpu.memory_space<vmem>>
        %dma_start3A_1049 = tpu.memref_squeeze %dma_start3A_1048 : memref<1x100xi32, #tpu.memory_space<vmem>> -> memref<100xi32, #tpu.memory_space<vmem>>
        %dma_start3A_1050 = arith.constant 0 : i32
        %dma_start3A_1051 = arith.constant 0 : i32
        %dma_start3A_1052 = tpu.memref_slice %arg7[%dma_start3A_1050, %dma_start3A_1051] : memref<10000x128xf32, #tpu.memory_space<vmem_shared>> -> memref<10000x128xf32, #tpu.memory_space<vmem_shared>>
        tpu.enqueue_indirect_dma source(%dma_start3A_1046 : memref<100x128xf32, #tpu.memory_space<vmem>>) target(%dma_start3A_1052 : memref<10000x128xf32, #tpu.memory_space<vmem_shared>>) offsets(%dma_start3A_1049 : memref<100xi32, #tpu.memory_space<vmem>>) semaphore(%run_scoped3A_1042 : memref<!tpu.dma_semaphore, #tpu.memory_space<semaphore_mem>>) {add = true}
        %dma_wait3A_1053 = arith.constant 0 : i32
        %dma_wait3A_1054 = arith.constant 0 : i32
        %dma_wait3A_1055 = tpu.memref_slice %arg10[%run_scoped3A_900, %dma_wait3A_1053, %dma_wait3A_1054] : memref<3x100x128xf32, #tpu.memory_space<vmem>> -> memref<1x100x128xf32, #tpu.memory_space<vmem>>
        %dma_wait3A_1056 = tpu.memref_squeeze %dma_wait3A_1055 : memref<1x100x128xf32, #tpu.memory_space<vmem>> -> memref<100x128xf32, #tpu.memory_space<vmem>>
        %dma_wait3A_1057 = arith.constant 0 : i32
        %dma_wait3A_1058 = tpu.memref_slice %arg9[%run_scoped3A_901, %dma_wait3A_1057] : memref<2x100xi32, #tpu.memory_space<vmem>> -> memref<1x100xi32, #tpu.memory_space<vmem>>
        %dma_wait3A_1059 = tpu.memref_squeeze %dma_wait3A_1058 : memref<1x100xi32, #tpu.memory_space<vmem>> -> memref<100xi32, #tpu.memory_space<vmem>>
        %dma_wait3A_1060 = arith.constant 0 : i32
        %dma_wait3A_1061 = arith.constant 0 : i32
        %dma_wait3A_1062 = tpu.memref_slice %arg7[%dma_wait3A_1060, %dma_wait3A_1061] : memref<10000x128xf32, #tpu.memory_space<vmem_shared>> -> memref<10000x128xf32, #tpu.memory_space<vmem_shared>>
        tpu.wait_indirect_dma semaphore(%run_scoped3A_1042 : memref<!tpu.dma_semaphore, #tpu.memory_space<semaphore_mem>>) src(%dma_wait3A_1056 : memref<100x128xf32, #tpu.memory_space<vmem>>) dst(%dma_wait3A_1062 : memref<10000x128xf32, #tpu.memory_space<vmem_shared>>)
        tpu.yield
      }) : () -> ()
      %add3A_902 = arith.constant 2 : i32
      %add3A_903 = arith.addi %add3A_875, %add3A_902 : i32
      %dma_start3A_904 = arith.constant 1 : i32
      %dma_start3A_905 = arith.constant 0 : i32
      %dma_start3A_906 = tpu.memref_slice %arg9[%dma_start3A_904, %dma_start3A_905] : memref<2x100xi32, #tpu.memory_space<vmem>> -> memref<1x100xi32, #tpu.memory_space<vmem>>
      %dma_start3A_907 = tpu.memref_squeeze %dma_start3A_906 : memref<1x100xi32, #tpu.memory_space<vmem>> -> memref<100xi32, #tpu.memory_space<vmem>>
      %dma_start3A_908 = arith.constant 0 : i32
      %dma_start3A_909 = tpu.memref_slice %arg4[%add3A, %add3A_903, %dma_start3A_908] : memref<32x100x100xi32, #tpu.memory_space<hbm>> -> memref<1x1x100xi32, #tpu.memory_space<hbm>>
      %dma_start3A_910 = tpu.memref_squeeze %dma_start3A_909 : memref<1x1x100xi32, #tpu.memory_space<hbm>> -> memref<100xi32, #tpu.memory_space<hbm>>
      %dma_start3A_911 = arith.constant 0 : i32
      %dma_start3A_912 = tpu.memref_slice %arg9[%dma_start3A_904, %dma_start3A_911] : memref<2x100xi32, #tpu.memory_space<vmem>> -> memref<1x100xi32, #tpu.memory_space<vmem>>
      %dma_start3A_913 = tpu.memref_squeeze %dma_start3A_912 : memref<1x100xi32, #tpu.memory_space<vmem>> -> memref<100xi32, #tpu.memory_space<vmem>>
      %dma_start3A_914 = arith.constant 0 : i32
      %dma_start3A_915 = tpu.memref_slice %arg4[%add3A, %add3A_903, %dma_start3A_914] : memref<32x100x100xi32, #tpu.memory_space<hbm>> -> memref<1x1x100xi32, #tpu.memory_space<hbm>>
      %dma_start3A_916 = tpu.memref_squeeze %dma_start3A_915 : memref<1x1x100xi32, #tpu.memory_space<hbm>> -> memref<100xi32, #tpu.memory_space<hbm>>
      tpu.enqueue_dma source(%dma_start3A_916 : memref<100xi32, #tpu.memory_space<hbm>>) target(%dma_start3A_913 : memref<100xi32, #tpu.memory_space<vmem>>) target_semaphore(%arg16 : memref<!tpu.dma_semaphore, #tpu.memory_space<semaphore_mem>>)
      %add3A_917 = arith.constant 3 : i32
      %add3A_918 = arith.addi %add3A_875, %add3A_917 : i32
      %dma_start3A_919 = arith.constant 0 : i32
      %dma_start3A_920 = arith.constant 0 : i32
      %dma_start3A_921 = arith.constant 0 : i32
      %dma_start3A_922 = tpu.memref_slice %arg10[%dma_start3A_919, %dma_start3A_920, %dma_start3A_921] : memref<3x100x128xf32, #tpu.memory_space<vmem>> -> memref<1x100x128xf32, #tpu.memory_space<vmem>>
      %dma_start3A_923 = tpu.memref_squeeze %dma_start3A_922 : memref<1x100x128xf32, #tpu.memory_space<vmem>> -> memref<100x128xf32, #tpu.memory_space<vmem>>
      %dma_start3A_924 = arith.constant 0 : i32
      %dma_start3A_925 = tpu.memref_slice %arg8[%add3A_918, %dma_start3A_924] : memref<100x100xi32, #tpu.memory_space<vmem>> -> memref<1x100xi32, #tpu.memory_space<vmem>>
      %dma_start3A_926 = tpu.memref_squeeze %dma_start3A_925 : memref<1x100xi32, #tpu.memory_space<vmem>> -> memref<100xi32, #tpu.memory_space<vmem>>
      %dma_start3A_927 = arith.constant 0 : i32
      %dma_start3A_928 = arith.constant 0 : i32
      %dma_start3A_929 = tpu.memref_slice %arg2[%dma_start3A_927, %dma_start3A_928] : memref<10000x128xf32, #tpu.memory_space<hbm>> -> memref<10000x128xf32, #tpu.memory_space<hbm>>
      tpu.enqueue_indirect_dma source(%dma_start3A_929 : memref<10000x128xf32, #tpu.memory_space<hbm>>) target(%dma_start3A_923 : memref<100x128xf32, #tpu.memory_space<vmem>>) offsets(%dma_start3A_926 : memref<100xi32, #tpu.memory_space<vmem>>) semaphore(%arg12 : memref<!tpu.dma_semaphore, #tpu.memory_space<semaphore_mem>>)
      %add3A_930 = arith.constant 4 : i32
      %add3A_931 = arith.addi %add3A_705, %add3A_930 : i32
      %dma_wait3A_932 = arith.constant 1 : i32
      %dma_wait3A_933 = arith.constant 0 : i32
      %dma_wait3A_934 = arith.constant 0 : i32
      %dma_wait3A_935 = tpu.memref_slice %arg10[%dma_wait3A_932, %dma_wait3A_933, %dma_wait3A_934] : memref<3x100x128xf32, #tpu.memory_space<vmem>> -> memref<1x100x128xf32, #tpu.memory_space<vmem>>
      %dma_wait3A_936 = tpu.memref_squeeze %dma_wait3A_935 : memref<1x100x128xf32, #tpu.memory_space<vmem>> -> memref<100x128xf32, #tpu.memory_space<vmem>>
      %dma_wait3A_937 = arith.constant 0 : i32
      %dma_wait3A_938 = tpu.memref_slice %arg8[%add3A_931, %dma_wait3A_937] : memref<100x100xi32, #tpu.memory_space<vmem>> -> memref<1x100xi32, #tpu.memory_space<vmem>>
      %dma_wait3A_939 = tpu.memref_squeeze %dma_wait3A_938 : memref<1x100xi32, #tpu.memory_space<vmem>> -> memref<100xi32, #tpu.memory_space<vmem>>
      %dma_wait3A_940 = arith.constant 0 : i32
      %dma_wait3A_941 = arith.constant 0 : i32
      %dma_wait3A_942 = tpu.memref_slice %arg2[%dma_wait3A_940, %dma_wait3A_941] : memref<10000x128xf32, #tpu.memory_space<hbm>> -> memref<10000x128xf32, #tpu.memory_space<hbm>>
      tpu.wait_indirect_dma semaphore(%arg13 : memref<!tpu.dma_semaphore, #tpu.memory_space<semaphore_mem>>) src(%dma_wait3A_942 : memref<10000x128xf32, #tpu.memory_space<hbm>>) dst(%dma_wait3A_936 : memref<100x128xf32, #tpu.memory_space<vmem>>)
      %dma_wait3A_943 = arith.constant 0 : i32
      %dma_wait3A_944 = arith.constant 0 : i32
      %dma_wait3A_945 = tpu.memref_slice %arg9[%dma_wait3A_943, %dma_wait3A_944] : memref<2x100xi32, #tpu.memory_space<vmem>> -> memref<1x100xi32, #tpu.memory_space<vmem>>
      %dma_wait3A_946 = tpu.memref_squeeze %dma_wait3A_945 : memref<1x100xi32, #tpu.memory_space<vmem>> -> memref<100xi32, #tpu.memory_space<vmem>>
      %dma_wait3A_947 = arith.constant 0 : i32
      %dma_wait3A_948 = tpu.memref_slice %arg4[%add3A, %add3A_931, %dma_wait3A_947] : memref<32x100x100xi32, #tpu.memory_space<hbm>> -> memref<1x1x100xi32, #tpu.memory_space<hbm>>
      %dma_wait3A_949 = tpu.memref_squeeze %dma_wait3A_948 : memref<1x1x100xi32, #tpu.memory_space<hbm>> -> memref<100xi32, #tpu.memory_space<hbm>>
      %dma_wait3A_950 = arith.constant 0 : i32
      %dma_wait3A_951 = tpu.memref_slice %arg9[%dma_wait3A_943, %dma_wait3A_950] : memref<2x100xi32, #tpu.memory_space<vmem>> -> memref<1x100xi32, #tpu.memory_space<vmem>>
      %dma_wait3A_952 = tpu.memref_squeeze %dma_wait3A_951 : memref<1x100xi32, #tpu.memory_space<vmem>> -> memref<100xi32, #tpu.memory_space<vmem>>
      %dma_wait3A_953 = arith.constant 0 : i32
      %dma_wait3A_954 = tpu.memref_slice %arg4[%add3A, %add3A_931, %dma_wait3A_953] : memref<32x100x100xi32, #tpu.memory_space<hbm>> -> memref<1x1x100xi32, #tpu.memory_space<hbm>>
      %dma_wait3A_955 = tpu.memref_squeeze %dma_wait3A_954 : memref<1x1x100xi32, #tpu.memory_space<hbm>> -> memref<100xi32, #tpu.memory_space<hbm>>
      tpu.wait_dma2 semaphore(%arg15 : memref<!tpu.dma_semaphore, #tpu.memory_space<semaphore_mem>>) src(%dma_wait3A_955 : memref<100xi32, #tpu.memory_space<hbm>>) dst(%dma_wait3A_952 : memref<100xi32, #tpu.memory_space<vmem>>)
      %run_scoped3A_956 = arith.constant 1 : i32
      %run_scoped3A_957 = arith.constant 0 : i32
      "tpu.region"() ({
        %run_scoped3A_1042 = tpu.sem_alloc : memref<!tpu.dma_semaphore, #tpu.memory_space<semaphore_mem>>
        %dma_start3A_1043 = arith.constant 0 : i32
        %dma_start3A_1044 = arith.constant 0 : i32
        %dma_start3A_1045 = tpu.memref_slice %arg10[%run_scoped3A_956, %dma_start3A_1043, %dma_start3A_1044] : memref<3x100x128xf32, #tpu.memory_space<vmem>> -> memref<1x100x128xf32, #tpu.memory_space<vmem>>
        %dma_start3A_1046 = tpu.memref_squeeze %dma_start3A_1045 : memref<1x100x128xf32, #tpu.memory_space<vmem>> -> memref<100x128xf32, #tpu.memory_space<vmem>>
        %dma_start3A_1047 = arith.constant 0 : i32
        %dma_start3A_1048 = tpu.memref_slice %arg9[%run_scoped3A_957, %dma_start3A_1047] : memref<2x100xi32, #tpu.memory_space<vmem>> -> memref<1x100xi32, #tpu.memory_space<vmem>>
        %dma_start3A_1049 = tpu.memref_squeeze %dma_start3A_1048 : memref<1x100xi32, #tpu.memory_space<vmem>> -> memref<100xi32, #tpu.memory_space<vmem>>
        %dma_start3A_1050 = arith.constant 0 : i32
        %dma_start3A_1051 = arith.constant 0 : i32
        %dma_start3A_1052 = tpu.memref_slice %arg7[%dma_start3A_1050, %dma_start3A_1051] : memref<10000x128xf32, #tpu.memory_space<vmem_shared>> -> memref<10000x128xf32, #tpu.memory_space<vmem_shared>>
        tpu.enqueue_indirect_dma source(%dma_start3A_1046 : memref<100x128xf32, #tpu.memory_space<vmem>>) target(%dma_start3A_1052 : memref<10000x128xf32, #tpu.memory_space<vmem_shared>>) offsets(%dma_start3A_1049 : memref<100xi32, #tpu.memory_space<vmem>>) semaphore(%run_scoped3A_1042 : memref<!tpu.dma_semaphore, #tpu.memory_space<semaphore_mem>>) {add = true}
        %dma_wait3A_1053 = arith.constant 0 : i32
        %dma_wait3A_1054 = arith.constant 0 : i32
        %dma_wait3A_1055 = tpu.memref_slice %arg10[%run_scoped3A_956, %dma_wait3A_1053, %dma_wait3A_1054] : memref<3x100x128xf32, #tpu.memory_space<vmem>> -> memref<1x100x128xf32, #tpu.memory_space<vmem>>
        %dma_wait3A_1056 = tpu.memref_squeeze %dma_wait3A_1055 : memref<1x100x128xf32, #tpu.memory_space<vmem>> -> memref<100x128xf32, #tpu.memory_space<vmem>>
        %dma_wait3A_1057 = arith.constant 0 : i32
        %dma_wait3A_1058 = tpu.memref_slice %arg9[%run_scoped3A_957, %dma_wait3A_1057] : memref<2x100xi32, #tpu.memory_space<vmem>> -> memref<1x100xi32, #tpu.memory_space<vmem>>
        %dma_wait3A_1059 = tpu.memref_squeeze %dma_wait3A_1058 : memref<1x100xi32, #tpu.memory_space<vmem>> -> memref<100xi32, #tpu.memory_space<vmem>>
        %dma_wait3A_1060 = arith.constant 0 : i32
        %dma_wait3A_1061 = arith.constant 0 : i32
        %dma_wait3A_1062 = tpu.memref_slice %arg7[%dma_wait3A_1060, %dma_wait3A_1061] : memref<10000x128xf32, #tpu.memory_space<vmem_shared>> -> memref<10000x128xf32, #tpu.memory_space<vmem_shared>>
        tpu.wait_indirect_dma semaphore(%run_scoped3A_1042 : memref<!tpu.dma_semaphore, #tpu.memory_space<semaphore_mem>>) src(%dma_wait3A_1056 : memref<100x128xf32, #tpu.memory_space<vmem>>) dst(%dma_wait3A_1062 : memref<10000x128xf32, #tpu.memory_space<vmem_shared>>)
        tpu.yield
      }) : () -> ()
      %add3A_958 = arith.constant 2 : i32
      %add3A_959 = arith.addi %add3A_931, %add3A_958 : i32
      %dma_start3A_960 = arith.constant 0 : i32
      %dma_start3A_961 = arith.constant 0 : i32
      %dma_start3A_962 = tpu.memref_slice %arg9[%dma_start3A_960, %dma_start3A_961] : memref<2x100xi32, #tpu.memory_space<vmem>> -> memref<1x100xi32, #tpu.memory_space<vmem>>
      %dma_start3A_963 = tpu.memref_squeeze %dma_start3A_962 : memref<1x100xi32, #tpu.memory_space<vmem>> -> memref<100xi32, #tpu.memory_space<vmem>>
      %dma_start3A_964 = arith.constant 0 : i32
      %dma_start3A_965 = tpu.memref_slice %arg4[%add3A, %add3A_959, %dma_start3A_964] : memref<32x100x100xi32, #tpu.memory_space<hbm>> -> memref<1x1x100xi32, #tpu.memory_space<hbm>>
      %dma_start3A_966 = tpu.memref_squeeze %dma_start3A_965 : memref<1x1x100xi32, #tpu.memory_space<hbm>> -> memref<100xi32, #tpu.memory_space<hbm>>
      %dma_start3A_967 = arith.constant 0 : i32
      %dma_start3A_968 = tpu.memref_slice %arg9[%dma_start3A_960, %dma_start3A_967] : memref<2x100xi32, #tpu.memory_space<vmem>> -> memref<1x100xi32, #tpu.memory_space<vmem>>
      %dma_start3A_969 = tpu.memref_squeeze %dma_start3A_968 : memref<1x100xi32, #tpu.memory_space<vmem>> -> memref<100xi32, #tpu.memory_space<vmem>>
      %dma_start3A_970 = arith.constant 0 : i32
      %dma_start3A_971 = tpu.memref_slice %arg4[%add3A, %add3A_959, %dma_start3A_970] : memref<32x100x100xi32, #tpu.memory_space<hbm>> -> memref<1x1x100xi32, #tpu.memory_space<hbm>>
      %dma_start3A_972 = tpu.memref_squeeze %dma_start3A_971 : memref<1x1x100xi32, #tpu.memory_space<hbm>> -> memref<100xi32, #tpu.memory_space<hbm>>
      tpu.enqueue_dma source(%dma_start3A_972 : memref<100xi32, #tpu.memory_space<hbm>>) target(%dma_start3A_969 : memref<100xi32, #tpu.memory_space<vmem>>) target_semaphore(%arg15 : memref<!tpu.dma_semaphore, #tpu.memory_space<semaphore_mem>>)
      %add3A_973 = arith.constant 3 : i32
      %add3A_974 = arith.addi %add3A_931, %add3A_973 : i32
      %dma_start3A_975 = arith.constant 1 : i32
      %dma_start3A_976 = arith.constant 0 : i32
      %dma_start3A_977 = arith.constant 0 : i32
      %dma_start3A_978 = tpu.memref_slice %arg10[%dma_start3A_975, %dma_start3A_976, %dma_start3A_977] : memref<3x100x128xf32, #tpu.memory_space<vmem>> -> memref<1x100x128xf32, #tpu.memory_space<vmem>>
      %dma_start3A_979 = tpu.memref_squeeze %dma_start3A_978 : memref<1x100x128xf32, #tpu.memory_space<vmem>> -> memref<100x128xf32, #tpu.memory_space<vmem>>
      %dma_start3A_980 = arith.constant 0 : i32
      %dma_start3A_981 = tpu.memref_slice %arg8[%add3A_974, %dma_start3A_980] : memref<100x100xi32, #tpu.memory_space<vmem>> -> memref<1x100xi32, #tpu.memory_space<vmem>>
      %dma_start3A_982 = tpu.memref_squeeze %dma_start3A_981 : memref<1x100xi32, #tpu.memory_space<vmem>> -> memref<100xi32, #tpu.memory_space<vmem>>
      %dma_start3A_983 = arith.constant 0 : i32
      %dma_start3A_984 = arith.constant 0 : i32
      %dma_start3A_985 = tpu.memref_slice %arg2[%dma_start3A_983, %dma_start3A_984] : memref<10000x128xf32, #tpu.memory_space<hbm>> -> memref<10000x128xf32, #tpu.memory_space<hbm>>
      tpu.enqueue_indirect_dma source(%dma_start3A_985 : memref<10000x128xf32, #tpu.memory_space<hbm>>) target(%dma_start3A_979 : memref<100x128xf32, #tpu.memory_space<vmem>>) offsets(%dma_start3A_982 : memref<100xi32, #tpu.memory_space<vmem>>) semaphore(%arg13 : memref<!tpu.dma_semaphore, #tpu.memory_space<semaphore_mem>>)
      %add3A_986 = arith.constant 5 : i32
      %add3A_987 = arith.addi %add3A_705, %add3A_986 : i32
      %dma_wait3A_988 = arith.constant 2 : i32
      %dma_wait3A_989 = arith.constant 0 : i32
      %dma_wait3A_990 = arith.constant 0 : i32
      %dma_wait3A_991 = tpu.memref_slice %arg10[%dma_wait3A_988, %dma_wait3A_989, %dma_wait3A_990] : memref<3x100x128xf32, #tpu.memory_space<vmem>> -> memref<1x100x128xf32, #tpu.memory_space<vmem>>
      %dma_wait3A_992 = tpu.memref_squeeze %dma_wait3A_991 : memref<1x100x128xf32, #tpu.memory_space<vmem>> -> memref<100x128xf32, #tpu.memory_space<vmem>>
      %dma_wait3A_993 = arith.constant 0 : i32
      %dma_wait3A_994 = tpu.memref_slice %arg8[%add3A_987, %dma_wait3A_993] : memref<100x100xi32, #tpu.memory_space<vmem>> -> memref<1x100xi32, #tpu.memory_space<vmem>>
      %dma_wait3A_995 = tpu.memref_squeeze %dma_wait3A_994 : memref<1x100xi32, #tpu.memory_space<vmem>> -> memref<100xi32, #tpu.memory_space<vmem>>
      %dma_wait3A_996 = arith.constant 0 : i32
      %dma_wait3A_997 = arith.constant 0 : i32
      %dma_wait3A_998 = tpu.memref_slice %arg2[%dma_wait3A_996, %dma_wait3A_997] : memref<10000x128xf32, #tpu.memory_space<hbm>> -> memref<10000x128xf32, #tpu.memory_space<hbm>>
      tpu.wait_indirect_dma semaphore(%arg14 : memref<!tpu.dma_semaphore, #tpu.memory_space<semaphore_mem>>) src(%dma_wait3A_998 : memref<10000x128xf32, #tpu.memory_space<hbm>>) dst(%dma_wait3A_992 : memref<100x128xf32, #tpu.memory_space<vmem>>)
      %dma_wait3A_999 = arith.constant 1 : i32
      %dma_wait3A_1000 = arith.constant 0 : i32
      %dma_wait3A_1001 = tpu.memref_slice %arg9[%dma_wait3A_999, %dma_wait3A_1000] : memref<2x100xi32, #tpu.memory_space<vmem>> -> memref<1x100xi32, #tpu.memory_space<vmem>>
      %dma_wait3A_1002 = tpu.memref_squeeze %dma_wait3A_1001 : memref<1x100xi32, #tpu.memory_space<vmem>> -> memref<100xi32, #tpu.memory_space<vmem>>
      %dma_wait3A_1003 = arith.constant 0 : i32
      %dma_wait3A_1004 = tpu.memref_slice %arg4[%add3A, %add3A_987, %dma_wait3A_1003] : memref<32x100x100xi32, #tpu.memory_space<hbm>> -> memref<1x1x100xi32, #tpu.memory_space<hbm>>
      %dma_wait3A_1005 = tpu.memref_squeeze %dma_wait3A_1004 : memref<1x1x100xi32, #tpu.memory_space<hbm>> -> memref<100xi32, #tpu.memory_space<hbm>>
      %dma_wait3A_1006 = arith.constant 0 : i32
      %dma_wait3A_1007 = tpu.memref_slice %arg9[%dma_wait3A_999, %dma_wait3A_1006] : memref<2x100xi32, #tpu.memory_space<vmem>> -> memref<1x100xi32, #tpu.memory_space<vmem>>
      %dma_wait3A_1008 = tpu.memref_squeeze %dma_wait3A_1007 : memref<1x100xi32, #tpu.memory_space<vmem>> -> memref<100xi32, #tpu.memory_space<vmem>>
      %dma_wait3A_1009 = arith.constant 0 : i32
      %dma_wait3A_1010 = tpu.memref_slice %arg4[%add3A, %add3A_987, %dma_wait3A_1009] : memref<32x100x100xi32, #tpu.memory_space<hbm>> -> memref<1x1x100xi32, #tpu.memory_space<hbm>>
      %dma_wait3A_1011 = tpu.memref_squeeze %dma_wait3A_1010 : memref<1x1x100xi32, #tpu.memory_space<hbm>> -> memref<100xi32, #tpu.memory_space<hbm>>
      tpu.wait_dma2 semaphore(%arg16 : memref<!tpu.dma_semaphore, #tpu.memory_space<semaphore_mem>>) src(%dma_wait3A_1011 : memref<100xi32, #tpu.memory_space<hbm>>) dst(%dma_wait3A_1008 : memref<100xi32, #tpu.memory_space<vmem>>)
      %run_scoped3A_1012 = arith.constant 2 : i32
      %run_scoped3A_1013 = arith.constant 1 : i32
      "tpu.region"() ({
        %run_scoped3A_1042 = tpu.sem_alloc : memref<!tpu.dma_semaphore, #tpu.memory_space<semaphore_mem>>
        %dma_start3A_1043 = arith.constant 0 : i32
        %dma_start3A_1044 = arith.constant 0 : i32
        %dma_start3A_1045 = tpu.memref_slice %arg10[%run_scoped3A_1012, %dma_start3A_1043, %dma_start3A_1044] : memref<3x100x128xf32, #tpu.memory_space<vmem>> -> memref<1x100x128xf32, #tpu.memory_space<vmem>>
        %dma_start3A_1046 = tpu.memref_squeeze %dma_start3A_1045 : memref<1x100x128xf32, #tpu.memory_space<vmem>> -> memref<100x128xf32, #tpu.memory_space<vmem>>
        %dma_start3A_1047 = arith.constant 0 : i32
        %dma_start3A_1048 = tpu.memref_slice %arg9[%run_scoped3A_1013, %dma_start3A_1047] : memref<2x100xi32, #tpu.memory_space<vmem>> -> memref<1x100xi32, #tpu.memory_space<vmem>>
        %dma_start3A_1049 = tpu.memref_squeeze %dma_start3A_1048 : memref<1x100xi32, #tpu.memory_space<vmem>> -> memref<100xi32, #tpu.memory_space<vmem>>
        %dma_start3A_1050 = arith.constant 0 : i32
        %dma_start3A_1051 = arith.constant 0 : i32
        %dma_start3A_1052 = tpu.memref_slice %arg7[%dma_start3A_1050, %dma_start3A_1051] : memref<10000x128xf32, #tpu.memory_space<vmem_shared>> -> memref<10000x128xf32, #tpu.memory_space<vmem_shared>>
        tpu.enqueue_indirect_dma source(%dma_start3A_1046 : memref<100x128xf32, #tpu.memory_space<vmem>>) target(%dma_start3A_1052 : memref<10000x128xf32, #tpu.memory_space<vmem_shared>>) offsets(%dma_start3A_1049 : memref<100xi32, #tpu.memory_space<vmem>>) semaphore(%run_scoped3A_1042 : memref<!tpu.dma_semaphore, #tpu.memory_space<semaphore_mem>>) {add = true}
        %dma_wait3A_1053 = arith.constant 0 : i32
        %dma_wait3A_1054 = arith.constant 0 : i32
        %dma_wait3A_1055 = tpu.memref_slice %arg10[%run_scoped3A_1012, %dma_wait3A_1053, %dma_wait3A_1054] : memref<3x100x128xf32, #tpu.memory_space<vmem>> -> memref<1x100x128xf32, #tpu.memory_space<vmem>>
        %dma_wait3A_1056 = tpu.memref_squeeze %dma_wait3A_1055 : memref<1x100x128xf32, #tpu.memory_space<vmem>> -> memref<100x128xf32, #tpu.memory_space<vmem>>
        %dma_wait3A_1057 = arith.constant 0 : i32
        %dma_wait3A_1058 = tpu.memref_slice %arg9[%run_scoped3A_1013, %dma_wait3A_1057] : memref<2x100xi32, #tpu.memory_space<vmem>> -> memref<1x100xi32, #tpu.memory_space<vmem>>
        %dma_wait3A_1059 = tpu.memref_squeeze %dma_wait3A_1058 : memref<1x100xi32, #tpu.memory_space<vmem>> -> memref<100xi32, #tpu.memory_space<vmem>>
        %dma_wait3A_1060 = arith.constant 0 : i32
        %dma_wait3A_1061 = arith.constant 0 : i32
        %dma_wait3A_1062 = tpu.memref_slice %arg7[%dma_wait3A_1060, %dma_wait3A_1061] : memref<10000x128xf32, #tpu.memory_space<vmem_shared>> -> memref<10000x128xf32, #tpu.memory_space<vmem_shared>>
        tpu.wait_indirect_dma semaphore(%run_scoped3A_1042 : memref<!tpu.dma_semaphore, #tpu.memory_space<semaphore_mem>>) src(%dma_wait3A_1056 : memref<100x128xf32, #tpu.memory_space<vmem>>) dst(%dma_wait3A_1062 : memref<10000x128xf32, #tpu.memory_space<vmem_shared>>)
        tpu.yield
      }) : () -> ()
      %add3A_1014 = arith.constant 2 : i32
      %add3A_1015 = arith.addi %add3A_987, %add3A_1014 : i32
      %dma_start3A_1016 = arith.constant 1 : i32
      %dma_start3A_1017 = arith.constant 0 : i32
      %dma_start3A_1018 = tpu.memref_slice %arg9[%dma_start3A_1016, %dma_start3A_1017] : memref<2x100xi32, #tpu.memory_space<vmem>> -> memref<1x100xi32, #tpu.memory_space<vmem>>
      %dma_start3A_1019 = tpu.memref_squeeze %dma_start3A_1018 : memref<1x100xi32, #tpu.memory_space<vmem>> -> memref<100xi32, #tpu.memory_space<vmem>>
      %dma_start3A_1020 = arith.constant 0 : i32
      %dma_start3A_1021 = tpu.memref_slice %arg4[%add3A, %add3A_1015, %dma_start3A_1020] : memref<32x100x100xi32, #tpu.memory_space<hbm>> -> memref<1x1x100xi32, #tpu.memory_space<hbm>>
      %dma_start3A_1022 = tpu.memref_squeeze %dma_start3A_1021 : memref<1x1x100xi32, #tpu.memory_space<hbm>> -> memref<100xi32, #tpu.memory_space<hbm>>
      %dma_start3A_1023 = arith.constant 0 : i32
      %dma_start3A_1024 = tpu.memref_slice %arg9[%dma_start3A_1016, %dma_start3A_1023] : memref<2x100xi32, #tpu.memory_space<vmem>> -> memref<1x100xi32, #tpu.memory_space<vmem>>
      %dma_start3A_1025 = tpu.memref_squeeze %dma_start3A_1024 : memref<1x100xi32, #tpu.memory_space<vmem>> -> memref<100xi32, #tpu.memory_space<vmem>>
      %dma_start3A_1026 = arith.constant 0 : i32
      %dma_start3A_1027 = tpu.memref_slice %arg4[%add3A, %add3A_1015, %dma_start3A_1026] : memref<32x100x100xi32, #tpu.memory_space<hbm>> -> memref<1x1x100xi32, #tpu.memory_space<hbm>>
      %dma_start3A_1028 = tpu.memref_squeeze %dma_start3A_1027 : memref<1x1x100xi32, #tpu.memory_space<hbm>> -> memref<100xi32, #tpu.memory_space<hbm>>
      tpu.enqueue_dma source(%dma_start3A_1028 : memref<100xi32, #tpu.memory_space<hbm>>) target(%dma_start3A_1025 : memref<100xi32, #tpu.memory_space<vmem>>) target_semaphore(%arg16 : memref<!tpu.dma_semaphore, #tpu.memory_space<semaphore_mem>>)
      %add3A_1029 = arith.constant 3 : i32
      %add3A_1030 = arith.addi %add3A_987, %add3A_1029 : i32
      %dma_start3A_1031 = arith.constant 2 : i32
      %dma_start3A_1032 = arith.constant 0 : i32
      %dma_start3A_1033 = arith.constant 0 : i32
      %dma_start3A_1034 = tpu.memref_slice %arg10[%dma_start3A_1031, %dma_start3A_1032, %dma_start3A_1033] : memref<3x100x128xf32, #tpu.memory_space<vmem>> -> memref<1x100x128xf32, #tpu.memory_space<vmem>>
      %dma_start3A_1035 = tpu.memref_squeeze %dma_start3A_1034 : memref<1x100x128xf32, #tpu.memory_space<vmem>> -> memref<100x128xf32, #tpu.memory_space<vmem>>
      %dma_start3A_1036 = arith.constant 0 : i32
      %dma_start3A_1037 = tpu.memref_slice %arg8[%add3A_1030, %dma_start3A_1036] : memref<100x100xi32, #tpu.memory_space<vmem>> -> memref<1x100xi32, #tpu.memory_space<vmem>>
      %dma_start3A_1038 = tpu.memref_squeeze %dma_start3A_1037 : memref<1x100xi32, #tpu.memory_space<vmem>> -> memref<100xi32, #tpu.memory_space<vmem>>
      %dma_start3A_1039 = arith.constant 0 : i32
      %dma_start3A_1040 = arith.constant 0 : i32
      %dma_start3A_1041 = tpu.memref_slice %arg2[%dma_start3A_1039, %dma_start3A_1040] : memref<10000x128xf32, #tpu.memory_space<hbm>> -> memref<10000x128xf32, #tpu.memory_space<hbm>>
      tpu.enqueue_indirect_dma source(%dma_start3A_1041 : memref<10000x128xf32, #tpu.memory_space<hbm>>) target(%dma_start3A_1035 : memref<100x128xf32, #tpu.memory_space<vmem>>) offsets(%dma_start3A_1038 : memref<100xi32, #tpu.memory_space<vmem>>) semaphore(%arg14 : memref<!tpu.dma_semaphore, #tpu.memory_space<semaphore_mem>>)
    }
    %scan3A_543 = arith.constant 16 : i32
    %dma_wait3A_544 = arith.constant 96 : i32
    %dma_wait3A_545 = arith.constant 0 : i32
    %dma_wait3A_546 = arith.constant 0 : i32
    %dma_wait3A_547 = arith.constant 0 : i32
    %dma_wait3A_548 = tpu.memref_slice %arg10[%dma_wait3A_545, %dma_wait3A_546, %dma_wait3A_547] : memref<3x100x128xf32, #tpu.memory_space<vmem>> -> memref<1x100x128xf32, #tpu.memory_space<vmem>>
    %dma_wait3A_549 = tpu.memref_squeeze %dma_wait3A_548 : memref<1x100x128xf32, #tpu.memory_space<vmem>> -> memref<100x128xf32, #tpu.memory_space<vmem>>
    %dma_wait3A_550 = arith.constant 0 : i32
    %dma_wait3A_551 = tpu.memref_slice %arg8[%dma_wait3A_544, %dma_wait3A_550] : memref<100x100xi32, #tpu.memory_space<vmem>> -> memref<1x100xi32, #tpu.memory_space<vmem>>
    %dma_wait3A_552 = tpu.memref_squeeze %dma_wait3A_551 : memref<1x100xi32, #tpu.memory_space<vmem>> -> memref<100xi32, #tpu.memory_space<vmem>>
    %dma_wait3A_553 = arith.constant 0 : i32
    %dma_wait3A_554 = arith.constant 0 : i32
    %dma_wait3A_555 = tpu.memref_slice %arg2[%dma_wait3A_553, %dma_wait3A_554] : memref<10000x128xf32, #tpu.memory_space<hbm>> -> memref<10000x128xf32, #tpu.memory_space<hbm>>
    tpu.wait_indirect_dma semaphore(%arg12 : memref<!tpu.dma_semaphore, #tpu.memory_space<semaphore_mem>>) src(%dma_wait3A_555 : memref<10000x128xf32, #tpu.memory_space<hbm>>) dst(%dma_wait3A_549 : memref<100x128xf32, #tpu.memory_space<vmem>>)
    %dma_wait3A_556 = arith.constant 96 : i32
    %dma_wait3A_557 = arith.constant 0 : i32
    %dma_wait3A_558 = arith.constant 0 : i32
    %dma_wait3A_559 = tpu.memref_slice %arg9[%dma_wait3A_557, %dma_wait3A_558] : memref<2x100xi32, #tpu.memory_space<vmem>> -> memref<1x100xi32, #tpu.memory_space<vmem>>
    %dma_wait3A_560 = tpu.memref_squeeze %dma_wait3A_559 : memref<1x100xi32, #tpu.memory_space<vmem>> -> memref<100xi32, #tpu.memory_space<vmem>>
    %dma_wait3A_561 = arith.constant 0 : i32
    %dma_wait3A_562 = tpu.memref_slice %arg4[%add3A, %dma_wait3A_556, %dma_wait3A_561] : memref<32x100x100xi32, #tpu.memory_space<hbm>> -> memref<1x1x100xi32, #tpu.memory_space<hbm>>
    %dma_wait3A_563 = tpu.memref_squeeze %dma_wait3A_562 : memref<1x1x100xi32, #tpu.memory_space<hbm>> -> memref<100xi32, #tpu.memory_space<hbm>>
    %dma_wait3A_564 = arith.constant 0 : i32
    %dma_wait3A_565 = tpu.memref_slice %arg9[%dma_wait3A_557, %dma_wait3A_564] : memref<2x100xi32, #tpu.memory_space<vmem>> -> memref<1x100xi32, #tpu.memory_space<vmem>>
    %dma_wait3A_566 = tpu.memref_squeeze %dma_wait3A_565 : memref<1x100xi32, #tpu.memory_space<vmem>> -> memref<100xi32, #tpu.memory_space<vmem>>
    %dma_wait3A_567 = arith.constant 0 : i32
    %dma_wait3A_568 = tpu.memref_slice %arg4[%add3A, %dma_wait3A_556, %dma_wait3A_567] : memref<32x100x100xi32, #tpu.memory_space<hbm>> -> memref<1x1x100xi32, #tpu.memory_space<hbm>>
    %dma_wait3A_569 = tpu.memref_squeeze %dma_wait3A_568 : memref<1x1x100xi32, #tpu.memory_space<hbm>> -> memref<100xi32, #tpu.memory_space<hbm>>
    tpu.wait_dma2 semaphore(%arg15 : memref<!tpu.dma_semaphore, #tpu.memory_space<semaphore_mem>>) src(%dma_wait3A_569 : memref<100xi32, #tpu.memory_space<hbm>>) dst(%dma_wait3A_566 : memref<100xi32, #tpu.memory_space<vmem>>)
    %run_scoped3A = arith.constant 0 : i32
    %run_scoped3A_570 = arith.constant 0 : i32
    "tpu.region"() ({
      %run_scoped3A_701 = tpu.sem_alloc : memref<!tpu.dma_semaphore, #tpu.memory_space<semaphore_mem>>
      %dma_start3A_702 = arith.constant 0 : i32
      %dma_start3A_703 = arith.constant 0 : i32
      %dma_start3A_704 = tpu.memref_slice %arg10[%run_scoped3A, %dma_start3A_702, %dma_start3A_703] : memref<3x100x128xf32, #tpu.memory_space<vmem>> -> memref<1x100x128xf32, #tpu.memory_space<vmem>>
      %dma_start3A_705 = tpu.memref_squeeze %dma_start3A_704 : memref<1x100x128xf32, #tpu.memory_space<vmem>> -> memref<100x128xf32, #tpu.memory_space<vmem>>
      %dma_start3A_706 = arith.constant 0 : i32
      %dma_start3A_707 = tpu.memref_slice %arg9[%run_scoped3A_570, %dma_start3A_706] : memref<2x100xi32, #tpu.memory_space<vmem>> -> memref<1x100xi32, #tpu.memory_space<vmem>>
      %dma_start3A_708 = tpu.memref_squeeze %dma_start3A_707 : memref<1x100xi32, #tpu.memory_space<vmem>> -> memref<100xi32, #tpu.memory_space<vmem>>
      %dma_start3A_709 = arith.constant 0 : i32
      %dma_start3A_710 = arith.constant 0 : i32
      %dma_start3A_711 = tpu.memref_slice %arg7[%dma_start3A_709, %dma_start3A_710] : memref<10000x128xf32, #tpu.memory_space<vmem_shared>> -> memref<10000x128xf32, #tpu.memory_space<vmem_shared>>
      tpu.enqueue_indirect_dma source(%dma_start3A_705 : memref<100x128xf32, #tpu.memory_space<vmem>>) target(%dma_start3A_711 : memref<10000x128xf32, #tpu.memory_space<vmem_shared>>) offsets(%dma_start3A_708 : memref<100xi32, #tpu.memory_space<vmem>>) semaphore(%run_scoped3A_701 : memref<!tpu.dma_semaphore, #tpu.memory_space<semaphore_mem>>) {add = true}
      %dma_wait3A_712 = arith.constant 0 : i32
      %dma_wait3A_713 = arith.constant 0 : i32
      %dma_wait3A_714 = tpu.memref_slice %arg10[%run_scoped3A, %dma_wait3A_712, %dma_wait3A_713] : memref<3x100x128xf32, #tpu.memory_space<vmem>> -> memref<1x100x128xf32, #tpu.memory_space<vmem>>
      %dma_wait3A_715 = tpu.memref_squeeze %dma_wait3A_714 : memref<1x100x128xf32, #tpu.memory_space<vmem>> -> memref<100x128xf32, #tpu.memory_space<vmem>>
      %dma_wait3A_716 = arith.constant 0 : i32
      %dma_wait3A_717 = tpu.memref_slice %arg9[%run_scoped3A_570, %dma_wait3A_716] : memref<2x100xi32, #tpu.memory_space<vmem>> -> memref<1x100xi32, #tpu.memory_space<vmem>>
      %dma_wait3A_718 = tpu.memref_squeeze %dma_wait3A_717 : memref<1x100xi32, #tpu.memory_space<vmem>> -> memref<100xi32, #tpu.memory_space<vmem>>
      %dma_wait3A_719 = arith.constant 0 : i32
      %dma_wait3A_720 = arith.constant 0 : i32
      %dma_wait3A_721 = tpu.memref_slice %arg7[%dma_wait3A_719, %dma_wait3A_720] : memref<10000x128xf32, #tpu.memory_space<vmem_shared>> -> memref<10000x128xf32, #tpu.memory_space<vmem_shared>>
      tpu.wait_indirect_dma semaphore(%run_scoped3A_701 : memref<!tpu.dma_semaphore, #tpu.memory_space<semaphore_mem>>) src(%dma_wait3A_715 : memref<100x128xf32, #tpu.memory_space<vmem>>) dst(%dma_wait3A_721 : memref<10000x128xf32, #tpu.memory_space<vmem_shared>>)
      tpu.yield
    }) : () -> ()
    %dma_start3A_571 = arith.constant 98 : i32
    %dma_start3A_572 = arith.constant 0 : i32
    %dma_start3A_573 = arith.constant 0 : i32
    %dma_start3A_574 = tpu.memref_slice %arg9[%dma_start3A_572, %dma_start3A_573] : memref<2x100xi32, #tpu.memory_space<vmem>> -> memref<1x100xi32, #tpu.memory_space<vmem>>
    %dma_start3A_575 = tpu.memref_squeeze %dma_start3A_574 : memref<1x100xi32, #tpu.memory_space<vmem>> -> memref<100xi32, #tpu.memory_space<vmem>>
    %dma_start3A_576 = arith.constant 0 : i32
    %dma_start3A_577 = tpu.memref_slice %arg4[%add3A, %dma_start3A_571, %dma_start3A_576] : memref<32x100x100xi32, #tpu.memory_space<hbm>> -> memref<1x1x100xi32, #tpu.memory_space<hbm>>
    %dma_start3A_578 = tpu.memref_squeeze %dma_start3A_577 : memref<1x1x100xi32, #tpu.memory_space<hbm>> -> memref<100xi32, #tpu.memory_space<hbm>>
    %dma_start3A_579 = arith.constant 0 : i32
    %dma_start3A_580 = tpu.memref_slice %arg9[%dma_start3A_572, %dma_start3A_579] : memref<2x100xi32, #tpu.memory_space<vmem>> -> memref<1x100xi32, #tpu.memory_space<vmem>>
    %dma_start3A_581 = tpu.memref_squeeze %dma_start3A_580 : memref<1x100xi32, #tpu.memory_space<vmem>> -> memref<100xi32, #tpu.memory_space<vmem>>
    %dma_start3A_582 = arith.constant 0 : i32
    %dma_start3A_583 = tpu.memref_slice %arg4[%add3A, %dma_start3A_571, %dma_start3A_582] : memref<32x100x100xi32, #tpu.memory_space<hbm>> -> memref<1x1x100xi32, #tpu.memory_space<hbm>>
    %dma_start3A_584 = tpu.memref_squeeze %dma_start3A_583 : memref<1x1x100xi32, #tpu.memory_space<hbm>> -> memref<100xi32, #tpu.memory_space<hbm>>
    tpu.enqueue_dma source(%dma_start3A_584 : memref<100xi32, #tpu.memory_space<hbm>>) target(%dma_start3A_581 : memref<100xi32, #tpu.memory_space<vmem>>) target_semaphore(%arg15 : memref<!tpu.dma_semaphore, #tpu.memory_space<semaphore_mem>>)
    %dma_start3A_585 = arith.constant 99 : i32
    %dma_start3A_586 = arith.constant 0 : i32
    %dma_start3A_587 = arith.constant 0 : i32
    %dma_start3A_588 = arith.constant 0 : i32
    %dma_start3A_589 = tpu.memref_slice %arg10[%dma_start3A_586, %dma_start3A_587, %dma_start3A_588] : memref<3x100x128xf32, #tpu.memory_space<vmem>> -> memref<1x100x128xf32, #tpu.memory_space<vmem>>
    %dma_start3A_590 = tpu.memref_squeeze %dma_start3A_589 : memref<1x100x128xf32, #tpu.memory_space<vmem>> -> memref<100x128xf32, #tpu.memory_space<vmem>>
    %dma_start3A_591 = arith.constant 0 : i32
    %dma_start3A_592 = tpu.memref_slice %arg8[%dma_start3A_585, %dma_start3A_591] : memref<100x100xi32, #tpu.memory_space<vmem>> -> memref<1x100xi32, #tpu.memory_space<vmem>>
    %dma_start3A_593 = tpu.memref_squeeze %dma_start3A_592 : memref<1x100xi32, #tpu.memory_space<vmem>> -> memref<100xi32, #tpu.memory_space<vmem>>
    %dma_start3A_594 = arith.constant 0 : i32
    %dma_start3A_595 = arith.constant 0 : i32
    %dma_start3A_596 = tpu.memref_slice %arg2[%dma_start3A_594, %dma_start3A_595] : memref<10000x128xf32, #tpu.memory_space<hbm>> -> memref<10000x128xf32, #tpu.memory_space<hbm>>
    tpu.enqueue_indirect_dma source(%dma_start3A_596 : memref<10000x128xf32, #tpu.memory_space<hbm>>) target(%dma_start3A_590 : memref<100x128xf32, #tpu.memory_space<vmem>>) offsets(%dma_start3A_593 : memref<100xi32, #tpu.memory_space<vmem>>) semaphore(%arg12 : memref<!tpu.dma_semaphore, #tpu.memory_space<semaphore_mem>>)
    %dma_wait3A_597 = arith.constant 97 : i32
    %dma_wait3A_598 = arith.constant 1 : i32
    %dma_wait3A_599 = arith.constant 0 : i32
    %dma_wait3A_600 = arith.constant 0 : i32
    %dma_wait3A_601 = tpu.memref_slice %arg10[%dma_wait3A_598, %dma_wait3A_599, %dma_wait3A_600] : memref<3x100x128xf32, #tpu.memory_space<vmem>> -> memref<1x100x128xf32, #tpu.memory_space<vmem>>
    %dma_wait3A_602 = tpu.memref_squeeze %dma_wait3A_601 : memref<1x100x128xf32, #tpu.memory_space<vmem>> -> memref<100x128xf32, #tpu.memory_space<vmem>>
    %dma_wait3A_603 = arith.constant 0 : i32
    %dma_wait3A_604 = tpu.memref_slice %arg8[%dma_wait3A_597, %dma_wait3A_603] : memref<100x100xi32, #tpu.memory_space<vmem>> -> memref<1x100xi32, #tpu.memory_space<vmem>>
    %dma_wait3A_605 = tpu.memref_squeeze %dma_wait3A_604 : memref<1x100xi32, #tpu.memory_space<vmem>> -> memref<100xi32, #tpu.memory_space<vmem>>
    %dma_wait3A_606 = arith.constant 0 : i32
    %dma_wait3A_607 = arith.constant 0 : i32
    %dma_wait3A_608 = tpu.memref_slice %arg2[%dma_wait3A_606, %dma_wait3A_607] : memref<10000x128xf32, #tpu.memory_space<hbm>> -> memref<10000x128xf32, #tpu.memory_space<hbm>>
    tpu.wait_indirect_dma semaphore(%arg13 : memref<!tpu.dma_semaphore, #tpu.memory_space<semaphore_mem>>) src(%dma_wait3A_608 : memref<10000x128xf32, #tpu.memory_space<hbm>>) dst(%dma_wait3A_602 : memref<100x128xf32, #tpu.memory_space<vmem>>)
    %dma_wait3A_609 = arith.constant 97 : i32
    %dma_wait3A_610 = arith.constant 1 : i32
    %dma_wait3A_611 = arith.constant 0 : i32
    %dma_wait3A_612 = tpu.memref_slice %arg9[%dma_wait3A_610, %dma_wait3A_611] : memref<2x100xi32, #tpu.memory_space<vmem>> -> memref<1x100xi32, #tpu.memory_space<vmem>>
    %dma_wait3A_613 = tpu.memref_squeeze %dma_wait3A_612 : memref<1x100xi32, #tpu.memory_space<vmem>> -> memref<100xi32, #tpu.memory_space<vmem>>
    %dma_wait3A_614 = arith.constant 0 : i32
    %dma_wait3A_615 = tpu.memref_slice %arg4[%add3A, %dma_wait3A_609, %dma_wait3A_614] : memref<32x100x100xi32, #tpu.memory_space<hbm>> -> memref<1x1x100xi32, #tpu.memory_space<hbm>>
    %dma_wait3A_616 = tpu.memref_squeeze %dma_wait3A_615 : memref<1x1x100xi32, #tpu.memory_space<hbm>> -> memref<100xi32, #tpu.memory_space<hbm>>
    %dma_wait3A_617 = arith.constant 0 : i32
    %dma_wait3A_618 = tpu.memref_slice %arg9[%dma_wait3A_610, %dma_wait3A_617] : memref<2x100xi32, #tpu.memory_space<vmem>> -> memref<1x100xi32, #tpu.memory_space<vmem>>
    %dma_wait3A_619 = tpu.memref_squeeze %dma_wait3A_618 : memref<1x100xi32, #tpu.memory_space<vmem>> -> memref<100xi32, #tpu.memory_space<vmem>>
    %dma_wait3A_620 = arith.constant 0 : i32
    %dma_wait3A_621 = tpu.memref_slice %arg4[%add3A, %dma_wait3A_609, %dma_wait3A_620] : memref<32x100x100xi32, #tpu.memory_space<hbm>> -> memref<1x1x100xi32, #tpu.memory_space<hbm>>
    %dma_wait3A_622 = tpu.memref_squeeze %dma_wait3A_621 : memref<1x1x100xi32, #tpu.memory_space<hbm>> -> memref<100xi32, #tpu.memory_space<hbm>>
    tpu.wait_dma2 semaphore(%arg16 : memref<!tpu.dma_semaphore, #tpu.memory_space<semaphore_mem>>) src(%dma_wait3A_622 : memref<100xi32, #tpu.memory_space<hbm>>) dst(%dma_wait3A_619 : memref<100xi32, #tpu.memory_space<vmem>>)
    %run_scoped3A_623 = arith.constant 1 : i32
    %run_scoped3A_624 = arith.constant 1 : i32
    "tpu.region"() ({
      %run_scoped3A_701 = tpu.sem_alloc : memref<!tpu.dma_semaphore, #tpu.memory_space<semaphore_mem>>
      %dma_start3A_702 = arith.constant 0 : i32
      %dma_start3A_703 = arith.constant 0 : i32
      %dma_start3A_704 = tpu.memref_slice %arg10[%run_scoped3A_623, %dma_start3A_702, %dma_start3A_703] : memref<3x100x128xf32, #tpu.memory_space<vmem>> -> memref<1x100x128xf32, #tpu.memory_space<vmem>>
      %dma_start3A_705 = tpu.memref_squeeze %dma_start3A_704 : memref<1x100x128xf32, #tpu.memory_space<vmem>> -> memref<100x128xf32, #tpu.memory_space<vmem>>
      %dma_start3A_706 = arith.constant 0 : i32
      %dma_start3A_707 = tpu.memref_slice %arg9[%run_scoped3A_624, %dma_start3A_706] : memref<2x100xi32, #tpu.memory_space<vmem>> -> memref<1x100xi32, #tpu.memory_space<vmem>>
      %dma_start3A_708 = tpu.memref_squeeze %dma_start3A_707 : memref<1x100xi32, #tpu.memory_space<vmem>> -> memref<100xi32, #tpu.memory_space<vmem>>
      %dma_start3A_709 = arith.constant 0 : i32
      %dma_start3A_710 = arith.constant 0 : i32
      %dma_start3A_711 = tpu.memref_slice %arg7[%dma_start3A_709, %dma_start3A_710] : memref<10000x128xf32, #tpu.memory_space<vmem_shared>> -> memref<10000x128xf32, #tpu.memory_space<vmem_shared>>
      tpu.enqueue_indirect_dma source(%dma_start3A_705 : memref<100x128xf32, #tpu.memory_space<vmem>>) target(%dma_start3A_711 : memref<10000x128xf32, #tpu.memory_space<vmem_shared>>) offsets(%dma_start3A_708 : memref<100xi32, #tpu.memory_space<vmem>>) semaphore(%run_scoped3A_701 : memref<!tpu.dma_semaphore, #tpu.memory_space<semaphore_mem>>) {add = true}
      %dma_wait3A_712 = arith.constant 0 : i32
      %dma_wait3A_713 = arith.constant 0 : i32
      %dma_wait3A_714 = tpu.memref_slice %arg10[%run_scoped3A_623, %dma_wait3A_712, %dma_wait3A_713] : memref<3x100x128xf32, #tpu.memory_space<vmem>> -> memref<1x100x128xf32, #tpu.memory_space<vmem>>
      %dma_wait3A_715 = tpu.memref_squeeze %dma_wait3A_714 : memref<1x100x128xf32, #tpu.memory_space<vmem>> -> memref<100x128xf32, #tpu.memory_space<vmem>>
      %dma_wait3A_716 = arith.constant 0 : i32
      %dma_wait3A_717 = tpu.memref_slice %arg9[%run_scoped3A_624, %dma_wait3A_716] : memref<2x100xi32, #tpu.memory_space<vmem>> -> memref<1x100xi32, #tpu.memory_space<vmem>>
      %dma_wait3A_718 = tpu.memref_squeeze %dma_wait3A_717 : memref<1x100xi32, #tpu.memory_space<vmem>> -> memref<100xi32, #tpu.memory_space<vmem>>
      %dma_wait3A_719 = arith.constant 0 : i32
      %dma_wait3A_720 = arith.constant 0 : i32
      %dma_wait3A_721 = tpu.memref_slice %arg7[%dma_wait3A_719, %dma_wait3A_720] : memref<10000x128xf32, #tpu.memory_space<vmem_shared>> -> memref<10000x128xf32, #tpu.memory_space<vmem_shared>>
      tpu.wait_indirect_dma semaphore(%run_scoped3A_701 : memref<!tpu.dma_semaphore, #tpu.memory_space<semaphore_mem>>) src(%dma_wait3A_715 : memref<100x128xf32, #tpu.memory_space<vmem>>) dst(%dma_wait3A_721 : memref<10000x128xf32, #tpu.memory_space<vmem_shared>>)
      tpu.yield
    }) : () -> ()
    %dma_start3A_625 = arith.constant 99 : i32
    %dma_start3A_626 = arith.constant 1 : i32
    %dma_start3A_627 = arith.constant 0 : i32
    %dma_start3A_628 = tpu.memref_slice %arg9[%dma_start3A_626, %dma_start3A_627] : memref<2x100xi32, #tpu.memory_space<vmem>> -> memref<1x100xi32, #tpu.memory_space<vmem>>
    %dma_start3A_629 = tpu.memref_squeeze %dma_start3A_628 : memref<1x100xi32, #tpu.memory_space<vmem>> -> memref<100xi32, #tpu.memory_space<vmem>>
    %dma_start3A_630 = arith.constant 0 : i32
    %dma_start3A_631 = tpu.memref_slice %arg4[%add3A, %dma_start3A_625, %dma_start3A_630] : memref<32x100x100xi32, #tpu.memory_space<hbm>> -> memref<1x1x100xi32, #tpu.memory_space<hbm>>
    %dma_start3A_632 = tpu.memref_squeeze %dma_start3A_631 : memref<1x1x100xi32, #tpu.memory_space<hbm>> -> memref<100xi32, #tpu.memory_space<hbm>>
    %dma_start3A_633 = arith.constant 0 : i32
    %dma_start3A_634 = tpu.memref_slice %arg9[%dma_start3A_626, %dma_start3A_633] : memref<2x100xi32, #tpu.memory_space<vmem>> -> memref<1x100xi32, #tpu.memory_space<vmem>>
    %dma_start3A_635 = tpu.memref_squeeze %dma_start3A_634 : memref<1x100xi32, #tpu.memory_space<vmem>> -> memref<100xi32, #tpu.memory_space<vmem>>
    %dma_start3A_636 = arith.constant 0 : i32
    %dma_start3A_637 = tpu.memref_slice %arg4[%add3A, %dma_start3A_625, %dma_start3A_636] : memref<32x100x100xi32, #tpu.memory_space<hbm>> -> memref<1x1x100xi32, #tpu.memory_space<hbm>>
    %dma_start3A_638 = tpu.memref_squeeze %dma_start3A_637 : memref<1x1x100xi32, #tpu.memory_space<hbm>> -> memref<100xi32, #tpu.memory_space<hbm>>
    tpu.enqueue_dma source(%dma_start3A_638 : memref<100xi32, #tpu.memory_space<hbm>>) target(%dma_start3A_635 : memref<100xi32, #tpu.memory_space<vmem>>) target_semaphore(%arg16 : memref<!tpu.dma_semaphore, #tpu.memory_space<semaphore_mem>>)
    %dma_wait3A_639 = arith.constant 98 : i32
    %dma_wait3A_640 = arith.constant 2 : i32
    %dma_wait3A_641 = arith.constant 0 : i32
    %dma_wait3A_642 = arith.constant 0 : i32
    %dma_wait3A_643 = tpu.memref_slice %arg10[%dma_wait3A_640, %dma_wait3A_641, %dma_wait3A_642] : memref<3x100x128xf32, #tpu.memory_space<vmem>> -> memref<1x100x128xf32, #tpu.memory_space<vmem>>
    %dma_wait3A_644 = tpu.memref_squeeze %dma_wait3A_643 : memref<1x100x128xf32, #tpu.memory_space<vmem>> -> memref<100x128xf32, #tpu.memory_space<vmem>>
    %dma_wait3A_645 = arith.constant 0 : i32
    %dma_wait3A_646 = tpu.memref_slice %arg8[%dma_wait3A_639, %dma_wait3A_645] : memref<100x100xi32, #tpu.memory_space<vmem>> -> memref<1x100xi32, #tpu.memory_space<vmem>>
    %dma_wait3A_647 = tpu.memref_squeeze %dma_wait3A_646 : memref<1x100xi32, #tpu.memory_space<vmem>> -> memref<100xi32, #tpu.memory_space<vmem>>
    %dma_wait3A_648 = arith.constant 0 : i32
    %dma_wait3A_649 = arith.constant 0 : i32
    %dma_wait3A_650 = tpu.memref_slice %arg2[%dma_wait3A_648, %dma_wait3A_649] : memref<10000x128xf32, #tpu.memory_space<hbm>> -> memref<10000x128xf32, #tpu.memory_space<hbm>>
    tpu.wait_indirect_dma semaphore(%arg14 : memref<!tpu.dma_semaphore, #tpu.memory_space<semaphore_mem>>) src(%dma_wait3A_650 : memref<10000x128xf32, #tpu.memory_space<hbm>>) dst(%dma_wait3A_644 : memref<100x128xf32, #tpu.memory_space<vmem>>)
    %dma_wait3A_651 = arith.constant 98 : i32
    %dma_wait3A_652 = arith.constant 0 : i32
    %dma_wait3A_653 = arith.constant 0 : i32
    %dma_wait3A_654 = tpu.memref_slice %arg9[%dma_wait3A_652, %dma_wait3A_653] : memref<2x100xi32, #tpu.memory_space<vmem>> -> memref<1x100xi32, #tpu.memory_space<vmem>>
    %dma_wait3A_655 = tpu.memref_squeeze %dma_wait3A_654 : memref<1x100xi32, #tpu.memory_space<vmem>> -> memref<100xi32, #tpu.memory_space<vmem>>
    %dma_wait3A_656 = arith.constant 0 : i32
    %dma_wait3A_657 = tpu.memref_slice %arg4[%add3A, %dma_wait3A_651, %dma_wait3A_656] : memref<32x100x100xi32, #tpu.memory_space<hbm>> -> memref<1x1x100xi32, #tpu.memory_space<hbm>>
    %dma_wait3A_658 = tpu.memref_squeeze %dma_wait3A_657 : memref<1x1x100xi32, #tpu.memory_space<hbm>> -> memref<100xi32, #tpu.memory_space<hbm>>
    %dma_wait3A_659 = arith.constant 0 : i32
    %dma_wait3A_660 = tpu.memref_slice %arg9[%dma_wait3A_652, %dma_wait3A_659] : memref<2x100xi32, #tpu.memory_space<vmem>> -> memref<1x100xi32, #tpu.memory_space<vmem>>
    %dma_wait3A_661 = tpu.memref_squeeze %dma_wait3A_660 : memref<1x100xi32, #tpu.memory_space<vmem>> -> memref<100xi32, #tpu.memory_space<vmem>>
    %dma_wait3A_662 = arith.constant 0 : i32
    %dma_wait3A_663 = tpu.memref_slice %arg4[%add3A, %dma_wait3A_651, %dma_wait3A_662] : memref<32x100x100xi32, #tpu.memory_space<hbm>> -> memref<1x1x100xi32, #tpu.memory_space<hbm>>
    %dma_wait3A_664 = tpu.memref_squeeze %dma_wait3A_663 : memref<1x1x100xi32, #tpu.memory_space<hbm>> -> memref<100xi32, #tpu.memory_space<hbm>>
    tpu.wait_dma2 semaphore(%arg15 : memref<!tpu.dma_semaphore, #tpu.memory_space<semaphore_mem>>) src(%dma_wait3A_664 : memref<100xi32, #tpu.memory_space<hbm>>) dst(%dma_wait3A_661 : memref<100xi32, #tpu.memory_space<vmem>>)
    %run_scoped3A_665 = arith.constant 2 : i32
    %run_scoped3A_666 = arith.constant 0 : i32
    "tpu.region"() ({
      %run_scoped3A_701 = tpu.sem_alloc : memref<!tpu.dma_semaphore, #tpu.memory_space<semaphore_mem>>
      %dma_start3A_702 = arith.constant 0 : i32
      %dma_start3A_703 = arith.constant 0 : i32
      %dma_start3A_704 = tpu.memref_slice %arg10[%run_scoped3A_665, %dma_start3A_702, %dma_start3A_703] : memref<3x100x128xf32, #tpu.memory_space<vmem>> -> memref<1x100x128xf32, #tpu.memory_space<vmem>>
      %dma_start3A_705 = tpu.memref_squeeze %dma_start3A_704 : memref<1x100x128xf32, #tpu.memory_space<vmem>> -> memref<100x128xf32, #tpu.memory_space<vmem>>
      %dma_start3A_706 = arith.constant 0 : i32
      %dma_start3A_707 = tpu.memref_slice %arg9[%run_scoped3A_666, %dma_start3A_706] : memref<2x100xi32, #tpu.memory_space<vmem>> -> memref<1x100xi32, #tpu.memory_space<vmem>>
      %dma_start3A_708 = tpu.memref_squeeze %dma_start3A_707 : memref<1x100xi32, #tpu.memory_space<vmem>> -> memref<100xi32, #tpu.memory_space<vmem>>
      %dma_start3A_709 = arith.constant 0 : i32
      %dma_start3A_710 = arith.constant 0 : i32
      %dma_start3A_711 = tpu.memref_slice %arg7[%dma_start3A_709, %dma_start3A_710] : memref<10000x128xf32, #tpu.memory_space<vmem_shared>> -> memref<10000x128xf32, #tpu.memory_space<vmem_shared>>
      tpu.enqueue_indirect_dma source(%dma_start3A_705 : memref<100x128xf32, #tpu.memory_space<vmem>>) target(%dma_start3A_711 : memref<10000x128xf32, #tpu.memory_space<vmem_shared>>) offsets(%dma_start3A_708 : memref<100xi32, #tpu.memory_space<vmem>>) semaphore(%run_scoped3A_701 : memref<!tpu.dma_semaphore, #tpu.memory_space<semaphore_mem>>) {add = true}
      %dma_wait3A_712 = arith.constant 0 : i32
      %dma_wait3A_713 = arith.constant 0 : i32
      %dma_wait3A_714 = tpu.memref_slice %arg10[%run_scoped3A_665, %dma_wait3A_712, %dma_wait3A_713] : memref<3x100x128xf32, #tpu.memory_space<vmem>> -> memref<1x100x128xf32, #tpu.memory_space<vmem>>
      %dma_wait3A_715 = tpu.memref_squeeze %dma_wait3A_714 : memref<1x100x128xf32, #tpu.memory_space<vmem>> -> memref<100x128xf32, #tpu.memory_space<vmem>>
      %dma_wait3A_716 = arith.constant 0 : i32
      %dma_wait3A_717 = tpu.memref_slice %arg9[%run_scoped3A_666, %dma_wait3A_716] : memref<2x100xi32, #tpu.memory_space<vmem>> -> memref<1x100xi32, #tpu.memory_space<vmem>>
      %dma_wait3A_718 = tpu.memref_squeeze %dma_wait3A_717 : memref<1x100xi32, #tpu.memory_space<vmem>> -> memref<100xi32, #tpu.memory_space<vmem>>
      %dma_wait3A_719 = arith.constant 0 : i32
      %dma_wait3A_720 = arith.constant 0 : i32
      %dma_wait3A_721 = tpu.memref_slice %arg7[%dma_wait3A_719, %dma_wait3A_720] : memref<10000x128xf32, #tpu.memory_space<vmem_shared>> -> memref<10000x128xf32, #tpu.memory_space<vmem_shared>>
      tpu.wait_indirect_dma semaphore(%run_scoped3A_701 : memref<!tpu.dma_semaphore, #tpu.memory_space<semaphore_mem>>) src(%dma_wait3A_715 : memref<100x128xf32, #tpu.memory_space<vmem>>) dst(%dma_wait3A_721 : memref<10000x128xf32, #tpu.memory_space<vmem_shared>>)
      tpu.yield
    }) : () -> ()
    %dma_wait3A_667 = arith.constant 99 : i32
    %dma_wait3A_668 = arith.constant 0 : i32
    %dma_wait3A_669 = arith.constant 0 : i32
    %dma_wait3A_670 = arith.constant 0 : i32
    %dma_wait3A_671 = tpu.memref_slice %arg10[%dma_wait3A_668, %dma_wait3A_669, %dma_wait3A_670] : memref<3x100x128xf32, #tpu.memory_space<vmem>> -> memref<1x100x128xf32, #tpu.memory_space<vmem>>
    %dma_wait3A_672 = tpu.memref_squeeze %dma_wait3A_671 : memref<1x100x128xf32, #tpu.memory_space<vmem>> -> memref<100x128xf32, #tpu.memory_space<vmem>>
    %dma_wait3A_673 = arith.constant 0 : i32
    %dma_wait3A_674 = tpu.memref_slice %arg8[%dma_wait3A_667, %dma_wait3A_673] : memref<100x100xi32, #tpu.memory_space<vmem>> -> memref<1x100xi32, #tpu.memory_space<vmem>>
    %dma_wait3A_675 = tpu.memref_squeeze %dma_wait3A_674 : memref<1x100xi32, #tpu.memory_space<vmem>> -> memref<100xi32, #tpu.memory_space<vmem>>
    %dma_wait3A_676 = arith.constant 0 : i32
    %dma_wait3A_677 = arith.constant 0 : i32
    %dma_wait3A_678 = tpu.memref_slice %arg2[%dma_wait3A_676, %dma_wait3A_677] : memref<10000x128xf32, #tpu.memory_space<hbm>> -> memref<10000x128xf32, #tpu.memory_space<hbm>>
    tpu.wait_indirect_dma semaphore(%arg12 : memref<!tpu.dma_semaphore, #tpu.memory_space<semaphore_mem>>) src(%dma_wait3A_678 : memref<10000x128xf32, #tpu.memory_space<hbm>>) dst(%dma_wait3A_672 : memref<100x128xf32, #tpu.memory_space<vmem>>)
    %dma_wait3A_679 = arith.constant 99 : i32
    %dma_wait3A_680 = arith.constant 1 : i32
    %dma_wait3A_681 = arith.constant 0 : i32
    %dma_wait3A_682 = tpu.memref_slice %arg9[%dma_wait3A_680, %dma_wait3A_681] : memref<2x100xi32, #tpu.memory_space<vmem>> -> memref<1x100xi32, #tpu.memory_space<vmem>>
    %dma_wait3A_683 = tpu.memref_squeeze %dma_wait3A_682 : memref<1x100xi32, #tpu.memory_space<vmem>> -> memref<100xi32, #tpu.memory_space<vmem>>
    %dma_wait3A_684 = arith.constant 0 : i32
    %dma_wait3A_685 = tpu.memref_slice %arg4[%add3A, %dma_wait3A_679, %dma_wait3A_684] : memref<32x100x100xi32, #tpu.memory_space<hbm>> -> memref<1x1x100xi32, #tpu.memory_space<hbm>>
    %dma_wait3A_686 = tpu.memref_squeeze %dma_wait3A_685 : memref<1x1x100xi32, #tpu.memory_space<hbm>> -> memref<100xi32, #tpu.memory_space<hbm>>
    %dma_wait3A_687 = arith.constant 0 : i32
    %dma_wait3A_688 = tpu.memref_slice %arg9[%dma_wait3A_680, %dma_wait3A_687] : memref<2x100xi32, #tpu.memory_space<vmem>> -> memref<1x100xi32, #tpu.memory_space<vmem>>
    %dma_wait3A_689 = tpu.memref_squeeze %dma_wait3A_688 : memref<1x100xi32, #tpu.memory_space<vmem>> -> memref<100xi32, #tpu.memory_space<vmem>>
    %dma_wait3A_690 = arith.constant 0 : i32
    %dma_wait3A_691 = tpu.memref_slice %arg4[%add3A, %dma_wait3A_679, %dma_wait3A_690] : memref<32x100x100xi32, #tpu.memory_space<hbm>> -> memref<1x1x100xi32, #tpu.memory_space<hbm>>
    %dma_wait3A_692 = tpu.memref_squeeze %dma_wait3A_691 : memref<1x1x100xi32, #tpu.memory_space<hbm>> -> memref<100xi32, #tpu.memory_space<hbm>>
    tpu.wait_dma2 semaphore(%arg16 : memref<!tpu.dma_semaphore, #tpu.memory_space<semaphore_mem>>) src(%dma_wait3A_692 : memref<100xi32, #tpu.memory_space<hbm>>) dst(%dma_wait3A_689 : memref<100xi32, #tpu.memory_space<vmem>>)
    %run_scoped3A_693 = arith.constant 0 : i32
    %run_scoped3A_694 = arith.constant 1 : i32
    "tpu.region"() ({
      %run_scoped3A_701 = tpu.sem_alloc : memref<!tpu.dma_semaphore, #tpu.memory_space<semaphore_mem>>
      %dma_start3A_702 = arith.constant 0 : i32
      %dma_start3A_703 = arith.constant 0 : i32
      %dma_start3A_704 = tpu.memref_slice %arg10[%run_scoped3A_693, %dma_start3A_702, %dma_start3A_703] : memref<3x100x128xf32, #tpu.memory_space<vmem>> -> memref<1x100x128xf32, #tpu.memory_space<vmem>>
      %dma_start3A_705 = tpu.memref_squeeze %dma_start3A_704 : memref<1x100x128xf32, #tpu.memory_space<vmem>> -> memref<100x128xf32, #tpu.memory_space<vmem>>
      %dma_start3A_706 = arith.constant 0 : i32
      %dma_start3A_707 = tpu.memref_slice %arg9[%run_scoped3A_694, %dma_start3A_706] : memref<2x100xi32, #tpu.memory_space<vmem>> -> memref<1x100xi32, #tpu.memory_space<vmem>>
      %dma_start3A_708 = tpu.memref_squeeze %dma_start3A_707 : memref<1x100xi32, #tpu.memory_space<vmem>> -> memref<100xi32, #tpu.memory_space<vmem>>
      %dma_start3A_709 = arith.constant 0 : i32
      %dma_start3A_710 = arith.constant 0 : i32
      %dma_start3A_711 = tpu.memref_slice %arg7[%dma_start3A_709, %dma_start3A_710] : memref<10000x128xf32, #tpu.memory_space<vmem_shared>> -> memref<10000x128xf32, #tpu.memory_space<vmem_shared>>
      tpu.enqueue_indirect_dma source(%dma_start3A_705 : memref<100x128xf32, #tpu.memory_space<vmem>>) target(%dma_start3A_711 : memref<10000x128xf32, #tpu.memory_space<vmem_shared>>) offsets(%dma_start3A_708 : memref<100xi32, #tpu.memory_space<vmem>>) semaphore(%run_scoped3A_701 : memref<!tpu.dma_semaphore, #tpu.memory_space<semaphore_mem>>) {add = true}
      %dma_wait3A_712 = arith.constant 0 : i32
      %dma_wait3A_713 = arith.constant 0 : i32
      %dma_wait3A_714 = tpu.memref_slice %arg10[%run_scoped3A_693, %dma_wait3A_712, %dma_wait3A_713] : memref<3x100x128xf32, #tpu.memory_space<vmem>> -> memref<1x100x128xf32, #tpu.memory_space<vmem>>
      %dma_wait3A_715 = tpu.memref_squeeze %dma_wait3A_714 : memref<1x100x128xf32, #tpu.memory_space<vmem>> -> memref<100x128xf32, #tpu.memory_space<vmem>>
      %dma_wait3A_716 = arith.constant 0 : i32
      %dma_wait3A_717 = tpu.memref_slice %arg9[%run_scoped3A_694, %dma_wait3A_716] : memref<2x100xi32, #tpu.memory_space<vmem>> -> memref<1x100xi32, #tpu.memory_space<vmem>>
      %dma_wait3A_718 = tpu.memref_squeeze %dma_wait3A_717 : memref<1x100xi32, #tpu.memory_space<vmem>> -> memref<100xi32, #tpu.memory_space<vmem>>
      %dma_wait3A_719 = arith.constant 0 : i32
      %dma_wait3A_720 = arith.constant 0 : i32
      %dma_wait3A_721 = tpu.memref_slice %arg7[%dma_wait3A_719, %dma_wait3A_720] : memref<10000x128xf32, #tpu.memory_space<vmem_shared>> -> memref<10000x128xf32, #tpu.memory_space<vmem_shared>>
      tpu.wait_indirect_dma semaphore(%run_scoped3A_701 : memref<!tpu.dma_semaphore, #tpu.memory_space<semaphore_mem>>) src(%dma_wait3A_715 : memref<100x128xf32, #tpu.memory_space<vmem>>) dst(%dma_wait3A_721 : memref<10000x128xf32, #tpu.memory_space<vmem_shared>>)
      tpu.yield
    }) : () -> ()
    %barrier3A_695 = arith.constant 0 : index
    tpu.barrier barrier_id(%barrier3A_695)
    "tpu.region"() ({
      %run_scoped3A_701 = tpu.sem_alloc : memref<!tpu.dma_semaphore, #tpu.memory_space<semaphore_mem>>
      %dma_start3A_702 = arith.constant 0 : i32
      %dma_start3A_703 = tpu.memref_slice %arg6[%arg0, %mul3A_2, %dma_start3A_702] : memref<2x10000x128xf32, #tpu.memory_space<hbm>> -> memref<1x624x128xf32, #tpu.memory_space<hbm>>
      %dma_start3A_704 = tpu.memref_squeeze %dma_start3A_703 : memref<1x624x128xf32, #tpu.memory_space<hbm>> -> memref<624x128xf32, #tpu.memory_space<hbm>>
      %dma_start3A_705 = arith.constant 0 : i32
      %dma_start3A_706 = tpu.memref_slice %arg7[%mul3A_2, %dma_start3A_705] : memref<10000x128xf32, #tpu.memory_space<vmem_shared>> -> memref<624x128xf32, #tpu.memory_space<vmem_shared>>
      tpu.enqueue_dma source(%dma_start3A_706 : memref<624x128xf32, #tpu.memory_space<vmem_shared>>) target(%dma_start3A_704 : memref<624x128xf32, #tpu.memory_space<hbm>>) target_semaphore(%run_scoped3A_701 : memref<!tpu.dma_semaphore, #tpu.memory_space<semaphore_mem>>)
      %dma_wait3A_707 = arith.constant 0 : i32
      %dma_wait3A_708 = tpu.memref_slice %arg6[%arg0, %mul3A_2, %dma_wait3A_707] : memref<2x10000x128xf32, #tpu.memory_space<hbm>> -> memref<1x624x128xf32, #tpu.memory_space<hbm>>
      %dma_wait3A_709 = tpu.memref_squeeze %dma_wait3A_708 : memref<1x624x128xf32, #tpu.memory_space<hbm>> -> memref<624x128xf32, #tpu.memory_space<hbm>>
      %dma_wait3A_710 = arith.constant 0 : i32
      %dma_wait3A_711 = tpu.memref_slice %arg7[%mul3A_2, %dma_wait3A_710] : memref<10000x128xf32, #tpu.memory_space<vmem_shared>> -> memref<624x128xf32, #tpu.memory_space<vmem_shared>>
      tpu.wait_dma2 semaphore(%run_scoped3A_701 : memref<!tpu.dma_semaphore, #tpu.memory_space<semaphore_mem>>) src(%dma_wait3A_711 : memref<624x128xf32, #tpu.memory_space<vmem_shared>>) dst(%dma_wait3A_709 : memref<624x128xf32, #tpu.memory_space<hbm>>)
      tpu.yield
    }) : () -> ()
    %eq3A_696 = arith.constant 15 : i32
    %eq3A_697 = arith.cmpi eq, %arg1, %eq3A_696 : i32
    %convert_element_type3A_698 = arith.extui %eq3A_697 : i1 to i32
    %cond3A_699 = arith.constant 0 : i32
    %cond3A_700 = arith.cmpi ne, %convert_element_type3A_698, %cond3A_699 : i32
    scf.if %cond3A_700 {
      %add3A_701 = arith.constant 624 : i32
      %add3A_702 = arith.addi %mul3A_2, %add3A_701 : i32
      %add3A_703 = arith.constant 624 : i32
      %add3A_704 = arith.addi %mul3A_2, %add3A_703 : i32
      "tpu.region"() ({
        %run_scoped3A_705 = tpu.sem_alloc : memref<!tpu.dma_semaphore, #tpu.memory_space<semaphore_mem>>
        %dma_start3A_706 = arith.constant 0 : i32
        %dma_start3A_707 = tpu.memref_slice %arg6[%arg0, %add3A_704, %dma_start3A_706] : memref<2x10000x128xf32, #tpu.memory_space<hbm>> -> memref<1x16x128xf32, #tpu.memory_space<hbm>>
        %dma_start3A_708 = tpu.memref_squeeze %dma_start3A_707 : memref<1x16x128xf32, #tpu.memory_space<hbm>> -> memref<16x128xf32, #tpu.memory_space<hbm>>
        %dma_start3A_709 = arith.constant 0 : i32
        %dma_start3A_710 = tpu.memref_slice %arg7[%add3A_702, %dma_start3A_709] : memref<10000x128xf32, #tpu.memory_space<vmem_shared>> -> memref<16x128xf32, #tpu.memory_space<vmem_shared>>
        tpu.enqueue_dma source(%dma_start3A_710 : memref<16x128xf32, #tpu.memory_space<vmem_shared>>) target(%dma_start3A_708 : memref<16x128xf32, #tpu.memory_space<hbm>>) target_semaphore(%run_scoped3A_705 : memref<!tpu.dma_semaphore, #tpu.memory_space<semaphore_mem>>)
        %dma_wait3A_711 = arith.constant 0 : i32
        %dma_wait3A_712 = tpu.memref_slice %arg6[%arg0, %add3A_704, %dma_wait3A_711] : memref<2x10000x128xf32, #tpu.memory_space<hbm>> -> memref<1x16x128xf32, #tpu.memory_space<hbm>>
        %dma_wait3A_713 = tpu.memref_squeeze %dma_wait3A_712 : memref<1x16x128xf32, #tpu.memory_space<hbm>> -> memref<16x128xf32, #tpu.memory_space<hbm>>
        %dma_wait3A_714 = arith.constant 0 : i32
        %dma_wait3A_715 = tpu.memref_slice %arg7[%add3A_702, %dma_wait3A_714] : memref<10000x128xf32, #tpu.memory_space<vmem_shared>> -> memref<16x128xf32, #tpu.memory_space<vmem_shared>>
        tpu.wait_dma2 semaphore(%run_scoped3A_705 : memref<!tpu.dma_semaphore, #tpu.memory_space<semaphore_mem>>) src(%dma_wait3A_715 : memref<16x128xf32, #tpu.memory_space<vmem_shared>>) dst(%dma_wait3A_713 : memref<16x128xf32, #tpu.memory_space<hbm>>)
        tpu.yield
      }) : () -> ()
    } else {
    }
    return
  }
}

#map = affine_map<(d0, d1) -> (0, 0)>
#map1 = affine_map<(d0, d1) -> (0, 0, 0)>
module attributes {stable_mosaic.version = 14 : i64} {
  func.func @agg(%arg0: i32, %arg1: i32, %arg2: memref<10000x128xf32, #tpu.memory_space<hbm>>, %arg3: memref<32x100x100xi32, #tpu.memory_space<hbm>>, %arg4: memref<32x100x100xi32, #tpu.memory_space<hbm>>, %arg5: memref<16x128xf32, #tpu.memory_space<hbm>>, %arg6: memref<2x10000x128xf32, #tpu.memory_space<hbm>>, %arg7: memref<10000x128xf32, #tpu.memory_space<vmem_shared>>, %arg8: memref<100x100xi32, #tpu.memory_space<vmem>>, %arg9: memref<2x100xi32, #tpu.memory_space<vmem>>, %arg10: memref<3x100x128xf32, #tpu.memory_space<vmem>>, %arg11: memref<16x128xf32, #tpu.memory_space<vmem>>, %arg12: memref<!tpu.dma_semaphore, #tpu.memory_space<semaphore_mem>>, %arg13: memref<!tpu.dma_semaphore, #tpu.memory_space<semaphore_mem>>, %arg14: memref<!tpu.dma_semaphore, #tpu.memory_space<semaphore_mem>>, %arg15: memref<!tpu.dma_semaphore, #tpu.memory_space<semaphore_mem>>, %arg16: memref<!tpu.dma_semaphore, #tpu.memory_space<semaphore_mem>>, %arg17: memref<!tpu.dma_semaphore, #tpu.memory_space<semaphore_mem>>) attributes {dimension_semantics = [#tpu.dimension_semantics<core_parallel>, #tpu.dimension_semantics<subcore_parallel>], iteration_bounds = array<i64: 2, 16>, scalar_prefetch = 0 : i64, scratch_operands = 11 : i64, tpu.core_type = #tpu.core_type<sc_vector_subcore>, window_params = [{transform_indices = #map}, {transform_indices = #map1}, {transform_indices = #map1}, {transform_indices = #map}, {transform_indices = #map1}]} {
    %mul3A = arith.constant 2 : i32
    %mul3A_0 = arith.muli %arg1, %mul3A : i32
    %add3A = arith.addi %mul3A_0, %arg0 : i32
    %mul3A_1 = arith.constant 624 : i32
    %mul3A_2 = arith.muli %arg1, %mul3A_1 : i32
    "tpu.region"() ({
      %run_scoped3A_701 = tpu.sem_alloc : memref<!tpu.dma_semaphore, #tpu.memory_space<semaphore_mem>>
      %dma_start3A_702 = arith.constant 0 : i32
      %dma_start3A_703 = arith.constant 0 : i32
      %dma_start3A_704 = tpu.memref_slice %arg3[%add3A, %dma_start3A_702, %dma_start3A_703] : memref<32x100x100xi32, #tpu.memory_space<hbm>> -> memref<1x100x100xi32, #tpu.memory_space<hbm>>
      %dma_start3A_705 = tpu.memref_squeeze %dma_start3A_704 : memref<1x100x100xi32, #tpu.memory_space<hbm>> -> memref<100x100xi32, #tpu.memory_space<hbm>>
      %dma_start3A_706 = arith.constant 0 : i32
      %dma_start3A_707 = arith.constant 0 : i32
      %dma_start3A_708 = tpu.memref_slice %arg3[%add3A, %dma_start3A_706, %dma_start3A_707] : memref<32x100x100xi32, #tpu.memory_space<hbm>> -> memref<1x100x100xi32, #tpu.memory_space<hbm>>
      %dma_start3A_709 = tpu.memref_squeeze %dma_start3A_708 : memref<1x100x100xi32, #tpu.memory_space<hbm>> -> memref<100x100xi32, #tpu.memory_space<hbm>>
      tpu.enqueue_dma source(%dma_start3A_709 : memref<100x100xi32, #tpu.memory_space<hbm>>) target(%arg8 : memref<100x100xi32, #tpu.memory_space<vmem>>) target_semaphore(%run_scoped3A_701 : memref<!tpu.dma_semaphore, #tpu.memory_space<semaphore_mem>>)
      %dma_wait3A_710 = arith.constant 0 : i32
      %dma_wait3A_711 = arith.constant 0 : i32
      %dma_wait3A_712 = tpu.memref_slice %arg3[%add3A, %dma_wait3A_710, %dma_wait3A_711] : memref<32x100x100xi32, #tpu.memory_space<hbm>> -> memref<1x100x100xi32, #tpu.memory_space<hbm>>
      %dma_wait3A_713 = tpu.memref_squeeze %dma_wait3A_712 : memref<1x100x100xi32, #tpu.memory_space<hbm>> -> memref<100x100xi32, #tpu.memory_space<hbm>>
      %dma_wait3A_714 = arith.constant 0 : i32
      %dma_wait3A_715 = arith.constant 0 : i32
      %dma_wait3A_716 = tpu.memref_slice %arg3[%add3A, %dma_wait3A_714, %dma_wait3A_715] : memref<32x100x100xi32, #tpu.memory_space<hbm>> -> memref<1x100x100xi32, #tpu.memory_space<hbm>>
      %dma_wait3A_717 = tpu.memref_squeeze %dma_wait3A_716 : memref<1x100x100xi32, #tpu.memory_space<hbm>> -> memref<100x100xi32, #tpu.memory_space<hbm>>
      tpu.wait_dma2 semaphore(%run_scoped3A_701 : memref<!tpu.dma_semaphore, #tpu.memory_space<semaphore_mem>>) src(%dma_wait3A_717 : memref<100x100xi32, #tpu.memory_space<hbm>>) dst(%arg8 : memref<100x100xi32, #tpu.memory_space<vmem>>)
      tpu.yield
    }) : () -> ()
    "tpu.region"() ({
      %run_scoped3A_701 = tpu.sem_alloc : memref<!tpu.dma_semaphore, #tpu.memory_space<semaphore_mem>>
      tpu.enqueue_dma source(%arg5 : memref<16x128xf32, #tpu.memory_space<hbm>>) target(%arg11 : memref<16x128xf32, #tpu.memory_space<vmem>>) target_semaphore(%run_scoped3A_701 : memref<!tpu.dma_semaphore, #tpu.memory_space<semaphore_mem>>)
      tpu.wait_dma2 semaphore(%run_scoped3A_701 : memref<!tpu.dma_semaphore, #tpu.memory_space<semaphore_mem>>) src(%arg5 : memref<16x128xf32, #tpu.memory_space<hbm>>) dst(%arg11 : memref<16x128xf32, #tpu.memory_space<vmem>>)
      tpu.yield
    }) : () -> ()
    %add3A_3 = arith.constant 0 : i32
    %add3A_4 = arith.addi %mul3A_2, %add3A_3 : i32
    %dma_start3A = arith.constant 0 : i32
    %dma_start3A_5 = tpu.memref_slice %arg7[%add3A_4, %dma_start3A] : memref<10000x128xf32, #tpu.memory_space<vmem_shared>> -> memref<16x128xf32, #tpu.memory_space<vmem_shared>>
    %dma_start3A_6 = arith.constant 0 : i32
    %dma_start3A_7 = tpu.memref_slice %arg7[%add3A_4, %dma_start3A_6] : memref<10000x128xf32, #tpu.memory_space<vmem_shared>> -> memref<16x128xf32, #tpu.memory_space<vmem_shared>>
    tpu.enqueue_dma source(%arg11 : memref<16x128xf32, #tpu.memory_space<vmem>>) target(%dma_start3A_7 : memref<16x128xf32, #tpu.memory_space<vmem_shared>>) target_semaphore(%arg17 : memref<!tpu.dma_semaphore, #tpu.memory_space<semaphore_mem>>)
    %add3A_8 = arith.constant 16 : i32
    %add3A_9 = arith.addi %mul3A_2, %add3A_8 : i32
    %dma_start3A_10 = arith.constant 0 : i32
    %dma_start3A_11 = tpu.memref_slice %arg7[%add3A_9, %dma_start3A_10] : memref<10000x128xf32, #tpu.memory_space<vmem_shared>> -> memref<16x128xf32, #tpu.memory_space<vmem_shared>>
    %dma_start3A_12 = arith.constant 0 : i32
    %dma_start3A_13 = tpu.memref_slice %arg7[%add3A_9, %dma_start3A_12] : memref<10000x128xf32, #tpu.memory_space<vmem_shared>> -> memref<16x128xf32, #tpu.memory_space<vmem_shared>>
    tpu.enqueue_dma source(%arg11 : memref<16x128xf32, #tpu.memory_space<vmem>>) target(%dma_start3A_13 : memref<16x128xf32, #tpu.memory_space<vmem_shared>>) target_semaphore(%arg17 : memref<!tpu.dma_semaphore, #tpu.memory_space<semaphore_mem>>)
    %add3A_14 = arith.constant 32 : i32
    %add3A_15 = arith.addi %mul3A_2, %add3A_14 : i32
    %dma_start3A_16 = arith.constant 0 : i32
    %dma_start3A_17 = tpu.memref_slice %arg7[%add3A_15, %dma_start3A_16] : memref<10000x128xf32, #tpu.memory_space<vmem_shared>> -> memref<16x128xf32, #tpu.memory_space<vmem_shared>>
    %dma_start3A_18 = arith.constant 0 : i32
    %dma_start3A_19 = tpu.memref_slice %arg7[%add3A_15, %dma_start3A_18] : memref<10000x128xf32, #tpu.memory_space<vmem_shared>> -> memref<16x128xf32, #tpu.memory_space<vmem_shared>>
    tpu.enqueue_dma source(%arg11 : memref<16x128xf32, #tpu.memory_space<vmem>>) target(%dma_start3A_19 : memref<16x128xf32, #tpu.memory_space<vmem_shared>>) target_semaphore(%arg17 : memref<!tpu.dma_semaphore, #tpu.memory_space<semaphore_mem>>)
    %add3A_20 = arith.constant 48 : i32
    %add3A_21 = arith.addi %mul3A_2, %add3A_20 : i32
    %dma_start3A_22 = arith.constant 0 : i32
    %dma_start3A_23 = tpu.memref_slice %arg7[%add3A_21, %dma_start3A_22] : memref<10000x128xf32, #tpu.memory_space<vmem_shared>> -> memref<16x128xf32, #tpu.memory_space<vmem_shared>>
    %dma_start3A_24 = arith.constant 0 : i32
    %dma_start3A_25 = tpu.memref_slice %arg7[%add3A_21, %dma_start3A_24] : memref<10000x128xf32, #tpu.memory_space<vmem_shared>> -> memref<16x128xf32, #tpu.memory_space<vmem_shared>>
    tpu.enqueue_dma source(%arg11 : memref<16x128xf32, #tpu.memory_space<vmem>>) target(%dma_start3A_25 : memref<16x128xf32, #tpu.memory_space<vmem_shared>>) target_semaphore(%arg17 : memref<!tpu.dma_semaphore, #tpu.memory_space<semaphore_mem>>)
    %add3A_26 = arith.constant 64 : i32
    %add3A_27 = arith.addi %mul3A_2, %add3A_26 : i32
    %dma_start3A_28 = arith.constant 0 : i32
    %dma_start3A_29 = tpu.memref_slice %arg7[%add3A_27, %dma_start3A_28] : memref<10000x128xf32, #tpu.memory_space<vmem_shared>> -> memref<16x128xf32, #tpu.memory_space<vmem_shared>>
    %dma_start3A_30 = arith.constant 0 : i32
    %dma_start3A_31 = tpu.memref_slice %arg7[%add3A_27, %dma_start3A_30] : memref<10000x128xf32, #tpu.memory_space<vmem_shared>> -> memref<16x128xf32, #tpu.memory_space<vmem_shared>>
    tpu.enqueue_dma source(%arg11 : memref<16x128xf32, #tpu.memory_space<vmem>>) target(%dma_start3A_31 : memref<16x128xf32, #tpu.memory_space<vmem_shared>>) target_semaphore(%arg17 : memref<!tpu.dma_semaphore, #tpu.memory_space<semaphore_mem>>)
    %add3A_32 = arith.constant 80 : i32
    %add3A_33 = arith.addi %mul3A_2, %add3A_32 : i32
    %dma_start3A_34 = arith.constant 0 : i32
    %dma_start3A_35 = tpu.memref_slice %arg7[%add3A_33, %dma_start3A_34] : memref<10000x128xf32, #tpu.memory_space<vmem_shared>> -> memref<16x128xf32, #tpu.memory_space<vmem_shared>>
    %dma_start3A_36 = arith.constant 0 : i32
    %dma_start3A_37 = tpu.memref_slice %arg7[%add3A_33, %dma_start3A_36] : memref<10000x128xf32, #tpu.memory_space<vmem_shared>> -> memref<16x128xf32, #tpu.memory_space<vmem_shared>>
    tpu.enqueue_dma source(%arg11 : memref<16x128xf32, #tpu.memory_space<vmem>>) target(%dma_start3A_37 : memref<16x128xf32, #tpu.memory_space<vmem_shared>>) target_semaphore(%arg17 : memref<!tpu.dma_semaphore, #tpu.memory_space<semaphore_mem>>)
    %add3A_38 = arith.constant 96 : i32
    %add3A_39 = arith.addi %mul3A_2, %add3A_38 : i32
    %dma_start3A_40 = arith.constant 0 : i32
    %dma_start3A_41 = tpu.memref_slice %arg7[%add3A_39, %dma_start3A_40] : memref<10000x128xf32, #tpu.memory_space<vmem_shared>> -> memref<16x128xf32, #tpu.memory_space<vmem_shared>>
    %dma_start3A_42 = arith.constant 0 : i32
    %dma_start3A_43 = tpu.memref_slice %arg7[%add3A_39, %dma_start3A_42] : memref<10000x128xf32, #tpu.memory_space<vmem_shared>> -> memref<16x128xf32, #tpu.memory_space<vmem_shared>>
    tpu.enqueue_dma source(%arg11 : memref<16x128xf32, #tpu.memory_space<vmem>>) target(%dma_start3A_43 : memref<16x128xf32, #tpu.memory_space<vmem_shared>>) target_semaphore(%arg17 : memref<!tpu.dma_semaphore, #tpu.memory_space<semaphore_mem>>)
    %add3A_44 = arith.constant 112 : i32
    %add3A_45 = arith.addi %mul3A_2, %add3A_44 : i32
    %dma_start3A_46 = arith.constant 0 : i32
    %dma_start3A_47 = tpu.memref_slice %arg7[%add3A_45, %dma_start3A_46] : memref<10000x128xf32, #tpu.memory_space<vmem_shared>> -> memref<16x128xf32, #tpu.memory_space<vmem_shared>>
    %dma_start3A_48 = arith.constant 0 : i32
    %dma_start3A_49 = tpu.memref_slice %arg7[%add3A_45, %dma_start3A_48] : memref<10000x128xf32, #tpu.memory_space<vmem_shared>> -> memref<16x128xf32, #tpu.memory_space<vmem_shared>>
    tpu.enqueue_dma source(%arg11 : memref<16x128xf32, #tpu.memory_space<vmem>>) target(%dma_start3A_49 : memref<16x128xf32, #tpu.memory_space<vmem_shared>>) target_semaphore(%arg17 : memref<!tpu.dma_semaphore, #tpu.memory_space<semaphore_mem>>)
    %add3A_50 = arith.constant 128 : i32
    %add3A_51 = arith.addi %mul3A_2, %add3A_50 : i32
    %dma_start3A_52 = arith.constant 0 : i32
    %dma_start3A_53 = tpu.memref_slice %arg7[%add3A_51, %dma_start3A_52] : memref<10000x128xf32, #tpu.memory_space<vmem_shared>> -> memref<16x128xf32, #tpu.memory_space<vmem_shared>>
    %dma_start3A_54 = arith.constant 0 : i32
    %dma_start3A_55 = tpu.memref_slice %arg7[%add3A_51, %dma_start3A_54] : memref<10000x128xf32, #tpu.memory_space<vmem_shared>> -> memref<16x128xf32, #tpu.memory_space<vmem_shared>>
    tpu.enqueue_dma source(%arg11 : memref<16x128xf32, #tpu.memory_space<vmem>>) target(%dma_start3A_55 : memref<16x128xf32, #tpu.memory_space<vmem_shared>>) target_semaphore(%arg17 : memref<!tpu.dma_semaphore, #tpu.memory_space<semaphore_mem>>)
    %add3A_56 = arith.constant 144 : i32
    %add3A_57 = arith.addi %mul3A_2, %add3A_56 : i32
    %dma_start3A_58 = arith.constant 0 : i32
    %dma_start3A_59 = tpu.memref_slice %arg7[%add3A_57, %dma_start3A_58] : memref<10000x128xf32, #tpu.memory_space<vmem_shared>> -> memref<16x128xf32, #tpu.memory_space<vmem_shared>>
    %dma_start3A_60 = arith.constant 0 : i32
    %dma_start3A_61 = tpu.memref_slice %arg7[%add3A_57, %dma_start3A_60] : memref<10000x128xf32, #tpu.memory_space<vmem_shared>> -> memref<16x128xf32, #tpu.memory_space<vmem_shared>>
    tpu.enqueue_dma source(%arg11 : memref<16x128xf32, #tpu.memory_space<vmem>>) target(%dma_start3A_61 : memref<16x128xf32, #tpu.memory_space<vmem_shared>>) target_semaphore(%arg17 : memref<!tpu.dma_semaphore, #tpu.memory_space<semaphore_mem>>)
    %add3A_62 = arith.constant 160 : i32
    %add3A_63 = arith.addi %mul3A_2, %add3A_62 : i32
    %dma_start3A_64 = arith.constant 0 : i32
    %dma_start3A_65 = tpu.memref_slice %arg7[%add3A_63, %dma_start3A_64] : memref<10000x128xf32, #tpu.memory_space<vmem_shared>> -> memref<16x128xf32, #tpu.memory_space<vmem_shared>>
    %dma_start3A_66 = arith.constant 0 : i32
    %dma_start3A_67 = tpu.memref_slice %arg7[%add3A_63, %dma_start3A_66] : memref<10000x128xf32, #tpu.memory_space<vmem_shared>> -> memref<16x128xf32, #tpu.memory_space<vmem_shared>>
    tpu.enqueue_dma source(%arg11 : memref<16x128xf32, #tpu.memory_space<vmem>>) target(%dma_start3A_67 : memref<16x128xf32, #tpu.memory_space<vmem_shared>>) target_semaphore(%arg17 : memref<!tpu.dma_semaphore, #tpu.memory_space<semaphore_mem>>)
    %add3A_68 = arith.constant 176 : i32
    %add3A_69 = arith.addi %mul3A_2, %add3A_68 : i32
    %dma_start3A_70 = arith.constant 0 : i32
    %dma_start3A_71 = tpu.memref_slice %arg7[%add3A_69, %dma_start3A_70] : memref<10000x128xf32, #tpu.memory_space<vmem_shared>> -> memref<16x128xf32, #tpu.memory_space<vmem_shared>>
    %dma_start3A_72 = arith.constant 0 : i32
    %dma_start3A_73 = tpu.memref_slice %arg7[%add3A_69, %dma_start3A_72] : memref<10000x128xf32, #tpu.memory_space<vmem_shared>> -> memref<16x128xf32, #tpu.memory_space<vmem_shared>>
    tpu.enqueue_dma source(%arg11 : memref<16x128xf32, #tpu.memory_space<vmem>>) target(%dma_start3A_73 : memref<16x128xf32, #tpu.memory_space<vmem_shared>>) target_semaphore(%arg17 : memref<!tpu.dma_semaphore, #tpu.memory_space<semaphore_mem>>)
    %add3A_74 = arith.constant 192 : i32
    %add3A_75 = arith.addi %mul3A_2, %add3A_74 : i32
    %dma_start3A_76 = arith.constant 0 : i32
    %dma_start3A_77 = tpu.memref_slice %arg7[%add3A_75, %dma_start3A_76] : memref<10000x128xf32, #tpu.memory_space<vmem_shared>> -> memref<16x128xf32, #tpu.memory_space<vmem_shared>>
    %dma_start3A_78 = arith.constant 0 : i32
    %dma_start3A_79 = tpu.memref_slice %arg7[%add3A_75, %dma_start3A_78] : memref<10000x128xf32, #tpu.memory_space<vmem_shared>> -> memref<16x128xf32, #tpu.memory_space<vmem_shared>>
    tpu.enqueue_dma source(%arg11 : memref<16x128xf32, #tpu.memory_space<vmem>>) target(%dma_start3A_79 : memref<16x128xf32, #tpu.memory_space<vmem_shared>>) target_semaphore(%arg17 : memref<!tpu.dma_semaphore, #tpu.memory_space<semaphore_mem>>)
    %add3A_80 = arith.constant 208 : i32
    %add3A_81 = arith.addi %mul3A_2, %add3A_80 : i32
    %dma_start3A_82 = arith.constant 0 : i32
    %dma_start3A_83 = tpu.memref_slice %arg7[%add3A_81, %dma_start3A_82] : memref<10000x128xf32, #tpu.memory_space<vmem_shared>> -> memref<16x128xf32, #tpu.memory_space<vmem_shared>>
    %dma_start3A_84 = arith.constant 0 : i32
    %dma_start3A_85 = tpu.memref_slice %arg7[%add3A_81, %dma_start3A_84] : memref<10000x128xf32, #tpu.memory_space<vmem_shared>> -> memref<16x128xf32, #tpu.memory_space<vmem_shared>>
    tpu.enqueue_dma source(%arg11 : memref<16x128xf32, #tpu.memory_space<vmem>>) target(%dma_start3A_85 : memref<16x128xf32, #tpu.memory_space<vmem_shared>>) target_semaphore(%arg17 : memref<!tpu.dma_semaphore, #tpu.memory_space<semaphore_mem>>)
    %add3A_86 = arith.constant 224 : i32
    %add3A_87 = arith.addi %mul3A_2, %add3A_86 : i32
    %dma_start3A_88 = arith.constant 0 : i32
    %dma_start3A_89 = tpu.memref_slice %arg7[%add3A_87, %dma_start3A_88] : memref<10000x128xf32, #tpu.memory_space<vmem_shared>> -> memref<16x128xf32, #tpu.memory_space<vmem_shared>>
    %dma_start3A_90 = arith.constant 0 : i32
    %dma_start3A_91 = tpu.memref_slice %arg7[%add3A_87, %dma_start3A_90] : memref<10000x128xf32, #tpu.memory_space<vmem_shared>> -> memref<16x128xf32, #tpu.memory_space<vmem_shared>>
    tpu.enqueue_dma source(%arg11 : memref<16x128xf32, #tpu.memory_space<vmem>>) target(%dma_start3A_91 : memref<16x128xf32, #tpu.memory_space<vmem_shared>>) target_semaphore(%arg17 : memref<!tpu.dma_semaphore, #tpu.memory_space<semaphore_mem>>)
    %add3A_92 = arith.constant 240 : i32
    %add3A_93 = arith.addi %mul3A_2, %add3A_92 : i32
    %dma_start3A_94 = arith.constant 0 : i32
    %dma_start3A_95 = tpu.memref_slice %arg7[%add3A_93, %dma_start3A_94] : memref<10000x128xf32, #tpu.memory_space<vmem_shared>> -> memref<16x128xf32, #tpu.memory_space<vmem_shared>>
    %dma_start3A_96 = arith.constant 0 : i32
    %dma_start3A_97 = tpu.memref_slice %arg7[%add3A_93, %dma_start3A_96] : memref<10000x128xf32, #tpu.memory_space<vmem_shared>> -> memref<16x128xf32, #tpu.memory_space<vmem_shared>>
    tpu.enqueue_dma source(%arg11 : memref<16x128xf32, #tpu.memory_space<vmem>>) target(%dma_start3A_97 : memref<16x128xf32, #tpu.memory_space<vmem_shared>>) target_semaphore(%arg17 : memref<!tpu.dma_semaphore, #tpu.memory_space<semaphore_mem>>)
    %add3A_98 = arith.constant 256 : i32
    %add3A_99 = arith.addi %mul3A_2, %add3A_98 : i32
    %dma_start3A_100 = arith.constant 0 : i32
    %dma_start3A_101 = tpu.memref_slice %arg7[%add3A_99, %dma_start3A_100] : memref<10000x128xf32, #tpu.memory_space<vmem_shared>> -> memref<16x128xf32, #tpu.memory_space<vmem_shared>>
    %dma_start3A_102 = arith.constant 0 : i32
    %dma_start3A_103 = tpu.memref_slice %arg7[%add3A_99, %dma_start3A_102] : memref<10000x128xf32, #tpu.memory_space<vmem_shared>> -> memref<16x128xf32, #tpu.memory_space<vmem_shared>>
    tpu.enqueue_dma source(%arg11 : memref<16x128xf32, #tpu.memory_space<vmem>>) target(%dma_start3A_103 : memref<16x128xf32, #tpu.memory_space<vmem_shared>>) target_semaphore(%arg17 : memref<!tpu.dma_semaphore, #tpu.memory_space<semaphore_mem>>)
    %add3A_104 = arith.constant 272 : i32
    %add3A_105 = arith.addi %mul3A_2, %add3A_104 : i32
    %dma_start3A_106 = arith.constant 0 : i32
    %dma_start3A_107 = tpu.memref_slice %arg7[%add3A_105, %dma_start3A_106] : memref<10000x128xf32, #tpu.memory_space<vmem_shared>> -> memref<16x128xf32, #tpu.memory_space<vmem_shared>>
    %dma_start3A_108 = arith.constant 0 : i32
    %dma_start3A_109 = tpu.memref_slice %arg7[%add3A_105, %dma_start3A_108] : memref<10000x128xf32, #tpu.memory_space<vmem_shared>> -> memref<16x128xf32, #tpu.memory_space<vmem_shared>>
    tpu.enqueue_dma source(%arg11 : memref<16x128xf32, #tpu.memory_space<vmem>>) target(%dma_start3A_109 : memref<16x128xf32, #tpu.memory_space<vmem_shared>>) target_semaphore(%arg17 : memref<!tpu.dma_semaphore, #tpu.memory_space<semaphore_mem>>)
    %add3A_110 = arith.constant 288 : i32
    %add3A_111 = arith.addi %mul3A_2, %add3A_110 : i32
    %dma_start3A_112 = arith.constant 0 : i32
    %dma_start3A_113 = tpu.memref_slice %arg7[%add3A_111, %dma_start3A_112] : memref<10000x128xf32, #tpu.memory_space<vmem_shared>> -> memref<16x128xf32, #tpu.memory_space<vmem_shared>>
    %dma_start3A_114 = arith.constant 0 : i32
    %dma_start3A_115 = tpu.memref_slice %arg7[%add3A_111, %dma_start3A_114] : memref<10000x128xf32, #tpu.memory_space<vmem_shared>> -> memref<16x128xf32, #tpu.memory_space<vmem_shared>>
    tpu.enqueue_dma source(%arg11 : memref<16x128xf32, #tpu.memory_space<vmem>>) target(%dma_start3A_115 : memref<16x128xf32, #tpu.memory_space<vmem_shared>>) target_semaphore(%arg17 : memref<!tpu.dma_semaphore, #tpu.memory_space<semaphore_mem>>)
    %add3A_116 = arith.constant 304 : i32
    %add3A_117 = arith.addi %mul3A_2, %add3A_116 : i32
    %dma_start3A_118 = arith.constant 0 : i32
    %dma_start3A_119 = tpu.memref_slice %arg7[%add3A_117, %dma_start3A_118] : memref<10000x128xf32, #tpu.memory_space<vmem_shared>> -> memref<16x128xf32, #tpu.memory_space<vmem_shared>>
    %dma_start3A_120 = arith.constant 0 : i32
    %dma_start3A_121 = tpu.memref_slice %arg7[%add3A_117, %dma_start3A_120] : memref<10000x128xf32, #tpu.memory_space<vmem_shared>> -> memref<16x128xf32, #tpu.memory_space<vmem_shared>>
    tpu.enqueue_dma source(%arg11 : memref<16x128xf32, #tpu.memory_space<vmem>>) target(%dma_start3A_121 : memref<16x128xf32, #tpu.memory_space<vmem_shared>>) target_semaphore(%arg17 : memref<!tpu.dma_semaphore, #tpu.memory_space<semaphore_mem>>)
    %add3A_122 = arith.constant 320 : i32
    %add3A_123 = arith.addi %mul3A_2, %add3A_122 : i32
    %dma_start3A_124 = arith.constant 0 : i32
    %dma_start3A_125 = tpu.memref_slice %arg7[%add3A_123, %dma_start3A_124] : memref<10000x128xf32, #tpu.memory_space<vmem_shared>> -> memref<16x128xf32, #tpu.memory_space<vmem_shared>>
    %dma_start3A_126 = arith.constant 0 : i32
    %dma_start3A_127 = tpu.memref_slice %arg7[%add3A_123, %dma_start3A_126] : memref<10000x128xf32, #tpu.memory_space<vmem_shared>> -> memref<16x128xf32, #tpu.memory_space<vmem_shared>>
    tpu.enqueue_dma source(%arg11 : memref<16x128xf32, #tpu.memory_space<vmem>>) target(%dma_start3A_127 : memref<16x128xf32, #tpu.memory_space<vmem_shared>>) target_semaphore(%arg17 : memref<!tpu.dma_semaphore, #tpu.memory_space<semaphore_mem>>)
    %add3A_128 = arith.constant 336 : i32
    %add3A_129 = arith.addi %mul3A_2, %add3A_128 : i32
    %dma_start3A_130 = arith.constant 0 : i32
    %dma_start3A_131 = tpu.memref_slice %arg7[%add3A_129, %dma_start3A_130] : memref<10000x128xf32, #tpu.memory_space<vmem_shared>> -> memref<16x128xf32, #tpu.memory_space<vmem_shared>>
    %dma_start3A_132 = arith.constant 0 : i32
    %dma_start3A_133 = tpu.memref_slice %arg7[%add3A_129, %dma_start3A_132] : memref<10000x128xf32, #tpu.memory_space<vmem_shared>> -> memref<16x128xf32, #tpu.memory_space<vmem_shared>>
    tpu.enqueue_dma source(%arg11 : memref<16x128xf32, #tpu.memory_space<vmem>>) target(%dma_start3A_133 : memref<16x128xf32, #tpu.memory_space<vmem_shared>>) target_semaphore(%arg17 : memref<!tpu.dma_semaphore, #tpu.memory_space<semaphore_mem>>)
    %add3A_134 = arith.constant 352 : i32
    %add3A_135 = arith.addi %mul3A_2, %add3A_134 : i32
    %dma_start3A_136 = arith.constant 0 : i32
    %dma_start3A_137 = tpu.memref_slice %arg7[%add3A_135, %dma_start3A_136] : memref<10000x128xf32, #tpu.memory_space<vmem_shared>> -> memref<16x128xf32, #tpu.memory_space<vmem_shared>>
    %dma_start3A_138 = arith.constant 0 : i32
    %dma_start3A_139 = tpu.memref_slice %arg7[%add3A_135, %dma_start3A_138] : memref<10000x128xf32, #tpu.memory_space<vmem_shared>> -> memref<16x128xf32, #tpu.memory_space<vmem_shared>>
    tpu.enqueue_dma source(%arg11 : memref<16x128xf32, #tpu.memory_space<vmem>>) target(%dma_start3A_139 : memref<16x128xf32, #tpu.memory_space<vmem_shared>>) target_semaphore(%arg17 : memref<!tpu.dma_semaphore, #tpu.memory_space<semaphore_mem>>)
    %add3A_140 = arith.constant 368 : i32
    %add3A_141 = arith.addi %mul3A_2, %add3A_140 : i32
    %dma_start3A_142 = arith.constant 0 : i32
    %dma_start3A_143 = tpu.memref_slice %arg7[%add3A_141, %dma_start3A_142] : memref<10000x128xf32, #tpu.memory_space<vmem_shared>> -> memref<16x128xf32, #tpu.memory_space<vmem_shared>>
    %dma_start3A_144 = arith.constant 0 : i32
    %dma_start3A_145 = tpu.memref_slice %arg7[%add3A_141, %dma_start3A_144] : memref<10000x128xf32, #tpu.memory_space<vmem_shared>> -> memref<16x128xf32, #tpu.memory_space<vmem_shared>>
    tpu.enqueue_dma source(%arg11 : memref<16x128xf32, #tpu.memory_space<vmem>>) target(%dma_start3A_145 : memref<16x128xf32, #tpu.memory_space<vmem_shared>>) target_semaphore(%arg17 : memref<!tpu.dma_semaphore, #tpu.memory_space<semaphore_mem>>)
    %add3A_146 = arith.constant 384 : i32
    %add3A_147 = arith.addi %mul3A_2, %add3A_146 : i32
    %dma_start3A_148 = arith.constant 0 : i32
    %dma_start3A_149 = tpu.memref_slice %arg7[%add3A_147, %dma_start3A_148] : memref<10000x128xf32, #tpu.memory_space<vmem_shared>> -> memref<16x128xf32, #tpu.memory_space<vmem_shared>>
    %dma_start3A_150 = arith.constant 0 : i32
    %dma_start3A_151 = tpu.memref_slice %arg7[%add3A_147, %dma_start3A_150] : memref<10000x128xf32, #tpu.memory_space<vmem_shared>> -> memref<16x128xf32, #tpu.memory_space<vmem_shared>>
    tpu.enqueue_dma source(%arg11 : memref<16x128xf32, #tpu.memory_space<vmem>>) target(%dma_start3A_151 : memref<16x128xf32, #tpu.memory_space<vmem_shared>>) target_semaphore(%arg17 : memref<!tpu.dma_semaphore, #tpu.memory_space<semaphore_mem>>)
    %add3A_152 = arith.constant 400 : i32
    %add3A_153 = arith.addi %mul3A_2, %add3A_152 : i32
    %dma_start3A_154 = arith.constant 0 : i32
    %dma_start3A_155 = tpu.memref_slice %arg7[%add3A_153, %dma_start3A_154] : memref<10000x128xf32, #tpu.memory_space<vmem_shared>> -> memref<16x128xf32, #tpu.memory_space<vmem_shared>>
    %dma_start3A_156 = arith.constant 0 : i32
    %dma_start3A_157 = tpu.memref_slice %arg7[%add3A_153, %dma_start3A_156] : memref<10000x128xf32, #tpu.memory_space<vmem_shared>> -> memref<16x128xf32, #tpu.memory_space<vmem_shared>>
    tpu.enqueue_dma source(%arg11 : memref<16x128xf32, #tpu.memory_space<vmem>>) target(%dma_start3A_157 : memref<16x128xf32, #tpu.memory_space<vmem_shared>>) target_semaphore(%arg17 : memref<!tpu.dma_semaphore, #tpu.memory_space<semaphore_mem>>)
    %add3A_158 = arith.constant 416 : i32
    %add3A_159 = arith.addi %mul3A_2, %add3A_158 : i32
    %dma_start3A_160 = arith.constant 0 : i32
    %dma_start3A_161 = tpu.memref_slice %arg7[%add3A_159, %dma_start3A_160] : memref<10000x128xf32, #tpu.memory_space<vmem_shared>> -> memref<16x128xf32, #tpu.memory_space<vmem_shared>>
    %dma_start3A_162 = arith.constant 0 : i32
    %dma_start3A_163 = tpu.memref_slice %arg7[%add3A_159, %dma_start3A_162] : memref<10000x128xf32, #tpu.memory_space<vmem_shared>> -> memref<16x128xf32, #tpu.memory_space<vmem_shared>>
    tpu.enqueue_dma source(%arg11 : memref<16x128xf32, #tpu.memory_space<vmem>>) target(%dma_start3A_163 : memref<16x128xf32, #tpu.memory_space<vmem_shared>>) target_semaphore(%arg17 : memref<!tpu.dma_semaphore, #tpu.memory_space<semaphore_mem>>)
    %add3A_164 = arith.constant 432 : i32
    %add3A_165 = arith.addi %mul3A_2, %add3A_164 : i32
    %dma_start3A_166 = arith.constant 0 : i32
    %dma_start3A_167 = tpu.memref_slice %arg7[%add3A_165, %dma_start3A_166] : memref<10000x128xf32, #tpu.memory_space<vmem_shared>> -> memref<16x128xf32, #tpu.memory_space<vmem_shared>>
    %dma_start3A_168 = arith.constant 0 : i32
    %dma_start3A_169 = tpu.memref_slice %arg7[%add3A_165, %dma_start3A_168] : memref<10000x128xf32, #tpu.memory_space<vmem_shared>> -> memref<16x128xf32, #tpu.memory_space<vmem_shared>>
    tpu.enqueue_dma source(%arg11 : memref<16x128xf32, #tpu.memory_space<vmem>>) target(%dma_start3A_169 : memref<16x128xf32, #tpu.memory_space<vmem_shared>>) target_semaphore(%arg17 : memref<!tpu.dma_semaphore, #tpu.memory_space<semaphore_mem>>)
    %add3A_170 = arith.constant 448 : i32
    %add3A_171 = arith.addi %mul3A_2, %add3A_170 : i32
    %dma_start3A_172 = arith.constant 0 : i32
    %dma_start3A_173 = tpu.memref_slice %arg7[%add3A_171, %dma_start3A_172] : memref<10000x128xf32, #tpu.memory_space<vmem_shared>> -> memref<16x128xf32, #tpu.memory_space<vmem_shared>>
    %dma_start3A_174 = arith.constant 0 : i32
    %dma_start3A_175 = tpu.memref_slice %arg7[%add3A_171, %dma_start3A_174] : memref<10000x128xf32, #tpu.memory_space<vmem_shared>> -> memref<16x128xf32, #tpu.memory_space<vmem_shared>>
    tpu.enqueue_dma source(%arg11 : memref<16x128xf32, #tpu.memory_space<vmem>>) target(%dma_start3A_175 : memref<16x128xf32, #tpu.memory_space<vmem_shared>>) target_semaphore(%arg17 : memref<!tpu.dma_semaphore, #tpu.memory_space<semaphore_mem>>)
    %add3A_176 = arith.constant 464 : i32
    %add3A_177 = arith.addi %mul3A_2, %add3A_176 : i32
    %dma_start3A_178 = arith.constant 0 : i32
    %dma_start3A_179 = tpu.memref_slice %arg7[%add3A_177, %dma_start3A_178] : memref<10000x128xf32, #tpu.memory_space<vmem_shared>> -> memref<16x128xf32, #tpu.memory_space<vmem_shared>>
    %dma_start3A_180 = arith.constant 0 : i32
    %dma_start3A_181 = tpu.memref_slice %arg7[%add3A_177, %dma_start3A_180] : memref<10000x128xf32, #tpu.memory_space<vmem_shared>> -> memref<16x128xf32, #tpu.memory_space<vmem_shared>>
    tpu.enqueue_dma source(%arg11 : memref<16x128xf32, #tpu.memory_space<vmem>>) target(%dma_start3A_181 : memref<16x128xf32, #tpu.memory_space<vmem_shared>>) target_semaphore(%arg17 : memref<!tpu.dma_semaphore, #tpu.memory_space<semaphore_mem>>)
    %add3A_182 = arith.constant 480 : i32
    %add3A_183 = arith.addi %mul3A_2, %add3A_182 : i32
    %dma_start3A_184 = arith.constant 0 : i32
    %dma_start3A_185 = tpu.memref_slice %arg7[%add3A_183, %dma_start3A_184] : memref<10000x128xf32, #tpu.memory_space<vmem_shared>> -> memref<16x128xf32, #tpu.memory_space<vmem_shared>>
    %dma_start3A_186 = arith.constant 0 : i32
    %dma_start3A_187 = tpu.memref_slice %arg7[%add3A_183, %dma_start3A_186] : memref<10000x128xf32, #tpu.memory_space<vmem_shared>> -> memref<16x128xf32, #tpu.memory_space<vmem_shared>>
    tpu.enqueue_dma source(%arg11 : memref<16x128xf32, #tpu.memory_space<vmem>>) target(%dma_start3A_187 : memref<16x128xf32, #tpu.memory_space<vmem_shared>>) target_semaphore(%arg17 : memref<!tpu.dma_semaphore, #tpu.memory_space<semaphore_mem>>)
    %add3A_188 = arith.constant 496 : i32
    %add3A_189 = arith.addi %mul3A_2, %add3A_188 : i32
    %dma_start3A_190 = arith.constant 0 : i32
    %dma_start3A_191 = tpu.memref_slice %arg7[%add3A_189, %dma_start3A_190] : memref<10000x128xf32, #tpu.memory_space<vmem_shared>> -> memref<16x128xf32, #tpu.memory_space<vmem_shared>>
    %dma_start3A_192 = arith.constant 0 : i32
    %dma_start3A_193 = tpu.memref_slice %arg7[%add3A_189, %dma_start3A_192] : memref<10000x128xf32, #tpu.memory_space<vmem_shared>> -> memref<16x128xf32, #tpu.memory_space<vmem_shared>>
    tpu.enqueue_dma source(%arg11 : memref<16x128xf32, #tpu.memory_space<vmem>>) target(%dma_start3A_193 : memref<16x128xf32, #tpu.memory_space<vmem_shared>>) target_semaphore(%arg17 : memref<!tpu.dma_semaphore, #tpu.memory_space<semaphore_mem>>)
    %add3A_194 = arith.constant 512 : i32
    %add3A_195 = arith.addi %mul3A_2, %add3A_194 : i32
    %dma_start3A_196 = arith.constant 0 : i32
    %dma_start3A_197 = tpu.memref_slice %arg7[%add3A_195, %dma_start3A_196] : memref<10000x128xf32, #tpu.memory_space<vmem_shared>> -> memref<16x128xf32, #tpu.memory_space<vmem_shared>>
    %dma_start3A_198 = arith.constant 0 : i32
    %dma_start3A_199 = tpu.memref_slice %arg7[%add3A_195, %dma_start3A_198] : memref<10000x128xf32, #tpu.memory_space<vmem_shared>> -> memref<16x128xf32, #tpu.memory_space<vmem_shared>>
    tpu.enqueue_dma source(%arg11 : memref<16x128xf32, #tpu.memory_space<vmem>>) target(%dma_start3A_199 : memref<16x128xf32, #tpu.memory_space<vmem_shared>>) target_semaphore(%arg17 : memref<!tpu.dma_semaphore, #tpu.memory_space<semaphore_mem>>)
    %add3A_200 = arith.constant 528 : i32
    %add3A_201 = arith.addi %mul3A_2, %add3A_200 : i32
    %dma_start3A_202 = arith.constant 0 : i32
    %dma_start3A_203 = tpu.memref_slice %arg7[%add3A_201, %dma_start3A_202] : memref<10000x128xf32, #tpu.memory_space<vmem_shared>> -> memref<16x128xf32, #tpu.memory_space<vmem_shared>>
    %dma_start3A_204 = arith.constant 0 : i32
    %dma_start3A_205 = tpu.memref_slice %arg7[%add3A_201, %dma_start3A_204] : memref<10000x128xf32, #tpu.memory_space<vmem_shared>> -> memref<16x128xf32, #tpu.memory_space<vmem_shared>>
    tpu.enqueue_dma source(%arg11 : memref<16x128xf32, #tpu.memory_space<vmem>>) target(%dma_start3A_205 : memref<16x128xf32, #tpu.memory_space<vmem_shared>>) target_semaphore(%arg17 : memref<!tpu.dma_semaphore, #tpu.memory_space<semaphore_mem>>)
    %add3A_206 = arith.constant 544 : i32
    %add3A_207 = arith.addi %mul3A_2, %add3A_206 : i32
    %dma_start3A_208 = arith.constant 0 : i32
    %dma_start3A_209 = tpu.memref_slice %arg7[%add3A_207, %dma_start3A_208] : memref<10000x128xf32, #tpu.memory_space<vmem_shared>> -> memref<16x128xf32, #tpu.memory_space<vmem_shared>>
    %dma_start3A_210 = arith.constant 0 : i32
    %dma_start3A_211 = tpu.memref_slice %arg7[%add3A_207, %dma_start3A_210] : memref<10000x128xf32, #tpu.memory_space<vmem_shared>> -> memref<16x128xf32, #tpu.memory_space<vmem_shared>>
    tpu.enqueue_dma source(%arg11 : memref<16x128xf32, #tpu.memory_space<vmem>>) target(%dma_start3A_211 : memref<16x128xf32, #tpu.memory_space<vmem_shared>>) target_semaphore(%arg17 : memref<!tpu.dma_semaphore, #tpu.memory_space<semaphore_mem>>)
    %add3A_212 = arith.constant 560 : i32
    %add3A_213 = arith.addi %mul3A_2, %add3A_212 : i32
    %dma_start3A_214 = arith.constant 0 : i32
    %dma_start3A_215 = tpu.memref_slice %arg7[%add3A_213, %dma_start3A_214] : memref<10000x128xf32, #tpu.memory_space<vmem_shared>> -> memref<16x128xf32, #tpu.memory_space<vmem_shared>>
    %dma_start3A_216 = arith.constant 0 : i32
    %dma_start3A_217 = tpu.memref_slice %arg7[%add3A_213, %dma_start3A_216] : memref<10000x128xf32, #tpu.memory_space<vmem_shared>> -> memref<16x128xf32, #tpu.memory_space<vmem_shared>>
    tpu.enqueue_dma source(%arg11 : memref<16x128xf32, #tpu.memory_space<vmem>>) target(%dma_start3A_217 : memref<16x128xf32, #tpu.memory_space<vmem_shared>>) target_semaphore(%arg17 : memref<!tpu.dma_semaphore, #tpu.memory_space<semaphore_mem>>)
    %add3A_218 = arith.constant 576 : i32
    %add3A_219 = arith.addi %mul3A_2, %add3A_218 : i32
    %dma_start3A_220 = arith.constant 0 : i32
    %dma_start3A_221 = tpu.memref_slice %arg7[%add3A_219, %dma_start3A_220] : memref<10000x128xf32, #tpu.memory_space<vmem_shared>> -> memref<16x128xf32, #tpu.memory_space<vmem_shared>>
    %dma_start3A_222 = arith.constant 0 : i32
    %dma_start3A_223 = tpu.memref_slice %arg7[%add3A_219, %dma_start3A_222] : memref<10000x128xf32, #tpu.memory_space<vmem_shared>> -> memref<16x128xf32, #tpu.memory_space<vmem_shared>>
    tpu.enqueue_dma source(%arg11 : memref<16x128xf32, #tpu.memory_space<vmem>>) target(%dma_start3A_223 : memref<16x128xf32, #tpu.memory_space<vmem_shared>>) target_semaphore(%arg17 : memref<!tpu.dma_semaphore, #tpu.memory_space<semaphore_mem>>)
    %add3A_224 = arith.constant 592 : i32
    %add3A_225 = arith.addi %mul3A_2, %add3A_224 : i32
    %dma_start3A_226 = arith.constant 0 : i32
    %dma_start3A_227 = tpu.memref_slice %arg7[%add3A_225, %dma_start3A_226] : memref<10000x128xf32, #tpu.memory_space<vmem_shared>> -> memref<16x128xf32, #tpu.memory_space<vmem_shared>>
    %dma_start3A_228 = arith.constant 0 : i32
    %dma_start3A_229 = tpu.memref_slice %arg7[%add3A_225, %dma_start3A_228] : memref<10000x128xf32, #tpu.memory_space<vmem_shared>> -> memref<16x128xf32, #tpu.memory_space<vmem_shared>>
    tpu.enqueue_dma source(%arg11 : memref<16x128xf32, #tpu.memory_space<vmem>>) target(%dma_start3A_229 : memref<16x128xf32, #tpu.memory_space<vmem_shared>>) target_semaphore(%arg17 : memref<!tpu.dma_semaphore, #tpu.memory_space<semaphore_mem>>)
    %add3A_230 = arith.constant 608 : i32
    %add3A_231 = arith.addi %mul3A_2, %add3A_230 : i32
    %dma_start3A_232 = arith.constant 0 : i32
    %dma_start3A_233 = tpu.memref_slice %arg7[%add3A_231, %dma_start3A_232] : memref<10000x128xf32, #tpu.memory_space<vmem_shared>> -> memref<16x128xf32, #tpu.memory_space<vmem_shared>>
    %dma_start3A_234 = arith.constant 0 : i32
    %dma_start3A_235 = tpu.memref_slice %arg7[%add3A_231, %dma_start3A_234] : memref<10000x128xf32, #tpu.memory_space<vmem_shared>> -> memref<16x128xf32, #tpu.memory_space<vmem_shared>>
    tpu.enqueue_dma source(%arg11 : memref<16x128xf32, #tpu.memory_space<vmem>>) target(%dma_start3A_235 : memref<16x128xf32, #tpu.memory_space<vmem_shared>>) target_semaphore(%arg17 : memref<!tpu.dma_semaphore, #tpu.memory_space<semaphore_mem>>)
    %eq3A = arith.constant 15 : i32
    %eq3A_236 = arith.cmpi eq, %arg1, %eq3A : i32
    %convert_element_type3A = arith.extui %eq3A_236 : i1 to i32
    %cond3A = arith.constant 0 : i32
    %cond3A_237 = arith.cmpi ne, %convert_element_type3A, %cond3A : i32
    scf.if %cond3A_237 {
      %add3A_701 = arith.constant 624 : i32
      %add3A_702 = arith.addi %mul3A_2, %add3A_701 : i32
      %dma_start3A_703 = arith.constant 0 : i32
      %dma_start3A_704 = tpu.memref_slice %arg7[%add3A_702, %dma_start3A_703] : memref<10000x128xf32, #tpu.memory_space<vmem_shared>> -> memref<16x128xf32, #tpu.memory_space<vmem_shared>>
      %dma_start3A_705 = arith.constant 0 : i32
      %dma_start3A_706 = tpu.memref_slice %arg7[%add3A_702, %dma_start3A_705] : memref<10000x128xf32, #tpu.memory_space<vmem_shared>> -> memref<16x128xf32, #tpu.memory_space<vmem_shared>>
      tpu.enqueue_dma source(%arg11 : memref<16x128xf32, #tpu.memory_space<vmem>>) target(%dma_start3A_706 : memref<16x128xf32, #tpu.memory_space<vmem_shared>>) target_semaphore(%arg17 : memref<!tpu.dma_semaphore, #tpu.memory_space<semaphore_mem>>)
    } else {
    }
    %dma_start3A_238 = arith.constant 0 : i32
    %dma_start3A_239 = arith.constant 0 : i32
    %dma_start3A_240 = arith.constant 0 : i32
    %dma_start3A_241 = arith.constant 0 : i32
    %dma_start3A_242 = tpu.memref_slice %arg10[%dma_start3A_239, %dma_start3A_240, %dma_start3A_241] : memref<3x100x128xf32, #tpu.memory_space<vmem>> -> memref<1x100x128xf32, #tpu.memory_space<vmem>>
    %dma_start3A_243 = tpu.memref_squeeze %dma_start3A_242 : memref<1x100x128xf32, #tpu.memory_space<vmem>> -> memref<100x128xf32, #tpu.memory_space<vmem>>
    %dma_start3A_244 = arith.constant 0 : i32
    %dma_start3A_245 = tpu.memref_slice %arg8[%dma_start3A_238, %dma_start3A_244] : memref<100x100xi32, #tpu.memory_space<vmem>> -> memref<1x100xi32, #tpu.memory_space<vmem>>
    %dma_start3A_246 = tpu.memref_squeeze %dma_start3A_245 : memref<1x100xi32, #tpu.memory_space<vmem>> -> memref<100xi32, #tpu.memory_space<vmem>>
    %dma_start3A_247 = arith.constant 0 : i32
    %dma_start3A_248 = arith.constant 0 : i32
    %dma_start3A_249 = tpu.memref_slice %arg2[%dma_start3A_247, %dma_start3A_248] : memref<10000x128xf32, #tpu.memory_space<hbm>> -> memref<10000x128xf32, #tpu.memory_space<hbm>>
    tpu.enqueue_indirect_dma source(%dma_start3A_249 : memref<10000x128xf32, #tpu.memory_space<hbm>>) target(%dma_start3A_243 : memref<100x128xf32, #tpu.memory_space<vmem>>) offsets(%dma_start3A_246 : memref<100xi32, #tpu.memory_space<vmem>>) semaphore(%arg12 : memref<!tpu.dma_semaphore, #tpu.memory_space<semaphore_mem>>)
    %dma_start3A_250 = arith.constant 1 : i32
    %dma_start3A_251 = arith.constant 1 : i32
    %dma_start3A_252 = arith.constant 0 : i32
    %dma_start3A_253 = arith.constant 0 : i32
    %dma_start3A_254 = tpu.memref_slice %arg10[%dma_start3A_251, %dma_start3A_252, %dma_start3A_253] : memref<3x100x128xf32, #tpu.memory_space<vmem>> -> memref<1x100x128xf32, #tpu.memory_space<vmem>>
    %dma_start3A_255 = tpu.memref_squeeze %dma_start3A_254 : memref<1x100x128xf32, #tpu.memory_space<vmem>> -> memref<100x128xf32, #tpu.memory_space<vmem>>
    %dma_start3A_256 = arith.constant 0 : i32
    %dma_start3A_257 = tpu.memref_slice %arg8[%dma_start3A_250, %dma_start3A_256] : memref<100x100xi32, #tpu.memory_space<vmem>> -> memref<1x100xi32, #tpu.memory_space<vmem>>
    %dma_start3A_258 = tpu.memref_squeeze %dma_start3A_257 : memref<1x100xi32, #tpu.memory_space<vmem>> -> memref<100xi32, #tpu.memory_space<vmem>>
    %dma_start3A_259 = arith.constant 0 : i32
    %dma_start3A_260 = arith.constant 0 : i32
    %dma_start3A_261 = tpu.memref_slice %arg2[%dma_start3A_259, %dma_start3A_260] : memref<10000x128xf32, #tpu.memory_space<hbm>> -> memref<10000x128xf32, #tpu.memory_space<hbm>>
    tpu.enqueue_indirect_dma source(%dma_start3A_261 : memref<10000x128xf32, #tpu.memory_space<hbm>>) target(%dma_start3A_255 : memref<100x128xf32, #tpu.memory_space<vmem>>) offsets(%dma_start3A_258 : memref<100xi32, #tpu.memory_space<vmem>>) semaphore(%arg13 : memref<!tpu.dma_semaphore, #tpu.memory_space<semaphore_mem>>)
    %dma_start3A_262 = arith.constant 2 : i32
    %dma_start3A_263 = arith.constant 2 : i32
    %dma_start3A_264 = arith.constant 0 : i32
    %dma_start3A_265 = arith.constant 0 : i32
    %dma_start3A_266 = tpu.memref_slice %arg10[%dma_start3A_263, %dma_start3A_264, %dma_start3A_265] : memref<3x100x128xf32, #tpu.memory_space<vmem>> -> memref<1x100x128xf32, #tpu.memory_space<vmem>>
    %dma_start3A_267 = tpu.memref_squeeze %dma_start3A_266 : memref<1x100x128xf32, #tpu.memory_space<vmem>> -> memref<100x128xf32, #tpu.memory_space<vmem>>
    %dma_start3A_268 = arith.constant 0 : i32
    %dma_start3A_269 = tpu.memref_slice %arg8[%dma_start3A_262, %dma_start3A_268] : memref<100x100xi32, #tpu.memory_space<vmem>> -> memref<1x100xi32, #tpu.memory_space<vmem>>
    %dma_start3A_270 = tpu.memref_squeeze %dma_start3A_269 : memref<1x100xi32, #tpu.memory_space<vmem>> -> memref<100xi32, #tpu.memory_space<vmem>>
    %dma_start3A_271 = arith.constant 0 : i32
    %dma_start3A_272 = arith.constant 0 : i32
    %dma_start3A_273 = tpu.memref_slice %arg2[%dma_start3A_271, %dma_start3A_272] : memref<10000x128xf32, #tpu.memory_space<hbm>> -> memref<10000x128xf32, #tpu.memory_space<hbm>>
    tpu.enqueue_indirect_dma source(%dma_start3A_273 : memref<10000x128xf32, #tpu.memory_space<hbm>>) target(%dma_start3A_267 : memref<100x128xf32, #tpu.memory_space<vmem>>) offsets(%dma_start3A_270 : memref<100xi32, #tpu.memory_space<vmem>>) semaphore(%arg14 : memref<!tpu.dma_semaphore, #tpu.memory_space<semaphore_mem>>)
    %dma_start3A_274 = arith.constant 0 : i32
    %dma_start3A_275 = arith.constant 0 : i32
    %dma_start3A_276 = arith.constant 0 : i32
    %dma_start3A_277 = tpu.memref_slice %arg9[%dma_start3A_275, %dma_start3A_276] : memref<2x100xi32, #tpu.memory_space<vmem>> -> memref<1x100xi32, #tpu.memory_space<vmem>>
    %dma_start3A_278 = tpu.memref_squeeze %dma_start3A_277 : memref<1x100xi32, #tpu.memory_space<vmem>> -> memref<100xi32, #tpu.memory_space<vmem>>
    %dma_start3A_279 = arith.constant 0 : i32
    %dma_start3A_280 = tpu.memref_slice %arg4[%add3A, %dma_start3A_274, %dma_start3A_279] : memref<32x100x100xi32, #tpu.memory_space<hbm>> -> memref<1x1x100xi32, #tpu.memory_space<hbm>>
    %dma_start3A_281 = tpu.memref_squeeze %dma_start3A_280 : memref<1x1x100xi32, #tpu.memory_space<hbm>> -> memref<100xi32, #tpu.memory_space<hbm>>
    %dma_start3A_282 = arith.constant 0 : i32
    %dma_start3A_283 = tpu.memref_slice %arg9[%dma_start3A_275, %dma_start3A_282] : memref<2x100xi32, #tpu.memory_space<vmem>> -> memref<1x100xi32, #tpu.memory_space<vmem>>
    %dma_start3A_284 = tpu.memref_squeeze %dma_start3A_283 : memref<1x100xi32, #tpu.memory_space<vmem>> -> memref<100xi32, #tpu.memory_space<vmem>>
    %dma_start3A_285 = arith.constant 0 : i32
    %dma_start3A_286 = tpu.memref_slice %arg4[%add3A, %dma_start3A_274, %dma_start3A_285] : memref<32x100x100xi32, #tpu.memory_space<hbm>> -> memref<1x1x100xi32, #tpu.memory_space<hbm>>
    %dma_start3A_287 = tpu.memref_squeeze %dma_start3A_286 : memref<1x1x100xi32, #tpu.memory_space<hbm>> -> memref<100xi32, #tpu.memory_space<hbm>>
    tpu.enqueue_dma source(%dma_start3A_287 : memref<100xi32, #tpu.memory_space<hbm>>) target(%dma_start3A_284 : memref<100xi32, #tpu.memory_space<vmem>>) target_semaphore(%arg15 : memref<!tpu.dma_semaphore, #tpu.memory_space<semaphore_mem>>)
    %dma_start3A_288 = arith.constant 1 : i32
    %dma_start3A_289 = arith.constant 1 : i32
    %dma_start3A_290 = arith.constant 0 : i32
    %dma_start3A_291 = tpu.memref_slice %arg9[%dma_start3A_289, %dma_start3A_290] : memref<2x100xi32, #tpu.memory_space<vmem>> -> memref<1x100xi32, #tpu.memory_space<vmem>>
    %dma_start3A_292 = tpu.memref_squeeze %dma_start3A_291 : memref<1x100xi32, #tpu.memory_space<vmem>> -> memref<100xi32, #tpu.memory_space<vmem>>
    %dma_start3A_293 = arith.constant 0 : i32
    %dma_start3A_294 = tpu.memref_slice %arg4[%add3A, %dma_start3A_288, %dma_start3A_293] : memref<32x100x100xi32, #tpu.memory_space<hbm>> -> memref<1x1x100xi32, #tpu.memory_space<hbm>>
    %dma_start3A_295 = tpu.memref_squeeze %dma_start3A_294 : memref<1x1x100xi32, #tpu.memory_space<hbm>> -> memref<100xi32, #tpu.memory_space<hbm>>
    %dma_start3A_296 = arith.constant 0 : i32
    %dma_start3A_297 = tpu.memref_slice %arg9[%dma_start3A_289, %dma_start3A_296] : memref<2x100xi32, #tpu.memory_space<vmem>> -> memref<1x100xi32, #tpu.memory_space<vmem>>
    %dma_start3A_298 = tpu.memref_squeeze %dma_start3A_297 : memref<1x100xi32, #tpu.memory_space<vmem>> -> memref<100xi32, #tpu.memory_space<vmem>>
    %dma_start3A_299 = arith.constant 0 : i32
    %dma_start3A_300 = tpu.memref_slice %arg4[%add3A, %dma_start3A_288, %dma_start3A_299] : memref<32x100x100xi32, #tpu.memory_space<hbm>> -> memref<1x1x100xi32, #tpu.memory_space<hbm>>
    %dma_start3A_301 = tpu.memref_squeeze %dma_start3A_300 : memref<1x1x100xi32, #tpu.memory_space<hbm>> -> memref<100xi32, #tpu.memory_space<hbm>>
    tpu.enqueue_dma source(%dma_start3A_301 : memref<100xi32, #tpu.memory_space<hbm>>) target(%dma_start3A_298 : memref<100xi32, #tpu.memory_space<vmem>>) target_semaphore(%arg16 : memref<!tpu.dma_semaphore, #tpu.memory_space<semaphore_mem>>)
    %add3A_302 = arith.constant 0 : i32
    %add3A_303 = arith.addi %mul3A_2, %add3A_302 : i32
    %dma_wait3A = arith.constant 0 : i32
    %dma_wait3A_304 = tpu.memref_slice %arg7[%add3A_303, %dma_wait3A] : memref<10000x128xf32, #tpu.memory_space<vmem_shared>> -> memref<16x128xf32, #tpu.memory_space<vmem_shared>>
    %dma_wait3A_305 = arith.constant 0 : i32
    %dma_wait3A_306 = tpu.memref_slice %arg7[%add3A_303, %dma_wait3A_305] : memref<10000x128xf32, #tpu.memory_space<vmem_shared>> -> memref<16x128xf32, #tpu.memory_space<vmem_shared>>
    tpu.wait_dma2 semaphore(%arg17 : memref<!tpu.dma_semaphore, #tpu.memory_space<semaphore_mem>>) src(%arg11 : memref<16x128xf32, #tpu.memory_space<vmem>>) dst(%dma_wait3A_306 : memref<16x128xf32, #tpu.memory_space<vmem_shared>>)
    %add3A_307 = arith.constant 16 : i32
    %add3A_308 = arith.addi %mul3A_2, %add3A_307 : i32
    %dma_wait3A_309 = arith.constant 0 : i32
    %dma_wait3A_310 = tpu.memref_slice %arg7[%add3A_308, %dma_wait3A_309] : memref<10000x128xf32, #tpu.memory_space<vmem_shared>> -> memref<16x128xf32, #tpu.memory_space<vmem_shared>>
    %dma_wait3A_311 = arith.constant 0 : i32
    %dma_wait3A_312 = tpu.memref_slice %arg7[%add3A_308, %dma_wait3A_311] : memref<10000x128xf32, #tpu.memory_space<vmem_shared>> -> memref<16x128xf32, #tpu.memory_space<vmem_shared>>
    tpu.wait_dma2 semaphore(%arg17 : memref<!tpu.dma_semaphore, #tpu.memory_space<semaphore_mem>>) src(%arg11 : memref<16x128xf32, #tpu.memory_space<vmem>>) dst(%dma_wait3A_312 : memref<16x128xf32, #tpu.memory_space<vmem_shared>>)
    %add3A_313 = arith.constant 32 : i32
    %add3A_314 = arith.addi %mul3A_2, %add3A_313 : i32
    %dma_wait3A_315 = arith.constant 0 : i32
    %dma_wait3A_316 = tpu.memref_slice %arg7[%add3A_314, %dma_wait3A_315] : memref<10000x128xf32, #tpu.memory_space<vmem_shared>> -> memref<16x128xf32, #tpu.memory_space<vmem_shared>>
    %dma_wait3A_317 = arith.constant 0 : i32
    %dma_wait3A_318 = tpu.memref_slice %arg7[%add3A_314, %dma_wait3A_317] : memref<10000x128xf32, #tpu.memory_space<vmem_shared>> -> memref<16x128xf32, #tpu.memory_space<vmem_shared>>
    tpu.wait_dma2 semaphore(%arg17 : memref<!tpu.dma_semaphore, #tpu.memory_space<semaphore_mem>>) src(%arg11 : memref<16x128xf32, #tpu.memory_space<vmem>>) dst(%dma_wait3A_318 : memref<16x128xf32, #tpu.memory_space<vmem_shared>>)
    %add3A_319 = arith.constant 48 : i32
    %add3A_320 = arith.addi %mul3A_2, %add3A_319 : i32
    %dma_wait3A_321 = arith.constant 0 : i32
    %dma_wait3A_322 = tpu.memref_slice %arg7[%add3A_320, %dma_wait3A_321] : memref<10000x128xf32, #tpu.memory_space<vmem_shared>> -> memref<16x128xf32, #tpu.memory_space<vmem_shared>>
    %dma_wait3A_323 = arith.constant 0 : i32
    %dma_wait3A_324 = tpu.memref_slice %arg7[%add3A_320, %dma_wait3A_323] : memref<10000x128xf32, #tpu.memory_space<vmem_shared>> -> memref<16x128xf32, #tpu.memory_space<vmem_shared>>
    tpu.wait_dma2 semaphore(%arg17 : memref<!tpu.dma_semaphore, #tpu.memory_space<semaphore_mem>>) src(%arg11 : memref<16x128xf32, #tpu.memory_space<vmem>>) dst(%dma_wait3A_324 : memref<16x128xf32, #tpu.memory_space<vmem_shared>>)
    %add3A_325 = arith.constant 64 : i32
    %add3A_326 = arith.addi %mul3A_2, %add3A_325 : i32
    %dma_wait3A_327 = arith.constant 0 : i32
    %dma_wait3A_328 = tpu.memref_slice %arg7[%add3A_326, %dma_wait3A_327] : memref<10000x128xf32, #tpu.memory_space<vmem_shared>> -> memref<16x128xf32, #tpu.memory_space<vmem_shared>>
    %dma_wait3A_329 = arith.constant 0 : i32
    %dma_wait3A_330 = tpu.memref_slice %arg7[%add3A_326, %dma_wait3A_329] : memref<10000x128xf32, #tpu.memory_space<vmem_shared>> -> memref<16x128xf32, #tpu.memory_space<vmem_shared>>
    tpu.wait_dma2 semaphore(%arg17 : memref<!tpu.dma_semaphore, #tpu.memory_space<semaphore_mem>>) src(%arg11 : memref<16x128xf32, #tpu.memory_space<vmem>>) dst(%dma_wait3A_330 : memref<16x128xf32, #tpu.memory_space<vmem_shared>>)
    %add3A_331 = arith.constant 80 : i32
    %add3A_332 = arith.addi %mul3A_2, %add3A_331 : i32
    %dma_wait3A_333 = arith.constant 0 : i32
    %dma_wait3A_334 = tpu.memref_slice %arg7[%add3A_332, %dma_wait3A_333] : memref<10000x128xf32, #tpu.memory_space<vmem_shared>> -> memref<16x128xf32, #tpu.memory_space<vmem_shared>>
    %dma_wait3A_335 = arith.constant 0 : i32
    %dma_wait3A_336 = tpu.memref_slice %arg7[%add3A_332, %dma_wait3A_335] : memref<10000x128xf32, #tpu.memory_space<vmem_shared>> -> memref<16x128xf32, #tpu.memory_space<vmem_shared>>
    tpu.wait_dma2 semaphore(%arg17 : memref<!tpu.dma_semaphore, #tpu.memory_space<semaphore_mem>>) src(%arg11 : memref<16x128xf32, #tpu.memory_space<vmem>>) dst(%dma_wait3A_336 : memref<16x128xf32, #tpu.memory_space<vmem_shared>>)
    %add3A_337 = arith.constant 96 : i32
    %add3A_338 = arith.addi %mul3A_2, %add3A_337 : i32
    %dma_wait3A_339 = arith.constant 0 : i32
    %dma_wait3A_340 = tpu.memref_slice %arg7[%add3A_338, %dma_wait3A_339] : memref<10000x128xf32, #tpu.memory_space<vmem_shared>> -> memref<16x128xf32, #tpu.memory_space<vmem_shared>>
    %dma_wait3A_341 = arith.constant 0 : i32
    %dma_wait3A_342 = tpu.memref_slice %arg7[%add3A_338, %dma_wait3A_341] : memref<10000x128xf32, #tpu.memory_space<vmem_shared>> -> memref<16x128xf32, #tpu.memory_space<vmem_shared>>
    tpu.wait_dma2 semaphore(%arg17 : memref<!tpu.dma_semaphore, #tpu.memory_space<semaphore_mem>>) src(%arg11 : memref<16x128xf32, #tpu.memory_space<vmem>>) dst(%dma_wait3A_342 : memref<16x128xf32, #tpu.memory_space<vmem_shared>>)
    %add3A_343 = arith.constant 112 : i32
    %add3A_344 = arith.addi %mul3A_2, %add3A_343 : i32
    %dma_wait3A_345 = arith.constant 0 : i32
    %dma_wait3A_346 = tpu.memref_slice %arg7[%add3A_344, %dma_wait3A_345] : memref<10000x128xf32, #tpu.memory_space<vmem_shared>> -> memref<16x128xf32, #tpu.memory_space<vmem_shared>>
    %dma_wait3A_347 = arith.constant 0 : i32
    %dma_wait3A_348 = tpu.memref_slice %arg7[%add3A_344, %dma_wait3A_347] : memref<10000x128xf32, #tpu.memory_space<vmem_shared>> -> memref<16x128xf32, #tpu.memory_space<vmem_shared>>
    tpu.wait_dma2 semaphore(%arg17 : memref<!tpu.dma_semaphore, #tpu.memory_space<semaphore_mem>>) src(%arg11 : memref<16x128xf32, #tpu.memory_space<vmem>>) dst(%dma_wait3A_348 : memref<16x128xf32, #tpu.memory_space<vmem_shared>>)
    %add3A_349 = arith.constant 128 : i32
    %add3A_350 = arith.addi %mul3A_2, %add3A_349 : i32
    %dma_wait3A_351 = arith.constant 0 : i32
    %dma_wait3A_352 = tpu.memref_slice %arg7[%add3A_350, %dma_wait3A_351] : memref<10000x128xf32, #tpu.memory_space<vmem_shared>> -> memref<16x128xf32, #tpu.memory_space<vmem_shared>>
    %dma_wait3A_353 = arith.constant 0 : i32
    %dma_wait3A_354 = tpu.memref_slice %arg7[%add3A_350, %dma_wait3A_353] : memref<10000x128xf32, #tpu.memory_space<vmem_shared>> -> memref<16x128xf32, #tpu.memory_space<vmem_shared>>
    tpu.wait_dma2 semaphore(%arg17 : memref<!tpu.dma_semaphore, #tpu.memory_space<semaphore_mem>>) src(%arg11 : memref<16x128xf32, #tpu.memory_space<vmem>>) dst(%dma_wait3A_354 : memref<16x128xf32, #tpu.memory_space<vmem_shared>>)
    %add3A_355 = arith.constant 144 : i32
    %add3A_356 = arith.addi %mul3A_2, %add3A_355 : i32
    %dma_wait3A_357 = arith.constant 0 : i32
    %dma_wait3A_358 = tpu.memref_slice %arg7[%add3A_356, %dma_wait3A_357] : memref<10000x128xf32, #tpu.memory_space<vmem_shared>> -> memref<16x128xf32, #tpu.memory_space<vmem_shared>>
    %dma_wait3A_359 = arith.constant 0 : i32
    %dma_wait3A_360 = tpu.memref_slice %arg7[%add3A_356, %dma_wait3A_359] : memref<10000x128xf32, #tpu.memory_space<vmem_shared>> -> memref<16x128xf32, #tpu.memory_space<vmem_shared>>
    tpu.wait_dma2 semaphore(%arg17 : memref<!tpu.dma_semaphore, #tpu.memory_space<semaphore_mem>>) src(%arg11 : memref<16x128xf32, #tpu.memory_space<vmem>>) dst(%dma_wait3A_360 : memref<16x128xf32, #tpu.memory_space<vmem_shared>>)
    %add3A_361 = arith.constant 160 : i32
    %add3A_362 = arith.addi %mul3A_2, %add3A_361 : i32
    %dma_wait3A_363 = arith.constant 0 : i32
    %dma_wait3A_364 = tpu.memref_slice %arg7[%add3A_362, %dma_wait3A_363] : memref<10000x128xf32, #tpu.memory_space<vmem_shared>> -> memref<16x128xf32, #tpu.memory_space<vmem_shared>>
    %dma_wait3A_365 = arith.constant 0 : i32
    %dma_wait3A_366 = tpu.memref_slice %arg7[%add3A_362, %dma_wait3A_365] : memref<10000x128xf32, #tpu.memory_space<vmem_shared>> -> memref<16x128xf32, #tpu.memory_space<vmem_shared>>
    tpu.wait_dma2 semaphore(%arg17 : memref<!tpu.dma_semaphore, #tpu.memory_space<semaphore_mem>>) src(%arg11 : memref<16x128xf32, #tpu.memory_space<vmem>>) dst(%dma_wait3A_366 : memref<16x128xf32, #tpu.memory_space<vmem_shared>>)
    %add3A_367 = arith.constant 176 : i32
    %add3A_368 = arith.addi %mul3A_2, %add3A_367 : i32
    %dma_wait3A_369 = arith.constant 0 : i32
    %dma_wait3A_370 = tpu.memref_slice %arg7[%add3A_368, %dma_wait3A_369] : memref<10000x128xf32, #tpu.memory_space<vmem_shared>> -> memref<16x128xf32, #tpu.memory_space<vmem_shared>>
    %dma_wait3A_371 = arith.constant 0 : i32
    %dma_wait3A_372 = tpu.memref_slice %arg7[%add3A_368, %dma_wait3A_371] : memref<10000x128xf32, #tpu.memory_space<vmem_shared>> -> memref<16x128xf32, #tpu.memory_space<vmem_shared>>
    tpu.wait_dma2 semaphore(%arg17 : memref<!tpu.dma_semaphore, #tpu.memory_space<semaphore_mem>>) src(%arg11 : memref<16x128xf32, #tpu.memory_space<vmem>>) dst(%dma_wait3A_372 : memref<16x128xf32, #tpu.memory_space<vmem_shared>>)
    %add3A_373 = arith.constant 192 : i32
    %add3A_374 = arith.addi %mul3A_2, %add3A_373 : i32
    %dma_wait3A_375 = arith.constant 0 : i32
    %dma_wait3A_376 = tpu.memref_slice %arg7[%add3A_374, %dma_wait3A_375] : memref<10000x128xf32, #tpu.memory_space<vmem_shared>> -> memref<16x128xf32, #tpu.memory_space<vmem_shared>>
    %dma_wait3A_377 = arith.constant 0 : i32
    %dma_wait3A_378 = tpu.memref_slice %arg7[%add3A_374, %dma_wait3A_377] : memref<10000x128xf32, #tpu.memory_space<vmem_shared>> -> memref<16x128xf32, #tpu.memory_space<vmem_shared>>
    tpu.wait_dma2 semaphore(%arg17 : memref<!tpu.dma_semaphore, #tpu.memory_space<semaphore_mem>>) src(%arg11 : memref<16x128xf32, #tpu.memory_space<vmem>>) dst(%dma_wait3A_378 : memref<16x128xf32, #tpu.memory_space<vmem_shared>>)
    %add3A_379 = arith.constant 208 : i32
    %add3A_380 = arith.addi %mul3A_2, %add3A_379 : i32
    %dma_wait3A_381 = arith.constant 0 : i32
    %dma_wait3A_382 = tpu.memref_slice %arg7[%add3A_380, %dma_wait3A_381] : memref<10000x128xf32, #tpu.memory_space<vmem_shared>> -> memref<16x128xf32, #tpu.memory_space<vmem_shared>>
    %dma_wait3A_383 = arith.constant 0 : i32
    %dma_wait3A_384 = tpu.memref_slice %arg7[%add3A_380, %dma_wait3A_383] : memref<10000x128xf32, #tpu.memory_space<vmem_shared>> -> memref<16x128xf32, #tpu.memory_space<vmem_shared>>
    tpu.wait_dma2 semaphore(%arg17 : memref<!tpu.dma_semaphore, #tpu.memory_space<semaphore_mem>>) src(%arg11 : memref<16x128xf32, #tpu.memory_space<vmem>>) dst(%dma_wait3A_384 : memref<16x128xf32, #tpu.memory_space<vmem_shared>>)
    %add3A_385 = arith.constant 224 : i32
    %add3A_386 = arith.addi %mul3A_2, %add3A_385 : i32
    %dma_wait3A_387 = arith.constant 0 : i32
    %dma_wait3A_388 = tpu.memref_slice %arg7[%add3A_386, %dma_wait3A_387] : memref<10000x128xf32, #tpu.memory_space<vmem_shared>> -> memref<16x128xf32, #tpu.memory_space<vmem_shared>>
    %dma_wait3A_389 = arith.constant 0 : i32
    %dma_wait3A_390 = tpu.memref_slice %arg7[%add3A_386, %dma_wait3A_389] : memref<10000x128xf32, #tpu.memory_space<vmem_shared>> -> memref<16x128xf32, #tpu.memory_space<vmem_shared>>
    tpu.wait_dma2 semaphore(%arg17 : memref<!tpu.dma_semaphore, #tpu.memory_space<semaphore_mem>>) src(%arg11 : memref<16x128xf32, #tpu.memory_space<vmem>>) dst(%dma_wait3A_390 : memref<16x128xf32, #tpu.memory_space<vmem_shared>>)
    %add3A_391 = arith.constant 240 : i32
    %add3A_392 = arith.addi %mul3A_2, %add3A_391 : i32
    %dma_wait3A_393 = arith.constant 0 : i32
    %dma_wait3A_394 = tpu.memref_slice %arg7[%add3A_392, %dma_wait3A_393] : memref<10000x128xf32, #tpu.memory_space<vmem_shared>> -> memref<16x128xf32, #tpu.memory_space<vmem_shared>>
    %dma_wait3A_395 = arith.constant 0 : i32
    %dma_wait3A_396 = tpu.memref_slice %arg7[%add3A_392, %dma_wait3A_395] : memref<10000x128xf32, #tpu.memory_space<vmem_shared>> -> memref<16x128xf32, #tpu.memory_space<vmem_shared>>
    tpu.wait_dma2 semaphore(%arg17 : memref<!tpu.dma_semaphore, #tpu.memory_space<semaphore_mem>>) src(%arg11 : memref<16x128xf32, #tpu.memory_space<vmem>>) dst(%dma_wait3A_396 : memref<16x128xf32, #tpu.memory_space<vmem_shared>>)
    %add3A_397 = arith.constant 256 : i32
    %add3A_398 = arith.addi %mul3A_2, %add3A_397 : i32
    %dma_wait3A_399 = arith.constant 0 : i32
    %dma_wait3A_400 = tpu.memref_slice %arg7[%add3A_398, %dma_wait3A_399] : memref<10000x128xf32, #tpu.memory_space<vmem_shared>> -> memref<16x128xf32, #tpu.memory_space<vmem_shared>>
    %dma_wait3A_401 = arith.constant 0 : i32
    %dma_wait3A_402 = tpu.memref_slice %arg7[%add3A_398, %dma_wait3A_401] : memref<10000x128xf32, #tpu.memory_space<vmem_shared>> -> memref<16x128xf32, #tpu.memory_space<vmem_shared>>
    tpu.wait_dma2 semaphore(%arg17 : memref<!tpu.dma_semaphore, #tpu.memory_space<semaphore_mem>>) src(%arg11 : memref<16x128xf32, #tpu.memory_space<vmem>>) dst(%dma_wait3A_402 : memref<16x128xf32, #tpu.memory_space<vmem_shared>>)
    %add3A_403 = arith.constant 272 : i32
    %add3A_404 = arith.addi %mul3A_2, %add3A_403 : i32
    %dma_wait3A_405 = arith.constant 0 : i32
    %dma_wait3A_406 = tpu.memref_slice %arg7[%add3A_404, %dma_wait3A_405] : memref<10000x128xf32, #tpu.memory_space<vmem_shared>> -> memref<16x128xf32, #tpu.memory_space<vmem_shared>>
    %dma_wait3A_407 = arith.constant 0 : i32
    %dma_wait3A_408 = tpu.memref_slice %arg7[%add3A_404, %dma_wait3A_407] : memref<10000x128xf32, #tpu.memory_space<vmem_shared>> -> memref<16x128xf32, #tpu.memory_space<vmem_shared>>
    tpu.wait_dma2 semaphore(%arg17 : memref<!tpu.dma_semaphore, #tpu.memory_space<semaphore_mem>>) src(%arg11 : memref<16x128xf32, #tpu.memory_space<vmem>>) dst(%dma_wait3A_408 : memref<16x128xf32, #tpu.memory_space<vmem_shared>>)
    %add3A_409 = arith.constant 288 : i32
    %add3A_410 = arith.addi %mul3A_2, %add3A_409 : i32
    %dma_wait3A_411 = arith.constant 0 : i32
    %dma_wait3A_412 = tpu.memref_slice %arg7[%add3A_410, %dma_wait3A_411] : memref<10000x128xf32, #tpu.memory_space<vmem_shared>> -> memref<16x128xf32, #tpu.memory_space<vmem_shared>>
    %dma_wait3A_413 = arith.constant 0 : i32
    %dma_wait3A_414 = tpu.memref_slice %arg7[%add3A_410, %dma_wait3A_413] : memref<10000x128xf32, #tpu.memory_space<vmem_shared>> -> memref<16x128xf32, #tpu.memory_space<vmem_shared>>
    tpu.wait_dma2 semaphore(%arg17 : memref<!tpu.dma_semaphore, #tpu.memory_space<semaphore_mem>>) src(%arg11 : memref<16x128xf32, #tpu.memory_space<vmem>>) dst(%dma_wait3A_414 : memref<16x128xf32, #tpu.memory_space<vmem_shared>>)
    %add3A_415 = arith.constant 304 : i32
    %add3A_416 = arith.addi %mul3A_2, %add3A_415 : i32
    %dma_wait3A_417 = arith.constant 0 : i32
    %dma_wait3A_418 = tpu.memref_slice %arg7[%add3A_416, %dma_wait3A_417] : memref<10000x128xf32, #tpu.memory_space<vmem_shared>> -> memref<16x128xf32, #tpu.memory_space<vmem_shared>>
    %dma_wait3A_419 = arith.constant 0 : i32
    %dma_wait3A_420 = tpu.memref_slice %arg7[%add3A_416, %dma_wait3A_419] : memref<10000x128xf32, #tpu.memory_space<vmem_shared>> -> memref<16x128xf32, #tpu.memory_space<vmem_shared>>
    tpu.wait_dma2 semaphore(%arg17 : memref<!tpu.dma_semaphore, #tpu.memory_space<semaphore_mem>>) src(%arg11 : memref<16x128xf32, #tpu.memory_space<vmem>>) dst(%dma_wait3A_420 : memref<16x128xf32, #tpu.memory_space<vmem_shared>>)
    %add3A_421 = arith.constant 320 : i32
    %add3A_422 = arith.addi %mul3A_2, %add3A_421 : i32
    %dma_wait3A_423 = arith.constant 0 : i32
    %dma_wait3A_424 = tpu.memref_slice %arg7[%add3A_422, %dma_wait3A_423] : memref<10000x128xf32, #tpu.memory_space<vmem_shared>> -> memref<16x128xf32, #tpu.memory_space<vmem_shared>>
    %dma_wait3A_425 = arith.constant 0 : i32
    %dma_wait3A_426 = tpu.memref_slice %arg7[%add3A_422, %dma_wait3A_425] : memref<10000x128xf32, #tpu.memory_space<vmem_shared>> -> memref<16x128xf32, #tpu.memory_space<vmem_shared>>
    tpu.wait_dma2 semaphore(%arg17 : memref<!tpu.dma_semaphore, #tpu.memory_space<semaphore_mem>>) src(%arg11 : memref<16x128xf32, #tpu.memory_space<vmem>>) dst(%dma_wait3A_426 : memref<16x128xf32, #tpu.memory_space<vmem_shared>>)
    %add3A_427 = arith.constant 336 : i32
    %add3A_428 = arith.addi %mul3A_2, %add3A_427 : i32
    %dma_wait3A_429 = arith.constant 0 : i32
    %dma_wait3A_430 = tpu.memref_slice %arg7[%add3A_428, %dma_wait3A_429] : memref<10000x128xf32, #tpu.memory_space<vmem_shared>> -> memref<16x128xf32, #tpu.memory_space<vmem_shared>>
    %dma_wait3A_431 = arith.constant 0 : i32
    %dma_wait3A_432 = tpu.memref_slice %arg7[%add3A_428, %dma_wait3A_431] : memref<10000x128xf32, #tpu.memory_space<vmem_shared>> -> memref<16x128xf32, #tpu.memory_space<vmem_shared>>
    tpu.wait_dma2 semaphore(%arg17 : memref<!tpu.dma_semaphore, #tpu.memory_space<semaphore_mem>>) src(%arg11 : memref<16x128xf32, #tpu.memory_space<vmem>>) dst(%dma_wait3A_432 : memref<16x128xf32, #tpu.memory_space<vmem_shared>>)
    %add3A_433 = arith.constant 352 : i32
    %add3A_434 = arith.addi %mul3A_2, %add3A_433 : i32
    %dma_wait3A_435 = arith.constant 0 : i32
    %dma_wait3A_436 = tpu.memref_slice %arg7[%add3A_434, %dma_wait3A_435] : memref<10000x128xf32, #tpu.memory_space<vmem_shared>> -> memref<16x128xf32, #tpu.memory_space<vmem_shared>>
    %dma_wait3A_437 = arith.constant 0 : i32
    %dma_wait3A_438 = tpu.memref_slice %arg7[%add3A_434, %dma_wait3A_437] : memref<10000x128xf32, #tpu.memory_space<vmem_shared>> -> memref<16x128xf32, #tpu.memory_space<vmem_shared>>
    tpu.wait_dma2 semaphore(%arg17 : memref<!tpu.dma_semaphore, #tpu.memory_space<semaphore_mem>>) src(%arg11 : memref<16x128xf32, #tpu.memory_space<vmem>>) dst(%dma_wait3A_438 : memref<16x128xf32, #tpu.memory_space<vmem_shared>>)
    %add3A_439 = arith.constant 368 : i32
    %add3A_440 = arith.addi %mul3A_2, %add3A_439 : i32
    %dma_wait3A_441 = arith.constant 0 : i32
    %dma_wait3A_442 = tpu.memref_slice %arg7[%add3A_440, %dma_wait3A_441] : memref<10000x128xf32, #tpu.memory_space<vmem_shared>> -> memref<16x128xf32, #tpu.memory_space<vmem_shared>>
    %dma_wait3A_443 = arith.constant 0 : i32
    %dma_wait3A_444 = tpu.memref_slice %arg7[%add3A_440, %dma_wait3A_443] : memref<10000x128xf32, #tpu.memory_space<vmem_shared>> -> memref<16x128xf32, #tpu.memory_space<vmem_shared>>
    tpu.wait_dma2 semaphore(%arg17 : memref<!tpu.dma_semaphore, #tpu.memory_space<semaphore_mem>>) src(%arg11 : memref<16x128xf32, #tpu.memory_space<vmem>>) dst(%dma_wait3A_444 : memref<16x128xf32, #tpu.memory_space<vmem_shared>>)
    %add3A_445 = arith.constant 384 : i32
    %add3A_446 = arith.addi %mul3A_2, %add3A_445 : i32
    %dma_wait3A_447 = arith.constant 0 : i32
    %dma_wait3A_448 = tpu.memref_slice %arg7[%add3A_446, %dma_wait3A_447] : memref<10000x128xf32, #tpu.memory_space<vmem_shared>> -> memref<16x128xf32, #tpu.memory_space<vmem_shared>>
    %dma_wait3A_449 = arith.constant 0 : i32
    %dma_wait3A_450 = tpu.memref_slice %arg7[%add3A_446, %dma_wait3A_449] : memref<10000x128xf32, #tpu.memory_space<vmem_shared>> -> memref<16x128xf32, #tpu.memory_space<vmem_shared>>
    tpu.wait_dma2 semaphore(%arg17 : memref<!tpu.dma_semaphore, #tpu.memory_space<semaphore_mem>>) src(%arg11 : memref<16x128xf32, #tpu.memory_space<vmem>>) dst(%dma_wait3A_450 : memref<16x128xf32, #tpu.memory_space<vmem_shared>>)
    %add3A_451 = arith.constant 400 : i32
    %add3A_452 = arith.addi %mul3A_2, %add3A_451 : i32
    %dma_wait3A_453 = arith.constant 0 : i32
    %dma_wait3A_454 = tpu.memref_slice %arg7[%add3A_452, %dma_wait3A_453] : memref<10000x128xf32, #tpu.memory_space<vmem_shared>> -> memref<16x128xf32, #tpu.memory_space<vmem_shared>>
    %dma_wait3A_455 = arith.constant 0 : i32
    %dma_wait3A_456 = tpu.memref_slice %arg7[%add3A_452, %dma_wait3A_455] : memref<10000x128xf32, #tpu.memory_space<vmem_shared>> -> memref<16x128xf32, #tpu.memory_space<vmem_shared>>
    tpu.wait_dma2 semaphore(%arg17 : memref<!tpu.dma_semaphore, #tpu.memory_space<semaphore_mem>>) src(%arg11 : memref<16x128xf32, #tpu.memory_space<vmem>>) dst(%dma_wait3A_456 : memref<16x128xf32, #tpu.memory_space<vmem_shared>>)
    %add3A_457 = arith.constant 416 : i32
    %add3A_458 = arith.addi %mul3A_2, %add3A_457 : i32
    %dma_wait3A_459 = arith.constant 0 : i32
    %dma_wait3A_460 = tpu.memref_slice %arg7[%add3A_458, %dma_wait3A_459] : memref<10000x128xf32, #tpu.memory_space<vmem_shared>> -> memref<16x128xf32, #tpu.memory_space<vmem_shared>>
    %dma_wait3A_461 = arith.constant 0 : i32
    %dma_wait3A_462 = tpu.memref_slice %arg7[%add3A_458, %dma_wait3A_461] : memref<10000x128xf32, #tpu.memory_space<vmem_shared>> -> memref<16x128xf32, #tpu.memory_space<vmem_shared>>
    tpu.wait_dma2 semaphore(%arg17 : memref<!tpu.dma_semaphore, #tpu.memory_space<semaphore_mem>>) src(%arg11 : memref<16x128xf32, #tpu.memory_space<vmem>>) dst(%dma_wait3A_462 : memref<16x128xf32, #tpu.memory_space<vmem_shared>>)
    %add3A_463 = arith.constant 432 : i32
    %add3A_464 = arith.addi %mul3A_2, %add3A_463 : i32
    %dma_wait3A_465 = arith.constant 0 : i32
    %dma_wait3A_466 = tpu.memref_slice %arg7[%add3A_464, %dma_wait3A_465] : memref<10000x128xf32, #tpu.memory_space<vmem_shared>> -> memref<16x128xf32, #tpu.memory_space<vmem_shared>>
    %dma_wait3A_467 = arith.constant 0 : i32
    %dma_wait3A_468 = tpu.memref_slice %arg7[%add3A_464, %dma_wait3A_467] : memref<10000x128xf32, #tpu.memory_space<vmem_shared>> -> memref<16x128xf32, #tpu.memory_space<vmem_shared>>
    tpu.wait_dma2 semaphore(%arg17 : memref<!tpu.dma_semaphore, #tpu.memory_space<semaphore_mem>>) src(%arg11 : memref<16x128xf32, #tpu.memory_space<vmem>>) dst(%dma_wait3A_468 : memref<16x128xf32, #tpu.memory_space<vmem_shared>>)
    %add3A_469 = arith.constant 448 : i32
    %add3A_470 = arith.addi %mul3A_2, %add3A_469 : i32
    %dma_wait3A_471 = arith.constant 0 : i32
    %dma_wait3A_472 = tpu.memref_slice %arg7[%add3A_470, %dma_wait3A_471] : memref<10000x128xf32, #tpu.memory_space<vmem_shared>> -> memref<16x128xf32, #tpu.memory_space<vmem_shared>>
    %dma_wait3A_473 = arith.constant 0 : i32
    %dma_wait3A_474 = tpu.memref_slice %arg7[%add3A_470, %dma_wait3A_473] : memref<10000x128xf32, #tpu.memory_space<vmem_shared>> -> memref<16x128xf32, #tpu.memory_space<vmem_shared>>
    tpu.wait_dma2 semaphore(%arg17 : memref<!tpu.dma_semaphore, #tpu.memory_space<semaphore_mem>>) src(%arg11 : memref<16x128xf32, #tpu.memory_space<vmem>>) dst(%dma_wait3A_474 : memref<16x128xf32, #tpu.memory_space<vmem_shared>>)
    %add3A_475 = arith.constant 464 : i32
    %add3A_476 = arith.addi %mul3A_2, %add3A_475 : i32
    %dma_wait3A_477 = arith.constant 0 : i32
    %dma_wait3A_478 = tpu.memref_slice %arg7[%add3A_476, %dma_wait3A_477] : memref<10000x128xf32, #tpu.memory_space<vmem_shared>> -> memref<16x128xf32, #tpu.memory_space<vmem_shared>>
    %dma_wait3A_479 = arith.constant 0 : i32
    %dma_wait3A_480 = tpu.memref_slice %arg7[%add3A_476, %dma_wait3A_479] : memref<10000x128xf32, #tpu.memory_space<vmem_shared>> -> memref<16x128xf32, #tpu.memory_space<vmem_shared>>
    tpu.wait_dma2 semaphore(%arg17 : memref<!tpu.dma_semaphore, #tpu.memory_space<semaphore_mem>>) src(%arg11 : memref<16x128xf32, #tpu.memory_space<vmem>>) dst(%dma_wait3A_480 : memref<16x128xf32, #tpu.memory_space<vmem_shared>>)
    %add3A_481 = arith.constant 480 : i32
    %add3A_482 = arith.addi %mul3A_2, %add3A_481 : i32
    %dma_wait3A_483 = arith.constant 0 : i32
    %dma_wait3A_484 = tpu.memref_slice %arg7[%add3A_482, %dma_wait3A_483] : memref<10000x128xf32, #tpu.memory_space<vmem_shared>> -> memref<16x128xf32, #tpu.memory_space<vmem_shared>>
    %dma_wait3A_485 = arith.constant 0 : i32
    %dma_wait3A_486 = tpu.memref_slice %arg7[%add3A_482, %dma_wait3A_485] : memref<10000x128xf32, #tpu.memory_space<vmem_shared>> -> memref<16x128xf32, #tpu.memory_space<vmem_shared>>
    tpu.wait_dma2 semaphore(%arg17 : memref<!tpu.dma_semaphore, #tpu.memory_space<semaphore_mem>>) src(%arg11 : memref<16x128xf32, #tpu.memory_space<vmem>>) dst(%dma_wait3A_486 : memref<16x128xf32, #tpu.memory_space<vmem_shared>>)
    %add3A_487 = arith.constant 496 : i32
    %add3A_488 = arith.addi %mul3A_2, %add3A_487 : i32
    %dma_wait3A_489 = arith.constant 0 : i32
    %dma_wait3A_490 = tpu.memref_slice %arg7[%add3A_488, %dma_wait3A_489] : memref<10000x128xf32, #tpu.memory_space<vmem_shared>> -> memref<16x128xf32, #tpu.memory_space<vmem_shared>>
    %dma_wait3A_491 = arith.constant 0 : i32
    %dma_wait3A_492 = tpu.memref_slice %arg7[%add3A_488, %dma_wait3A_491] : memref<10000x128xf32, #tpu.memory_space<vmem_shared>> -> memref<16x128xf32, #tpu.memory_space<vmem_shared>>
    tpu.wait_dma2 semaphore(%arg17 : memref<!tpu.dma_semaphore, #tpu.memory_space<semaphore_mem>>) src(%arg11 : memref<16x128xf32, #tpu.memory_space<vmem>>) dst(%dma_wait3A_492 : memref<16x128xf32, #tpu.memory_space<vmem_shared>>)
    %add3A_493 = arith.constant 512 : i32
    %add3A_494 = arith.addi %mul3A_2, %add3A_493 : i32
    %dma_wait3A_495 = arith.constant 0 : i32
    %dma_wait3A_496 = tpu.memref_slice %arg7[%add3A_494, %dma_wait3A_495] : memref<10000x128xf32, #tpu.memory_space<vmem_shared>> -> memref<16x128xf32, #tpu.memory_space<vmem_shared>>
    %dma_wait3A_497 = arith.constant 0 : i32
    %dma_wait3A_498 = tpu.memref_slice %arg7[%add3A_494, %dma_wait3A_497] : memref<10000x128xf32, #tpu.memory_space<vmem_shared>> -> memref<16x128xf32, #tpu.memory_space<vmem_shared>>
    tpu.wait_dma2 semaphore(%arg17 : memref<!tpu.dma_semaphore, #tpu.memory_space<semaphore_mem>>) src(%arg11 : memref<16x128xf32, #tpu.memory_space<vmem>>) dst(%dma_wait3A_498 : memref<16x128xf32, #tpu.memory_space<vmem_shared>>)
    %add3A_499 = arith.constant 528 : i32
    %add3A_500 = arith.addi %mul3A_2, %add3A_499 : i32
    %dma_wait3A_501 = arith.constant 0 : i32
    %dma_wait3A_502 = tpu.memref_slice %arg7[%add3A_500, %dma_wait3A_501] : memref<10000x128xf32, #tpu.memory_space<vmem_shared>> -> memref<16x128xf32, #tpu.memory_space<vmem_shared>>
    %dma_wait3A_503 = arith.constant 0 : i32
    %dma_wait3A_504 = tpu.memref_slice %arg7[%add3A_500, %dma_wait3A_503] : memref<10000x128xf32, #tpu.memory_space<vmem_shared>> -> memref<16x128xf32, #tpu.memory_space<vmem_shared>>
    tpu.wait_dma2 semaphore(%arg17 : memref<!tpu.dma_semaphore, #tpu.memory_space<semaphore_mem>>) src(%arg11 : memref<16x128xf32, #tpu.memory_space<vmem>>) dst(%dma_wait3A_504 : memref<16x128xf32, #tpu.memory_space<vmem_shared>>)
    %add3A_505 = arith.constant 544 : i32
    %add3A_506 = arith.addi %mul3A_2, %add3A_505 : i32
    %dma_wait3A_507 = arith.constant 0 : i32
    %dma_wait3A_508 = tpu.memref_slice %arg7[%add3A_506, %dma_wait3A_507] : memref<10000x128xf32, #tpu.memory_space<vmem_shared>> -> memref<16x128xf32, #tpu.memory_space<vmem_shared>>
    %dma_wait3A_509 = arith.constant 0 : i32
    %dma_wait3A_510 = tpu.memref_slice %arg7[%add3A_506, %dma_wait3A_509] : memref<10000x128xf32, #tpu.memory_space<vmem_shared>> -> memref<16x128xf32, #tpu.memory_space<vmem_shared>>
    tpu.wait_dma2 semaphore(%arg17 : memref<!tpu.dma_semaphore, #tpu.memory_space<semaphore_mem>>) src(%arg11 : memref<16x128xf32, #tpu.memory_space<vmem>>) dst(%dma_wait3A_510 : memref<16x128xf32, #tpu.memory_space<vmem_shared>>)
    %add3A_511 = arith.constant 560 : i32
    %add3A_512 = arith.addi %mul3A_2, %add3A_511 : i32
    %dma_wait3A_513 = arith.constant 0 : i32
    %dma_wait3A_514 = tpu.memref_slice %arg7[%add3A_512, %dma_wait3A_513] : memref<10000x128xf32, #tpu.memory_space<vmem_shared>> -> memref<16x128xf32, #tpu.memory_space<vmem_shared>>
    %dma_wait3A_515 = arith.constant 0 : i32
    %dma_wait3A_516 = tpu.memref_slice %arg7[%add3A_512, %dma_wait3A_515] : memref<10000x128xf32, #tpu.memory_space<vmem_shared>> -> memref<16x128xf32, #tpu.memory_space<vmem_shared>>
    tpu.wait_dma2 semaphore(%arg17 : memref<!tpu.dma_semaphore, #tpu.memory_space<semaphore_mem>>) src(%arg11 : memref<16x128xf32, #tpu.memory_space<vmem>>) dst(%dma_wait3A_516 : memref<16x128xf32, #tpu.memory_space<vmem_shared>>)
    %add3A_517 = arith.constant 576 : i32
    %add3A_518 = arith.addi %mul3A_2, %add3A_517 : i32
    %dma_wait3A_519 = arith.constant 0 : i32
    %dma_wait3A_520 = tpu.memref_slice %arg7[%add3A_518, %dma_wait3A_519] : memref<10000x128xf32, #tpu.memory_space<vmem_shared>> -> memref<16x128xf32, #tpu.memory_space<vmem_shared>>
    %dma_wait3A_521 = arith.constant 0 : i32
    %dma_wait3A_522 = tpu.memref_slice %arg7[%add3A_518, %dma_wait3A_521] : memref<10000x128xf32, #tpu.memory_space<vmem_shared>> -> memref<16x128xf32, #tpu.memory_space<vmem_shared>>
    tpu.wait_dma2 semaphore(%arg17 : memref<!tpu.dma_semaphore, #tpu.memory_space<semaphore_mem>>) src(%arg11 : memref<16x128xf32, #tpu.memory_space<vmem>>) dst(%dma_wait3A_522 : memref<16x128xf32, #tpu.memory_space<vmem_shared>>)
    %add3A_523 = arith.constant 592 : i32
    %add3A_524 = arith.addi %mul3A_2, %add3A_523 : i32
    %dma_wait3A_525 = arith.constant 0 : i32
    %dma_wait3A_526 = tpu.memref_slice %arg7[%add3A_524, %dma_wait3A_525] : memref<10000x128xf32, #tpu.memory_space<vmem_shared>> -> memref<16x128xf32, #tpu.memory_space<vmem_shared>>
    %dma_wait3A_527 = arith.constant 0 : i32
    %dma_wait3A_528 = tpu.memref_slice %arg7[%add3A_524, %dma_wait3A_527] : memref<10000x128xf32, #tpu.memory_space<vmem_shared>> -> memref<16x128xf32, #tpu.memory_space<vmem_shared>>
    tpu.wait_dma2 semaphore(%arg17 : memref<!tpu.dma_semaphore, #tpu.memory_space<semaphore_mem>>) src(%arg11 : memref<16x128xf32, #tpu.memory_space<vmem>>) dst(%dma_wait3A_528 : memref<16x128xf32, #tpu.memory_space<vmem_shared>>)
    %add3A_529 = arith.constant 608 : i32
    %add3A_530 = arith.addi %mul3A_2, %add3A_529 : i32
    %dma_wait3A_531 = arith.constant 0 : i32
    %dma_wait3A_532 = tpu.memref_slice %arg7[%add3A_530, %dma_wait3A_531] : memref<10000x128xf32, #tpu.memory_space<vmem_shared>> -> memref<16x128xf32, #tpu.memory_space<vmem_shared>>
    %dma_wait3A_533 = arith.constant 0 : i32
    %dma_wait3A_534 = tpu.memref_slice %arg7[%add3A_530, %dma_wait3A_533] : memref<10000x128xf32, #tpu.memory_space<vmem_shared>> -> memref<16x128xf32, #tpu.memory_space<vmem_shared>>
    tpu.wait_dma2 semaphore(%arg17 : memref<!tpu.dma_semaphore, #tpu.memory_space<semaphore_mem>>) src(%arg11 : memref<16x128xf32, #tpu.memory_space<vmem>>) dst(%dma_wait3A_534 : memref<16x128xf32, #tpu.memory_space<vmem_shared>>)
    %eq3A_535 = arith.constant 15 : i32
    %eq3A_536 = arith.cmpi eq, %arg1, %eq3A_535 : i32
    %convert_element_type3A_537 = arith.extui %eq3A_536 : i1 to i32
    %cond3A_538 = arith.constant 0 : i32
    %cond3A_539 = arith.cmpi ne, %convert_element_type3A_537, %cond3A_538 : i32
    scf.if %cond3A_539 {
      %add3A_701 = arith.constant 624 : i32
      %add3A_702 = arith.addi %mul3A_2, %add3A_701 : i32
      %dma_wait3A_703 = arith.constant 0 : i32
      %dma_wait3A_704 = tpu.memref_slice %arg7[%add3A_702, %dma_wait3A_703] : memref<10000x128xf32, #tpu.memory_space<vmem_shared>> -> memref<16x128xf32, #tpu.memory_space<vmem_shared>>
      %dma_wait3A_705 = arith.constant 0 : i32
      %dma_wait3A_706 = tpu.memref_slice %arg7[%add3A_702, %dma_wait3A_705] : memref<10000x128xf32, #tpu.memory_space<vmem_shared>> -> memref<16x128xf32, #tpu.memory_space<vmem_shared>>
      tpu.wait_dma2 semaphore(%arg17 : memref<!tpu.dma_semaphore, #tpu.memory_space<semaphore_mem>>) src(%arg11 : memref<16x128xf32, #tpu.memory_space<vmem>>) dst(%dma_wait3A_706 : memref<16x128xf32, #tpu.memory_space<vmem_shared>>)
    } else {
    }
    %barrier3A = arith.constant 0 : index
    tpu.barrier barrier_id(%barrier3A)
    %scan3A = arith.constant 0 : i32
    %scan3A_540 = arith.constant 16 : i32
    %scan3A_541 = arith.addi %scan3A, %scan3A_540 : i32
    %scan3A_542 = arith.constant 1 : i32
    scf.for %scan3A_701 = %scan3A to %scan3A_541 step %scan3A_542  : i32 {
      %mul3A_702 = arith.constant 6 : i32
      %mul3A_703 = arith.muli %scan3A_701, %mul3A_702 : i32
      %add3A_704 = arith.constant 0 : i32
      %add3A_705 = arith.addi %add3A_704, %mul3A_703 : i32
      %add3A_706 = arith.constant 0 : i32
      %add3A_707 = arith.addi %add3A_705, %add3A_706 : i32
      %dma_wait3A_708 = arith.constant 0 : i32
      %dma_wait3A_709 = arith.constant 0 : i32
      %dma_wait3A_710 = arith.constant 0 : i32
      %dma_wait3A_711 = tpu.memref_slice %arg10[%dma_wait3A_708, %dma_wait3A_709, %dma_wait3A_710] : memref<3x100x128xf32, #tpu.memory_space<vmem>> -> memref<1x100x128xf32, #tpu.memory_space<vmem>>
      %dma_wait3A_712 = tpu.memref_squeeze %dma_wait3A_711 : memref<1x100x128xf32, #tpu.memory_space<vmem>> -> memref<100x128xf32, #tpu.memory_space<vmem>>
      %dma_wait3A_713 = arith.constant 0 : i32
      %dma_wait3A_714 = tpu.memref_slice %arg8[%add3A_707, %dma_wait3A_713] : memref<100x100xi32, #tpu.memory_space<vmem>> -> memref<1x100xi32, #tpu.memory_space<vmem>>
      %dma_wait3A_715 = tpu.memref_squeeze %dma_wait3A_714 : memref<1x100xi32, #tpu.memory_space<vmem>> -> memref<100xi32, #tpu.memory_space<vmem>>
      %dma_wait3A_716 = arith.constant 0 : i32
      %dma_wait3A_717 = arith.constant 0 : i32
      %dma_wait3A_718 = tpu.memref_slice %arg2[%dma_wait3A_716, %dma_wait3A_717] : memref<10000x128xf32, #tpu.memory_space<hbm>> -> memref<10000x128xf32, #tpu.memory_space<hbm>>
      tpu.wait_indirect_dma semaphore(%arg12 : memref<!tpu.dma_semaphore, #tpu.memory_space<semaphore_mem>>) src(%dma_wait3A_718 : memref<10000x128xf32, #tpu.memory_space<hbm>>) dst(%dma_wait3A_712 : memref<100x128xf32, #tpu.memory_space<vmem>>)
      %dma_wait3A_719 = arith.constant 0 : i32
      %dma_wait3A_720 = arith.constant 0 : i32
      %dma_wait3A_721 = tpu.memref_slice %arg9[%dma_wait3A_719, %dma_wait3A_720] : memref<2x100xi32, #tpu.memory_space<vmem>> -> memref<1x100xi32, #tpu.memory_space<vmem>>
      %dma_wait3A_722 = tpu.memref_squeeze %dma_wait3A_721 : memref<1x100xi32, #tpu.memory_space<vmem>> -> memref<100xi32, #tpu.memory_space<vmem>>
      %dma_wait3A_723 = arith.constant 0 : i32
      %dma_wait3A_724 = tpu.memref_slice %arg4[%add3A, %add3A_707, %dma_wait3A_723] : memref<32x100x100xi32, #tpu.memory_space<hbm>> -> memref<1x1x100xi32, #tpu.memory_space<hbm>>
      %dma_wait3A_725 = tpu.memref_squeeze %dma_wait3A_724 : memref<1x1x100xi32, #tpu.memory_space<hbm>> -> memref<100xi32, #tpu.memory_space<hbm>>
      %dma_wait3A_726 = arith.constant 0 : i32
      %dma_wait3A_727 = tpu.memref_slice %arg9[%dma_wait3A_719, %dma_wait3A_726] : memref<2x100xi32, #tpu.memory_space<vmem>> -> memref<1x100xi32, #tpu.memory_space<vmem>>
      %dma_wait3A_728 = tpu.memref_squeeze %dma_wait3A_727 : memref<1x100xi32, #tpu.memory_space<vmem>> -> memref<100xi32, #tpu.memory_space<vmem>>
      %dma_wait3A_729 = arith.constant 0 : i32
      %dma_wait3A_730 = tpu.memref_slice %arg4[%add3A, %add3A_707, %dma_wait3A_729] : memref<32x100x100xi32, #tpu.memory_space<hbm>> -> memref<1x1x100xi32, #tpu.memory_space<hbm>>
      %dma_wait3A_731 = tpu.memref_squeeze %dma_wait3A_730 : memref<1x1x100xi32, #tpu.memory_space<hbm>> -> memref<100xi32, #tpu.memory_space<hbm>>
      tpu.wait_dma2 semaphore(%arg15 : memref<!tpu.dma_semaphore, #tpu.memory_space<semaphore_mem>>) src(%dma_wait3A_731 : memref<100xi32, #tpu.memory_space<hbm>>) dst(%dma_wait3A_728 : memref<100xi32, #tpu.memory_space<vmem>>)
      %run_scoped3A_732 = arith.constant 0 : i32
      %run_scoped3A_733 = arith.constant 0 : i32
      "tpu.region"() ({
        %run_scoped3A_1042 = tpu.sem_alloc : memref<!tpu.dma_semaphore, #tpu.memory_space<semaphore_mem>>
        %dma_start3A_1043 = arith.constant 0 : i32
        %dma_start3A_1044 = arith.constant 0 : i32
        %dma_start3A_1045 = tpu.memref_slice %arg10[%run_scoped3A_732, %dma_start3A_1043, %dma_start3A_1044] : memref<3x100x128xf32, #tpu.memory_space<vmem>> -> memref<1x100x128xf32, #tpu.memory_space<vmem>>
        %dma_start3A_1046 = tpu.memref_squeeze %dma_start3A_1045 : memref<1x100x128xf32, #tpu.memory_space<vmem>> -> memref<100x128xf32, #tpu.memory_space<vmem>>
        %dma_start3A_1047 = arith.constant 0 : i32
        %dma_start3A_1048 = tpu.memref_slice %arg9[%run_scoped3A_733, %dma_start3A_1047] : memref<2x100xi32, #tpu.memory_space<vmem>> -> memref<1x100xi32, #tpu.memory_space<vmem>>
        %dma_start3A_1049 = tpu.memref_squeeze %dma_start3A_1048 : memref<1x100xi32, #tpu.memory_space<vmem>> -> memref<100xi32, #tpu.memory_space<vmem>>
        %dma_start3A_1050 = arith.constant 0 : i32
        %dma_start3A_1051 = arith.constant 0 : i32
        %dma_start3A_1052 = tpu.memref_slice %arg7[%dma_start3A_1050, %dma_start3A_1051] : memref<10000x128xf32, #tpu.memory_space<vmem_shared>> -> memref<10000x128xf32, #tpu.memory_space<vmem_shared>>
        tpu.enqueue_indirect_dma source(%dma_start3A_1046 : memref<100x128xf32, #tpu.memory_space<vmem>>) target(%dma_start3A_1052 : memref<10000x128xf32, #tpu.memory_space<vmem_shared>>) offsets(%dma_start3A_1049 : memref<100xi32, #tpu.memory_space<vmem>>) semaphore(%run_scoped3A_1042 : memref<!tpu.dma_semaphore, #tpu.memory_space<semaphore_mem>>) {add = true}
        %dma_wait3A_1053 = arith.constant 0 : i32
        %dma_wait3A_1054 = arith.constant 0 : i32
        %dma_wait3A_1055 = tpu.memref_slice %arg10[%run_scoped3A_732, %dma_wait3A_1053, %dma_wait3A_1054] : memref<3x100x128xf32, #tpu.memory_space<vmem>> -> memref<1x100x128xf32, #tpu.memory_space<vmem>>
        %dma_wait3A_1056 = tpu.memref_squeeze %dma_wait3A_1055 : memref<1x100x128xf32, #tpu.memory_space<vmem>> -> memref<100x128xf32, #tpu.memory_space<vmem>>
        %dma_wait3A_1057 = arith.constant 0 : i32
        %dma_wait3A_1058 = tpu.memref_slice %arg9[%run_scoped3A_733, %dma_wait3A_1057] : memref<2x100xi32, #tpu.memory_space<vmem>> -> memref<1x100xi32, #tpu.memory_space<vmem>>
        %dma_wait3A_1059 = tpu.memref_squeeze %dma_wait3A_1058 : memref<1x100xi32, #tpu.memory_space<vmem>> -> memref<100xi32, #tpu.memory_space<vmem>>
        %dma_wait3A_1060 = arith.constant 0 : i32
        %dma_wait3A_1061 = arith.constant 0 : i32
        %dma_wait3A_1062 = tpu.memref_slice %arg7[%dma_wait3A_1060, %dma_wait3A_1061] : memref<10000x128xf32, #tpu.memory_space<vmem_shared>> -> memref<10000x128xf32, #tpu.memory_space<vmem_shared>>
        tpu.wait_indirect_dma semaphore(%run_scoped3A_1042 : memref<!tpu.dma_semaphore, #tpu.memory_space<semaphore_mem>>) src(%dma_wait3A_1056 : memref<100x128xf32, #tpu.memory_space<vmem>>) dst(%dma_wait3A_1062 : memref<10000x128xf32, #tpu.memory_space<vmem_shared>>)
        tpu.yield
      }) : () -> ()
      %add3A_734 = arith.constant 2 : i32
      %add3A_735 = arith.addi %add3A_707, %add3A_734 : i32
      %dma_start3A_736 = arith.constant 0 : i32
      %dma_start3A_737 = arith.constant 0 : i32
      %dma_start3A_738 = tpu.memref_slice %arg9[%dma_start3A_736, %dma_start3A_737] : memref<2x100xi32, #tpu.memory_space<vmem>> -> memref<1x100xi32, #tpu.memory_space<vmem>>
      %dma_start3A_739 = tpu.memref_squeeze %dma_start3A_738 : memref<1x100xi32, #tpu.memory_space<vmem>> -> memref<100xi32, #tpu.memory_space<vmem>>
      %dma_start3A_740 = arith.constant 0 : i32
      %dma_start3A_741 = tpu.memref_slice %arg4[%add3A, %add3A_735, %dma_start3A_740] : memref<32x100x100xi32, #tpu.memory_space<hbm>> -> memref<1x1x100xi32, #tpu.memory_space<hbm>>
      %dma_start3A_742 = tpu.memref_squeeze %dma_start3A_741 : memref<1x1x100xi32, #tpu.memory_space<hbm>> -> memref<100xi32, #tpu.memory_space<hbm>>
      %dma_start3A_743 = arith.constant 0 : i32
      %dma_start3A_744 = tpu.memref_slice %arg9[%dma_start3A_736, %dma_start3A_743] : memref<2x100xi32, #tpu.memory_space<vmem>> -> memref<1x100xi32, #tpu.memory_space<vmem>>
      %dma_start3A_745 = tpu.memref_squeeze %dma_start3A_744 : memref<1x100xi32, #tpu.memory_space<vmem>> -> memref<100xi32, #tpu.memory_space<vmem>>
      %dma_start3A_746 = arith.constant 0 : i32
      %dma_start3A_747 = tpu.memref_slice %arg4[%add3A, %add3A_735, %dma_start3A_746] : memref<32x100x100xi32, #tpu.memory_space<hbm>> -> memref<1x1x100xi32, #tpu.memory_space<hbm>>
      %dma_start3A_748 = tpu.memref_squeeze %dma_start3A_747 : memref<1x1x100xi32, #tpu.memory_space<hbm>> -> memref<100xi32, #tpu.memory_space<hbm>>
      tpu.enqueue_dma source(%dma_start3A_748 : memref<100xi32, #tpu.memory_space<hbm>>) target(%dma_start3A_745 : memref<100xi32, #tpu.memory_space<vmem>>) target_semaphore(%arg15 : memref<!tpu.dma_semaphore, #tpu.memory_space<semaphore_mem>>)
      %add3A_749 = arith.constant 3 : i32
      %add3A_750 = arith.addi %add3A_707, %add3A_749 : i32
      %dma_start3A_751 = arith.constant 0 : i32
      %dma_start3A_752 = arith.constant 0 : i32
      %dma_start3A_753 = arith.constant 0 : i32
      %dma_start3A_754 = tpu.memref_slice %arg10[%dma_start3A_751, %dma_start3A_752, %dma_start3A_753] : memref<3x100x128xf32, #tpu.memory_space<vmem>> -> memref<1x100x128xf32, #tpu.memory_space<vmem>>
      %dma_start3A_755 = tpu.memref_squeeze %dma_start3A_754 : memref<1x100x128xf32, #tpu.memory_space<vmem>> -> memref<100x128xf32, #tpu.memory_space<vmem>>
      %dma_start3A_756 = arith.constant 0 : i32
      %dma_start3A_757 = tpu.memref_slice %arg8[%add3A_750, %dma_start3A_756] : memref<100x100xi32, #tpu.memory_space<vmem>> -> memref<1x100xi32, #tpu.memory_space<vmem>>
      %dma_start3A_758 = tpu.memref_squeeze %dma_start3A_757 : memref<1x100xi32, #tpu.memory_space<vmem>> -> memref<100xi32, #tpu.memory_space<vmem>>
      %dma_start3A_759 = arith.constant 0 : i32
      %dma_start3A_760 = arith.constant 0 : i32
      %dma_start3A_761 = tpu.memref_slice %arg2[%dma_start3A_759, %dma_start3A_760] : memref<10000x128xf32, #tpu.memory_space<hbm>> -> memref<10000x128xf32, #tpu.memory_space<hbm>>
      tpu.enqueue_indirect_dma source(%dma_start3A_761 : memref<10000x128xf32, #tpu.memory_space<hbm>>) target(%dma_start3A_755 : memref<100x128xf32, #tpu.memory_space<vmem>>) offsets(%dma_start3A_758 : memref<100xi32, #tpu.memory_space<vmem>>) semaphore(%arg12 : memref<!tpu.dma_semaphore, #tpu.memory_space<semaphore_mem>>)
      %add3A_762 = arith.constant 1 : i32
      %add3A_763 = arith.addi %add3A_705, %add3A_762 : i32
      %dma_wait3A_764 = arith.constant 1 : i32
      %dma_wait3A_765 = arith.constant 0 : i32
      %dma_wait3A_766 = arith.constant 0 : i32
      %dma_wait3A_767 = tpu.memref_slice %arg10[%dma_wait3A_764, %dma_wait3A_765, %dma_wait3A_766] : memref<3x100x128xf32, #tpu.memory_space<vmem>> -> memref<1x100x128xf32, #tpu.memory_space<vmem>>
      %dma_wait3A_768 = tpu.memref_squeeze %dma_wait3A_767 : memref<1x100x128xf32, #tpu.memory_space<vmem>> -> memref<100x128xf32, #tpu.memory_space<vmem>>
      %dma_wait3A_769 = arith.constant 0 : i32
      %dma_wait3A_770 = tpu.memref_slice %arg8[%add3A_763, %dma_wait3A_769] : memref<100x100xi32, #tpu.memory_space<vmem>> -> memref<1x100xi32, #tpu.memory_space<vmem>>
      %dma_wait3A_771 = tpu.memref_squeeze %dma_wait3A_770 : memref<1x100xi32, #tpu.memory_space<vmem>> -> memref<100xi32, #tpu.memory_space<vmem>>
      %dma_wait3A_772 = arith.constant 0 : i32
      %dma_wait3A_773 = arith.constant 0 : i32
      %dma_wait3A_774 = tpu.memref_slice %arg2[%dma_wait3A_772, %dma_wait3A_773] : memref<10000x128xf32, #tpu.memory_space<hbm>> -> memref<10000x128xf32, #tpu.memory_space<hbm>>
      tpu.wait_indirect_dma semaphore(%arg13 : memref<!tpu.dma_semaphore, #tpu.memory_space<semaphore_mem>>) src(%dma_wait3A_774 : memref<10000x128xf32, #tpu.memory_space<hbm>>) dst(%dma_wait3A_768 : memref<100x128xf32, #tpu.memory_space<vmem>>)
      %dma_wait3A_775 = arith.constant 1 : i32
      %dma_wait3A_776 = arith.constant 0 : i32
      %dma_wait3A_777 = tpu.memref_slice %arg9[%dma_wait3A_775, %dma_wait3A_776] : memref<2x100xi32, #tpu.memory_space<vmem>> -> memref<1x100xi32, #tpu.memory_space<vmem>>
      %dma_wait3A_778 = tpu.memref_squeeze %dma_wait3A_777 : memref<1x100xi32, #tpu.memory_space<vmem>> -> memref<100xi32, #tpu.memory_space<vmem>>
      %dma_wait3A_779 = arith.constant 0 : i32
      %dma_wait3A_780 = tpu.memref_slice %arg4[%add3A, %add3A_763, %dma_wait3A_779] : memref<32x100x100xi32, #tpu.memory_space<hbm>> -> memref<1x1x100xi32, #tpu.memory_space<hbm>>
      %dma_wait3A_781 = tpu.memref_squeeze %dma_wait3A_780 : memref<1x1x100xi32, #tpu.memory_space<hbm>> -> memref<100xi32, #tpu.memory_space<hbm>>
      %dma_wait3A_782 = arith.constant 0 : i32
      %dma_wait3A_783 = tpu.memref_slice %arg9[%dma_wait3A_775, %dma_wait3A_782] : memref<2x100xi32, #tpu.memory_space<vmem>> -> memref<1x100xi32, #tpu.memory_space<vmem>>
      %dma_wait3A_784 = tpu.memref_squeeze %dma_wait3A_783 : memref<1x100xi32, #tpu.memory_space<vmem>> -> memref<100xi32, #tpu.memory_space<vmem>>
      %dma_wait3A_785 = arith.constant 0 : i32
      %dma_wait3A_786 = tpu.memref_slice %arg4[%add3A, %add3A_763, %dma_wait3A_785] : memref<32x100x100xi32, #tpu.memory_space<hbm>> -> memref<1x1x100xi32, #tpu.memory_space<hbm>>
      %dma_wait3A_787 = tpu.memref_squeeze %dma_wait3A_786 : memref<1x1x100xi32, #tpu.memory_space<hbm>> -> memref<100xi32, #tpu.memory_space<hbm>>
      tpu.wait_dma2 semaphore(%arg16 : memref<!tpu.dma_semaphore, #tpu.memory_space<semaphore_mem>>) src(%dma_wait3A_787 : memref<100xi32, #tpu.memory_space<hbm>>) dst(%dma_wait3A_784 : memref<100xi32, #tpu.memory_space<vmem>>)
      %run_scoped3A_788 = arith.constant 1 : i32
      %run_scoped3A_789 = arith.constant 1 : i32
      "tpu.region"() ({
        %run_scoped3A_1042 = tpu.sem_alloc : memref<!tpu.dma_semaphore, #tpu.memory_space<semaphore_mem>>
        %dma_start3A_1043 = arith.constant 0 : i32
        %dma_start3A_1044 = arith.constant 0 : i32
        %dma_start3A_1045 = tpu.memref_slice %arg10[%run_scoped3A_788, %dma_start3A_1043, %dma_start3A_1044] : memref<3x100x128xf32, #tpu.memory_space<vmem>> -> memref<1x100x128xf32, #tpu.memory_space<vmem>>
        %dma_start3A_1046 = tpu.memref_squeeze %dma_start3A_1045 : memref<1x100x128xf32, #tpu.memory_space<vmem>> -> memref<100x128xf32, #tpu.memory_space<vmem>>
        %dma_start3A_1047 = arith.constant 0 : i32
        %dma_start3A_1048 = tpu.memref_slice %arg9[%run_scoped3A_789, %dma_start3A_1047] : memref<2x100xi32, #tpu.memory_space<vmem>> -> memref<1x100xi32, #tpu.memory_space<vmem>>
        %dma_start3A_1049 = tpu.memref_squeeze %dma_start3A_1048 : memref<1x100xi32, #tpu.memory_space<vmem>> -> memref<100xi32, #tpu.memory_space<vmem>>
        %dma_start3A_1050 = arith.constant 0 : i32
        %dma_start3A_1051 = arith.constant 0 : i32
        %dma_start3A_1052 = tpu.memref_slice %arg7[%dma_start3A_1050, %dma_start3A_1051] : memref<10000x128xf32, #tpu.memory_space<vmem_shared>> -> memref<10000x128xf32, #tpu.memory_space<vmem_shared>>
        tpu.enqueue_indirect_dma source(%dma_start3A_1046 : memref<100x128xf32, #tpu.memory_space<vmem>>) target(%dma_start3A_1052 : memref<10000x128xf32, #tpu.memory_space<vmem_shared>>) offsets(%dma_start3A_1049 : memref<100xi32, #tpu.memory_space<vmem>>) semaphore(%run_scoped3A_1042 : memref<!tpu.dma_semaphore, #tpu.memory_space<semaphore_mem>>) {add = true}
        %dma_wait3A_1053 = arith.constant 0 : i32
        %dma_wait3A_1054 = arith.constant 0 : i32
        %dma_wait3A_1055 = tpu.memref_slice %arg10[%run_scoped3A_788, %dma_wait3A_1053, %dma_wait3A_1054] : memref<3x100x128xf32, #tpu.memory_space<vmem>> -> memref<1x100x128xf32, #tpu.memory_space<vmem>>
        %dma_wait3A_1056 = tpu.memref_squeeze %dma_wait3A_1055 : memref<1x100x128xf32, #tpu.memory_space<vmem>> -> memref<100x128xf32, #tpu.memory_space<vmem>>
        %dma_wait3A_1057 = arith.constant 0 : i32
        %dma_wait3A_1058 = tpu.memref_slice %arg9[%run_scoped3A_789, %dma_wait3A_1057] : memref<2x100xi32, #tpu.memory_space<vmem>> -> memref<1x100xi32, #tpu.memory_space<vmem>>
        %dma_wait3A_1059 = tpu.memref_squeeze %dma_wait3A_1058 : memref<1x100xi32, #tpu.memory_space<vmem>> -> memref<100xi32, #tpu.memory_space<vmem>>
        %dma_wait3A_1060 = arith.constant 0 : i32
        %dma_wait3A_1061 = arith.constant 0 : i32
        %dma_wait3A_1062 = tpu.memref_slice %arg7[%dma_wait3A_1060, %dma_wait3A_1061] : memref<10000x128xf32, #tpu.memory_space<vmem_shared>> -> memref<10000x128xf32, #tpu.memory_space<vmem_shared>>
        tpu.wait_indirect_dma semaphore(%run_scoped3A_1042 : memref<!tpu.dma_semaphore, #tpu.memory_space<semaphore_mem>>) src(%dma_wait3A_1056 : memref<100x128xf32, #tpu.memory_space<vmem>>) dst(%dma_wait3A_1062 : memref<10000x128xf32, #tpu.memory_space<vmem_shared>>)
        tpu.yield
      }) : () -> ()
      %add3A_790 = arith.constant 2 : i32
      %add3A_791 = arith.addi %add3A_763, %add3A_790 : i32
      %dma_start3A_792 = arith.constant 1 : i32
      %dma_start3A_793 = arith.constant 0 : i32
      %dma_start3A_794 = tpu.memref_slice %arg9[%dma_start3A_792, %dma_start3A_793] : memref<2x100xi32, #tpu.memory_space<vmem>> -> memref<1x100xi32, #tpu.memory_space<vmem>>
      %dma_start3A_795 = tpu.memref_squeeze %dma_start3A_794 : memref<1x100xi32, #tpu.memory_space<vmem>> -> memref<100xi32, #tpu.memory_space<vmem>>
      %dma_start3A_796 = arith.constant 0 : i32
      %dma_start3A_797 = tpu.memref_slice %arg4[%add3A, %add3A_791, %dma_start3A_796] : memref<32x100x100xi32, #tpu.memory_space<hbm>> -> memref<1x1x100xi32, #tpu.memory_space<hbm>>
      %dma_start3A_798 = tpu.memref_squeeze %dma_start3A_797 : memref<1x1x100xi32, #tpu.memory_space<hbm>> -> memref<100xi32, #tpu.memory_space<hbm>>
      %dma_start3A_799 = arith.constant 0 : i32
      %dma_start3A_800 = tpu.memref_slice %arg9[%dma_start3A_792, %dma_start3A_799] : memref<2x100xi32, #tpu.memory_space<vmem>> -> memref<1x100xi32, #tpu.memory_space<vmem>>
      %dma_start3A_801 = tpu.memref_squeeze %dma_start3A_800 : memref<1x100xi32, #tpu.memory_space<vmem>> -> memref<100xi32, #tpu.memory_space<vmem>>
      %dma_start3A_802 = arith.constant 0 : i32
      %dma_start3A_803 = tpu.memref_slice %arg4[%add3A, %add3A_791, %dma_start3A_802] : memref<32x100x100xi32, #tpu.memory_space<hbm>> -> memref<1x1x100xi32, #tpu.memory_space<hbm>>
      %dma_start3A_804 = tpu.memref_squeeze %dma_start3A_803 : memref<1x1x100xi32, #tpu.memory_space<hbm>> -> memref<100xi32, #tpu.memory_space<hbm>>
      tpu.enqueue_dma source(%dma_start3A_804 : memref<100xi32, #tpu.memory_space<hbm>>) target(%dma_start3A_801 : memref<100xi32, #tpu.memory_space<vmem>>) target_semaphore(%arg16 : memref<!tpu.dma_semaphore, #tpu.memory_space<semaphore_mem>>)
      %add3A_805 = arith.constant 3 : i32
      %add3A_806 = arith.addi %add3A_763, %add3A_805 : i32
      %dma_start3A_807 = arith.constant 1 : i32
      %dma_start3A_808 = arith.constant 0 : i32
      %dma_start3A_809 = arith.constant 0 : i32
      %dma_start3A_810 = tpu.memref_slice %arg10[%dma_start3A_807, %dma_start3A_808, %dma_start3A_809] : memref<3x100x128xf32, #tpu.memory_space<vmem>> -> memref<1x100x128xf32, #tpu.memory_space<vmem>>
      %dma_start3A_811 = tpu.memref_squeeze %dma_start3A_810 : memref<1x100x128xf32, #tpu.memory_space<vmem>> -> memref<100x128xf32, #tpu.memory_space<vmem>>
      %dma_start3A_812 = arith.constant 0 : i32
      %dma_start3A_813 = tpu.memref_slice %arg8[%add3A_806, %dma_start3A_812] : memref<100x100xi32, #tpu.memory_space<vmem>> -> memref<1x100xi32, #tpu.memory_space<vmem>>
      %dma_start3A_814 = tpu.memref_squeeze %dma_start3A_813 : memref<1x100xi32, #tpu.memory_space<vmem>> -> memref<100xi32, #tpu.memory_space<vmem>>
      %dma_start3A_815 = arith.constant 0 : i32
      %dma_start3A_816 = arith.constant 0 : i32
      %dma_start3A_817 = tpu.memref_slice %arg2[%dma_start3A_815, %dma_start3A_816] : memref<10000x128xf32, #tpu.memory_space<hbm>> -> memref<10000x128xf32, #tpu.memory_space<hbm>>
      tpu.enqueue_indirect_dma source(%dma_start3A_817 : memref<10000x128xf32, #tpu.memory_space<hbm>>) target(%dma_start3A_811 : memref<100x128xf32, #tpu.memory_space<vmem>>) offsets(%dma_start3A_814 : memref<100xi32, #tpu.memory_space<vmem>>) semaphore(%arg13 : memref<!tpu.dma_semaphore, #tpu.memory_space<semaphore_mem>>)
      %add3A_818 = arith.constant 2 : i32
      %add3A_819 = arith.addi %add3A_705, %add3A_818 : i32
      %dma_wait3A_820 = arith.constant 2 : i32
      %dma_wait3A_821 = arith.constant 0 : i32
      %dma_wait3A_822 = arith.constant 0 : i32
      %dma_wait3A_823 = tpu.memref_slice %arg10[%dma_wait3A_820, %dma_wait3A_821, %dma_wait3A_822] : memref<3x100x128xf32, #tpu.memory_space<vmem>> -> memref<1x100x128xf32, #tpu.memory_space<vmem>>
      %dma_wait3A_824 = tpu.memref_squeeze %dma_wait3A_823 : memref<1x100x128xf32, #tpu.memory_space<vmem>> -> memref<100x128xf32, #tpu.memory_space<vmem>>
      %dma_wait3A_825 = arith.constant 0 : i32
      %dma_wait3A_826 = tpu.memref_slice %arg8[%add3A_819, %dma_wait3A_825] : memref<100x100xi32, #tpu.memory_space<vmem>> -> memref<1x100xi32, #tpu.memory_space<vmem>>
      %dma_wait3A_827 = tpu.memref_squeeze %dma_wait3A_826 : memref<1x100xi32, #tpu.memory_space<vmem>> -> memref<100xi32, #tpu.memory_space<vmem>>
      %dma_wait3A_828 = arith.constant 0 : i32
      %dma_wait3A_829 = arith.constant 0 : i32
      %dma_wait3A_830 = tpu.memref_slice %arg2[%dma_wait3A_828, %dma_wait3A_829] : memref<10000x128xf32, #tpu.memory_space<hbm>> -> memref<10000x128xf32, #tpu.memory_space<hbm>>
      tpu.wait_indirect_dma semaphore(%arg14 : memref<!tpu.dma_semaphore, #tpu.memory_space<semaphore_mem>>) src(%dma_wait3A_830 : memref<10000x128xf32, #tpu.memory_space<hbm>>) dst(%dma_wait3A_824 : memref<100x128xf32, #tpu.memory_space<vmem>>)
      %dma_wait3A_831 = arith.constant 0 : i32
      %dma_wait3A_832 = arith.constant 0 : i32
      %dma_wait3A_833 = tpu.memref_slice %arg9[%dma_wait3A_831, %dma_wait3A_832] : memref<2x100xi32, #tpu.memory_space<vmem>> -> memref<1x100xi32, #tpu.memory_space<vmem>>
      %dma_wait3A_834 = tpu.memref_squeeze %dma_wait3A_833 : memref<1x100xi32, #tpu.memory_space<vmem>> -> memref<100xi32, #tpu.memory_space<vmem>>
      %dma_wait3A_835 = arith.constant 0 : i32
      %dma_wait3A_836 = tpu.memref_slice %arg4[%add3A, %add3A_819, %dma_wait3A_835] : memref<32x100x100xi32, #tpu.memory_space<hbm>> -> memref<1x1x100xi32, #tpu.memory_space<hbm>>
      %dma_wait3A_837 = tpu.memref_squeeze %dma_wait3A_836 : memref<1x1x100xi32, #tpu.memory_space<hbm>> -> memref<100xi32, #tpu.memory_space<hbm>>
      %dma_wait3A_838 = arith.constant 0 : i32
      %dma_wait3A_839 = tpu.memref_slice %arg9[%dma_wait3A_831, %dma_wait3A_838] : memref<2x100xi32, #tpu.memory_space<vmem>> -> memref<1x100xi32, #tpu.memory_space<vmem>>
      %dma_wait3A_840 = tpu.memref_squeeze %dma_wait3A_839 : memref<1x100xi32, #tpu.memory_space<vmem>> -> memref<100xi32, #tpu.memory_space<vmem>>
      %dma_wait3A_841 = arith.constant 0 : i32
      %dma_wait3A_842 = tpu.memref_slice %arg4[%add3A, %add3A_819, %dma_wait3A_841] : memref<32x100x100xi32, #tpu.memory_space<hbm>> -> memref<1x1x100xi32, #tpu.memory_space<hbm>>
      %dma_wait3A_843 = tpu.memref_squeeze %dma_wait3A_842 : memref<1x1x100xi32, #tpu.memory_space<hbm>> -> memref<100xi32, #tpu.memory_space<hbm>>
      tpu.wait_dma2 semaphore(%arg15 : memref<!tpu.dma_semaphore, #tpu.memory_space<semaphore_mem>>) src(%dma_wait3A_843 : memref<100xi32, #tpu.memory_space<hbm>>) dst(%dma_wait3A_840 : memref<100xi32, #tpu.memory_space<vmem>>)
      %run_scoped3A_844 = arith.constant 2 : i32
      %run_scoped3A_845 = arith.constant 0 : i32
      "tpu.region"() ({
        %run_scoped3A_1042 = tpu.sem_alloc : memref<!tpu.dma_semaphore, #tpu.memory_space<semaphore_mem>>
        %dma_start3A_1043 = arith.constant 0 : i32
        %dma_start3A_1044 = arith.constant 0 : i32
        %dma_start3A_1045 = tpu.memref_slice %arg10[%run_scoped3A_844, %dma_start3A_1043, %dma_start3A_1044] : memref<3x100x128xf32, #tpu.memory_space<vmem>> -> memref<1x100x128xf32, #tpu.memory_space<vmem>>
        %dma_start3A_1046 = tpu.memref_squeeze %dma_start3A_1045 : memref<1x100x128xf32, #tpu.memory_space<vmem>> -> memref<100x128xf32, #tpu.memory_space<vmem>>
        %dma_start3A_1047 = arith.constant 0 : i32
        %dma_start3A_1048 = tpu.memref_slice %arg9[%run_scoped3A_845, %dma_start3A_1047] : memref<2x100xi32, #tpu.memory_space<vmem>> -> memref<1x100xi32, #tpu.memory_space<vmem>>
        %dma_start3A_1049 = tpu.memref_squeeze %dma_start3A_1048 : memref<1x100xi32, #tpu.memory_space<vmem>> -> memref<100xi32, #tpu.memory_space<vmem>>
        %dma_start3A_1050 = arith.constant 0 : i32
        %dma_start3A_1051 = arith.constant 0 : i32
        %dma_start3A_1052 = tpu.memref_slice %arg7[%dma_start3A_1050, %dma_start3A_1051] : memref<10000x128xf32, #tpu.memory_space<vmem_shared>> -> memref<10000x128xf32, #tpu.memory_space<vmem_shared>>
        tpu.enqueue_indirect_dma source(%dma_start3A_1046 : memref<100x128xf32, #tpu.memory_space<vmem>>) target(%dma_start3A_1052 : memref<10000x128xf32, #tpu.memory_space<vmem_shared>>) offsets(%dma_start3A_1049 : memref<100xi32, #tpu.memory_space<vmem>>) semaphore(%run_scoped3A_1042 : memref<!tpu.dma_semaphore, #tpu.memory_space<semaphore_mem>>) {add = true}
        %dma_wait3A_1053 = arith.constant 0 : i32
        %dma_wait3A_1054 = arith.constant 0 : i32
        %dma_wait3A_1055 = tpu.memref_slice %arg10[%run_scoped3A_844, %dma_wait3A_1053, %dma_wait3A_1054] : memref<3x100x128xf32, #tpu.memory_space<vmem>> -> memref<1x100x128xf32, #tpu.memory_space<vmem>>
        %dma_wait3A_1056 = tpu.memref_squeeze %dma_wait3A_1055 : memref<1x100x128xf32, #tpu.memory_space<vmem>> -> memref<100x128xf32, #tpu.memory_space<vmem>>
        %dma_wait3A_1057 = arith.constant 0 : i32
        %dma_wait3A_1058 = tpu.memref_slice %arg9[%run_scoped3A_845, %dma_wait3A_1057] : memref<2x100xi32, #tpu.memory_space<vmem>> -> memref<1x100xi32, #tpu.memory_space<vmem>>
        %dma_wait3A_1059 = tpu.memref_squeeze %dma_wait3A_1058 : memref<1x100xi32, #tpu.memory_space<vmem>> -> memref<100xi32, #tpu.memory_space<vmem>>
        %dma_wait3A_1060 = arith.constant 0 : i32
        %dma_wait3A_1061 = arith.constant 0 : i32
        %dma_wait3A_1062 = tpu.memref_slice %arg7[%dma_wait3A_1060, %dma_wait3A_1061] : memref<10000x128xf32, #tpu.memory_space<vmem_shared>> -> memref<10000x128xf32, #tpu.memory_space<vmem_shared>>
        tpu.wait_indirect_dma semaphore(%run_scoped3A_1042 : memref<!tpu.dma_semaphore, #tpu.memory_space<semaphore_mem>>) src(%dma_wait3A_1056 : memref<100x128xf32, #tpu.memory_space<vmem>>) dst(%dma_wait3A_1062 : memref<10000x128xf32, #tpu.memory_space<vmem_shared>>)
        tpu.yield
      }) : () -> ()
      %add3A_846 = arith.constant 2 : i32
      %add3A_847 = arith.addi %add3A_819, %add3A_846 : i32
      %dma_start3A_848 = arith.constant 0 : i32
      %dma_start3A_849 = arith.constant 0 : i32
      %dma_start3A_850 = tpu.memref_slice %arg9[%dma_start3A_848, %dma_start3A_849] : memref<2x100xi32, #tpu.memory_space<vmem>> -> memref<1x100xi32, #tpu.memory_space<vmem>>
      %dma_start3A_851 = tpu.memref_squeeze %dma_start3A_850 : memref<1x100xi32, #tpu.memory_space<vmem>> -> memref<100xi32, #tpu.memory_space<vmem>>
      %dma_start3A_852 = arith.constant 0 : i32
      %dma_start3A_853 = tpu.memref_slice %arg4[%add3A, %add3A_847, %dma_start3A_852] : memref<32x100x100xi32, #tpu.memory_space<hbm>> -> memref<1x1x100xi32, #tpu.memory_space<hbm>>
      %dma_start3A_854 = tpu.memref_squeeze %dma_start3A_853 : memref<1x1x100xi32, #tpu.memory_space<hbm>> -> memref<100xi32, #tpu.memory_space<hbm>>
      %dma_start3A_855 = arith.constant 0 : i32
      %dma_start3A_856 = tpu.memref_slice %arg9[%dma_start3A_848, %dma_start3A_855] : memref<2x100xi32, #tpu.memory_space<vmem>> -> memref<1x100xi32, #tpu.memory_space<vmem>>
      %dma_start3A_857 = tpu.memref_squeeze %dma_start3A_856 : memref<1x100xi32, #tpu.memory_space<vmem>> -> memref<100xi32, #tpu.memory_space<vmem>>
      %dma_start3A_858 = arith.constant 0 : i32
      %dma_start3A_859 = tpu.memref_slice %arg4[%add3A, %add3A_847, %dma_start3A_858] : memref<32x100x100xi32, #tpu.memory_space<hbm>> -> memref<1x1x100xi32, #tpu.memory_space<hbm>>
      %dma_start3A_860 = tpu.memref_squeeze %dma_start3A_859 : memref<1x1x100xi32, #tpu.memory_space<hbm>> -> memref<100xi32, #tpu.memory_space<hbm>>
      tpu.enqueue_dma source(%dma_start3A_860 : memref<100xi32, #tpu.memory_space<hbm>>) target(%dma_start3A_857 : memref<100xi32, #tpu.memory_space<vmem>>) target_semaphore(%arg15 : memref<!tpu.dma_semaphore, #tpu.memory_space<semaphore_mem>>)
      %add3A_861 = arith.constant 3 : i32
      %add3A_862 = arith.addi %add3A_819, %add3A_861 : i32
      %dma_start3A_863 = arith.constant 2 : i32
      %dma_start3A_864 = arith.constant 0 : i32
      %dma_start3A_865 = arith.constant 0 : i32
      %dma_start3A_866 = tpu.memref_slice %arg10[%dma_start3A_863, %dma_start3A_864, %dma_start3A_865] : memref<3x100x128xf32, #tpu.memory_space<vmem>> -> memref<1x100x128xf32, #tpu.memory_space<vmem>>
      %dma_start3A_867 = tpu.memref_squeeze %dma_start3A_866 : memref<1x100x128xf32, #tpu.memory_space<vmem>> -> memref<100x128xf32, #tpu.memory_space<vmem>>
      %dma_start3A_868 = arith.constant 0 : i32
      %dma_start3A_869 = tpu.memref_slice %arg8[%add3A_862, %dma_start3A_868] : memref<100x100xi32, #tpu.memory_space<vmem>> -> memref<1x100xi32, #tpu.memory_space<vmem>>
      %dma_start3A_870 = tpu.memref_squeeze %dma_start3A_869 : memref<1x100xi32, #tpu.memory_space<vmem>> -> memref<100xi32, #tpu.memory_space<vmem>>
      %dma_start3A_871 = arith.constant 0 : i32
      %dma_start3A_872 = arith.constant 0 : i32
      %dma_start3A_873 = tpu.memref_slice %arg2[%dma_start3A_871, %dma_start3A_872] : memref<10000x128xf32, #tpu.memory_space<hbm>> -> memref<10000x128xf32, #tpu.memory_space<hbm>>
      tpu.enqueue_indirect_dma source(%dma_start3A_873 : memref<10000x128xf32, #tpu.memory_space<hbm>>) target(%dma_start3A_867 : memref<100x128xf32, #tpu.memory_space<vmem>>) offsets(%dma_start3A_870 : memref<100xi32, #tpu.memory_space<vmem>>) semaphore(%arg14 : memref<!tpu.dma_semaphore, #tpu.memory_space<semaphore_mem>>)
      %add3A_874 = arith.constant 3 : i32
      %add3A_875 = arith.addi %add3A_705, %add3A_874 : i32
      %dma_wait3A_876 = arith.constant 0 : i32
      %dma_wait3A_877 = arith.constant 0 : i32
      %dma_wait3A_878 = arith.constant 0 : i32
      %dma_wait3A_879 = tpu.memref_slice %arg10[%dma_wait3A_876, %dma_wait3A_877, %dma_wait3A_878] : memref<3x100x128xf32, #tpu.memory_space<vmem>> -> memref<1x100x128xf32, #tpu.memory_space<vmem>>
      %dma_wait3A_880 = tpu.memref_squeeze %dma_wait3A_879 : memref<1x100x128xf32, #tpu.memory_space<vmem>> -> memref<100x128xf32, #tpu.memory_space<vmem>>
      %dma_wait3A_881 = arith.constant 0 : i32
      %dma_wait3A_882 = tpu.memref_slice %arg8[%add3A_875, %dma_wait3A_881] : memref<100x100xi32, #tpu.memory_space<vmem>> -> memref<1x100xi32, #tpu.memory_space<vmem>>
      %dma_wait3A_883 = tpu.memref_squeeze %dma_wait3A_882 : memref<1x100xi32, #tpu.memory_space<vmem>> -> memref<100xi32, #tpu.memory_space<vmem>>
      %dma_wait3A_884 = arith.constant 0 : i32
      %dma_wait3A_885 = arith.constant 0 : i32
      %dma_wait3A_886 = tpu.memref_slice %arg2[%dma_wait3A_884, %dma_wait3A_885] : memref<10000x128xf32, #tpu.memory_space<hbm>> -> memref<10000x128xf32, #tpu.memory_space<hbm>>
      tpu.wait_indirect_dma semaphore(%arg12 : memref<!tpu.dma_semaphore, #tpu.memory_space<semaphore_mem>>) src(%dma_wait3A_886 : memref<10000x128xf32, #tpu.memory_space<hbm>>) dst(%dma_wait3A_880 : memref<100x128xf32, #tpu.memory_space<vmem>>)
      %dma_wait3A_887 = arith.constant 1 : i32
      %dma_wait3A_888 = arith.constant 0 : i32
      %dma_wait3A_889 = tpu.memref_slice %arg9[%dma_wait3A_887, %dma_wait3A_888] : memref<2x100xi32, #tpu.memory_space<vmem>> -> memref<1x100xi32, #tpu.memory_space<vmem>>
      %dma_wait3A_890 = tpu.memref_squeeze %dma_wait3A_889 : memref<1x100xi32, #tpu.memory_space<vmem>> -> memref<100xi32, #tpu.memory_space<vmem>>
      %dma_wait3A_891 = arith.constant 0 : i32
      %dma_wait3A_892 = tpu.memref_slice %arg4[%add3A, %add3A_875, %dma_wait3A_891] : memref<32x100x100xi32, #tpu.memory_space<hbm>> -> memref<1x1x100xi32, #tpu.memory_space<hbm>>
      %dma_wait3A_893 = tpu.memref_squeeze %dma_wait3A_892 : memref<1x1x100xi32, #tpu.memory_space<hbm>> -> memref<100xi32, #tpu.memory_space<hbm>>
      %dma_wait3A_894 = arith.constant 0 : i32
      %dma_wait3A_895 = tpu.memref_slice %arg9[%dma_wait3A_887, %dma_wait3A_894] : memref<2x100xi32, #tpu.memory_space<vmem>> -> memref<1x100xi32, #tpu.memory_space<vmem>>
      %dma_wait3A_896 = tpu.memref_squeeze %dma_wait3A_895 : memref<1x100xi32, #tpu.memory_space<vmem>> -> memref<100xi32, #tpu.memory_space<vmem>>
      %dma_wait3A_897 = arith.constant 0 : i32
      %dma_wait3A_898 = tpu.memref_slice %arg4[%add3A, %add3A_875, %dma_wait3A_897] : memref<32x100x100xi32, #tpu.memory_space<hbm>> -> memref<1x1x100xi32, #tpu.memory_space<hbm>>
      %dma_wait3A_899 = tpu.memref_squeeze %dma_wait3A_898 : memref<1x1x100xi32, #tpu.memory_space<hbm>> -> memref<100xi32, #tpu.memory_space<hbm>>
      tpu.wait_dma2 semaphore(%arg16 : memref<!tpu.dma_semaphore, #tpu.memory_space<semaphore_mem>>) src(%dma_wait3A_899 : memref<100xi32, #tpu.memory_space<hbm>>) dst(%dma_wait3A_896 : memref<100xi32, #tpu.memory_space<vmem>>)
      %run_scoped3A_900 = arith.constant 0 : i32
      %run_scoped3A_901 = arith.constant 1 : i32
      "tpu.region"() ({
        %run_scoped3A_1042 = tpu.sem_alloc : memref<!tpu.dma_semaphore, #tpu.memory_space<semaphore_mem>>
        %dma_start3A_1043 = arith.constant 0 : i32
        %dma_start3A_1044 = arith.constant 0 : i32
        %dma_start3A_1045 = tpu.memref_slice %arg10[%run_scoped3A_900, %dma_start3A_1043, %dma_start3A_1044] : memref<3x100x128xf32, #tpu.memory_space<vmem>> -> memref<1x100x128xf32, #tpu.memory_space<vmem>>
        %dma_start3A_1046 = tpu.memref_squeeze %dma_start3A_1045 : memref<1x100x128xf32, #tpu.memory_space<vmem>> -> memref<100x128xf32, #tpu.memory_space<vmem>>
        %dma_start3A_1047 = arith.constant 0 : i32
        %dma_start3A_1048 = tpu.memref_slice %arg9[%run_scoped3A_901, %dma_start3A_1047] : memref<2x100xi32, #tpu.memory_space<vmem>> -> memref<1x100xi32, #tpu.memory_space<vmem>>
        %dma_start3A_1049 = tpu.memref_squeeze %dma_start3A_1048 : memref<1x100xi32, #tpu.memory_space<vmem>> -> memref<100xi32, #tpu.memory_space<vmem>>
        %dma_start3A_1050 = arith.constant 0 : i32
        %dma_start3A_1051 = arith.constant 0 : i32
        %dma_start3A_1052 = tpu.memref_slice %arg7[%dma_start3A_1050, %dma_start3A_1051] : memref<10000x128xf32, #tpu.memory_space<vmem_shared>> -> memref<10000x128xf32, #tpu.memory_space<vmem_shared>>
        tpu.enqueue_indirect_dma source(%dma_start3A_1046 : memref<100x128xf32, #tpu.memory_space<vmem>>) target(%dma_start3A_1052 : memref<10000x128xf32, #tpu.memory_space<vmem_shared>>) offsets(%dma_start3A_1049 : memref<100xi32, #tpu.memory_space<vmem>>) semaphore(%run_scoped3A_1042 : memref<!tpu.dma_semaphore, #tpu.memory_space<semaphore_mem>>) {add = true}
        %dma_wait3A_1053 = arith.constant 0 : i32
        %dma_wait3A_1054 = arith.constant 0 : i32
        %dma_wait3A_1055 = tpu.memref_slice %arg10[%run_scoped3A_900, %dma_wait3A_1053, %dma_wait3A_1054] : memref<3x100x128xf32, #tpu.memory_space<vmem>> -> memref<1x100x128xf32, #tpu.memory_space<vmem>>
        %dma_wait3A_1056 = tpu.memref_squeeze %dma_wait3A_1055 : memref<1x100x128xf32, #tpu.memory_space<vmem>> -> memref<100x128xf32, #tpu.memory_space<vmem>>
        %dma_wait3A_1057 = arith.constant 0 : i32
        %dma_wait3A_1058 = tpu.memref_slice %arg9[%run_scoped3A_901, %dma_wait3A_1057] : memref<2x100xi32, #tpu.memory_space<vmem>> -> memref<1x100xi32, #tpu.memory_space<vmem>>
        %dma_wait3A_1059 = tpu.memref_squeeze %dma_wait3A_1058 : memref<1x100xi32, #tpu.memory_space<vmem>> -> memref<100xi32, #tpu.memory_space<vmem>>
        %dma_wait3A_1060 = arith.constant 0 : i32
        %dma_wait3A_1061 = arith.constant 0 : i32
        %dma_wait3A_1062 = tpu.memref_slice %arg7[%dma_wait3A_1060, %dma_wait3A_1061] : memref<10000x128xf32, #tpu.memory_space<vmem_shared>> -> memref<10000x128xf32, #tpu.memory_space<vmem_shared>>
        tpu.wait_indirect_dma semaphore(%run_scoped3A_1042 : memref<!tpu.dma_semaphore, #tpu.memory_space<semaphore_mem>>) src(%dma_wait3A_1056 : memref<100x128xf32, #tpu.memory_space<vmem>>) dst(%dma_wait3A_1062 : memref<10000x128xf32, #tpu.memory_space<vmem_shared>>)
        tpu.yield
      }) : () -> ()
      %add3A_902 = arith.constant 2 : i32
      %add3A_903 = arith.addi %add3A_875, %add3A_902 : i32
      %dma_start3A_904 = arith.constant 1 : i32
      %dma_start3A_905 = arith.constant 0 : i32
      %dma_start3A_906 = tpu.memref_slice %arg9[%dma_start3A_904, %dma_start3A_905] : memref<2x100xi32, #tpu.memory_space<vmem>> -> memref<1x100xi32, #tpu.memory_space<vmem>>
      %dma_start3A_907 = tpu.memref_squeeze %dma_start3A_906 : memref<1x100xi32, #tpu.memory_space<vmem>> -> memref<100xi32, #tpu.memory_space<vmem>>
      %dma_start3A_908 = arith.constant 0 : i32
      %dma_start3A_909 = tpu.memref_slice %arg4[%add3A, %add3A_903, %dma_start3A_908] : memref<32x100x100xi32, #tpu.memory_space<hbm>> -> memref<1x1x100xi32, #tpu.memory_space<hbm>>
      %dma_start3A_910 = tpu.memref_squeeze %dma_start3A_909 : memref<1x1x100xi32, #tpu.memory_space<hbm>> -> memref<100xi32, #tpu.memory_space<hbm>>
      %dma_start3A_911 = arith.constant 0 : i32
      %dma_start3A_912 = tpu.memref_slice %arg9[%dma_start3A_904, %dma_start3A_911] : memref<2x100xi32, #tpu.memory_space<vmem>> -> memref<1x100xi32, #tpu.memory_space<vmem>>
      %dma_start3A_913 = tpu.memref_squeeze %dma_start3A_912 : memref<1x100xi32, #tpu.memory_space<vmem>> -> memref<100xi32, #tpu.memory_space<vmem>>
      %dma_start3A_914 = arith.constant 0 : i32
      %dma_start3A_915 = tpu.memref_slice %arg4[%add3A, %add3A_903, %dma_start3A_914] : memref<32x100x100xi32, #tpu.memory_space<hbm>> -> memref<1x1x100xi32, #tpu.memory_space<hbm>>
      %dma_start3A_916 = tpu.memref_squeeze %dma_start3A_915 : memref<1x1x100xi32, #tpu.memory_space<hbm>> -> memref<100xi32, #tpu.memory_space<hbm>>
      tpu.enqueue_dma source(%dma_start3A_916 : memref<100xi32, #tpu.memory_space<hbm>>) target(%dma_start3A_913 : memref<100xi32, #tpu.memory_space<vmem>>) target_semaphore(%arg16 : memref<!tpu.dma_semaphore, #tpu.memory_space<semaphore_mem>>)
      %add3A_917 = arith.constant 3 : i32
      %add3A_918 = arith.addi %add3A_875, %add3A_917 : i32
      %dma_start3A_919 = arith.constant 0 : i32
      %dma_start3A_920 = arith.constant 0 : i32
      %dma_start3A_921 = arith.constant 0 : i32
      %dma_start3A_922 = tpu.memref_slice %arg10[%dma_start3A_919, %dma_start3A_920, %dma_start3A_921] : memref<3x100x128xf32, #tpu.memory_space<vmem>> -> memref<1x100x128xf32, #tpu.memory_space<vmem>>
      %dma_start3A_923 = tpu.memref_squeeze %dma_start3A_922 : memref<1x100x128xf32, #tpu.memory_space<vmem>> -> memref<100x128xf32, #tpu.memory_space<vmem>>
      %dma_start3A_924 = arith.constant 0 : i32
      %dma_start3A_925 = tpu.memref_slice %arg8[%add3A_918, %dma_start3A_924] : memref<100x100xi32, #tpu.memory_space<vmem>> -> memref<1x100xi32, #tpu.memory_space<vmem>>
      %dma_start3A_926 = tpu.memref_squeeze %dma_start3A_925 : memref<1x100xi32, #tpu.memory_space<vmem>> -> memref<100xi32, #tpu.memory_space<vmem>>
      %dma_start3A_927 = arith.constant 0 : i32
      %dma_start3A_928 = arith.constant 0 : i32
      %dma_start3A_929 = tpu.memref_slice %arg2[%dma_start3A_927, %dma_start3A_928] : memref<10000x128xf32, #tpu.memory_space<hbm>> -> memref<10000x128xf32, #tpu.memory_space<hbm>>
      tpu.enqueue_indirect_dma source(%dma_start3A_929 : memref<10000x128xf32, #tpu.memory_space<hbm>>) target(%dma_start3A_923 : memref<100x128xf32, #tpu.memory_space<vmem>>) offsets(%dma_start3A_926 : memref<100xi32, #tpu.memory_space<vmem>>) semaphore(%arg12 : memref<!tpu.dma_semaphore, #tpu.memory_space<semaphore_mem>>)
      %add3A_930 = arith.constant 4 : i32
      %add3A_931 = arith.addi %add3A_705, %add3A_930 : i32
      %dma_wait3A_932 = arith.constant 1 : i32
      %dma_wait3A_933 = arith.constant 0 : i32
      %dma_wait3A_934 = arith.constant 0 : i32
      %dma_wait3A_935 = tpu.memref_slice %arg10[%dma_wait3A_932, %dma_wait3A_933, %dma_wait3A_934] : memref<3x100x128xf32, #tpu.memory_space<vmem>> -> memref<1x100x128xf32, #tpu.memory_space<vmem>>
      %dma_wait3A_936 = tpu.memref_squeeze %dma_wait3A_935 : memref<1x100x128xf32, #tpu.memory_space<vmem>> -> memref<100x128xf32, #tpu.memory_space<vmem>>
      %dma_wait3A_937 = arith.constant 0 : i32
      %dma_wait3A_938 = tpu.memref_slice %arg8[%add3A_931, %dma_wait3A_937] : memref<100x100xi32, #tpu.memory_space<vmem>> -> memref<1x100xi32, #tpu.memory_space<vmem>>
      %dma_wait3A_939 = tpu.memref_squeeze %dma_wait3A_938 : memref<1x100xi32, #tpu.memory_space<vmem>> -> memref<100xi32, #tpu.memory_space<vmem>>
      %dma_wait3A_940 = arith.constant 0 : i32
      %dma_wait3A_941 = arith.constant 0 : i32
      %dma_wait3A_942 = tpu.memref_slice %arg2[%dma_wait3A_940, %dma_wait3A_941] : memref<10000x128xf32, #tpu.memory_space<hbm>> -> memref<10000x128xf32, #tpu.memory_space<hbm>>
      tpu.wait_indirect_dma semaphore(%arg13 : memref<!tpu.dma_semaphore, #tpu.memory_space<semaphore_mem>>) src(%dma_wait3A_942 : memref<10000x128xf32, #tpu.memory_space<hbm>>) dst(%dma_wait3A_936 : memref<100x128xf32, #tpu.memory_space<vmem>>)
      %dma_wait3A_943 = arith.constant 0 : i32
      %dma_wait3A_944 = arith.constant 0 : i32
      %dma_wait3A_945 = tpu.memref_slice %arg9[%dma_wait3A_943, %dma_wait3A_944] : memref<2x100xi32, #tpu.memory_space<vmem>> -> memref<1x100xi32, #tpu.memory_space<vmem>>
      %dma_wait3A_946 = tpu.memref_squeeze %dma_wait3A_945 : memref<1x100xi32, #tpu.memory_space<vmem>> -> memref<100xi32, #tpu.memory_space<vmem>>
      %dma_wait3A_947 = arith.constant 0 : i32
      %dma_wait3A_948 = tpu.memref_slice %arg4[%add3A, %add3A_931, %dma_wait3A_947] : memref<32x100x100xi32, #tpu.memory_space<hbm>> -> memref<1x1x100xi32, #tpu.memory_space<hbm>>
      %dma_wait3A_949 = tpu.memref_squeeze %dma_wait3A_948 : memref<1x1x100xi32, #tpu.memory_space<hbm>> -> memref<100xi32, #tpu.memory_space<hbm>>
      %dma_wait3A_950 = arith.constant 0 : i32
      %dma_wait3A_951 = tpu.memref_slice %arg9[%dma_wait3A_943, %dma_wait3A_950] : memref<2x100xi32, #tpu.memory_space<vmem>> -> memref<1x100xi32, #tpu.memory_space<vmem>>
      %dma_wait3A_952 = tpu.memref_squeeze %dma_wait3A_951 : memref<1x100xi32, #tpu.memory_space<vmem>> -> memref<100xi32, #tpu.memory_space<vmem>>
      %dma_wait3A_953 = arith.constant 0 : i32
      %dma_wait3A_954 = tpu.memref_slice %arg4[%add3A, %add3A_931, %dma_wait3A_953] : memref<32x100x100xi32, #tpu.memory_space<hbm>> -> memref<1x1x100xi32, #tpu.memory_space<hbm>>
      %dma_wait3A_955 = tpu.memref_squeeze %dma_wait3A_954 : memref<1x1x100xi32, #tpu.memory_space<hbm>> -> memref<100xi32, #tpu.memory_space<hbm>>
      tpu.wait_dma2 semaphore(%arg15 : memref<!tpu.dma_semaphore, #tpu.memory_space<semaphore_mem>>) src(%dma_wait3A_955 : memref<100xi32, #tpu.memory_space<hbm>>) dst(%dma_wait3A_952 : memref<100xi32, #tpu.memory_space<vmem>>)
      %run_scoped3A_956 = arith.constant 1 : i32
      %run_scoped3A_957 = arith.constant 0 : i32
      "tpu.region"() ({
        %run_scoped3A_1042 = tpu.sem_alloc : memref<!tpu.dma_semaphore, #tpu.memory_space<semaphore_mem>>
        %dma_start3A_1043 = arith.constant 0 : i32
        %dma_start3A_1044 = arith.constant 0 : i32
        %dma_start3A_1045 = tpu.memref_slice %arg10[%run_scoped3A_956, %dma_start3A_1043, %dma_start3A_1044] : memref<3x100x128xf32, #tpu.memory_space<vmem>> -> memref<1x100x128xf32, #tpu.memory_space<vmem>>
        %dma_start3A_1046 = tpu.memref_squeeze %dma_start3A_1045 : memref<1x100x128xf32, #tpu.memory_space<vmem>> -> memref<100x128xf32, #tpu.memory_space<vmem>>
        %dma_start3A_1047 = arith.constant 0 : i32
        %dma_start3A_1048 = tpu.memref_slice %arg9[%run_scoped3A_957, %dma_start3A_1047] : memref<2x100xi32, #tpu.memory_space<vmem>> -> memref<1x100xi32, #tpu.memory_space<vmem>>
        %dma_start3A_1049 = tpu.memref_squeeze %dma_start3A_1048 : memref<1x100xi32, #tpu.memory_space<vmem>> -> memref<100xi32, #tpu.memory_space<vmem>>
        %dma_start3A_1050 = arith.constant 0 : i32
        %dma_start3A_1051 = arith.constant 0 : i32
        %dma_start3A_1052 = tpu.memref_slice %arg7[%dma_start3A_1050, %dma_start3A_1051] : memref<10000x128xf32, #tpu.memory_space<vmem_shared>> -> memref<10000x128xf32, #tpu.memory_space<vmem_shared>>
        tpu.enqueue_indirect_dma source(%dma_start3A_1046 : memref<100x128xf32, #tpu.memory_space<vmem>>) target(%dma_start3A_1052 : memref<10000x128xf32, #tpu.memory_space<vmem_shared>>) offsets(%dma_start3A_1049 : memref<100xi32, #tpu.memory_space<vmem>>) semaphore(%run_scoped3A_1042 : memref<!tpu.dma_semaphore, #tpu.memory_space<semaphore_mem>>) {add = true}
        %dma_wait3A_1053 = arith.constant 0 : i32
        %dma_wait3A_1054 = arith.constant 0 : i32
        %dma_wait3A_1055 = tpu.memref_slice %arg10[%run_scoped3A_956, %dma_wait3A_1053, %dma_wait3A_1054] : memref<3x100x128xf32, #tpu.memory_space<vmem>> -> memref<1x100x128xf32, #tpu.memory_space<vmem>>
        %dma_wait3A_1056 = tpu.memref_squeeze %dma_wait3A_1055 : memref<1x100x128xf32, #tpu.memory_space<vmem>> -> memref<100x128xf32, #tpu.memory_space<vmem>>
        %dma_wait3A_1057 = arith.constant 0 : i32
        %dma_wait3A_1058 = tpu.memref_slice %arg9[%run_scoped3A_957, %dma_wait3A_1057] : memref<2x100xi32, #tpu.memory_space<vmem>> -> memref<1x100xi32, #tpu.memory_space<vmem>>
        %dma_wait3A_1059 = tpu.memref_squeeze %dma_wait3A_1058 : memref<1x100xi32, #tpu.memory_space<vmem>> -> memref<100xi32, #tpu.memory_space<vmem>>
        %dma_wait3A_1060 = arith.constant 0 : i32
        %dma_wait3A_1061 = arith.constant 0 : i32
        %dma_wait3A_1062 = tpu.memref_slice %arg7[%dma_wait3A_1060, %dma_wait3A_1061] : memref<10000x128xf32, #tpu.memory_space<vmem_shared>> -> memref<10000x128xf32, #tpu.memory_space<vmem_shared>>
        tpu.wait_indirect_dma semaphore(%run_scoped3A_1042 : memref<!tpu.dma_semaphore, #tpu.memory_space<semaphore_mem>>) src(%dma_wait3A_1056 : memref<100x128xf32, #tpu.memory_space<vmem>>) dst(%dma_wait3A_1062 : memref<10000x128xf32, #tpu.memory_space<vmem_shared>>)
        tpu.yield
      }) : () -> ()
      %add3A_958 = arith.constant 2 : i32
      %add3A_959 = arith.addi %add3A_931, %add3A_958 : i32
      %dma_start3A_960 = arith.constant 0 : i32
      %dma_start3A_961 = arith.constant 0 : i32
      %dma_start3A_962 = tpu.memref_slice %arg9[%dma_start3A_960, %dma_start3A_961] : memref<2x100xi32, #tpu.memory_space<vmem>> -> memref<1x100xi32, #tpu.memory_space<vmem>>
      %dma_start3A_963 = tpu.memref_squeeze %dma_start3A_962 : memref<1x100xi32, #tpu.memory_space<vmem>> -> memref<100xi32, #tpu.memory_space<vmem>>
      %dma_start3A_964 = arith.constant 0 : i32
      %dma_start3A_965 = tpu.memref_slice %arg4[%add3A, %add3A_959, %dma_start3A_964] : memref<32x100x100xi32, #tpu.memory_space<hbm>> -> memref<1x1x100xi32, #tpu.memory_space<hbm>>
      %dma_start3A_966 = tpu.memref_squeeze %dma_start3A_965 : memref<1x1x100xi32, #tpu.memory_space<hbm>> -> memref<100xi32, #tpu.memory_space<hbm>>
      %dma_start3A_967 = arith.constant 0 : i32
      %dma_start3A_968 = tpu.memref_slice %arg9[%dma_start3A_960, %dma_start3A_967] : memref<2x100xi32, #tpu.memory_space<vmem>> -> memref<1x100xi32, #tpu.memory_space<vmem>>
      %dma_start3A_969 = tpu.memref_squeeze %dma_start3A_968 : memref<1x100xi32, #tpu.memory_space<vmem>> -> memref<100xi32, #tpu.memory_space<vmem>>
      %dma_start3A_970 = arith.constant 0 : i32
      %dma_start3A_971 = tpu.memref_slice %arg4[%add3A, %add3A_959, %dma_start3A_970] : memref<32x100x100xi32, #tpu.memory_space<hbm>> -> memref<1x1x100xi32, #tpu.memory_space<hbm>>
      %dma_start3A_972 = tpu.memref_squeeze %dma_start3A_971 : memref<1x1x100xi32, #tpu.memory_space<hbm>> -> memref<100xi32, #tpu.memory_space<hbm>>
      tpu.enqueue_dma source(%dma_start3A_972 : memref<100xi32, #tpu.memory_space<hbm>>) target(%dma_start3A_969 : memref<100xi32, #tpu.memory_space<vmem>>) target_semaphore(%arg15 : memref<!tpu.dma_semaphore, #tpu.memory_space<semaphore_mem>>)
      %add3A_973 = arith.constant 3 : i32
      %add3A_974 = arith.addi %add3A_931, %add3A_973 : i32
      %dma_start3A_975 = arith.constant 1 : i32
      %dma_start3A_976 = arith.constant 0 : i32
      %dma_start3A_977 = arith.constant 0 : i32
      %dma_start3A_978 = tpu.memref_slice %arg10[%dma_start3A_975, %dma_start3A_976, %dma_start3A_977] : memref<3x100x128xf32, #tpu.memory_space<vmem>> -> memref<1x100x128xf32, #tpu.memory_space<vmem>>
      %dma_start3A_979 = tpu.memref_squeeze %dma_start3A_978 : memref<1x100x128xf32, #tpu.memory_space<vmem>> -> memref<100x128xf32, #tpu.memory_space<vmem>>
      %dma_start3A_980 = arith.constant 0 : i32
      %dma_start3A_981 = tpu.memref_slice %arg8[%add3A_974, %dma_start3A_980] : memref<100x100xi32, #tpu.memory_space<vmem>> -> memref<1x100xi32, #tpu.memory_space<vmem>>
      %dma_start3A_982 = tpu.memref_squeeze %dma_start3A_981 : memref<1x100xi32, #tpu.memory_space<vmem>> -> memref<100xi32, #tpu.memory_space<vmem>>
      %dma_start3A_983 = arith.constant 0 : i32
      %dma_start3A_984 = arith.constant 0 : i32
      %dma_start3A_985 = tpu.memref_slice %arg2[%dma_start3A_983, %dma_start3A_984] : memref<10000x128xf32, #tpu.memory_space<hbm>> -> memref<10000x128xf32, #tpu.memory_space<hbm>>
      tpu.enqueue_indirect_dma source(%dma_start3A_985 : memref<10000x128xf32, #tpu.memory_space<hbm>>) target(%dma_start3A_979 : memref<100x128xf32, #tpu.memory_space<vmem>>) offsets(%dma_start3A_982 : memref<100xi32, #tpu.memory_space<vmem>>) semaphore(%arg13 : memref<!tpu.dma_semaphore, #tpu.memory_space<semaphore_mem>>)
      %add3A_986 = arith.constant 5 : i32
      %add3A_987 = arith.addi %add3A_705, %add3A_986 : i32
      %dma_wait3A_988 = arith.constant 2 : i32
      %dma_wait3A_989 = arith.constant 0 : i32
      %dma_wait3A_990 = arith.constant 0 : i32
      %dma_wait3A_991 = tpu.memref_slice %arg10[%dma_wait3A_988, %dma_wait3A_989, %dma_wait3A_990] : memref<3x100x128xf32, #tpu.memory_space<vmem>> -> memref<1x100x128xf32, #tpu.memory_space<vmem>>
      %dma_wait3A_992 = tpu.memref_squeeze %dma_wait3A_991 : memref<1x100x128xf32, #tpu.memory_space<vmem>> -> memref<100x128xf32, #tpu.memory_space<vmem>>
      %dma_wait3A_993 = arith.constant 0 : i32
      %dma_wait3A_994 = tpu.memref_slice %arg8[%add3A_987, %dma_wait3A_993] : memref<100x100xi32, #tpu.memory_space<vmem>> -> memref<1x100xi32, #tpu.memory_space<vmem>>
      %dma_wait3A_995 = tpu.memref_squeeze %dma_wait3A_994 : memref<1x100xi32, #tpu.memory_space<vmem>> -> memref<100xi32, #tpu.memory_space<vmem>>
      %dma_wait3A_996 = arith.constant 0 : i32
      %dma_wait3A_997 = arith.constant 0 : i32
      %dma_wait3A_998 = tpu.memref_slice %arg2[%dma_wait3A_996, %dma_wait3A_997] : memref<10000x128xf32, #tpu.memory_space<hbm>> -> memref<10000x128xf32, #tpu.memory_space<hbm>>
      tpu.wait_indirect_dma semaphore(%arg14 : memref<!tpu.dma_semaphore, #tpu.memory_space<semaphore_mem>>) src(%dma_wait3A_998 : memref<10000x128xf32, #tpu.memory_space<hbm>>) dst(%dma_wait3A_992 : memref<100x128xf32, #tpu.memory_space<vmem>>)
      %dma_wait3A_999 = arith.constant 1 : i32
      %dma_wait3A_1000 = arith.constant 0 : i32
      %dma_wait3A_1001 = tpu.memref_slice %arg9[%dma_wait3A_999, %dma_wait3A_1000] : memref<2x100xi32, #tpu.memory_space<vmem>> -> memref<1x100xi32, #tpu.memory_space<vmem>>
      %dma_wait3A_1002 = tpu.memref_squeeze %dma_wait3A_1001 : memref<1x100xi32, #tpu.memory_space<vmem>> -> memref<100xi32, #tpu.memory_space<vmem>>
      %dma_wait3A_1003 = arith.constant 0 : i32
      %dma_wait3A_1004 = tpu.memref_slice %arg4[%add3A, %add3A_987, %dma_wait3A_1003] : memref<32x100x100xi32, #tpu.memory_space<hbm>> -> memref<1x1x100xi32, #tpu.memory_space<hbm>>
      %dma_wait3A_1005 = tpu.memref_squeeze %dma_wait3A_1004 : memref<1x1x100xi32, #tpu.memory_space<hbm>> -> memref<100xi32, #tpu.memory_space<hbm>>
      %dma_wait3A_1006 = arith.constant 0 : i32
      %dma_wait3A_1007 = tpu.memref_slice %arg9[%dma_wait3A_999, %dma_wait3A_1006] : memref<2x100xi32, #tpu.memory_space<vmem>> -> memref<1x100xi32, #tpu.memory_space<vmem>>
      %dma_wait3A_1008 = tpu.memref_squeeze %dma_wait3A_1007 : memref<1x100xi32, #tpu.memory_space<vmem>> -> memref<100xi32, #tpu.memory_space<vmem>>
      %dma_wait3A_1009 = arith.constant 0 : i32
      %dma_wait3A_1010 = tpu.memref_slice %arg4[%add3A, %add3A_987, %dma_wait3A_1009] : memref<32x100x100xi32, #tpu.memory_space<hbm>> -> memref<1x1x100xi32, #tpu.memory_space<hbm>>
      %dma_wait3A_1011 = tpu.memref_squeeze %dma_wait3A_1010 : memref<1x1x100xi32, #tpu.memory_space<hbm>> -> memref<100xi32, #tpu.memory_space<hbm>>
      tpu.wait_dma2 semaphore(%arg16 : memref<!tpu.dma_semaphore, #tpu.memory_space<semaphore_mem>>) src(%dma_wait3A_1011 : memref<100xi32, #tpu.memory_space<hbm>>) dst(%dma_wait3A_1008 : memref<100xi32, #tpu.memory_space<vmem>>)
      %run_scoped3A_1012 = arith.constant 2 : i32
      %run_scoped3A_1013 = arith.constant 1 : i32
      "tpu.region"() ({
        %run_scoped3A_1042 = tpu.sem_alloc : memref<!tpu.dma_semaphore, #tpu.memory_space<semaphore_mem>>
        %dma_start3A_1043 = arith.constant 0 : i32
        %dma_start3A_1044 = arith.constant 0 : i32
        %dma_start3A_1045 = tpu.memref_slice %arg10[%run_scoped3A_1012, %dma_start3A_1043, %dma_start3A_1044] : memref<3x100x128xf32, #tpu.memory_space<vmem>> -> memref<1x100x128xf32, #tpu.memory_space<vmem>>
        %dma_start3A_1046 = tpu.memref_squeeze %dma_start3A_1045 : memref<1x100x128xf32, #tpu.memory_space<vmem>> -> memref<100x128xf32, #tpu.memory_space<vmem>>
        %dma_start3A_1047 = arith.constant 0 : i32
        %dma_start3A_1048 = tpu.memref_slice %arg9[%run_scoped3A_1013, %dma_start3A_1047] : memref<2x100xi32, #tpu.memory_space<vmem>> -> memref<1x100xi32, #tpu.memory_space<vmem>>
        %dma_start3A_1049 = tpu.memref_squeeze %dma_start3A_1048 : memref<1x100xi32, #tpu.memory_space<vmem>> -> memref<100xi32, #tpu.memory_space<vmem>>
        %dma_start3A_1050 = arith.constant 0 : i32
        %dma_start3A_1051 = arith.constant 0 : i32
        %dma_start3A_1052 = tpu.memref_slice %arg7[%dma_start3A_1050, %dma_start3A_1051] : memref<10000x128xf32, #tpu.memory_space<vmem_shared>> -> memref<10000x128xf32, #tpu.memory_space<vmem_shared>>
        tpu.enqueue_indirect_dma source(%dma_start3A_1046 : memref<100x128xf32, #tpu.memory_space<vmem>>) target(%dma_start3A_1052 : memref<10000x128xf32, #tpu.memory_space<vmem_shared>>) offsets(%dma_start3A_1049 : memref<100xi32, #tpu.memory_space<vmem>>) semaphore(%run_scoped3A_1042 : memref<!tpu.dma_semaphore, #tpu.memory_space<semaphore_mem>>) {add = true}
        %dma_wait3A_1053 = arith.constant 0 : i32
        %dma_wait3A_1054 = arith.constant 0 : i32
        %dma_wait3A_1055 = tpu.memref_slice %arg10[%run_scoped3A_1012, %dma_wait3A_1053, %dma_wait3A_1054] : memref<3x100x128xf32, #tpu.memory_space<vmem>> -> memref<1x100x128xf32, #tpu.memory_space<vmem>>
        %dma_wait3A_1056 = tpu.memref_squeeze %dma_wait3A_1055 : memref<1x100x128xf32, #tpu.memory_space<vmem>> -> memref<100x128xf32, #tpu.memory_space<vmem>>
        %dma_wait3A_1057 = arith.constant 0 : i32
        %dma_wait3A_1058 = tpu.memref_slice %arg9[%run_scoped3A_1013, %dma_wait3A_1057] : memref<2x100xi32, #tpu.memory_space<vmem>> -> memref<1x100xi32, #tpu.memory_space<vmem>>
        %dma_wait3A_1059 = tpu.memref_squeeze %dma_wait3A_1058 : memref<1x100xi32, #tpu.memory_space<vmem>> -> memref<100xi32, #tpu.memory_space<vmem>>
        %dma_wait3A_1060 = arith.constant 0 : i32
        %dma_wait3A_1061 = arith.constant 0 : i32
        %dma_wait3A_1062 = tpu.memref_slice %arg7[%dma_wait3A_1060, %dma_wait3A_1061] : memref<10000x128xf32, #tpu.memory_space<vmem_shared>> -> memref<10000x128xf32, #tpu.memory_space<vmem_shared>>
        tpu.wait_indirect_dma semaphore(%run_scoped3A_1042 : memref<!tpu.dma_semaphore, #tpu.memory_space<semaphore_mem>>) src(%dma_wait3A_1056 : memref<100x128xf32, #tpu.memory_space<vmem>>) dst(%dma_wait3A_1062 : memref<10000x128xf32, #tpu.memory_space<vmem_shared>>)
        tpu.yield
      }) : () -> ()
      %add3A_1014 = arith.constant 2 : i32
      %add3A_1015 = arith.addi %add3A_987, %add3A_1014 : i32
      %dma_start3A_1016 = arith.constant 1 : i32
      %dma_start3A_1017 = arith.constant 0 : i32
      %dma_start3A_1018 = tpu.memref_slice %arg9[%dma_start3A_1016, %dma_start3A_1017] : memref<2x100xi32, #tpu.memory_space<vmem>> -> memref<1x100xi32, #tpu.memory_space<vmem>>
      %dma_start3A_1019 = tpu.memref_squeeze %dma_start3A_1018 : memref<1x100xi32, #tpu.memory_space<vmem>> -> memref<100xi32, #tpu.memory_space<vmem>>
      %dma_start3A_1020 = arith.constant 0 : i32
      %dma_start3A_1021 = tpu.memref_slice %arg4[%add3A, %add3A_1015, %dma_start3A_1020] : memref<32x100x100xi32, #tpu.memory_space<hbm>> -> memref<1x1x100xi32, #tpu.memory_space<hbm>>
      %dma_start3A_1022 = tpu.memref_squeeze %dma_start3A_1021 : memref<1x1x100xi32, #tpu.memory_space<hbm>> -> memref<100xi32, #tpu.memory_space<hbm>>
      %dma_start3A_1023 = arith.constant 0 : i32
      %dma_start3A_1024 = tpu.memref_slice %arg9[%dma_start3A_1016, %dma_start3A_1023] : memref<2x100xi32, #tpu.memory_space<vmem>> -> memref<1x100xi32, #tpu.memory_space<vmem>>
      %dma_start3A_1025 = tpu.memref_squeeze %dma_start3A_1024 : memref<1x100xi32, #tpu.memory_space<vmem>> -> memref<100xi32, #tpu.memory_space<vmem>>
      %dma_start3A_1026 = arith.constant 0 : i32
      %dma_start3A_1027 = tpu.memref_slice %arg4[%add3A, %add3A_1015, %dma_start3A_1026] : memref<32x100x100xi32, #tpu.memory_space<hbm>> -> memref<1x1x100xi32, #tpu.memory_space<hbm>>
      %dma_start3A_1028 = tpu.memref_squeeze %dma_start3A_1027 : memref<1x1x100xi32, #tpu.memory_space<hbm>> -> memref<100xi32, #tpu.memory_space<hbm>>
      tpu.enqueue_dma source(%dma_start3A_1028 : memref<100xi32, #tpu.memory_space<hbm>>) target(%dma_start3A_1025 : memref<100xi32, #tpu.memory_space<vmem>>) target_semaphore(%arg16 : memref<!tpu.dma_semaphore, #tpu.memory_space<semaphore_mem>>)
      %add3A_1029 = arith.constant 3 : i32
      %add3A_1030 = arith.addi %add3A_987, %add3A_1029 : i32
      %dma_start3A_1031 = arith.constant 2 : i32
      %dma_start3A_1032 = arith.constant 0 : i32
      %dma_start3A_1033 = arith.constant 0 : i32
      %dma_start3A_1034 = tpu.memref_slice %arg10[%dma_start3A_1031, %dma_start3A_1032, %dma_start3A_1033] : memref<3x100x128xf32, #tpu.memory_space<vmem>> -> memref<1x100x128xf32, #tpu.memory_space<vmem>>
      %dma_start3A_1035 = tpu.memref_squeeze %dma_start3A_1034 : memref<1x100x128xf32, #tpu.memory_space<vmem>> -> memref<100x128xf32, #tpu.memory_space<vmem>>
      %dma_start3A_1036 = arith.constant 0 : i32
      %dma_start3A_1037 = tpu.memref_slice %arg8[%add3A_1030, %dma_start3A_1036] : memref<100x100xi32, #tpu.memory_space<vmem>> -> memref<1x100xi32, #tpu.memory_space<vmem>>
      %dma_start3A_1038 = tpu.memref_squeeze %dma_start3A_1037 : memref<1x100xi32, #tpu.memory_space<vmem>> -> memref<100xi32, #tpu.memory_space<vmem>>
      %dma_start3A_1039 = arith.constant 0 : i32
      %dma_start3A_1040 = arith.constant 0 : i32
      %dma_start3A_1041 = tpu.memref_slice %arg2[%dma_start3A_1039, %dma_start3A_1040] : memref<10000x128xf32, #tpu.memory_space<hbm>> -> memref<10000x128xf32, #tpu.memory_space<hbm>>
      tpu.enqueue_indirect_dma source(%dma_start3A_1041 : memref<10000x128xf32, #tpu.memory_space<hbm>>) target(%dma_start3A_1035 : memref<100x128xf32, #tpu.memory_space<vmem>>) offsets(%dma_start3A_1038 : memref<100xi32, #tpu.memory_space<vmem>>) semaphore(%arg14 : memref<!tpu.dma_semaphore, #tpu.memory_space<semaphore_mem>>)
    }
    %scan3A_543 = arith.constant 16 : i32
    %dma_wait3A_544 = arith.constant 96 : i32
    %dma_wait3A_545 = arith.constant 0 : i32
    %dma_wait3A_546 = arith.constant 0 : i32
    %dma_wait3A_547 = arith.constant 0 : i32
    %dma_wait3A_548 = tpu.memref_slice %arg10[%dma_wait3A_545, %dma_wait3A_546, %dma_wait3A_547] : memref<3x100x128xf32, #tpu.memory_space<vmem>> -> memref<1x100x128xf32, #tpu.memory_space<vmem>>
    %dma_wait3A_549 = tpu.memref_squeeze %dma_wait3A_548 : memref<1x100x128xf32, #tpu.memory_space<vmem>> -> memref<100x128xf32, #tpu.memory_space<vmem>>
    %dma_wait3A_550 = arith.constant 0 : i32
    %dma_wait3A_551 = tpu.memref_slice %arg8[%dma_wait3A_544, %dma_wait3A_550] : memref<100x100xi32, #tpu.memory_space<vmem>> -> memref<1x100xi32, #tpu.memory_space<vmem>>
    %dma_wait3A_552 = tpu.memref_squeeze %dma_wait3A_551 : memref<1x100xi32, #tpu.memory_space<vmem>> -> memref<100xi32, #tpu.memory_space<vmem>>
    %dma_wait3A_553 = arith.constant 0 : i32
    %dma_wait3A_554 = arith.constant 0 : i32
    %dma_wait3A_555 = tpu.memref_slice %arg2[%dma_wait3A_553, %dma_wait3A_554] : memref<10000x128xf32, #tpu.memory_space<hbm>> -> memref<10000x128xf32, #tpu.memory_space<hbm>>
    tpu.wait_indirect_dma semaphore(%arg12 : memref<!tpu.dma_semaphore, #tpu.memory_space<semaphore_mem>>) src(%dma_wait3A_555 : memref<10000x128xf32, #tpu.memory_space<hbm>>) dst(%dma_wait3A_549 : memref<100x128xf32, #tpu.memory_space<vmem>>)
    %dma_wait3A_556 = arith.constant 96 : i32
    %dma_wait3A_557 = arith.constant 0 : i32
    %dma_wait3A_558 = arith.constant 0 : i32
    %dma_wait3A_559 = tpu.memref_slice %arg9[%dma_wait3A_557, %dma_wait3A_558] : memref<2x100xi32, #tpu.memory_space<vmem>> -> memref<1x100xi32, #tpu.memory_space<vmem>>
    %dma_wait3A_560 = tpu.memref_squeeze %dma_wait3A_559 : memref<1x100xi32, #tpu.memory_space<vmem>> -> memref<100xi32, #tpu.memory_space<vmem>>
    %dma_wait3A_561 = arith.constant 0 : i32
    %dma_wait3A_562 = tpu.memref_slice %arg4[%add3A, %dma_wait3A_556, %dma_wait3A_561] : memref<32x100x100xi32, #tpu.memory_space<hbm>> -> memref<1x1x100xi32, #tpu.memory_space<hbm>>
    %dma_wait3A_563 = tpu.memref_squeeze %dma_wait3A_562 : memref<1x1x100xi32, #tpu.memory_space<hbm>> -> memref<100xi32, #tpu.memory_space<hbm>>
    %dma_wait3A_564 = arith.constant 0 : i32
    %dma_wait3A_565 = tpu.memref_slice %arg9[%dma_wait3A_557, %dma_wait3A_564] : memref<2x100xi32, #tpu.memory_space<vmem>> -> memref<1x100xi32, #tpu.memory_space<vmem>>
    %dma_wait3A_566 = tpu.memref_squeeze %dma_wait3A_565 : memref<1x100xi32, #tpu.memory_space<vmem>> -> memref<100xi32, #tpu.memory_space<vmem>>
    %dma_wait3A_567 = arith.constant 0 : i32
    %dma_wait3A_568 = tpu.memref_slice %arg4[%add3A, %dma_wait3A_556, %dma_wait3A_567] : memref<32x100x100xi32, #tpu.memory_space<hbm>> -> memref<1x1x100xi32, #tpu.memory_space<hbm>>
    %dma_wait3A_569 = tpu.memref_squeeze %dma_wait3A_568 : memref<1x1x100xi32, #tpu.memory_space<hbm>> -> memref<100xi32, #tpu.memory_space<hbm>>
    tpu.wait_dma2 semaphore(%arg15 : memref<!tpu.dma_semaphore, #tpu.memory_space<semaphore_mem>>) src(%dma_wait3A_569 : memref<100xi32, #tpu.memory_space<hbm>>) dst(%dma_wait3A_566 : memref<100xi32, #tpu.memory_space<vmem>>)
    %run_scoped3A = arith.constant 0 : i32
    %run_scoped3A_570 = arith.constant 0 : i32
    "tpu.region"() ({
      %run_scoped3A_701 = tpu.sem_alloc : memref<!tpu.dma_semaphore, #tpu.memory_space<semaphore_mem>>
      %dma_start3A_702 = arith.constant 0 : i32
      %dma_start3A_703 = arith.constant 0 : i32
      %dma_start3A_704 = tpu.memref_slice %arg10[%run_scoped3A, %dma_start3A_702, %dma_start3A_703] : memref<3x100x128xf32, #tpu.memory_space<vmem>> -> memref<1x100x128xf32, #tpu.memory_space<vmem>>
      %dma_start3A_705 = tpu.memref_squeeze %dma_start3A_704 : memref<1x100x128xf32, #tpu.memory_space<vmem>> -> memref<100x128xf32, #tpu.memory_space<vmem>>
      %dma_start3A_706 = arith.constant 0 : i32
      %dma_start3A_707 = tpu.memref_slice %arg9[%run_scoped3A_570, %dma_start3A_706] : memref<2x100xi32, #tpu.memory_space<vmem>> -> memref<1x100xi32, #tpu.memory_space<vmem>>
      %dma_start3A_708 = tpu.memref_squeeze %dma_start3A_707 : memref<1x100xi32, #tpu.memory_space<vmem>> -> memref<100xi32, #tpu.memory_space<vmem>>
      %dma_start3A_709 = arith.constant 0 : i32
      %dma_start3A_710 = arith.constant 0 : i32
      %dma_start3A_711 = tpu.memref_slice %arg7[%dma_start3A_709, %dma_start3A_710] : memref<10000x128xf32, #tpu.memory_space<vmem_shared>> -> memref<10000x128xf32, #tpu.memory_space<vmem_shared>>
      tpu.enqueue_indirect_dma source(%dma_start3A_705 : memref<100x128xf32, #tpu.memory_space<vmem>>) target(%dma_start3A_711 : memref<10000x128xf32, #tpu.memory_space<vmem_shared>>) offsets(%dma_start3A_708 : memref<100xi32, #tpu.memory_space<vmem>>) semaphore(%run_scoped3A_701 : memref<!tpu.dma_semaphore, #tpu.memory_space<semaphore_mem>>) {add = true}
      %dma_wait3A_712 = arith.constant 0 : i32
      %dma_wait3A_713 = arith.constant 0 : i32
      %dma_wait3A_714 = tpu.memref_slice %arg10[%run_scoped3A, %dma_wait3A_712, %dma_wait3A_713] : memref<3x100x128xf32, #tpu.memory_space<vmem>> -> memref<1x100x128xf32, #tpu.memory_space<vmem>>
      %dma_wait3A_715 = tpu.memref_squeeze %dma_wait3A_714 : memref<1x100x128xf32, #tpu.memory_space<vmem>> -> memref<100x128xf32, #tpu.memory_space<vmem>>
      %dma_wait3A_716 = arith.constant 0 : i32
      %dma_wait3A_717 = tpu.memref_slice %arg9[%run_scoped3A_570, %dma_wait3A_716] : memref<2x100xi32, #tpu.memory_space<vmem>> -> memref<1x100xi32, #tpu.memory_space<vmem>>
      %dma_wait3A_718 = tpu.memref_squeeze %dma_wait3A_717 : memref<1x100xi32, #tpu.memory_space<vmem>> -> memref<100xi32, #tpu.memory_space<vmem>>
      %dma_wait3A_719 = arith.constant 0 : i32
      %dma_wait3A_720 = arith.constant 0 : i32
      %dma_wait3A_721 = tpu.memref_slice %arg7[%dma_wait3A_719, %dma_wait3A_720] : memref<10000x128xf32, #tpu.memory_space<vmem_shared>> -> memref<10000x128xf32, #tpu.memory_space<vmem_shared>>
      tpu.wait_indirect_dma semaphore(%run_scoped3A_701 : memref<!tpu.dma_semaphore, #tpu.memory_space<semaphore_mem>>) src(%dma_wait3A_715 : memref<100x128xf32, #tpu.memory_space<vmem>>) dst(%dma_wait3A_721 : memref<10000x128xf32, #tpu.memory_space<vmem_shared>>)
      tpu.yield
    }) : () -> ()
    %dma_start3A_571 = arith.constant 98 : i32
    %dma_start3A_572 = arith.constant 0 : i32
    %dma_start3A_573 = arith.constant 0 : i32
    %dma_start3A_574 = tpu.memref_slice %arg9[%dma_start3A_572, %dma_start3A_573] : memref<2x100xi32, #tpu.memory_space<vmem>> -> memref<1x100xi32, #tpu.memory_space<vmem>>
    %dma_start3A_575 = tpu.memref_squeeze %dma_start3A_574 : memref<1x100xi32, #tpu.memory_space<vmem>> -> memref<100xi32, #tpu.memory_space<vmem>>
    %dma_start3A_576 = arith.constant 0 : i32
    %dma_start3A_577 = tpu.memref_slice %arg4[%add3A, %dma_start3A_571, %dma_start3A_576] : memref<32x100x100xi32, #tpu.memory_space<hbm>> -> memref<1x1x100xi32, #tpu.memory_space<hbm>>
    %dma_start3A_578 = tpu.memref_squeeze %dma_start3A_577 : memref<1x1x100xi32, #tpu.memory_space<hbm>> -> memref<100xi32, #tpu.memory_space<hbm>>
    %dma_start3A_579 = arith.constant 0 : i32
    %dma_start3A_580 = tpu.memref_slice %arg9[%dma_start3A_572, %dma_start3A_579] : memref<2x100xi32, #tpu.memory_space<vmem>> -> memref<1x100xi32, #tpu.memory_space<vmem>>
    %dma_start3A_581 = tpu.memref_squeeze %dma_start3A_580 : memref<1x100xi32, #tpu.memory_space<vmem>> -> memref<100xi32, #tpu.memory_space<vmem>>
    %dma_start3A_582 = arith.constant 0 : i32
    %dma_start3A_583 = tpu.memref_slice %arg4[%add3A, %dma_start3A_571, %dma_start3A_582] : memref<32x100x100xi32, #tpu.memory_space<hbm>> -> memref<1x1x100xi32, #tpu.memory_space<hbm>>
    %dma_start3A_584 = tpu.memref_squeeze %dma_start3A_583 : memref<1x1x100xi32, #tpu.memory_space<hbm>> -> memref<100xi32, #tpu.memory_space<hbm>>
    tpu.enqueue_dma source(%dma_start3A_584 : memref<100xi32, #tpu.memory_space<hbm>>) target(%dma_start3A_581 : memref<100xi32, #tpu.memory_space<vmem>>) target_semaphore(%arg15 : memref<!tpu.dma_semaphore, #tpu.memory_space<semaphore_mem>>)
    %dma_start3A_585 = arith.constant 99 : i32
    %dma_start3A_586 = arith.constant 0 : i32
    %dma_start3A_587 = arith.constant 0 : i32
    %dma_start3A_588 = arith.constant 0 : i32
    %dma_start3A_589 = tpu.memref_slice %arg10[%dma_start3A_586, %dma_start3A_587, %dma_start3A_588] : memref<3x100x128xf32, #tpu.memory_space<vmem>> -> memref<1x100x128xf32, #tpu.memory_space<vmem>>
    %dma_start3A_590 = tpu.memref_squeeze %dma_start3A_589 : memref<1x100x128xf32, #tpu.memory_space<vmem>> -> memref<100x128xf32, #tpu.memory_space<vmem>>
    %dma_start3A_591 = arith.constant 0 : i32
    %dma_start3A_592 = tpu.memref_slice %arg8[%dma_start3A_585, %dma_start3A_591] : memref<100x100xi32, #tpu.memory_space<vmem>> -> memref<1x100xi32, #tpu.memory_space<vmem>>
    %dma_start3A_593 = tpu.memref_squeeze %dma_start3A_592 : memref<1x100xi32, #tpu.memory_space<vmem>> -> memref<100xi32, #tpu.memory_space<vmem>>
    %dma_start3A_594 = arith.constant 0 : i32
    %dma_start3A_595 = arith.constant 0 : i32
    %dma_start3A_596 = tpu.memref_slice %arg2[%dma_start3A_594, %dma_start3A_595] : memref<10000x128xf32, #tpu.memory_space<hbm>> -> memref<10000x128xf32, #tpu.memory_space<hbm>>
    tpu.enqueue_indirect_dma source(%dma_start3A_596 : memref<10000x128xf32, #tpu.memory_space<hbm>>) target(%dma_start3A_590 : memref<100x128xf32, #tpu.memory_space<vmem>>) offsets(%dma_start3A_593 : memref<100xi32, #tpu.memory_space<vmem>>) semaphore(%arg12 : memref<!tpu.dma_semaphore, #tpu.memory_space<semaphore_mem>>)
    %dma_wait3A_597 = arith.constant 97 : i32
    %dma_wait3A_598 = arith.constant 1 : i32
    %dma_wait3A_599 = arith.constant 0 : i32
    %dma_wait3A_600 = arith.constant 0 : i32
    %dma_wait3A_601 = tpu.memref_slice %arg10[%dma_wait3A_598, %dma_wait3A_599, %dma_wait3A_600] : memref<3x100x128xf32, #tpu.memory_space<vmem>> -> memref<1x100x128xf32, #tpu.memory_space<vmem>>
    %dma_wait3A_602 = tpu.memref_squeeze %dma_wait3A_601 : memref<1x100x128xf32, #tpu.memory_space<vmem>> -> memref<100x128xf32, #tpu.memory_space<vmem>>
    %dma_wait3A_603 = arith.constant 0 : i32
    %dma_wait3A_604 = tpu.memref_slice %arg8[%dma_wait3A_597, %dma_wait3A_603] : memref<100x100xi32, #tpu.memory_space<vmem>> -> memref<1x100xi32, #tpu.memory_space<vmem>>
    %dma_wait3A_605 = tpu.memref_squeeze %dma_wait3A_604 : memref<1x100xi32, #tpu.memory_space<vmem>> -> memref<100xi32, #tpu.memory_space<vmem>>
    %dma_wait3A_606 = arith.constant 0 : i32
    %dma_wait3A_607 = arith.constant 0 : i32
    %dma_wait3A_608 = tpu.memref_slice %arg2[%dma_wait3A_606, %dma_wait3A_607] : memref<10000x128xf32, #tpu.memory_space<hbm>> -> memref<10000x128xf32, #tpu.memory_space<hbm>>
    tpu.wait_indirect_dma semaphore(%arg13 : memref<!tpu.dma_semaphore, #tpu.memory_space<semaphore_mem>>) src(%dma_wait3A_608 : memref<10000x128xf32, #tpu.memory_space<hbm>>) dst(%dma_wait3A_602 : memref<100x128xf32, #tpu.memory_space<vmem>>)
    %dma_wait3A_609 = arith.constant 97 : i32
    %dma_wait3A_610 = arith.constant 1 : i32
    %dma_wait3A_611 = arith.constant 0 : i32
    %dma_wait3A_612 = tpu.memref_slice %arg9[%dma_wait3A_610, %dma_wait3A_611] : memref<2x100xi32, #tpu.memory_space<vmem>> -> memref<1x100xi32, #tpu.memory_space<vmem>>
    %dma_wait3A_613 = tpu.memref_squeeze %dma_wait3A_612 : memref<1x100xi32, #tpu.memory_space<vmem>> -> memref<100xi32, #tpu.memory_space<vmem>>
    %dma_wait3A_614 = arith.constant 0 : i32
    %dma_wait3A_615 = tpu.memref_slice %arg4[%add3A, %dma_wait3A_609, %dma_wait3A_614] : memref<32x100x100xi32, #tpu.memory_space<hbm>> -> memref<1x1x100xi32, #tpu.memory_space<hbm>>
    %dma_wait3A_616 = tpu.memref_squeeze %dma_wait3A_615 : memref<1x1x100xi32, #tpu.memory_space<hbm>> -> memref<100xi32, #tpu.memory_space<hbm>>
    %dma_wait3A_617 = arith.constant 0 : i32
    %dma_wait3A_618 = tpu.memref_slice %arg9[%dma_wait3A_610, %dma_wait3A_617] : memref<2x100xi32, #tpu.memory_space<vmem>> -> memref<1x100xi32, #tpu.memory_space<vmem>>
    %dma_wait3A_619 = tpu.memref_squeeze %dma_wait3A_618 : memref<1x100xi32, #tpu.memory_space<vmem>> -> memref<100xi32, #tpu.memory_space<vmem>>
    %dma_wait3A_620 = arith.constant 0 : i32
    %dma_wait3A_621 = tpu.memref_slice %arg4[%add3A, %dma_wait3A_609, %dma_wait3A_620] : memref<32x100x100xi32, #tpu.memory_space<hbm>> -> memref<1x1x100xi32, #tpu.memory_space<hbm>>
    %dma_wait3A_622 = tpu.memref_squeeze %dma_wait3A_621 : memref<1x1x100xi32, #tpu.memory_space<hbm>> -> memref<100xi32, #tpu.memory_space<hbm>>
    tpu.wait_dma2 semaphore(%arg16 : memref<!tpu.dma_semaphore, #tpu.memory_space<semaphore_mem>>) src(%dma_wait3A_622 : memref<100xi32, #tpu.memory_space<hbm>>) dst(%dma_wait3A_619 : memref<100xi32, #tpu.memory_space<vmem>>)
    %run_scoped3A_623 = arith.constant 1 : i32
    %run_scoped3A_624 = arith.constant 1 : i32
    "tpu.region"() ({
      %run_scoped3A_701 = tpu.sem_alloc : memref<!tpu.dma_semaphore, #tpu.memory_space<semaphore_mem>>
      %dma_start3A_702 = arith.constant 0 : i32
      %dma_start3A_703 = arith.constant 0 : i32
      %dma_start3A_704 = tpu.memref_slice %arg10[%run_scoped3A_623, %dma_start3A_702, %dma_start3A_703] : memref<3x100x128xf32, #tpu.memory_space<vmem>> -> memref<1x100x128xf32, #tpu.memory_space<vmem>>
      %dma_start3A_705 = tpu.memref_squeeze %dma_start3A_704 : memref<1x100x128xf32, #tpu.memory_space<vmem>> -> memref<100x128xf32, #tpu.memory_space<vmem>>
      %dma_start3A_706 = arith.constant 0 : i32
      %dma_start3A_707 = tpu.memref_slice %arg9[%run_scoped3A_624, %dma_start3A_706] : memref<2x100xi32, #tpu.memory_space<vmem>> -> memref<1x100xi32, #tpu.memory_space<vmem>>
      %dma_start3A_708 = tpu.memref_squeeze %dma_start3A_707 : memref<1x100xi32, #tpu.memory_space<vmem>> -> memref<100xi32, #tpu.memory_space<vmem>>
      %dma_start3A_709 = arith.constant 0 : i32
      %dma_start3A_710 = arith.constant 0 : i32
      %dma_start3A_711 = tpu.memref_slice %arg7[%dma_start3A_709, %dma_start3A_710] : memref<10000x128xf32, #tpu.memory_space<vmem_shared>> -> memref<10000x128xf32, #tpu.memory_space<vmem_shared>>
      tpu.enqueue_indirect_dma source(%dma_start3A_705 : memref<100x128xf32, #tpu.memory_space<vmem>>) target(%dma_start3A_711 : memref<10000x128xf32, #tpu.memory_space<vmem_shared>>) offsets(%dma_start3A_708 : memref<100xi32, #tpu.memory_space<vmem>>) semaphore(%run_scoped3A_701 : memref<!tpu.dma_semaphore, #tpu.memory_space<semaphore_mem>>) {add = true}
      %dma_wait3A_712 = arith.constant 0 : i32
      %dma_wait3A_713 = arith.constant 0 : i32
      %dma_wait3A_714 = tpu.memref_slice %arg10[%run_scoped3A_623, %dma_wait3A_712, %dma_wait3A_713] : memref<3x100x128xf32, #tpu.memory_space<vmem>> -> memref<1x100x128xf32, #tpu.memory_space<vmem>>
      %dma_wait3A_715 = tpu.memref_squeeze %dma_wait3A_714 : memref<1x100x128xf32, #tpu.memory_space<vmem>> -> memref<100x128xf32, #tpu.memory_space<vmem>>
      %dma_wait3A_716 = arith.constant 0 : i32
      %dma_wait3A_717 = tpu.memref_slice %arg9[%run_scoped3A_624, %dma_wait3A_716] : memref<2x100xi32, #tpu.memory_space<vmem>> -> memref<1x100xi32, #tpu.memory_space<vmem>>
      %dma_wait3A_718 = tpu.memref_squeeze %dma_wait3A_717 : memref<1x100xi32, #tpu.memory_space<vmem>> -> memref<100xi32, #tpu.memory_space<vmem>>
      %dma_wait3A_719 = arith.constant 0 : i32
      %dma_wait3A_720 = arith.constant 0 : i32
      %dma_wait3A_721 = tpu.memref_slice %arg7[%dma_wait3A_719, %dma_wait3A_720] : memref<10000x128xf32, #tpu.memory_space<vmem_shared>> -> memref<10000x128xf32, #tpu.memory_space<vmem_shared>>
      tpu.wait_indirect_dma semaphore(%run_scoped3A_701 : memref<!tpu.dma_semaphore, #tpu.memory_space<semaphore_mem>>) src(%dma_wait3A_715 : memref<100x128xf32, #tpu.memory_space<vmem>>) dst(%dma_wait3A_721 : memref<10000x128xf32, #tpu.memory_space<vmem_shared>>)
      tpu.yield
    }) : () -> ()
    %dma_start3A_625 = arith.constant 99 : i32
    %dma_start3A_626 = arith.constant 1 : i32
    %dma_start3A_627 = arith.constant 0 : i32
    %dma_start3A_628 = tpu.memref_slice %arg9[%dma_start3A_626, %dma_start3A_627] : memref<2x100xi32, #tpu.memory_space<vmem>> -> memref<1x100xi32, #tpu.memory_space<vmem>>
    %dma_start3A_629 = tpu.memref_squeeze %dma_start3A_628 : memref<1x100xi32, #tpu.memory_space<vmem>> -> memref<100xi32, #tpu.memory_space<vmem>>
    %dma_start3A_630 = arith.constant 0 : i32
    %dma_start3A_631 = tpu.memref_slice %arg4[%add3A, %dma_start3A_625, %dma_start3A_630] : memref<32x100x100xi32, #tpu.memory_space<hbm>> -> memref<1x1x100xi32, #tpu.memory_space<hbm>>
    %dma_start3A_632 = tpu.memref_squeeze %dma_start3A_631 : memref<1x1x100xi32, #tpu.memory_space<hbm>> -> memref<100xi32, #tpu.memory_space<hbm>>
    %dma_start3A_633 = arith.constant 0 : i32
    %dma_start3A_634 = tpu.memref_slice %arg9[%dma_start3A_626, %dma_start3A_633] : memref<2x100xi32, #tpu.memory_space<vmem>> -> memref<1x100xi32, #tpu.memory_space<vmem>>
    %dma_start3A_635 = tpu.memref_squeeze %dma_start3A_634 : memref<1x100xi32, #tpu.memory_space<vmem>> -> memref<100xi32, #tpu.memory_space<vmem>>
    %dma_start3A_636 = arith.constant 0 : i32
    %dma_start3A_637 = tpu.memref_slice %arg4[%add3A, %dma_start3A_625, %dma_start3A_636] : memref<32x100x100xi32, #tpu.memory_space<hbm>> -> memref<1x1x100xi32, #tpu.memory_space<hbm>>
    %dma_start3A_638 = tpu.memref_squeeze %dma_start3A_637 : memref<1x1x100xi32, #tpu.memory_space<hbm>> -> memref<100xi32, #tpu.memory_space<hbm>>
    tpu.enqueue_dma source(%dma_start3A_638 : memref<100xi32, #tpu.memory_space<hbm>>) target(%dma_start3A_635 : memref<100xi32, #tpu.memory_space<vmem>>) target_semaphore(%arg16 : memref<!tpu.dma_semaphore, #tpu.memory_space<semaphore_mem>>)
    %dma_wait3A_639 = arith.constant 98 : i32
    %dma_wait3A_640 = arith.constant 2 : i32
    %dma_wait3A_641 = arith.constant 0 : i32
    %dma_wait3A_642 = arith.constant 0 : i32
    %dma_wait3A_643 = tpu.memref_slice %arg10[%dma_wait3A_640, %dma_wait3A_641, %dma_wait3A_642] : memref<3x100x128xf32, #tpu.memory_space<vmem>> -> memref<1x100x128xf32, #tpu.memory_space<vmem>>
    %dma_wait3A_644 = tpu.memref_squeeze %dma_wait3A_643 : memref<1x100x128xf32, #tpu.memory_space<vmem>> -> memref<100x128xf32, #tpu.memory_space<vmem>>
    %dma_wait3A_645 = arith.constant 0 : i32
    %dma_wait3A_646 = tpu.memref_slice %arg8[%dma_wait3A_639, %dma_wait3A_645] : memref<100x100xi32, #tpu.memory_space<vmem>> -> memref<1x100xi32, #tpu.memory_space<vmem>>
    %dma_wait3A_647 = tpu.memref_squeeze %dma_wait3A_646 : memref<1x100xi32, #tpu.memory_space<vmem>> -> memref<100xi32, #tpu.memory_space<vmem>>
    %dma_wait3A_648 = arith.constant 0 : i32
    %dma_wait3A_649 = arith.constant 0 : i32
    %dma_wait3A_650 = tpu.memref_slice %arg2[%dma_wait3A_648, %dma_wait3A_649] : memref<10000x128xf32, #tpu.memory_space<hbm>> -> memref<10000x128xf32, #tpu.memory_space<hbm>>
    tpu.wait_indirect_dma semaphore(%arg14 : memref<!tpu.dma_semaphore, #tpu.memory_space<semaphore_mem>>) src(%dma_wait3A_650 : memref<10000x128xf32, #tpu.memory_space<hbm>>) dst(%dma_wait3A_644 : memref<100x128xf32, #tpu.memory_space<vmem>>)
    %dma_wait3A_651 = arith.constant 98 : i32
    %dma_wait3A_652 = arith.constant 0 : i32
    %dma_wait3A_653 = arith.constant 0 : i32
    %dma_wait3A_654 = tpu.memref_slice %arg9[%dma_wait3A_652, %dma_wait3A_653] : memref<2x100xi32, #tpu.memory_space<vmem>> -> memref<1x100xi32, #tpu.memory_space<vmem>>
    %dma_wait3A_655 = tpu.memref_squeeze %dma_wait3A_654 : memref<1x100xi32, #tpu.memory_space<vmem>> -> memref<100xi32, #tpu.memory_space<vmem>>
    %dma_wait3A_656 = arith.constant 0 : i32
    %dma_wait3A_657 = tpu.memref_slice %arg4[%add3A, %dma_wait3A_651, %dma_wait3A_656] : memref<32x100x100xi32, #tpu.memory_space<hbm>> -> memref<1x1x100xi32, #tpu.memory_space<hbm>>
    %dma_wait3A_658 = tpu.memref_squeeze %dma_wait3A_657 : memref<1x1x100xi32, #tpu.memory_space<hbm>> -> memref<100xi32, #tpu.memory_space<hbm>>
    %dma_wait3A_659 = arith.constant 0 : i32
    %dma_wait3A_660 = tpu.memref_slice %arg9[%dma_wait3A_652, %dma_wait3A_659] : memref<2x100xi32, #tpu.memory_space<vmem>> -> memref<1x100xi32, #tpu.memory_space<vmem>>
    %dma_wait3A_661 = tpu.memref_squeeze %dma_wait3A_660 : memref<1x100xi32, #tpu.memory_space<vmem>> -> memref<100xi32, #tpu.memory_space<vmem>>
    %dma_wait3A_662 = arith.constant 0 : i32
    %dma_wait3A_663 = tpu.memref_slice %arg4[%add3A, %dma_wait3A_651, %dma_wait3A_662] : memref<32x100x100xi32, #tpu.memory_space<hbm>> -> memref<1x1x100xi32, #tpu.memory_space<hbm>>
    %dma_wait3A_664 = tpu.memref_squeeze %dma_wait3A_663 : memref<1x1x100xi32, #tpu.memory_space<hbm>> -> memref<100xi32, #tpu.memory_space<hbm>>
    tpu.wait_dma2 semaphore(%arg15 : memref<!tpu.dma_semaphore, #tpu.memory_space<semaphore_mem>>) src(%dma_wait3A_664 : memref<100xi32, #tpu.memory_space<hbm>>) dst(%dma_wait3A_661 : memref<100xi32, #tpu.memory_space<vmem>>)
    %run_scoped3A_665 = arith.constant 2 : i32
    %run_scoped3A_666 = arith.constant 0 : i32
    "tpu.region"() ({
      %run_scoped3A_701 = tpu.sem_alloc : memref<!tpu.dma_semaphore, #tpu.memory_space<semaphore_mem>>
      %dma_start3A_702 = arith.constant 0 : i32
      %dma_start3A_703 = arith.constant 0 : i32
      %dma_start3A_704 = tpu.memref_slice %arg10[%run_scoped3A_665, %dma_start3A_702, %dma_start3A_703] : memref<3x100x128xf32, #tpu.memory_space<vmem>> -> memref<1x100x128xf32, #tpu.memory_space<vmem>>
      %dma_start3A_705 = tpu.memref_squeeze %dma_start3A_704 : memref<1x100x128xf32, #tpu.memory_space<vmem>> -> memref<100x128xf32, #tpu.memory_space<vmem>>
      %dma_start3A_706 = arith.constant 0 : i32
      %dma_start3A_707 = tpu.memref_slice %arg9[%run_scoped3A_666, %dma_start3A_706] : memref<2x100xi32, #tpu.memory_space<vmem>> -> memref<1x100xi32, #tpu.memory_space<vmem>>
      %dma_start3A_708 = tpu.memref_squeeze %dma_start3A_707 : memref<1x100xi32, #tpu.memory_space<vmem>> -> memref<100xi32, #tpu.memory_space<vmem>>
      %dma_start3A_709 = arith.constant 0 : i32
      %dma_start3A_710 = arith.constant 0 : i32
      %dma_start3A_711 = tpu.memref_slice %arg7[%dma_start3A_709, %dma_start3A_710] : memref<10000x128xf32, #tpu.memory_space<vmem_shared>> -> memref<10000x128xf32, #tpu.memory_space<vmem_shared>>
      tpu.enqueue_indirect_dma source(%dma_start3A_705 : memref<100x128xf32, #tpu.memory_space<vmem>>) target(%dma_start3A_711 : memref<10000x128xf32, #tpu.memory_space<vmem_shared>>) offsets(%dma_start3A_708 : memref<100xi32, #tpu.memory_space<vmem>>) semaphore(%run_scoped3A_701 : memref<!tpu.dma_semaphore, #tpu.memory_space<semaphore_mem>>) {add = true}
      %dma_wait3A_712 = arith.constant 0 : i32
      %dma_wait3A_713 = arith.constant 0 : i32
      %dma_wait3A_714 = tpu.memref_slice %arg10[%run_scoped3A_665, %dma_wait3A_712, %dma_wait3A_713] : memref<3x100x128xf32, #tpu.memory_space<vmem>> -> memref<1x100x128xf32, #tpu.memory_space<vmem>>
      %dma_wait3A_715 = tpu.memref_squeeze %dma_wait3A_714 : memref<1x100x128xf32, #tpu.memory_space<vmem>> -> memref<100x128xf32, #tpu.memory_space<vmem>>
      %dma_wait3A_716 = arith.constant 0 : i32
      %dma_wait3A_717 = tpu.memref_slice %arg9[%run_scoped3A_666, %dma_wait3A_716] : memref<2x100xi32, #tpu.memory_space<vmem>> -> memref<1x100xi32, #tpu.memory_space<vmem>>
      %dma_wait3A_718 = tpu.memref_squeeze %dma_wait3A_717 : memref<1x100xi32, #tpu.memory_space<vmem>> -> memref<100xi32, #tpu.memory_space<vmem>>
      %dma_wait3A_719 = arith.constant 0 : i32
      %dma_wait3A_720 = arith.constant 0 : i32
      %dma_wait3A_721 = tpu.memref_slice %arg7[%dma_wait3A_719, %dma_wait3A_720] : memref<10000x128xf32, #tpu.memory_space<vmem_shared>> -> memref<10000x128xf32, #tpu.memory_space<vmem_shared>>
      tpu.wait_indirect_dma semaphore(%run_scoped3A_701 : memref<!tpu.dma_semaphore, #tpu.memory_space<semaphore_mem>>) src(%dma_wait3A_715 : memref<100x128xf32, #tpu.memory_space<vmem>>) dst(%dma_wait3A_721 : memref<10000x128xf32, #tpu.memory_space<vmem_shared>>)
      tpu.yield
    }) : () -> ()
    %dma_wait3A_667 = arith.constant 99 : i32
    %dma_wait3A_668 = arith.constant 0 : i32
    %dma_wait3A_669 = arith.constant 0 : i32
    %dma_wait3A_670 = arith.constant 0 : i32
    %dma_wait3A_671 = tpu.memref_slice %arg10[%dma_wait3A_668, %dma_wait3A_669, %dma_wait3A_670] : memref<3x100x128xf32, #tpu.memory_space<vmem>> -> memref<1x100x128xf32, #tpu.memory_space<vmem>>
    %dma_wait3A_672 = tpu.memref_squeeze %dma_wait3A_671 : memref<1x100x128xf32, #tpu.memory_space<vmem>> -> memref<100x128xf32, #tpu.memory_space<vmem>>
    %dma_wait3A_673 = arith.constant 0 : i32
    %dma_wait3A_674 = tpu.memref_slice %arg8[%dma_wait3A_667, %dma_wait3A_673] : memref<100x100xi32, #tpu.memory_space<vmem>> -> memref<1x100xi32, #tpu.memory_space<vmem>>
    %dma_wait3A_675 = tpu.memref_squeeze %dma_wait3A_674 : memref<1x100xi32, #tpu.memory_space<vmem>> -> memref<100xi32, #tpu.memory_space<vmem>>
    %dma_wait3A_676 = arith.constant 0 : i32
    %dma_wait3A_677 = arith.constant 0 : i32
    %dma_wait3A_678 = tpu.memref_slice %arg2[%dma_wait3A_676, %dma_wait3A_677] : memref<10000x128xf32, #tpu.memory_space<hbm>> -> memref<10000x128xf32, #tpu.memory_space<hbm>>
    tpu.wait_indirect_dma semaphore(%arg12 : memref<!tpu.dma_semaphore, #tpu.memory_space<semaphore_mem>>) src(%dma_wait3A_678 : memref<10000x128xf32, #tpu.memory_space<hbm>>) dst(%dma_wait3A_672 : memref<100x128xf32, #tpu.memory_space<vmem>>)
    %dma_wait3A_679 = arith.constant 99 : i32
    %dma_wait3A_680 = arith.constant 1 : i32
    %dma_wait3A_681 = arith.constant 0 : i32
    %dma_wait3A_682 = tpu.memref_slice %arg9[%dma_wait3A_680, %dma_wait3A_681] : memref<2x100xi32, #tpu.memory_space<vmem>> -> memref<1x100xi32, #tpu.memory_space<vmem>>
    %dma_wait3A_683 = tpu.memref_squeeze %dma_wait3A_682 : memref<1x100xi32, #tpu.memory_space<vmem>> -> memref<100xi32, #tpu.memory_space<vmem>>
    %dma_wait3A_684 = arith.constant 0 : i32
    %dma_wait3A_685 = tpu.memref_slice %arg4[%add3A, %dma_wait3A_679, %dma_wait3A_684] : memref<32x100x100xi32, #tpu.memory_space<hbm>> -> memref<1x1x100xi32, #tpu.memory_space<hbm>>
    %dma_wait3A_686 = tpu.memref_squeeze %dma_wait3A_685 : memref<1x1x100xi32, #tpu.memory_space<hbm>> -> memref<100xi32, #tpu.memory_space<hbm>>
    %dma_wait3A_687 = arith.constant 0 : i32
    %dma_wait3A_688 = tpu.memref_slice %arg9[%dma_wait3A_680, %dma_wait3A_687] : memref<2x100xi32, #tpu.memory_space<vmem>> -> memref<1x100xi32, #tpu.memory_space<vmem>>
    %dma_wait3A_689 = tpu.memref_squeeze %dma_wait3A_688 : memref<1x100xi32, #tpu.memory_space<vmem>> -> memref<100xi32, #tpu.memory_space<vmem>>
    %dma_wait3A_690 = arith.constant 0 : i32
    %dma_wait3A_691 = tpu.memref_slice %arg4[%add3A, %dma_wait3A_679, %dma_wait3A_690] : memref<32x100x100xi32, #tpu.memory_space<hbm>> -> memref<1x1x100xi32, #tpu.memory_space<hbm>>
    %dma_wait3A_692 = tpu.memref_squeeze %dma_wait3A_691 : memref<1x1x100xi32, #tpu.memory_space<hbm>> -> memref<100xi32, #tpu.memory_space<hbm>>
    tpu.wait_dma2 semaphore(%arg16 : memref<!tpu.dma_semaphore, #tpu.memory_space<semaphore_mem>>) src(%dma_wait3A_692 : memref<100xi32, #tpu.memory_space<hbm>>) dst(%dma_wait3A_689 : memref<100xi32, #tpu.memory_space<vmem>>)
    %run_scoped3A_693 = arith.constant 0 : i32
    %run_scoped3A_694 = arith.constant 1 : i32
    "tpu.region"() ({
      %run_scoped3A_701 = tpu.sem_alloc : memref<!tpu.dma_semaphore, #tpu.memory_space<semaphore_mem>>
      %dma_start3A_702 = arith.constant 0 : i32
      %dma_start3A_703 = arith.constant 0 : i32
      %dma_start3A_704 = tpu.memref_slice %arg10[%run_scoped3A_693, %dma_start3A_702, %dma_start3A_703] : memref<3x100x128xf32, #tpu.memory_space<vmem>> -> memref<1x100x128xf32, #tpu.memory_space<vmem>>
      %dma_start3A_705 = tpu.memref_squeeze %dma_start3A_704 : memref<1x100x128xf32, #tpu.memory_space<vmem>> -> memref<100x128xf32, #tpu.memory_space<vmem>>
      %dma_start3A_706 = arith.constant 0 : i32
      %dma_start3A_707 = tpu.memref_slice %arg9[%run_scoped3A_694, %dma_start3A_706] : memref<2x100xi32, #tpu.memory_space<vmem>> -> memref<1x100xi32, #tpu.memory_space<vmem>>
      %dma_start3A_708 = tpu.memref_squeeze %dma_start3A_707 : memref<1x100xi32, #tpu.memory_space<vmem>> -> memref<100xi32, #tpu.memory_space<vmem>>
      %dma_start3A_709 = arith.constant 0 : i32
      %dma_start3A_710 = arith.constant 0 : i32
      %dma_start3A_711 = tpu.memref_slice %arg7[%dma_start3A_709, %dma_start3A_710] : memref<10000x128xf32, #tpu.memory_space<vmem_shared>> -> memref<10000x128xf32, #tpu.memory_space<vmem_shared>>
      tpu.enqueue_indirect_dma source(%dma_start3A_705 : memref<100x128xf32, #tpu.memory_space<vmem>>) target(%dma_start3A_711 : memref<10000x128xf32, #tpu.memory_space<vmem_shared>>) offsets(%dma_start3A_708 : memref<100xi32, #tpu.memory_space<vmem>>) semaphore(%run_scoped3A_701 : memref<!tpu.dma_semaphore, #tpu.memory_space<semaphore_mem>>) {add = true}
      %dma_wait3A_712 = arith.constant 0 : i32
      %dma_wait3A_713 = arith.constant 0 : i32
      %dma_wait3A_714 = tpu.memref_slice %arg10[%run_scoped3A_693, %dma_wait3A_712, %dma_wait3A_713] : memref<3x100x128xf32, #tpu.memory_space<vmem>> -> memref<1x100x128xf32, #tpu.memory_space<vmem>>
      %dma_wait3A_715 = tpu.memref_squeeze %dma_wait3A_714 : memref<1x100x128xf32, #tpu.memory_space<vmem>> -> memref<100x128xf32, #tpu.memory_space<vmem>>
      %dma_wait3A_716 = arith.constant 0 : i32
      %dma_wait3A_717 = tpu.memref_slice %arg9[%run_scoped3A_694, %dma_wait3A_716] : memref<2x100xi32, #tpu.memory_space<vmem>> -> memref<1x100xi32, #tpu.memory_space<vmem>>
      %dma_wait3A_718 = tpu.memref_squeeze %dma_wait3A_717 : memref<1x100xi32, #tpu.memory_space<vmem>> -> memref<100xi32, #tpu.memory_space<vmem>>
      %dma_wait3A_719 = arith.constant 0 : i32
      %dma_wait3A_720 = arith.constant 0 : i32
      %dma_wait3A_721 = tpu.memref_slice %arg7[%dma_wait3A_719, %dma_wait3A_720] : memref<10000x128xf32, #tpu.memory_space<vmem_shared>> -> memref<10000x128xf32, #tpu.memory_space<vmem_shared>>
      tpu.wait_indirect_dma semaphore(%run_scoped3A_701 : memref<!tpu.dma_semaphore, #tpu.memory_space<semaphore_mem>>) src(%dma_wait3A_715 : memref<100x128xf32, #tpu.memory_space<vmem>>) dst(%dma_wait3A_721 : memref<10000x128xf32, #tpu.memory_space<vmem_shared>>)
      tpu.yield
    }) : () -> ()
    %barrier3A_695 = arith.constant 0 : index
    tpu.barrier barrier_id(%barrier3A_695)
    "tpu.region"() ({
      %run_scoped3A_701 = tpu.sem_alloc : memref<!tpu.dma_semaphore, #tpu.memory_space<semaphore_mem>>
      %dma_start3A_702 = arith.constant 0 : i32
      %dma_start3A_703 = tpu.memref_slice %arg6[%arg0, %mul3A_2, %dma_start3A_702] : memref<2x10000x128xf32, #tpu.memory_space<hbm>> -> memref<1x624x128xf32, #tpu.memory_space<hbm>>
      %dma_start3A_704 = tpu.memref_squeeze %dma_start3A_703 : memref<1x624x128xf32, #tpu.memory_space<hbm>> -> memref<624x128xf32, #tpu.memory_space<hbm>>
      %dma_start3A_705 = arith.constant 0 : i32
      %dma_start3A_706 = tpu.memref_slice %arg7[%mul3A_2, %dma_start3A_705] : memref<10000x128xf32, #tpu.memory_space<vmem_shared>> -> memref<624x128xf32, #tpu.memory_space<vmem_shared>>
      tpu.enqueue_dma source(%dma_start3A_706 : memref<624x128xf32, #tpu.memory_space<vmem_shared>>) target(%dma_start3A_704 : memref<624x128xf32, #tpu.memory_space<hbm>>) target_semaphore(%run_scoped3A_701 : memref<!tpu.dma_semaphore, #tpu.memory_space<semaphore_mem>>)
      %dma_wait3A_707 = arith.constant 0 : i32
      %dma_wait3A_708 = tpu.memref_slice %arg6[%arg0, %mul3A_2, %dma_wait3A_707] : memref<2x10000x128xf32, #tpu.memory_space<hbm>> -> memref<1x624x128xf32, #tpu.memory_space<hbm>>
      %dma_wait3A_709 = tpu.memref_squeeze %dma_wait3A_708 : memref<1x624x128xf32, #tpu.memory_space<hbm>> -> memref<624x128xf32, #tpu.memory_space<hbm>>
      %dma_wait3A_710 = arith.constant 0 : i32
      %dma_wait3A_711 = tpu.memref_slice %arg7[%mul3A_2, %dma_wait3A_710] : memref<10000x128xf32, #tpu.memory_space<vmem_shared>> -> memref<624x128xf32, #tpu.memory_space<vmem_shared>>
      tpu.wait_dma2 semaphore(%run_scoped3A_701 : memref<!tpu.dma_semaphore, #tpu.memory_space<semaphore_mem>>) src(%dma_wait3A_711 : memref<624x128xf32, #tpu.memory_space<vmem_shared>>) dst(%dma_wait3A_709 : memref<624x128xf32, #tpu.memory_space<hbm>>)
      tpu.yield
    }) : () -> ()
    %eq3A_696 = arith.constant 15 : i32
    %eq3A_697 = arith.cmpi eq, %arg1, %eq3A_696 : i32
    %convert_element_type3A_698 = arith.extui %eq3A_697 : i1 to i32
    %cond3A_699 = arith.constant 0 : i32
    %cond3A_700 = arith.cmpi ne, %convert_element_type3A_698, %cond3A_699 : i32
    scf.if %cond3A_700 {
      %add3A_701 = arith.constant 624 : i32
      %add3A_702 = arith.addi %mul3A_2, %add3A_701 : i32
      %add3A_703 = arith.constant 624 : i32
      %add3A_704 = arith.addi %mul3A_2, %add3A_703 : i32
      "tpu.region"() ({
        %run_scoped3A_705 = tpu.sem_alloc : memref<!tpu.dma_semaphore, #tpu.memory_space<semaphore_mem>>
        %dma_start3A_706 = arith.constant 0 : i32
        %dma_start3A_707 = tpu.memref_slice %arg6[%arg0, %add3A_704, %dma_start3A_706] : memref<2x10000x128xf32, #tpu.memory_space<hbm>> -> memref<1x16x128xf32, #tpu.memory_space<hbm>>
        %dma_start3A_708 = tpu.memref_squeeze %dma_start3A_707 : memref<1x16x128xf32, #tpu.memory_space<hbm>> -> memref<16x128xf32, #tpu.memory_space<hbm>>
        %dma_start3A_709 = arith.constant 0 : i32
        %dma_start3A_710 = tpu.memref_slice %arg7[%add3A_702, %dma_start3A_709] : memref<10000x128xf32, #tpu.memory_space<vmem_shared>> -> memref<16x128xf32, #tpu.memory_space<vmem_shared>>
        tpu.enqueue_dma source(%dma_start3A_710 : memref<16x128xf32, #tpu.memory_space<vmem_shared>>) target(%dma_start3A_708 : memref<16x128xf32, #tpu.memory_space<hbm>>) target_semaphore(%run_scoped3A_705 : memref<!tpu.dma_semaphore, #tpu.memory_space<semaphore_mem>>)
        %dma_wait3A_711 = arith.constant 0 : i32
        %dma_wait3A_712 = tpu.memref_slice %arg6[%arg0, %add3A_704, %dma_wait3A_711] : memref<2x10000x128xf32, #tpu.memory_space<hbm>> -> memref<1x16x128xf32, #tpu.memory_space<hbm>>
        %dma_wait3A_713 = tpu.memref_squeeze %dma_wait3A_712 : memref<1x16x128xf32, #tpu.memory_space<hbm>> -> memref<16x128xf32, #tpu.memory_space<hbm>>
        %dma_wait3A_714 = arith.constant 0 : i32
        %dma_wait3A_715 = tpu.memref_slice %arg7[%add3A_702, %dma_wait3A_714] : memref<10000x128xf32, #tpu.memory_space<vmem_shared>> -> memref<16x128xf32, #tpu.memory_space<vmem_shared>>
        tpu.wait_dma2 semaphore(%run_scoped3A_705 : memref<!tpu.dma_semaphore, #tpu.memory_space<semaphore_mem>>) src(%dma_wait3A_715 : memref<16x128xf32, #tpu.memory_space<vmem_shared>>) dst(%dma_wait3A_713 : memref<16x128xf32, #tpu.memory_space<hbm>>)
        tpu.yield
      }) : () -> ()
    } else {
    }
    return
  }
}

module attributes {stable_mosaic.version = 14 : i64} {
  func.func @_mlp_body(%arg0: i32, %arg1: memref<2000x128xf32, #tpu.memory_space<vmem>>, %arg2: memref<2x2000x128xf32, #tpu.memory_space<vmem>>, %arg3: memref<128x128xf32, #tpu.memory_space<vmem>>, %arg4: memref<1x128xf32, #tpu.memory_space<vmem>>, %arg5: memref<128x128xf32, #tpu.memory_space<vmem>>, %arg6: memref<1x128xf32, #tpu.memory_space<vmem>>, %arg7: memref<2000x128xf32, #tpu.memory_space<vmem>>) attributes {dimension_semantics = [#tpu.dimension_semantics<arbitrary>], iteration_bounds = array<i64: 5>, scalar_prefetch = 0 : i64, scratch_operands = 0 : i64, tpu.core_type = #tpu.core_type<tc>, window_params = [{transform_indices = @transform_0, window_bounds = array<i64: 2000, 128>}, {transform_indices = @transform_1, window_bounds = array<i64: 2, 2000, 128>}, {pipeline_mode = #tpu.pipeline_mode<synchronous>, transform_indices = @transform_2, window_bounds = array<i64: 128, 128>}, {pipeline_mode = #tpu.pipeline_mode<synchronous>, transform_indices = @transform_3, window_bounds = array<i64: 1, 128>}, {pipeline_mode = #tpu.pipeline_mode<synchronous>, transform_indices = @transform_4, window_bounds = array<i64: 128, 128>}, {pipeline_mode = #tpu.pipeline_mode<synchronous>, transform_indices = @transform_5, window_bounds = array<i64: 1, 128>}, {transform_indices = @transform_6, window_bounds = array<i64: 2000, 128>}]} {
    %get3A = arith.constant 0 : index
    %get3A_0 = arith.constant 0 : index
    %get3A_1 = vector.load %arg1[%get3A, %get3A_0] : memref<2000x128xf32, #tpu.memory_space<vmem>>, vector<2000x128xf32>
    %get3A_2 = arith.constant 0 : index
    %get3A_3 = arith.constant 0 : index
    %get3A_4 = arith.constant 0 : index
    %get3A_5 = vector.load %arg2[%get3A_2, %get3A_3, %get3A_4] : memref<2x2000x128xf32, #tpu.memory_space<vmem>>, vector<1x2000x128xf32>
    %get3A_6 = vector.shape_cast %get3A_5 : vector<1x2000x128xf32> to vector<2000x128xf32>
    %add3A = arith.addf %get3A_1, %get3A_6 : vector<2000x128xf32>
    %get3A_7 = arith.constant 1 : index
    %get3A_8 = arith.constant 0 : index
    %get3A_9 = arith.constant 0 : index
    %get3A_10 = vector.load %arg2[%get3A_7, %get3A_8, %get3A_9] : memref<2x2000x128xf32, #tpu.memory_space<vmem>>, vector<1x2000x128xf32>
    %get3A_11 = vector.shape_cast %get3A_10 : vector<1x2000x128xf32> to vector<2000x128xf32>
    %add3A_12 = arith.addf %add3A, %get3A_11 : vector<2000x128xf32>
    %get3A_13 = arith.constant 0 : index
    %get3A_14 = arith.constant 0 : index
    %get3A_15 = vector.load %arg3[%get3A_13, %get3A_14] : memref<128x128xf32, #tpu.memory_space<vmem>>, vector<128x128xf32>
    %dot_general3A = arith.constant dense<0.000000e+00> : vector<2000x128xf32>
    %dot_general3A_16 = tpu.matmul %add3A_12, %get3A_15, %dot_general3A {dimension_numbers = #tpu.dot_dimension_numbers<[1], [0], [0], [1], [0, 0, 1, 1], [], []>, transpose_lhs_hint = false} : vector<2000x128xf32>, vector<128x128xf32>, vector<2000x128xf32> -> vector<2000x128xf32>
    %get3A_17 = arith.constant 0 : index
    %get3A_18 = arith.constant 0 : index
    %get3A_19 = vector.load %arg4[%get3A_17, %get3A_18] : memref<1x128xf32, #tpu.memory_space<vmem>>, vector<1x128xf32>
    %add3A_20 = vector.broadcast %get3A_19 : vector<1x128xf32> to vector<2000x128xf32>
    %add3A_21 = arith.addf %dot_general3A_16, %add3A_20 : vector<2000x128xf32>
    %max3A = arith.constant 0.000000e+00 : f32
    %max3A_22 = vector.broadcast %max3A : f32 to vector<2000x128xf32>
    %max3A_23 = arith.maximumf %add3A_21, %max3A_22 : vector<2000x128xf32>
    %get3A_24 = arith.constant 0 : index
    %get3A_25 = arith.constant 0 : index
    %get3A_26 = vector.load %arg5[%get3A_24, %get3A_25] : memref<128x128xf32, #tpu.memory_space<vmem>>, vector<128x128xf32>
    %dot_general3A_27 = arith.constant dense<0.000000e+00> : vector<2000x128xf32>
    %dot_general3A_28 = tpu.matmul %max3A_23, %get3A_26, %dot_general3A_27 {dimension_numbers = #tpu.dot_dimension_numbers<[1], [0], [0], [1], [0, 0, 1, 1], [], []>, transpose_lhs_hint = false} : vector<2000x128xf32>, vector<128x128xf32>, vector<2000x128xf32> -> vector<2000x128xf32>
    %get3A_29 = arith.constant 0 : index
    %get3A_30 = arith.constant 0 : index
    %get3A_31 = vector.load %arg6[%get3A_29, %get3A_30] : memref<1x128xf32, #tpu.memory_space<vmem>>, vector<1x128xf32>
    %add3A_32 = vector.broadcast %get3A_31 : vector<1x128xf32> to vector<2000x128xf32>
    %add3A_33 = arith.addf %dot_general3A_28, %add3A_32 : vector<2000x128xf32>
    %swap3A = arith.constant 0 : index
    %swap3A_34 = arith.constant 0 : index
    %swap3A_35 = vector.load %arg7[%swap3A, %swap3A_34] : memref<2000x128xf32, #tpu.memory_space<vmem>>, vector<2000x128xf32>
    tpu.vector_store %arg7[%swap3A, %swap3A_34], %add3A_33 {strides = array<i32>} : memref<2000x128xf32, #tpu.memory_space<vmem>>, vector<2000x128xf32>,
    return
  }
  func.func @transform_0(%arg0: i32) -> (i32, i32) {
    %c0_i32 = arith.constant 0 : i32
    %c0_i32_0 = arith.constant 0 : i32
    return %arg0, %c0_i32 : i32, i32
  }
  func.func @transform_1(%arg0: i32) -> (i32, i32, i32) {
    %c0_i32 = arith.constant 0 : i32
    %c0_i32_0 = arith.constant 0 : i32
    %c0_i32_1 = arith.constant 0 : i32
    return %c0_i32, %arg0, %c0_i32_0 : i32, i32, i32
  }
  func.func @transform_2(%arg0: i32) -> (i32, i32) {
    %c0_i32 = arith.constant 0 : i32
    %c0_i32_0 = arith.constant 0 : i32
    %c0_i32_1 = arith.constant 0 : i32
    return %c0_i32, %c0_i32_0 : i32, i32
  }
  func.func @transform_3(%arg0: i32) -> (i32, i32) {
    %c0_i32 = arith.constant 0 : i32
    %c0_i32_0 = arith.constant 0 : i32
    %c0_i32_1 = arith.constant 0 : i32
    return %c0_i32, %c0_i32_0 : i32, i32
  }
  func.func @transform_4(%arg0: i32) -> (i32, i32) {
    %c0_i32 = arith.constant 0 : i32
    %c0_i32_0 = arith.constant 0 : i32
    %c0_i32_1 = arith.constant 0 : i32
    return %c0_i32, %c0_i32_0 : i32, i32
  }
  func.func @transform_5(%arg0: i32) -> (i32, i32) {
    %c0_i32 = arith.constant 0 : i32
    %c0_i32_0 = arith.constant 0 : i32
    %c0_i32_1 = arith.constant 0 : i32
    return %c0_i32, %c0_i32_0 : i32, i32
  }
  func.func @transform_6(%arg0: i32) -> (i32, i32) {
    %c0_i32 = arith.constant 0 : i32
    %c0_i32_0 = arith.constant 0 : i32
    return %arg0, %c0_i32 : i32, i32
  }
}

module attributes {stable_mosaic.version = 14 : i64} {
  func.func @_mlp_body(%arg0: i32, %arg1: memref<2000x128xf32, #tpu.memory_space<vmem>>, %arg2: memref<2x2000x128xf32, #tpu.memory_space<vmem>>, %arg3: memref<128x128xf32, #tpu.memory_space<vmem>>, %arg4: memref<1x128xf32, #tpu.memory_space<vmem>>, %arg5: memref<128x128xf32, #tpu.memory_space<vmem>>, %arg6: memref<1x128xf32, #tpu.memory_space<vmem>>, %arg7: memref<2000x128xf32, #tpu.memory_space<vmem>>) attributes {dimension_semantics = [#tpu.dimension_semantics<arbitrary>], iteration_bounds = array<i64: 5>, scalar_prefetch = 0 : i64, scratch_operands = 0 : i64, tpu.core_type = #tpu.core_type<tc>, window_params = [{transform_indices = @transform_0, window_bounds = array<i64: 2000, 128>}, {transform_indices = @transform_1, window_bounds = array<i64: 2, 2000, 128>}, {pipeline_mode = #tpu.pipeline_mode<synchronous>, transform_indices = @transform_2, window_bounds = array<i64: 128, 128>}, {pipeline_mode = #tpu.pipeline_mode<synchronous>, transform_indices = @transform_3, window_bounds = array<i64: 1, 128>}, {pipeline_mode = #tpu.pipeline_mode<synchronous>, transform_indices = @transform_4, window_bounds = array<i64: 128, 128>}, {pipeline_mode = #tpu.pipeline_mode<synchronous>, transform_indices = @transform_5, window_bounds = array<i64: 1, 128>}, {transform_indices = @transform_6, window_bounds = array<i64: 2000, 128>}]} {
    %get3A = arith.constant 0 : index
    %get3A_0 = arith.constant 0 : index
    %get3A_1 = vector.load %arg1[%get3A, %get3A_0] : memref<2000x128xf32, #tpu.memory_space<vmem>>, vector<2000x128xf32>
    %get3A_2 = arith.constant 0 : index
    %get3A_3 = arith.constant 0 : index
    %get3A_4 = arith.constant 0 : index
    %get3A_5 = vector.load %arg2[%get3A_2, %get3A_3, %get3A_4] : memref<2x2000x128xf32, #tpu.memory_space<vmem>>, vector<1x2000x128xf32>
    %get3A_6 = vector.shape_cast %get3A_5 : vector<1x2000x128xf32> to vector<2000x128xf32>
    %add3A = arith.addf %get3A_1, %get3A_6 : vector<2000x128xf32>
    %get3A_7 = arith.constant 1 : index
    %get3A_8 = arith.constant 0 : index
    %get3A_9 = arith.constant 0 : index
    %get3A_10 = vector.load %arg2[%get3A_7, %get3A_8, %get3A_9] : memref<2x2000x128xf32, #tpu.memory_space<vmem>>, vector<1x2000x128xf32>
    %get3A_11 = vector.shape_cast %get3A_10 : vector<1x2000x128xf32> to vector<2000x128xf32>
    %add3A_12 = arith.addf %add3A, %get3A_11 : vector<2000x128xf32>
    %get3A_13 = arith.constant 0 : index
    %get3A_14 = arith.constant 0 : index
    %get3A_15 = vector.load %arg3[%get3A_13, %get3A_14] : memref<128x128xf32, #tpu.memory_space<vmem>>, vector<128x128xf32>
    %dot_general3A = arith.constant dense<0.000000e+00> : vector<2000x128xf32>
    %dot_general3A_16 = tpu.matmul %add3A_12, %get3A_15, %dot_general3A {dimension_numbers = #tpu.dot_dimension_numbers<[1], [0], [0], [1], [0, 0, 1, 1], [], []>, transpose_lhs_hint = false} : vector<2000x128xf32>, vector<128x128xf32>, vector<2000x128xf32> -> vector<2000x128xf32>
    %get3A_17 = arith.constant 0 : index
    %get3A_18 = arith.constant 0 : index
    %get3A_19 = vector.load %arg4[%get3A_17, %get3A_18] : memref<1x128xf32, #tpu.memory_space<vmem>>, vector<1x128xf32>
    %add3A_20 = vector.broadcast %get3A_19 : vector<1x128xf32> to vector<2000x128xf32>
    %add3A_21 = arith.addf %dot_general3A_16, %add3A_20 : vector<2000x128xf32>
    %max3A = arith.constant 0.000000e+00 : f32
    %max3A_22 = vector.broadcast %max3A : f32 to vector<2000x128xf32>
    %max3A_23 = arith.maximumf %add3A_21, %max3A_22 : vector<2000x128xf32>
    %get3A_24 = arith.constant 0 : index
    %get3A_25 = arith.constant 0 : index
    %get3A_26 = vector.load %arg5[%get3A_24, %get3A_25] : memref<128x128xf32, #tpu.memory_space<vmem>>, vector<128x128xf32>
    %dot_general3A_27 = arith.constant dense<0.000000e+00> : vector<2000x128xf32>
    %dot_general3A_28 = tpu.matmul %max3A_23, %get3A_26, %dot_general3A_27 {dimension_numbers = #tpu.dot_dimension_numbers<[1], [0], [0], [1], [0, 0, 1, 1], [], []>, transpose_lhs_hint = false} : vector<2000x128xf32>, vector<128x128xf32>, vector<2000x128xf32> -> vector<2000x128xf32>
    %get3A_29 = arith.constant 0 : index
    %get3A_30 = arith.constant 0 : index
    %get3A_31 = vector.load %arg6[%get3A_29, %get3A_30] : memref<1x128xf32, #tpu.memory_space<vmem>>, vector<1x128xf32>
    %add3A_32 = vector.broadcast %get3A_31 : vector<1x128xf32> to vector<2000x128xf32>
    %add3A_33 = arith.addf %dot_general3A_28, %add3A_32 : vector<2000x128xf32>
    %swap3A = arith.constant 0 : index
    %swap3A_34 = arith.constant 0 : index
    %swap3A_35 = vector.load %arg7[%swap3A, %swap3A_34] : memref<2000x128xf32, #tpu.memory_space<vmem>>, vector<2000x128xf32>
    tpu.vector_store %arg7[%swap3A, %swap3A_34], %add3A_33 {strides = array<i32>} : memref<2000x128xf32, #tpu.memory_space<vmem>>, vector<2000x128xf32>,
    return
  }
  func.func @transform_0(%arg0: i32) -> (i32, i32) {
    %c0_i32 = arith.constant 0 : i32
    %c0_i32_0 = arith.constant 0 : i32
    return %arg0, %c0_i32 : i32, i32
  }
  func.func @transform_1(%arg0: i32) -> (i32, i32, i32) {
    %c0_i32 = arith.constant 0 : i32
    %c0_i32_0 = arith.constant 0 : i32
    %c0_i32_1 = arith.constant 0 : i32
    return %c0_i32, %arg0, %c0_i32_0 : i32, i32, i32
  }
  func.func @transform_2(%arg0: i32) -> (i32, i32) {
    %c0_i32 = arith.constant 0 : i32
    %c0_i32_0 = arith.constant 0 : i32
    %c0_i32_1 = arith.constant 0 : i32
    return %c0_i32, %c0_i32_0 : i32, i32
  }
  func.func @transform_3(%arg0: i32) -> (i32, i32) {
    %c0_i32 = arith.constant 0 : i32
    %c0_i32_0 = arith.constant 0 : i32
    %c0_i32_1 = arith.constant 0 : i32
    return %c0_i32, %c0_i32_0 : i32, i32
  }
  func.func @transform_4(%arg0: i32) -> (i32, i32) {
    %c0_i32 = arith.constant 0 : i32
    %c0_i32_0 = arith.constant 0 : i32
    %c0_i32_1 = arith.constant 0 : i32
    return %c0_i32, %c0_i32_0 : i32, i32
  }
  func.func @transform_5(%arg0: i32) -> (i32, i32) {
    %c0_i32 = arith.constant 0 : i32
    %c0_i32_0 = arith.constant 0 : i32
    %c0_i32_1 = arith.constant 0 : i32
    return %c0_i32, %c0_i32_0 : i32, i32
  }
  func.func @transform_6(%arg0: i32) -> (i32, i32) {
    %c0_i32 = arith.constant 0 : i32
    %c0_i32_0 = arith.constant 0 : i32
    return %arg0, %c0_i32 : i32, i32
  }
}

</mosaic_0001>

<sc_bundles>
// kernel: kernel.6.cloned.1.call-start
scs
__scs_entry_jumppad:
0x0: {  	(pc) =	sbr.rel $0x88, $3  }
0x1: {  	(tag) =	ssettag $0x0;
	lr =	simm.s32 $0x1  }
0x2: {  	[smem:$0x3F97] =	sst lr;
	_ =	strace $0xD0000000  }
0x3: {  	_ = 	snop  }
0x4: {  	_ = 	snop  }
0x5: {  	_ = 	snop  }
0x6: {  	_ = 	snop  }
0x7: {  	_ = 	snop  }
__scs_overlays_trampoline_lowered:
0x8: {  	[smem:$0x3FA6] =	sst s0  }
0x9: {  	[smem:$0x3FA7] =	sst s1  }
0xa: {  	[smem:$0x3FA8] =	sst s2  }
0xb: {  	[smem:$0x3FA9] =	sst s3  }
0xc: {  	[smem:$0x3FAA] =	sst s4  }
0xd: {  	[smem:$0x3FAB] =	sst s5  }
0xe: {  	[smem:$0x3FAC] =	sst s6  }
0xf: {  	[smem:$0x3FAD] =	sst s7  }
0x10: {  	[smem:$0x3FAE] =	sst s8  }
0x11: {  	[smem:$0x3FAF] =	sst s9;
	s0 =	simm.s32 @!p0 $0x0  }
0x12: {  	s1 =	sld [smem:$0x3F95];
	s0 =	simm.s32 @p0 $0x1  }
0x13: {  	[smem:$0x3FB0] =	sst s0;
	s0 =	simm.s32 @!p1 $0x0  }
0x14: {  	s2 =	sld [smem:$0x3F94];
	s0 =	simm.s32 @p1 $0x1  }
0x15: {  	[smem:$0x3FB1] =	sst s0;
	s0 =	simm.s32 @!p2 $0x0  }
0x16: {  	s3 =	sld [smem:$0x3FDB];
	s0 =	simm.s32 @p2 $0x1  }
0x17: {  	s4 =	simm.s32 $0x1BF5;
	[smem:$0x3FB3] =	sst s0  }
0x18: {  	s0 =	sld [smem:$0x3F96];
	_ =	swait.ge [sflag:s4], $0x0  }
0x19: {  	s7 =	sld [smem:$0x3F97]  }
0x1a: {  	s8 =	sadd.s32 $0xFFFFE003, lr  }
0x1b: {  	s9 =	sadd.s32 $0xFFFFFEF7, lr;
	s5 =	simm.s32 $0xFFFFFFFF;
	p2 =	slt.u32 s8, $0xFFFFF086  }
0x1c: {  	p1 =	slt.u32 s9, $0xF7A;
	s5 =	simm.s32 @!p2 $0x0  }
0x1d: {  	s5 =	simm.s32 @p1 $0x1;
	p0 =	seq.s32 s7, s2  }
0x1e: {  	s7 =	smul.u32 @!p0 $0xF7A, s2;
	p2 =	seq.s32 @!p0 s5, $0x0  }
0x1f: {  	s9 =	smul.u32 $0xF7A, s1;
	s8 =	simm.s32 @!p0 $0x1BF5;
	p2 =	por !p2, p0  }
0x20: {  	[sflag:s8] =	ssyncset.s32 @!p0 $0xFFFFF086;
	s6 =	sadd.s32 @!p0 s3, s7;
	s7 =	simm.s32 @!p0 $0x108  }
0x21: {  	s3 =	sadd.s32 s3, s9;
	s6 =	sadd.s32 @!p0 $0x88, s6;
	s7 =	simm.s32 @p2 $0x1082  }
0x22: {  	[simem:s7], [sflag:s8] =	dma.local @!p0 [hbm:s6], $0xF7A  }
0x23: {  	s9 =	sor.u32 $0xD0000000, s2;
	s6 =	simm.s32 $0x108;
	_ =	swait.ge @!p0 [sflag:s8], $0x0  }
0x24: {  	s3 =	sadd.s32 $0x88, s3;
	s6 =	simm.s32 @!p1 $0x1082;
	[sflag:s4] =	ssyncset.s32 $0xFFFFF086  }
0x25: {  	[simem:s6], [sflag:s4] =	dma.local [hbm:s3], $0xF7A  }
0x26: {  	[smem:$0x3F97] =	sst s1;
	(tag) =	ssettag s2;
	_ =	strace s9  }
0x27: {  	s1 =	sld [smem:$0x3FA7]  }
0x28: {  	s2 =	sld [smem:$0x3FA8]  }
0x29: {  	s4 =	sld [smem:$0x3FAA]  }
0x2a: {  	p0 =	seq.s32 s5, $0x0;
	s5 =	sld [smem:$0x3FAB]  }
0x2b: {  	s6 =	sld [smem:$0x3FAC]  }
0x2c: {  	s7 =	sld [smem:$0x3FAD]  }
0x2d: {  	s3 =	simm.s32 $0x108;
	s8 =	sld [smem:$0x3FAE]  }
0x2e: {  	s3 =	simm.s32 @!p0 $0x1082;
	s9 =	sld [smem:$0x3FAF]  }
0x2f: {  	lr =	sadd.s32 s0, s3;
	s0 =	sld [smem:$0x3FA6]  }
0x30: {  	s3 =	sld [smem:$0x3FA9]  }
0x31: {  	[smem:$0x3FB2] =	sst s10  }
0x32: {  	s10 =	sld [smem:$0x3FB0];
	_ =	sdelay $0x3  }
0x33: {  	p0 =	seq.s32 s10, $0x1;
	s10 =	sld [smem:$0x3FB2];
	_ =	sdelay $0x3  }
0x34: {  	[smem:$0x3FB2] =	sst s10  }
0x35: {  	s10 =	sld [smem:$0x3FB1];
	_ =	sdelay $0x3  }
0x36: {  	p1 =	seq.s32 s10, $0x1;
	s10 =	sld [smem:$0x3FB2];
	_ =	sdelay $0x3  }
0x37: {  	[smem:$0x3FB2] =	sst s10  }
0x38: {  	s10 =	sld [smem:$0x3FB3]  }
0x39: {  	_ = 	snop;
	(pc) =	sbr.ind lr, $3  }
0x3a: {  	_ = 	snop  }
0x3b: {  	_ = 	snop  }
0x3c: {  	p2 =	seq.s32 s10, $0x1;
	s10 =	sld [smem:$0x3FB2]  }
0x3d: {  	_ =	shalt  }
0x3e: {  	_ =	shalt  }
0x3f: {  	_ =	shalt  }
0x40: {  	_ =	shalt  }
0x41: {  	_ =	shalt  }
0x42: {  	_ =	shalt  }
0x43: {  	_ =	shalt  }
0x44: {  	_ =	shalt  }
0x45: {  	_ =	shalt  }
0x46: {  	_ =	shalt  }
0x47: {  	_ =	shalt  }
0x48: {  	_ =	shalt  }
0x49: {  	_ =	shalt  }
0x4a: {  	_ =	shalt  }
0x4b: {  	_ =	shalt  }
0x4c: {  	_ =	shalt  }
0x4d: {  	_ =	shalt  }
0x4e: {  	_ =	shalt  }
0x4f: {  	_ =	shalt  }
0x50: {  	_ =	shalt  }
0x51: {  	_ =	shalt  }
0x52: {  	_ =	shalt  }
0x53: {  	_ =	shalt  }
0x54: {  	_ =	shalt  }
0x55: {  	_ =	shalt  }
0x56: {  	_ =	shalt  }
0x57: {  	_ =	shalt  }
0x58: {  	_ =	shalt  }
0x59: {  	_ =	shalt  }
0x5a: {  	_ =	shalt  }
0x5b: {  	_ =	shalt  }
0x5c: {  	_ =	shalt  }
0x5d: {  	_ =	shalt  }
0x5e: {  	_ =	shalt  }
0x5f: {  	_ =	shalt  }
0x60: {  	_ =	shalt  }
0x61: {  	_ =	shalt  }
0x62: {  	_ =	shalt  }
0x63: {  	_ =	shalt  }
0x64: {  	_ =	shalt  }
0x65: {  	_ =	shalt  }
0x66: {  	_ =	shalt  }
0x67: {  	_ =	shalt  }
0x68: {  	_ =	shalt  }
0x69: {  	_ =	shalt  }
0x6a: {  	_ =	shalt  }
0x6b: {  	_ =	shalt  }
0x6c: {  	_ =	shalt  }
0x6d: {  	_ =	shalt  }
0x6e: {  	_ =	shalt  }
0x6f: {  	_ =	shalt  }
0x70: {  	_ =	shalt  }
0x71: {  	_ =	shalt  }
0x72: {  	_ =	shalt  }
0x73: {  	_ =	shalt  }
0x74: {  	_ =	shalt  }
0x75: {  	_ =	shalt  }
0x76: {  	_ =	shalt  }
0x77: {  	_ =	shalt  }
0x78: {  	_ =	shalt  }
0x79: {  	_ =	shalt  }
0x7a: {  	_ =	shalt  }
0x7b: {  	_ =	shalt  }
0x7c: {  	_ =	shalt  }
0x7d: {  	_ =	shalt  }
0x7e: {  	_ =	shalt  }
0x7f: {  	_ =	shalt  }
0x80: {  	_ =	shalt  }
0x81: {  	_ =	shalt  }
0x82: {  	_ =	shalt  }
0x83: {  	_ =	shalt  }
0x84: {  	_ =	shalt  }
0x85: {  	_ =	shalt  }
0x86: {  	_ =	shalt  }
0x87: {  	_ =	shalt  }
.Lfunc_end0:
.L_simem_size_0:
called_computation_lowered:
.L_overlay_start_0:
0x88: {  	s2 =	sld [smem:$0x3FD9]  }
0x89: {  	s3 =	sld [smem:$0x3FFE];
	_ =	sdelay $0x1  }
0x8a: {  	s1 =	srdreg.scid  }
0x8b: {  	s0 =	sand.u32 $0x1, s1  }
0x8c: {  	s17 =	sshll.u32 s0, $0xA;
	s2 =	sadd.s32 s3, s2  }
0x8d: {  	s2 =	sadd.s32 s2, s17  }
0x8e: {  	[smem:$0x3FBE] =	sst s2  }
0x8f: {  	_ = 	snop  }
0x90: {  	s2 =	sld [smem:$0x3FC9];
	(tm) =	ssettm $0x1  }
0x91: {  	s18 =	sld [smem:$0x3FFB];
	_ =	sdelay $0x3  }
0x92: {  	_ =	strace s18  }
0x93: {  	s3 =	sld [smem:$0x3FFC];
	_ =	sdelay $0x3  }
0x94: {  	_ =	strace s3  }
0x95: {  	s3 =	sld [smem:$0x3FFD];
	_ =	sdelay $0x3  }
0x96: {  	_ =	strace s3  }
0x97: {  	_ =	strace $0x8FFFFFFF  }
0x98: {  	s19 =	sld [smem:$0x3FDB];
	_ =	sdelay $0x1  }
0x99: {  	s4 =	simm.s32 $_scs_section_size  }
0x9a: {  	s5 =	simm.s32 $_size__tile_overlayer_lowered;
	s6 =	simm.s32 $_tile_overlayer_lowered  }
0x9b: {  	s22 =	simm.s32 $0x1BFF;
	s21 =	sshll.u32 s6, $0x1;
	s3 =	sadd.s32 s4, s19  }
0x9c: {  	s7 =	simm.s32 $0x0;
	s20 =	sshll.u32 s5, $0x1;
	s5 =	sadd.s32 s21, s3  }
0x9d: {  	[timem:s7], [sflag:s22] =	dma.local [hbm:s5], s20  }
0x9e: {  	_ =	swait.ge [sflag:s22], s20  }
0x9f: {  	s4 =	ssub.s32 $0x0, s20;
	[sflag:s22] =	ssyncset.done $0x0  }
0xa0: {  	[sflag:s22] =	ssyncadd.s32 s4;
	_ =	sdelay $0x1  }
0xa1: {  	s23 =	simm.s32 $0x1B8B  }
0xa2: {  	_ =	swait.ge [sflag:s23], $0x1  }
0xa3: {  	[sflag:s23] =	ssyncset.done $0x0  }
0xa4: {  	s25 =	simm.s32 $0x1B8E;
	s24 =	sld [smem:$0x3FFE];
	[sflag:s23] =	ssyncadd.s32 $0xFFFFFFFF  }
0xa5: {  	s26 =	simm.s32 $execute0_lowered;
	[smem:$0x3FD2] =	sst s25  }
0xa6: {  	s5 =	sshll.u32 s26, $0x1;
	_ =	strace $0x80000046;
	[dreg:$0x1] =	wrdreg $0xFFFFFFFF  }
0xa7: {  	s28 =	simm.s32 $_size_execute0_lowered;
	s3 =	sadd.s32 s3, s5;
	[dreg:$0x0] =	wrdreg $0x0  }
0xa8: {  	s5 =	sshll.u32 s28, $0x1;
	[dreg:$0x2] =	wrdreg s3  }
0xa9: {  	[dreg:$0x3] =	wrdreg s5  }
0xaa: {  	[dreg:$0x4] =	wrdreg $0xC0  }
0xab: {  	_ =	task [dreg:s7], $0x5FFFF  }
0xac: {  	[dreg:$0x1] =	wrdreg $0xFFFFFFFF  }
0xad: {  	[dreg:$0x0] =	wrdreg $0x60  }
0xae: {  	[dreg:$0x2] =	wrdreg s2  }
0xaf: {  	[dreg:$0x3] =	wrdreg s24  }
0xb0: {  	[dreg:$0x4] =	wrdreg $0x0  }
0xb1: {  	[dreg:$0x5] =	wrdreg $0x9  }
0xb2: {  	_ =	task.clear_ibuf [dreg:s7], $0x6FFFF;
	_ =	strace $0x90000046  }
0xb3: {  	s29 =	simm.s32 $0x9;
	_ =	strace $0x80000048  }
0xb4: {  	_ =	swait.ge [sflag:s29], $0x1  }
0xb5: {  	[sflag:s29] =	ssyncadd.s32 $0xFFFFFFFF  }
0xb6: {  	_ =	strace $0x90000048  }
0xb7: {  	_ =	sfence  }
0xb8: {  	s30 =	sld [smem:$0x0];
	_ =	sdelay $0x2  }
0xb9: {  	s31 =	sshll.u32 s1, $0xD;
	s1 =	sshrl.u32 s1, $0x2  }
0xba: {  	s3 =	sand.u32 $0x4000, s31;
	s1 =	sadd.s32 s1, s30  }
0xbb: {  	s0 =	sor.u32 s3, s0;
	s1 =	sshll.u32 s1, $0x11  }
0xbc: {  	s0 =	sor.u32 s1, s0  }
0xbd: {  	s0 =	sadd.s32 $0x8F2B, s0  }
0xbe: {  	[sflag:s0] =	ssyncadd.remote.s32 $0x1  }
0xbf: {  	_ =	sfence.sel $0xFFFF  }
0xc0: {  	[dreg:$0x0] =	wrdreg $0xFFFFFFFF;
	(pc) =	sbr.abs _section_cstart, $3  }
0xc1: {  	[dreg:$0x1] =	wrdreg $0xFFFFFFFF  }
0xc2: {  	_ =	task.clear_ibuf [dreg:s7], $0x2FFFF;
	_ =	strace $0x9FFFFFFF  }
0xc3: {  	(tm) =	ssettm $0x7FFFFFFF  }
tec
execute0_lowered:
.L_overlay_start_1:
0x0: {  	(tag) =	ssettag $0x1  }
0x1: {  	s0 =	srdreg.scid  }
0x2: {  	s13 =	stileid.u32;
	s1 =	rddreg [dreg:$0x0]  }
0x3: {  	s7 =	rddreg [dreg:$0x1];
	s9 =	smul.u32 $0x4E000, s13  }
0x4: {  	s3 =	rddreg [dreg:$0x2];
	s4 =	simm.s32 $0x0;
	s6 =	sand.u32 $0x1, s0  }
0x5: {  	[smem:$0x7FF] =	sst s4;
	s10 =	sadd.s32 $0x16E00, s7;
	s9 =	sshrl.u32 s9, $0x2  }
0x6: {  	_ =	strace $0x80000047;
	s30 =	ssub.s32 $0x2, s6;
	s9 =	sadd.s32 s9, s3  }
0x7: {  	[dreg:$0x4] =	wrdreg s10;
	s11 =	sshrl.u32 s30, $0x1;
	s31 =	sadd.s32 $0x800, s9  }
0x8: {  	s10 =	ssub.s32 s30, s11;
	s11 =	sadd.s32 $0x1000, s9;
	[dreg:$0x6] =	wrdreg s31  }
0x9: {  	s14 =	sadd.s32 $0x1800, s9;
	[dreg:$0x7] =	wrdreg s11  }
0xa: {  	s16 =	sadd.s32 $0x2000, s9;
	[dreg:$0x8] =	wrdreg s14  }
0xb: {  	s17 =	sadd.s32 $0x2800, s9;
	[dreg:$0x9] =	wrdreg s16  }
0xc: {  	s18 =	sadd.s32 $0x3000, s9;
	[dreg:$0xa] =	wrdreg s17  }
0xd: {  	s19 =	sadd.s32 $0x3800, s9;
	[dreg:$0xb] =	wrdreg s18  }
0xe: {  	s29 =	sshll.u32 s13, $0x1;
	s23 =	sadd.s32 $0x4800, s9;
	[dreg:$0xc] =	wrdreg s19  }
0xf: {  	s12 =	smul.u32 $0x13800, s13;
	s24 =	sadd.s32 $0x5000, s9;
	[dreg:$0xf] =	wrdreg s23  }
0x10: {  	s21 =	smul.u32 $0x5140, s13;
	s25 =	sadd.s32 $0x5800, s9;
	[dreg:$0x10] =	wrdreg s24  }
0x11: {  	s0 =	sor.u32 s6, s29;
	s26 =	sadd.s32 $0x6000, s9;
	[dreg:$0x11] =	wrdreg s25  }
0x12: {  	s15 =	smul.u32 $0x138800, s6;
	s28 =	sadd.s32 $0x6800, s9;
	[dreg:$0x12] =	wrdreg s26  }
0x13: {  	s6 =	smul.u32 $0x28A0, s6;
	s29 =	sadd.s32 $0x7000, s9;
	[dreg:$0x13] =	wrdreg s28  }
0x14: {  	s22 =	sadd.s32 s12, s3;
	s30 =	sadd.s32 $0x7800, s9;
	[dreg:$0x14] =	wrdreg s29  }
0x15: {  	s20 =	sadd.s32 s12, s15;
	s12 =	sadd.s32 $0x9000, s9;
	[dreg:$0x15] =	wrdreg s30  }
0x16: {  	s6 =	sadd.s32 s6, s21;
	s21 =	sadd.s32 $0xD000, s9;
	[dreg:$0x18] =	wrdreg s12  }
0x17: {  	s14 =	sadd.s32 $0x4000, s9;
	[smem:$0x7E6] =	sst s21  }
0x18: {  	s31 =	sadd.s32 $0x8000, s9;
	[dreg:$0xd] =	wrdreg s14  }
0x19: {  	s16 =	sadd.s32 $0xA800, s9;
	[dreg:$0x16] =	wrdreg s31  }
0x1a: {  	s5 =	sadd.s32 $0x2600, s7;
	s17 =	sadd.s32 $0xB000, s9;
	[dreg:$0x1b] =	wrdreg s16  }
0x1b: {  	p0 =	sne.s32 s13, $0xF;
	s18 =	sadd.s32 $0xB800, s9;
	[dreg:$0x1c] =	wrdreg s17  }
0x1c: {  	s0 =	smul.u32 $0x28A0, s0;
	s19 =	sadd.s32 $0xC000, s9;
	[dreg:$0x1d] =	wrdreg s18  }
0x1d: {  	s11 =	sshrl.u32 s20, $0x3;
	s20 =	sadd.s32 $0xC800, s9;
	[dreg:$0x1e] =	wrdreg s19  }
0x1e: {  	s13 =	simm.s32 $0x161F0;
	s23 =	sadd.s32 $0xD800, s9;
	[dreg:$0x1f] =	wrdreg s20  }
0x1f: {  	s2 =	sshrl.u32 s0, $0x3;
	s24 =	sadd.s32 $0xE000, s9;
	[smem:$0x7E7] =	sst s23  }
0x20: {  	s8 =	sadd.s32 s2, s7;
	s25 =	sadd.s32 $0xE800, s9;
	[smem:$0x7E8] =	sst s24  }
0x21: {  	s7 =	sadd.s32 $0x17000, s7;
	s26 =	sadd.s32 $0xF000, s9;
	[smem:$0x7E9] =	sst s25  }
0x22: {  	s28 =	sadd.s32 $0xF800, s9;
	s29 =	sadd.s32 $0x10000, s9;
	[smem:$0x7EA] =	sst s26  }
0x23: {  	s30 =	sadd.s32 $0x10800, s9;
	s12 =	sadd.s32 $0x12000, s9;
	[smem:$0x7EB] =	sst s28  }
0x24: {  	s21 =	sadd.s32 $0xD0, s6;
	s8 =	sadd.s32 $0xCA00, s8;
	[smem:$0x7EC] =	sst s29  }
0x25: {  	s11 =	sadd.s32 s7, s11;
	s14 =	sadd.s32 $0x9800, s9;
	[smem:$0x7ED] =	sst s30  }
0x26: {  	s31 =	sadd.s32 $0x11000, s9;
	[smem:$0x7F0] =	sst s12;
	s16 =	sadd.s32 $0x68, s0  }
0x27: {  	s0 =	sadd.s32 $0x2838, s0;
	s17 =	sadd.s32 s5, s2;
	s20 =	smax.u32 s10, $0x1  }
0x28: {  	s23 =	sadd.s32 $0x2D8, s6;
	s24 =	sadd.s32 $0x208, s6;
	[dreg:$0x5] =	wrdreg s8  }
0x29: {  	s28 =	sadd.s32 $0x270, s6;
	s29 =	sadd.s32 $0x1A0, s6;
	[dreg:$0xe] =	wrdreg s11  }
0x2a: {  	s6 =	sadd.s32 $0x138, s6;
	s10 =	simm.s32 $0x7;
	[dreg:$0x19] =	wrdreg s14  }
0x2b: {  	s12 =	simm.s32 $0x64;
	s8 =	sshrl.u32 s15, $0x3;
	[smem:$0x7EE] =	sst s31  }
0x2c: {  	s11 =	sadd.s32 $0x8800, s9;
	s15 =	sadd.s32 $0xA000, s9;
	[smem:$0x7F6] =	sst s20  }
0x2d: {  	s14 =	sadd.s32 $0x12800, s9;
	s18 =	sshrl.u32 s16, $0x3;
	[smem:$0x7F9] =	sst s28  }
0x2e: {  	s0 =	sshrl.u32 s0, $0x3;
	s26 =	sshrl.u32 s24, $0x3;
	[smem:$0x7FC] =	sst s17  }
0x2f: {  	s30 =	sshrl.u32 s29, $0x3;
	s6 =	sshrl.u32 s6, $0x3;
	[dreg:$0x17] =	wrdreg s11  }
0x30: {  	s31 =	sadd.s32 $0x4FA, s17;
	s16 =	simm.s32 $0x16120;
	[dreg:$0x1a] =	wrdreg s15  }
0x31: {  	s17 =	simm.s32 $0x16188;
	s20 =	simm.s32 $0x4;
	[smem:$0x7F1] =	sst s14  }
0x32: {  	s24 =	simm.s32 $0x3;
	s11 =	sadd.s32 $0x11800, s9;
	[smem:$0x7FD] =	sst s31  }
0x33: {  	s7 =	sadd.s32 s7, s8;
	s15 =	sadd.s32 $0x13000, s9;
	[smem:$0x7EF] =	sst s11  }
0x34: {  	s2 =	sadd.s32 s5, s18;
	s0 =	sadd.s32 s5, s0;
	[smem:$0x7F2] =	sst s15  }
0x35: {  	s14 =	simm.s32 $0x193F0;
	s18 =	simm.s32 $0x6;
	[smem:$0x7F3] =	sst s2  }
0x36: {  	[smem:$0x7F4] =	sst s0;
	s19 =	sadd.s32 $0x27000, s7;
	s0 =	sshrl.u32 s21, $0x3  }
0x37: {  	s2 =	sshrl.u32 s23, $0x3;
	s11 =	simm.s32 $0x1F7F0;
	s15 =	simm.s32 $0x1C5F0  }
0x38: {  	s21 =	simm.s32 $0x2;
	[smem:$0x7F5] =	sst s19;
	s0 =	sadd.s32 s0, s5  }
0x39: {  	s23 =	simm.s32 $0x5;
	s25 =	sadd.s32 s2, s5;
	[smem:$0x7F7] =	sst s0  }
0x3a: {  	s19 =	simm.s32 $0x1;
	[smem:$0x7F8] =	sst s25;
	s0 =	sadd.s32 s26, s5  }
0x3b: {  	s25 =	simm.s32 $0x0;
	[smem:$0x7FA] =	sst s0;
	s0 =	sadd.s32 s30, s5  }
0x3c: {  	[smem:$0x7FB] =	sst s0;
	s0 =	sadd.s32 s6, s5;
	s6 =	sadd.s32 $0x138000, s3  }
.LBB2_1:
0x3d: {  	s7 =	rddreg [dreg:$0x5];
	s8 =	simm.s32 $0x13880  }
0x3e: {  	[tilespmem:s8], [sflag:$0x7] =	stream.linear.gather [hbm4b:s7+s4], $0x28A0, $0x38;
	v63 =	vld [tilespmem:$0x0]  }
0x3f: {  	_ =	swait.ge [sflag:s10], $0x28A0  }
0x40: {  	[sflag:s10] =	ssyncset.done $0x0  }
0x41: {  	s9 =	rddreg [dreg:$0x4];
	[sflag:s10] =	ssyncadd.s32 $0xFFFFD760  }
0x42: {  	[tilespmem:s11], [sflag:$0x7] =	stream.linear.gather [hbm4b:s9+s4], $0x800, $0x38;
	v63 =	vld [tilespmem:$0x0]  }
0x43: {  	_ =	swait.ge [sflag:s10], $0x800  }
0x44: {  	[sflag:s10] =	ssyncset.done $0x0  }
0x45: {  	s26 =	rddreg [dreg:$0x7];
	[sflag:s10] =	ssyncadd.s32 $0xFFFFF800  }
0x46: {  	[spmem:s22] =	stream.linear.scatter [tilespmem:s11], [sflag:$0x6], $0x800, $0x38;
	v63 =	vld [tilespmem:$0x0]  }
0x47: {  	s2 =	smov.u32 s22;
	s22 =	rddreg [dreg:$0x6]  }
0x48: {  	[spmem:s22] =	stream.linear.scatter [tilespmem:s11], [sflag:$0x6], $0x800, $0x38;
	v63 =	vld [tilespmem:$0x0]  }
0x49: {  	s31 =	rddreg [dreg:$0x8]  }
0x4a: {  	[spmem:s26] =	stream.linear.scatter [tilespmem:s11], [sflag:$0x6], $0x800, $0x38;
	v63 =	vld [tilespmem:$0x0]  }
0x4b: {  	s9 =	rddreg [dreg:$0x9]  }
0x4c: {  	[spmem:s31] =	stream.linear.scatter [tilespmem:s11], [sflag:$0x6], $0x800, $0x38;
	v63 =	vld [tilespmem:$0x0]  }
0x4d: {  	s22 =	rddreg [dreg:$0xa]  }
0x4e: {  	[spmem:s9] =	stream.linear.scatter [tilespmem:s11], [sflag:$0x6], $0x800, $0x38;
	v63 =	vld [tilespmem:$0x0]  }
0x4f: {  	s26 =	rddreg [dreg:$0xb]  }
0x50: {  	[spmem:s22] =	stream.linear.scatter [tilespmem:s11], [sflag:$0x6], $0x800, $0x38;
	v63 =	vld [tilespmem:$0x0]  }
0x51: {  	s31 =	rddreg [dreg:$0xc]  }
0x52: {  	[spmem:s26] =	stream.linear.scatter [tilespmem:s11], [sflag:$0x6], $0x800, $0x38;
	v63 =	vld [tilespmem:$0x0]  }
0x53: {  	s9 =	rddreg [dreg:$0xd]  }
0x54: {  	[spmem:s31] =	stream.linear.scatter [tilespmem:s11], [sflag:$0x6], $0x800, $0x38;
	v63 =	vld [tilespmem:$0x0]  }
0x55: {  	s22 =	rddreg [dreg:$0xf]  }
0x56: {  	[spmem:s9] =	stream.linear.scatter [tilespmem:s11], [sflag:$0x6], $0x800, $0x38;
	v63 =	vld [tilespmem:$0x0]  }
0x57: {  	s26 =	rddreg [dreg:$0x10]  }
0x58: {  	[spmem:s22] =	stream.linear.scatter [tilespmem:s11], [sflag:$0x6], $0x800, $0x38;
	v63 =	vld [tilespmem:$0x0]  }
0x59: {  	s31 =	rddreg [dreg:$0x11]  }
0x5a: {  	[spmem:s26] =	stream.linear.scatter [tilespmem:s11], [sflag:$0x6], $0x800, $0x38;
	v63 =	vld [tilespmem:$0x0]  }
0x5b: {  	s9 =	rddreg [dreg:$0x12]  }
0x5c: {  	[spmem:s31] =	stream.linear.scatter [tilespmem:s11], [sflag:$0x6], $0x800, $0x38;
	v63 =	vld [tilespmem:$0x0]  }
0x5d: {  	s22 =	rddreg [dreg:$0x13]  }
0x5e: {  	[spmem:s9] =	stream.linear.scatter [tilespmem:s11], [sflag:$0x6], $0x800, $0x38;
	v63 =	vld [tilespmem:$0x0]  }
0x5f: {  	s26 =	rddreg [dreg:$0x14]  }
0x60: {  	[spmem:s22] =	stream.linear.scatter [tilespmem:s11], [sflag:$0x6], $0x800, $0x38;
	v63 =	vld [tilespmem:$0x0]  }
0x61: {  	s31 =	rddreg [dreg:$0x15]  }
0x62: {  	[spmem:s26] =	stream.linear.scatter [tilespmem:s11], [sflag:$0x6], $0x800, $0x38;
	v63 =	vld [tilespmem:$0x0]  }
0x63: {  	s9 =	rddreg [dreg:$0x16]  }
0x64: {  	[spmem:s31] =	stream.linear.scatter [tilespmem:s11], [sflag:$0x6], $0x800, $0x38;
	v63 =	vld [tilespmem:$0x0]  }
0x65: {  	s22 =	rddreg [dreg:$0x17]  }
0x66: {  	[spmem:s9] =	stream.linear.scatter [tilespmem:s11], [sflag:$0x6], $0x800, $0x38;
	v63 =	vld [tilespmem:$0x0]  }
0x67: {  	s26 =	rddreg [dreg:$0x18]  }
0x68: {  	[spmem:s22] =	stream.linear.scatter [tilespmem:s11], [sflag:$0x6], $0x800, $0x38;
	v63 =	vld [tilespmem:$0x0]  }
0x69: {  	s31 =	rddreg [dreg:$0x19]  }
0x6a: {  	[spmem:s26] =	stream.linear.scatter [tilespmem:s11], [sflag:$0x6], $0x800, $0x38;
	v63 =	vld [tilespmem:$0x0]  }
0x6b: {  	s9 =	rddreg [dreg:$0x1a]  }
0x6c: {  	[spmem:s31] =	stream.linear.scatter [tilespmem:s11], [sflag:$0x6], $0x800, $0x38;
	v63 =	vld [tilespmem:$0x0]  }
0x6d: {  	s22 =	rddreg [dreg:$0x1b]  }
0x6e: {  	[spmem:s9] =	stream.linear.scatter [tilespmem:s11], [sflag:$0x6], $0x800, $0x38;
	v63 =	vld [tilespmem:$0x0]  }
0x6f: {  	s26 =	rddreg [dreg:$0x1c]  }
0x70: {  	[spmem:s22] =	stream.linear.scatter [tilespmem:s11], [sflag:$0x6], $0x800, $0x38;
	v63 =	vld [tilespmem:$0x0]  }
0x71: {  	s31 =	rddreg [dreg:$0x1d]  }
0x72: {  	[spmem:s26] =	stream.linear.scatter [tilespmem:s11], [sflag:$0x6], $0x800, $0x38;
	v63 =	vld [tilespmem:$0x0]  }
0x73: {  	s9 =	rddreg [dreg:$0x1e]  }
0x74: {  	[spmem:s31] =	stream.linear.scatter [tilespmem:s11], [sflag:$0x6], $0x800, $0x38;
	v63 =	vld [tilespmem:$0x0]  }
0x75: {  	s22 =	rddreg [dreg:$0x1f]  }
0x76: {  	[spmem:s9] =	stream.linear.scatter [tilespmem:s11], [sflag:$0x6], $0x800, $0x38;
	v63 =	vld [tilespmem:$0x0]  }
0x77: {  	s26 =	sld [smem:$0x7E6]  }
0x78: {  	[spmem:s22] =	stream.linear.scatter [tilespmem:s11], [sflag:$0x6], $0x800, $0x38;
	v63 =	vld [tilespmem:$0x0]  }
0x79: {  	s31 =	sld [smem:$0x7E7]  }
0x7a: {  	[spmem:s26] =	stream.linear.scatter [tilespmem:s11], [sflag:$0x6], $0x800, $0x38;
	v63 =	vld [tilespmem:$0x0]  }
0x7b: {  	s9 =	sld [smem:$0x7E8]  }
0x7c: {  	[spmem:s31] =	stream.linear.scatter [tilespmem:s11], [sflag:$0x6], $0x800, $0x38;
	v63 =	vld [tilespmem:$0x0]  }
0x7d: {  	s22 =	sld [smem:$0x7E9]  }
0x7e: {  	[spmem:s9] =	stream.linear.scatter [tilespmem:s11], [sflag:$0x6], $0x800, $0x38;
	v63 =	vld [tilespmem:$0x0]  }
0x7f: {  	s26 =	sld [smem:$0x7EA]  }
0x80: {  	[spmem:s22] =	stream.linear.scatter [tilespmem:s11], [sflag:$0x6], $0x800, $0x38;
	v63 =	vld [tilespmem:$0x0]  }
0x81: {  	s31 =	sld [smem:$0x7EB]  }
0x82: {  	[spmem:s26] =	stream.linear.scatter [tilespmem:s11], [sflag:$0x6], $0x800, $0x38;
	v63 =	vld [tilespmem:$0x0]  }
0x83: {  	s9 =	sld [smem:$0x7EC]  }
0x84: {  	[spmem:s31] =	stream.linear.scatter [tilespmem:s11], [sflag:$0x6], $0x800, $0x38;
	v63 =	vld [tilespmem:$0x0]  }
0x85: {  	s22 =	sld [smem:$0x7ED]  }
0x86: {  	[spmem:s9] =	stream.linear.scatter [tilespmem:s11], [sflag:$0x6], $0x800, $0x38;
	v63 =	vld [tilespmem:$0x0]  }
0x87: {  	s26 =	sld [smem:$0x7EE]  }
0x88: {  	[spmem:s22] =	stream.linear.scatter [tilespmem:s11], [sflag:$0x6], $0x800, $0x38;
	v63 =	vld [tilespmem:$0x0]  }
0x89: {  	s31 =	sld [smem:$0x7EF]  }
0x8a: {  	[spmem:s26] =	stream.linear.scatter [tilespmem:s11], [sflag:$0x6], $0x800, $0x38;
	v63 =	vld [tilespmem:$0x0]  }
0x8b: {  	s9 =	sld [smem:$0x7F0]  }
0x8c: {  	[spmem:s31] =	stream.linear.scatter [tilespmem:s11], [sflag:$0x6], $0x800, $0x38;
	v63 =	vld [tilespmem:$0x0]  }
0x8d: {  	s22 =	sld [smem:$0x7F1]  }
0x8e: {  	[spmem:s9] =	stream.linear.scatter [tilespmem:s11], [sflag:$0x6], $0x800, $0x38;
	v63 =	vld [tilespmem:$0x0]  }
0x8f: {  	s26 =	sld [smem:$0x7F2]  }
0x90: {  	[spmem:s22] =	stream.linear.scatter [tilespmem:s11], [sflag:$0x6], $0x800, $0x38;
	v63 =	vld [tilespmem:$0x0]  }
0x91: {  	_ = 	snop  }
0x92: {  	[spmem:s26] =	stream.linear.scatter [tilespmem:s11], [sflag:$0x6], $0x800, $0x38;
	v63 =	vld [tilespmem:$0x0]  }
0x93: {  	s7 =	simm.s32 @!p0 $0x1F7F0  }
0x94: {  	[spmem:s6] =	stream.linear.scatter @!p0 [tilespmem:s7], [sflag:$0x6], $0x800, $0x38;
	v63 =	vld [tilespmem:$0x0]  }
0x95: {  	_ = 	snop  }
0x96: {  	[tilespmem:s13], [sflag:$0x1] =	stream.indirect.gather [hbm4b:s1+s12], $0x80, s8, s12, $0xb8;
	v63 =	vld [tilespmem:$0x0]  }
0x97: {  	s31 =	simm.s32 $0x138E8  }
0x98: {  	[tilespmem:s14], [sflag:$0x2] =	stream.indirect.gather [hbm4b:s1+s12], $0x80, s31, s12, $0xb8;
	v63 =	vld [tilespmem:$0x0]  }
0x99: {  	s9 =	sld [smem:$0x7FC];
	s8 =	simm.s32 $0x13950  }
0x9a: {  	[tilespmem:s15], [sflag:$0x3] =	stream.indirect.gather [hbm4b:s1+s12], $0x80, s8, s12, $0xb8;
	v63 =	vld [tilespmem:$0x0]  }
0x9b: {  	s22 =	sld [smem:$0x7F3]  }
0x9c: {  	[tilespmem:s16], [sflag:$0x4] =	stream.linear.gather [hbm4b:s9+s4], $0x68, $0x38;
	v63 =	vld [tilespmem:$0x0]  }
0x9d: {  	_ = 	snop  }
0x9e: {  	[tilespmem:s17], [sflag:$0x5] =	stream.linear.gather [hbm4b:s22+s4], $0x68, $0x38;
	v63 =	vld [tilespmem:$0x0]  }
0x9f: {  	_ =	swait.ge [sflag:s18], $0x800  }
0xa0: {  	[sflag:s18] =	ssyncset.done $0x0  }
0xa1: {  	[sflag:s18] =	ssyncadd.s32 $0xFFFFF800  }
0xa2: {  	_ =	swait.ge [sflag:s18], $0x800  }
0xa3: {  	[sflag:s18] =	ssyncset.done $0x0  }
0xa4: {  	[sflag:s18] =	ssyncadd.s32 $0xFFFFF800  }
0xa5: {  	_ =	swait.ge [sflag:s18], $0x800  }
0xa6: {  	[sflag:s18] =	ssyncset.done $0x0  }
0xa7: {  	[sflag:s18] =	ssyncadd.s32 $0xFFFFF800  }
0xa8: {  	_ =	swait.ge [sflag:s18], $0x800  }
0xa9: {  	[sflag:s18] =	ssyncset.done $0x0  }
0xaa: {  	[sflag:s18] =	ssyncadd.s32 $0xFFFFF800  }
0xab: {  	_ =	swait.ge [sflag:s18], $0x800  }
0xac: {  	[sflag:s18] =	ssyncset.done $0x0  }
0xad: {  	[sflag:s18] =	ssyncadd.s32 $0xFFFFF800  }
0xae: {  	_ =	swait.ge [sflag:s18], $0x800  }
0xaf: {  	[sflag:s18] =	ssyncset.done $0x0  }
0xb0: {  	[sflag:s18] =	ssyncadd.s32 $0xFFFFF800  }
0xb1: {  	_ =	swait.ge [sflag:s18], $0x800  }
0xb2: {  	[sflag:s18] =	ssyncset.done $0x0  }
0xb3: {  	[sflag:s18] =	ssyncadd.s32 $0xFFFFF800  }
0xb4: {  	_ =	swait.ge [sflag:s18], $0x800  }
0xb5: {  	[sflag:s18] =	ssyncset.done $0x0  }
0xb6: {  	[sflag:s18] =	ssyncadd.s32 $0xFFFFF800  }
0xb7: {  	_ =	swait.ge [sflag:s18], $0x800  }
0xb8: {  	[sflag:s18] =	ssyncset.done $0x0  }
0xb9: {  	[sflag:s18] =	ssyncadd.s32 $0xFFFFF800  }
0xba: {  	_ =	swait.ge [sflag:s18], $0x800  }
0xbb: {  	[sflag:s18] =	ssyncset.done $0x0  }
0xbc: {  	[sflag:s18] =	ssyncadd.s32 $0xFFFFF800  }
0xbd: {  	_ =	swait.ge [sflag:s18], $0x800  }
0xbe: {  	[sflag:s18] =	ssyncset.done $0x0  }
0xbf: {  	[sflag:s18] =	ssyncadd.s32 $0xFFFFF800  }
0xc0: {  	_ =	swait.ge [sflag:s18], $0x800  }
0xc1: {  	[sflag:s18] =	ssyncset.done $0x0  }
0xc2: {  	[sflag:s18] =	ssyncadd.s32 $0xFFFFF800  }
0xc3: {  	_ =	swait.ge [sflag:s18], $0x800  }
0xc4: {  	[sflag:s18] =	ssyncset.done $0x0  }
0xc5: {  	[sflag:s18] =	ssyncadd.s32 $0xFFFFF800  }
0xc6: {  	_ =	swait.ge [sflag:s18], $0x800  }
0xc7: {  	[sflag:s18] =	ssyncset.done $0x0  }
0xc8: {  	[sflag:s18] =	ssyncadd.s32 $0xFFFFF800  }
0xc9: {  	_ =	swait.ge [sflag:s18], $0x800  }
0xca: {  	[sflag:s18] =	ssyncset.done $0x0  }
0xcb: {  	[sflag:s18] =	ssyncadd.s32 $0xFFFFF800  }
0xcc: {  	_ =	swait.ge [sflag:s18], $0x800  }
0xcd: {  	[sflag:s18] =	ssyncset.done $0x0  }
0xce: {  	[sflag:s18] =	ssyncadd.s32 $0xFFFFF800  }
0xcf: {  	_ =	swait.ge [sflag:s18], $0x800  }
0xd0: {  	[sflag:s18] =	ssyncset.done $0x0  }
0xd1: {  	[sflag:s18] =	ssyncadd.s32 $0xFFFFF800  }
0xd2: {  	_ =	swait.ge [sflag:s18], $0x800  }
0xd3: {  	[sflag:s18] =	ssyncset.done $0x0  }
0xd4: {  	[sflag:s18] =	ssyncadd.s32 $0xFFFFF800  }
0xd5: {  	_ =	swait.ge [sflag:s18], $0x800  }
0xd6: {  	[sflag:s18] =	ssyncset.done $0x0  }
0xd7: {  	[sflag:s18] =	ssyncadd.s32 $0xFFFFF800  }
0xd8: {  	_ =	swait.ge [sflag:s18], $0x800  }
0xd9: {  	[sflag:s18] =	ssyncset.done $0x0  }
0xda: {  	[sflag:s18] =	ssyncadd.s32 $0xFFFFF800  }
0xdb: {  	_ =	swait.ge [sflag:s18], $0x800  }
0xdc: {  	[sflag:s18] =	ssyncset.done $0x0  }
0xdd: {  	[sflag:s18] =	ssyncadd.s32 $0xFFFFF800  }
0xde: {  	_ =	swait.ge [sflag:s18], $0x800  }
0xdf: {  	[sflag:s18] =	ssyncset.done $0x0  }
0xe0: {  	[sflag:s18] =	ssyncadd.s32 $0xFFFFF800  }
0xe1: {  	_ =	swait.ge [sflag:s18], $0x800  }
0xe2: {  	[sflag:s18] =	ssyncset.done $0x0  }
0xe3: {  	[sflag:s18] =	ssyncadd.s32 $0xFFFFF800  }
0xe4: {  	_ =	swait.ge [sflag:s18], $0x800  }
0xe5: {  	[sflag:s18] =	ssyncset.done $0x0  }
0xe6: {  	[sflag:s18] =	ssyncadd.s32 $0xFFFFF800  }
0xe7: {  	_ =	swait.ge [sflag:s18], $0x800  }
0xe8: {  	[sflag:s18] =	ssyncset.done $0x0  }
0xe9: {  	[sflag:s18] =	ssyncadd.s32 $0xFFFFF800  }
0xea: {  	_ =	swait.ge [sflag:s18], $0x800  }
0xeb: {  	[sflag:s18] =	ssyncset.done $0x0  }
0xec: {  	[sflag:s18] =	ssyncadd.s32 $0xFFFFF800  }
0xed: {  	_ =	swait.ge [sflag:s18], $0x800  }
0xee: {  	[sflag:s18] =	ssyncset.done $0x0  }
0xef: {  	[sflag:s18] =	ssyncadd.s32 $0xFFFFF800  }
0xf0: {  	_ =	swait.ge [sflag:s18], $0x800  }
0xf1: {  	[sflag:s18] =	ssyncset.done $0x0  }
0xf2: {  	[sflag:s18] =	ssyncadd.s32 $0xFFFFF800  }
0xf3: {  	_ =	swait.ge [sflag:s18], $0x800  }
0xf4: {  	[sflag:s18] =	ssyncset.done $0x0  }
0xf5: {  	[sflag:s18] =	ssyncadd.s32 $0xFFFFF800  }
0xf6: {  	_ =	swait.ge [sflag:s18], $0x800  }
0xf7: {  	[sflag:s18] =	ssyncset.done $0x0  }
0xf8: {  	[sflag:s18] =	ssyncadd.s32 $0xFFFFF800  }
0xf9: {  	_ =	swait.ge [sflag:s18], $0x800  }
0xfa: {  	[sflag:s18] =	ssyncset.done $0x0  }
0xfb: {  	[sflag:s18] =	ssyncadd.s32 $0xFFFFF800  }
0xfc: {  	_ =	swait.ge [sflag:s18], $0x800  }
0xfd: {  	[sflag:s18] =	ssyncset.done $0x0  }
0xfe: {  	[sflag:s18] =	ssyncadd.s32 $0xFFFFF800  }
0xff: {  	_ =	swait.ge [sflag:s18], $0x800  }
0x100: {  	[sflag:s18] =	ssyncset.done $0x0  }
0x101: {  	[sflag:s18] =	ssyncadd.s32 $0xFFFFF800  }
0x102: {  	_ =	swait.ge [sflag:s18], $0x800  }
0x103: {  	[sflag:s18] =	ssyncset.done $0x0  }
0x104: {  	[sflag:s18] =	ssyncadd.s32 $0xFFFFF800  }
0x105: {  	_ =	swait.ge [sflag:s18], $0x800  }
0x106: {  	[sflag:s18] =	ssyncset.done $0x0  }
0x107: {  	[sflag:s18] =	ssyncadd.s32 $0xFFFFF800  }
0x108: {  	_ =	swait.ge [sflag:s18], $0x800  }
0x109: {  	[sflag:s18] =	ssyncset.done $0x0  }
0x10a: {  	[sflag:s18] =	ssyncadd.s32 $0xFFFFF800  }
0x10b: {  	_ =	swait.ge [sflag:s18], $0x800  }
0x10c: {  	[sflag:s18] =	ssyncset.done $0x0  }
0x10d: {  	[sflag:s18] =	ssyncadd.s32 $0xFFFFF800  }
0x10e: {  	_ =	swait.ge [sflag:s18], $0x800  }
0x10f: {  	[sflag:s18] =	ssyncset.done $0x0  }
0x110: {  	[sflag:s18] =	ssyncadd.s32 $0xFFFFF800  }
0x111: {  	_ =	swait.ge [sflag:s18], $0x800  }
0x112: {  	[sflag:s18] =	ssyncset.done $0x0  }
0x113: {  	s7 =	simm.s32 @!p0 $0x6;
	[sflag:s18] =	ssyncadd.s32 $0xFFFFF800  }
0x114: {  	_ =	swait.ge @!p0 [sflag:s7], $0x800  }
0x115: {  	[sflag:s7] =	ssyncset.done @!p0 $0x0  }
0x116: {  	[sflag:s7] =	ssyncadd.s32 @!p0 $0xFFFFF800  }
0x117: {  	[bflag:$0x0] =	sbarrier.arrive $0xFFFF  }
0x118: {  	_ =	swait.ge [sflag:s19], $0x3200  }
0x119: {  	[sflag:s19] =	ssyncset.done $0x0  }
0x11a: {  	[sflag:s19] =	ssyncadd.s32 $0xFFFFCE00  }
0x11b: {  	_ =	swait.ge [sflag:s20], $0x68  }
0x11c: {  	[sflag:s20] =	ssyncset.done $0x0  }
0x11d: {  	[sflag:s20] =	ssyncadd.s32 $0xFFFFFF98  }
0x11e: {  	[spmem:s3] =	stream.indirect.scatter.add.f32 [tilespmem:s13], [sflag:$0x7], $0x80, s16, s12, $0xb8;
	v63 =	vld [tilespmem:$0x0]  }
0x11f: {  	_ =	swait.ge [sflag:s10], $0x3200  }
0x120: {  	s28 =	sld [smem:$0x7F7]  }
0x121: {  	[sflag:s10] =	ssyncset.done $0x0  }
0x122: {  	[sflag:s10] =	ssyncadd.s32 $0xFFFFCE00  }
0x123: {  	[tilespmem:s16], [sflag:$0x4] =	stream.linear.gather [hbm4b:s28+s4], $0x68, $0x38;
	v63 =	vld [tilespmem:$0x0]  }
0x124: {  	s26 =	simm.s32 $0x139B8  }
0x125: {  	[tilespmem:s13], [sflag:$0x1] =	stream.indirect.gather [hbm4b:s1+s12], $0x80, s26, s12, $0xb8;
	v63 =	vld [tilespmem:$0x0]  }
0x126: {  	_ =	swait.ge [sflag:s21], $0x3200  }
0x127: {  	[sflag:s21] =	ssyncset.done $0x0  }
0x128: {  	[sflag:s21] =	ssyncadd.s32 $0xFFFFCE00  }
0x129: {  	_ =	swait.ge [sflag:s23], $0x68  }
0x12a: {  	[sflag:s23] =	ssyncset.done $0x0  }
0x12b: {  	[sflag:s23] =	ssyncadd.s32 $0xFFFFFF98  }
0x12c: {  	[spmem:s3] =	stream.indirect.scatter.add.f32 [tilespmem:s14], [sflag:$0x7], $0x80, s17, s12, $0xb8;
	v63 =	vld [tilespmem:$0x0]  }
0x12d: {  	_ =	swait.ge [sflag:s10], $0x3200  }
0x12e: {  	[sflag:s10] =	ssyncset.done $0x0  }
0x12f: {  	[sflag:s10] =	ssyncadd.s32 $0xFFFFCE00  }
0x130: {  	[tilespmem:s17], [sflag:$0x5] =	stream.linear.gather [hbm4b:s0+s4], $0x68, $0x38;
	v63 =	vld [tilespmem:$0x0]  }
0x131: {  	s31 =	simm.s32 $0x13A20  }
0x132: {  	[tilespmem:s14], [sflag:$0x2] =	stream.indirect.gather [hbm4b:s1+s12], $0x80, s31, s12, $0xb8;
	v63 =	vld [tilespmem:$0x0]  }
0x133: {  	_ =	swait.ge [sflag:s24], $0x3200  }
0x134: {  	[sflag:s24] =	ssyncset.done $0x0  }
0x135: {  	[sflag:s24] =	ssyncadd.s32 $0xFFFFCE00  }
0x136: {  	_ =	swait.ge [sflag:s20], $0x68  }
0x137: {  	[sflag:s20] =	ssyncset.done $0x0  }
0x138: {  	[sflag:s20] =	ssyncadd.s32 $0xFFFFFF98  }
0x139: {  	[spmem:s3] =	stream.indirect.scatter.add.f32 [tilespmem:s15], [sflag:$0x7], $0x80, s16, s12, $0xb8;
	v63 =	vld [tilespmem:$0x0]  }
0x13a: {  	_ =	swait.ge [sflag:s10], $0x3200  }
0x13b: {  	s9 =	sld [smem:$0x7FB]  }
0x13c: {  	[sflag:s10] =	ssyncset.done $0x0  }
0x13d: {  	[sflag:s10] =	ssyncadd.s32 $0xFFFFCE00  }
0x13e: {  	[tilespmem:s16], [sflag:$0x4] =	stream.linear.gather [hbm4b:s9+s4], $0x68, $0x38;
	v63 =	vld [tilespmem:$0x0]  }
0x13f: {  	s8 =	simm.s32 $0x13A88  }
0x140: {  	[tilespmem:s15], [sflag:$0x3] =	stream.indirect.gather [hbm4b:s1+s12], $0x80, s8, s12, $0xb8;
	v63 =	vld [tilespmem:$0x0]  }
0x141: {  	_ =	swait.ge [sflag:s19], $0x3200  }
0x142: {  	[sflag:s19] =	ssyncset.done $0x0  }
0x143: {  	[sflag:s19] =	ssyncadd.s32 $0xFFFFCE00  }
0x144: {  	_ =	swait.ge [sflag:s23], $0x68  }
0x145: {  	[sflag:s23] =	ssyncset.done $0x0  }
0x146: {  	[sflag:s23] =	ssyncadd.s32 $0xFFFFFF98  }
0x147: {  	[spmem:s3] =	stream.indirect.scatter.add.f32 [tilespmem:s13], [sflag:$0x7], $0x80, s17, s12, $0xb8;
	v63 =	vld [tilespmem:$0x0]  }
0x148: {  	_ =	swait.ge [sflag:s10], $0x3200  }
0x149: {  	s30 =	sld [smem:$0x7FA]  }
0x14a: {  	[sflag:s10] =	ssyncset.done $0x0  }
0x14b: {  	[sflag:s10] =	ssyncadd.s32 $0xFFFFCE00  }
0x14c: {  	[tilespmem:s17], [sflag:$0x5] =	stream.linear.gather [hbm4b:s30+s4], $0x68, $0x38;
	v63 =	vld [tilespmem:$0x0]  }
0x14d: {  	s22 =	simm.s32 $0x13AF0  }
0x14e: {  	[tilespmem:s13], [sflag:$0x1] =	stream.indirect.gather [hbm4b:s1+s12], $0x80, s22, s12, $0xb8;
	v63 =	vld [tilespmem:$0x0]  }
0x14f: {  	_ =	swait.ge [sflag:s21], $0x3200  }
0x150: {  	[sflag:s21] =	ssyncset.done $0x0  }
0x151: {  	[sflag:s21] =	ssyncadd.s32 $0xFFFFCE00  }
0x152: {  	_ =	swait.ge [sflag:s20], $0x68  }
0x153: {  	[sflag:s20] =	ssyncset.done $0x0  }
0x154: {  	[sflag:s20] =	ssyncadd.s32 $0xFFFFFF98  }
0x155: {  	[spmem:s3] =	stream.indirect.scatter.add.f32 [tilespmem:s14], [sflag:$0x7], $0x80, s16, s12, $0xb8;
	v63 =	vld [tilespmem:$0x0]  }
0x156: {  	_ =	swait.ge [sflag:s10], $0x3200  }
0x157: {  	s8 =	sld [smem:$0x7F9];
	_ =	sdelay $0x2  }
0x158: {  	[sflag:s10] =	ssyncset.done $0x0;
	s26 =	sshrl.u32 s8, $0x3  }
0x159: {  	[sflag:s10] =	ssyncadd.s32 $0xFFFFCE00;
	s7 =	sadd.s32 s5, s26  }
0x15a: {  	[tilespmem:s16], [sflag:$0x4] =	stream.linear.gather [hbm4b:s7+s4], $0x68, $0x38;
	v63 =	vld [tilespmem:$0x0]  }
0x15b: {  	s31 =	simm.s32 $0x13B58  }
0x15c: {  	[tilespmem:s14], [sflag:$0x2] =	stream.indirect.gather [hbm4b:s1+s12], $0x80, s31, s12, $0xb8;
	v63 =	vld [tilespmem:$0x0]  }
0x15d: {  	_ =	swait.ge [sflag:s24], $0x3200  }
0x15e: {  	[sflag:s24] =	ssyncset.done $0x0  }
0x15f: {  	[sflag:s24] =	ssyncadd.s32 $0xFFFFCE00  }
0x160: {  	_ =	swait.ge [sflag:s23], $0x68  }
0x161: {  	[sflag:s23] =	ssyncset.done $0x0  }
0x162: {  	[sflag:s23] =	ssyncadd.s32 $0xFFFFFF98  }
0x163: {  	[spmem:s3] =	stream.indirect.scatter.add.f32 [tilespmem:s15], [sflag:$0x7], $0x80, s17, s12, $0xb8;
	v63 =	vld [tilespmem:$0x0]  }
0x164: {  	_ =	swait.ge [sflag:s10], $0x3200  }
0x165: {  	s28 =	sadd.s32 $0x4E, s28;
	s29 =	sld [smem:$0x7F8]  }
0x166: {  	s22 =	sadd.s32 $0x4E, s9;
	s9 =	sadd.s32 $0x4E, s0;
	[sflag:s10] =	ssyncset.done $0x0  }
0x167: {  	s26 =	simm.s32 $0x9C0;
	s7 =	sadd.s32 $0x270, s8;
	[sflag:s10] =	ssyncadd.s32 $0xFFFFCE00  }
0x168: {  	[tilespmem:s17], [sflag:$0x5] =	stream.linear.gather [hbm4b:s29+s4], $0x68, $0x38;
	v63 =	vld [tilespmem:$0x0]  }
0x169: {  	s8 =	sadd.s32 $0x4E, s30;
	s30 =	simm.s32 $0x13BC0;
	s29 =	sadd.s32 $0x4E, s29  }
.LBB2_2:
0x16a: {  	[tilespmem:s15], [sflag:$0x3] =	stream.indirect.gather [hbm4b:s1+s12], $0x80, s30, s12, $0xb8;
	v63 =	vld [tilespmem:$0x0]  }
0x16b: {  	s30 =	smov.u32 s26  }
0x16c: {  	p1 =	sne.s32 s26, $0x9240;
	s26 =	sadd.s32 $0x9C0, s26;
	_ =	swait.ge [sflag:s19], $0x3200  }
0x16d: {  	[sflag:s19] =	ssyncset.done $0x0  }
0x16e: {  	[sflag:s19] =	ssyncadd.s32 $0xFFFFCE00  }
0x16f: {  	_ =	swait.ge [sflag:s20], $0x68  }
0x170: {  	[sflag:s20] =	ssyncset.done $0x0  }
0x171: {  	[sflag:s20] =	ssyncadd.s32 $0xFFFFFF98  }
0x172: {  	[spmem:s3] =	stream.indirect.scatter.add.f32 [tilespmem:s13], [sflag:$0x7], $0x80, s16, s12, $0xb8;
	v63 =	vld [tilespmem:$0x0]  }
0x173: {  	_ =	swait.ge [sflag:s10], $0x3200  }
0x174: {  	[sflag:s10] =	ssyncset.done $0x0  }
0x175: {  	s30 =	sshra.s32 s30, $0x2;
	[sflag:s10] =	ssyncadd.s32 $0xFFFFCE00  }
0x176: {  	[tilespmem:s16], [sflag:$0x4] =	stream.linear.gather [hbm4b:s28+s4], $0x68, $0x38;
	v63 =	vld [tilespmem:$0x0]  }
0x177: {  	s31 =	sadd.s32 $0x139B8, s30  }
0x178: {  	[tilespmem:s13], [sflag:$0x1] =	stream.indirect.gather [hbm4b:s1+s12], $0x80, s31, s12, $0xb8;
	v63 =	vld [tilespmem:$0x0]  }
0x179: {  	_ =	swait.ge [sflag:s21], $0x3200  }
0x17a: {  	[sflag:s21] =	ssyncset.done $0x0  }
0x17b: {  	[sflag:s21] =	ssyncadd.s32 $0xFFFFCE00  }
0x17c: {  	_ =	swait.ge [sflag:s23], $0x68  }
0x17d: {  	[sflag:s23] =	ssyncset.done $0x0  }
0x17e: {  	[sflag:s23] =	ssyncadd.s32 $0xFFFFFF98  }
0x17f: {  	[spmem:s3] =	stream.indirect.scatter.add.f32 [tilespmem:s14], [sflag:$0x7], $0x80, s17, s12, $0xb8;
	v63 =	vld [tilespmem:$0x0]  }
0x180: {  	_ =	swait.ge [sflag:s10], $0x3200  }
0x181: {  	[sflag:s10] =	ssyncset.done $0x0  }
0x182: {  	[sflag:s10] =	ssyncadd.s32 $0xFFFFCE00  }
0x183: {  	[tilespmem:s17], [sflag:$0x5] =	stream.linear.gather [hbm4b:s9+s4], $0x68, $0x38;
	v63 =	vld [tilespmem:$0x0]  }
0x184: {  	s31 =	sadd.s32 $0x13A20, s30  }
0x185: {  	[tilespmem:s14], [sflag:$0x2] =	stream.indirect.gather [hbm4b:s1+s12], $0x80, s31, s12, $0xb8;
	v63 =	vld [tilespmem:$0x0]  }
0x186: {  	_ =	swait.ge [sflag:s24], $0x3200  }
0x187: {  	[sflag:s24] =	ssyncset.done $0x0  }
0x188: {  	[sflag:s24] =	ssyncadd.s32 $0xFFFFCE00  }
0x189: {  	_ =	swait.ge [sflag:s20], $0x68  }
0x18a: {  	[sflag:s20] =	ssyncset.done $0x0  }
0x18b: {  	[sflag:s20] =	ssyncadd.s32 $0xFFFFFF98  }
0x18c: {  	[spmem:s3] =	stream.indirect.scatter.add.f32 [tilespmem:s15], [sflag:$0x7], $0x80, s16, s12, $0xb8;
	v63 =	vld [tilespmem:$0x0]  }
0x18d: {  	_ =	swait.ge [sflag:s10], $0x3200  }
0x18e: {  	[sflag:s10] =	ssyncset.done $0x0  }
0x18f: {  	[sflag:s10] =	ssyncadd.s32 $0xFFFFCE00  }
0x190: {  	[tilespmem:s16], [sflag:$0x4] =	stream.linear.gather [hbm4b:s22+s4], $0x68, $0x38;
	v63 =	vld [tilespmem:$0x0]  }
0x191: {  	s31 =	sadd.s32 $0x13A88, s30  }
0x192: {  	[tilespmem:s15], [sflag:$0x3] =	stream.indirect.gather [hbm4b:s1+s12], $0x80, s31, s12, $0xb8;
	v63 =	vld [tilespmem:$0x0]  }
0x193: {  	_ =	swait.ge [sflag:s19], $0x3200  }
0x194: {  	[sflag:s19] =	ssyncset.done $0x0  }
0x195: {  	[sflag:s19] =	ssyncadd.s32 $0xFFFFCE00  }
0x196: {  	_ =	swait.ge [sflag:s23], $0x68  }
0x197: {  	[sflag:s23] =	ssyncset.done $0x0  }
0x198: {  	[sflag:s23] =	ssyncadd.s32 $0xFFFFFF98  }
0x199: {  	[spmem:s3] =	stream.indirect.scatter.add.f32 [tilespmem:s13], [sflag:$0x7], $0x80, s17, s12, $0xb8;
	v63 =	vld [tilespmem:$0x0]  }
0x19a: {  	_ =	swait.ge [sflag:s10], $0x3200  }
0x19b: {  	[sflag:s10] =	ssyncset.done $0x0  }
0x19c: {  	[sflag:s10] =	ssyncadd.s32 $0xFFFFCE00  }
0x19d: {  	[tilespmem:s17], [sflag:$0x5] =	stream.linear.gather [hbm4b:s8+s4], $0x68, $0x38;
	v63 =	vld [tilespmem:$0x0]  }
0x19e: {  	s31 =	sadd.s32 $0x13AF0, s30  }
0x19f: {  	[tilespmem:s13], [sflag:$0x1] =	stream.indirect.gather [hbm4b:s1+s12], $0x80, s31, s12, $0xb8;
	v63 =	vld [tilespmem:$0x0]  }
0x1a0: {  	_ =	swait.ge [sflag:s21], $0x3200  }
0x1a1: {  	[sflag:s21] =	ssyncset.done $0x0  }
0x1a2: {  	[sflag:s21] =	ssyncadd.s32 $0xFFFFCE00  }
0x1a3: {  	_ =	swait.ge [sflag:s20], $0x68  }
0x1a4: {  	[sflag:s20] =	ssyncset.done $0x0  }
0x1a5: {  	[sflag:s20] =	ssyncadd.s32 $0xFFFFFF98  }
0x1a6: {  	[spmem:s3] =	stream.indirect.scatter.add.f32 [tilespmem:s14], [sflag:$0x7], $0x80, s16, s12, $0xb8;
	v63 =	vld [tilespmem:$0x0]  }
0x1a7: {  	_ =	swait.ge [sflag:s10], $0x3200  }
0x1a8: {  	s31 =	sshrl.u32 s7, $0x3;
	[sflag:s10] =	ssyncset.done $0x0  }
0x1a9: {  	s31 =	sadd.s32 s5, s31;
	[sflag:s10] =	ssyncadd.s32 $0xFFFFCE00  }
0x1aa: {  	[tilespmem:s16], [sflag:$0x4] =	stream.linear.gather [hbm4b:s31+s4], $0x68, $0x38;
	v63 =	vld [tilespmem:$0x0]  }
0x1ab: {  	s31 =	sadd.s32 $0x13B58, s30  }
0x1ac: {  	[tilespmem:s14], [sflag:$0x2] =	stream.indirect.gather [hbm4b:s1+s12], $0x80, s31, s12, $0xb8;
	v63 =	vld [tilespmem:$0x0]  }
0x1ad: {  	_ =	swait.ge [sflag:s24], $0x3200  }
0x1ae: {  	[sflag:s24] =	ssyncset.done $0x0  }
0x1af: {  	[sflag:s24] =	ssyncadd.s32 $0xFFFFCE00  }
0x1b0: {  	_ =	swait.ge [sflag:s23], $0x68  }
0x1b1: {  	[sflag:s23] =	ssyncset.done $0x0  }
0x1b2: {  	[sflag:s23] =	ssyncadd.s32 $0xFFFFFF98  }
0x1b3: {  	[spmem:s3] =	stream.indirect.scatter.add.f32 [tilespmem:s15], [sflag:$0x7], $0x80, s17, s12, $0xb8;
	v63 =	vld [tilespmem:$0x0]  }
.Ltmp0:
0x1b4: {  	_ =	swait.ge [sflag:s10], $0x3200;
	(pc) =	sbr.rel @p1 .LBB2_2-.Ltmp0, $4  }
0x1b5: {  	s9 =	sadd.s32 $0x4E, s9;
	s22 =	sadd.s32 $0x4E, s22;
	[sflag:s10] =	ssyncset.done $0x0  }
0x1b6: {  	s8 =	sadd.s32 $0x4E, s8;
	s7 =	sadd.s32 $0x270, s7;
	[sflag:s10] =	ssyncadd.s32 $0xFFFFCE00  }
0x1b7: {  	[tilespmem:s17], [sflag:$0x5] =	stream.linear.gather [hbm4b:s29+s4], $0x68, $0x38;
	v63 =	vld [tilespmem:$0x0]  }
0x1b8: {  	s28 =	sadd.s32 $0x4E, s28;
	s30 =	sadd.s32 $0x13BC0, s30;
	s29 =	sadd.s32 $0x4E, s29  }
0x1b9: {  	[tilespmem:s15], [sflag:$0x3] =	stream.indirect.gather [hbm4b:s1+s12], $0x80, s30, s12, $0xb8;
	v63 =	vld [tilespmem:$0x0]  }
0x1ba: {  	_ =	swait.ge [sflag:s19], $0x3200  }
0x1bb: {  	[sflag:s19] =	ssyncset.done $0x0  }
0x1bc: {  	[sflag:s19] =	ssyncadd.s32 $0xFFFFCE00  }
0x1bd: {  	_ =	swait.ge [sflag:s20], $0x68  }
0x1be: {  	[sflag:s20] =	ssyncset.done $0x0  }
0x1bf: {  	[sflag:s20] =	ssyncadd.s32 $0xFFFFFF98  }
0x1c0: {  	[spmem:s3] =	stream.indirect.scatter.add.f32 [tilespmem:s13], [sflag:$0x7], $0x80, s16, s12, $0xb8;
	v63 =	vld [tilespmem:$0x0]  }
0x1c1: {  	_ =	swait.ge [sflag:s10], $0x3200  }
0x1c2: {  	s7 =	sld [smem:$0x7FD]  }
0x1c3: {  	[sflag:s10] =	ssyncset.done $0x0  }
0x1c4: {  	[sflag:s10] =	ssyncadd.s32 $0xFFFFCE00  }
0x1c5: {  	[tilespmem:s16], [sflag:$0x4] =	stream.linear.gather [hbm4b:s7+s4], $0x68, $0x38;
	v63 =	vld [tilespmem:$0x0]  }
0x1c6: {  	s26 =	simm.s32 $0x160B8  }
0x1c7: {  	[tilespmem:s13], [sflag:$0x1] =	stream.indirect.gather [hbm4b:s1+s12], $0x80, s26, s12, $0xb8;
	v63 =	vld [tilespmem:$0x0]  }
0x1c8: {  	_ =	swait.ge [sflag:s21], $0x3200  }
0x1c9: {  	[sflag:s21] =	ssyncset.done $0x0  }
0x1ca: {  	[sflag:s21] =	ssyncadd.s32 $0xFFFFCE00  }
0x1cb: {  	_ =	swait.ge [sflag:s23], $0x68  }
0x1cc: {  	[sflag:s23] =	ssyncset.done $0x0  }
0x1cd: {  	[sflag:s23] =	ssyncadd.s32 $0xFFFFFF98  }
0x1ce: {  	[spmem:s3] =	stream.indirect.scatter.add.f32 [tilespmem:s14], [sflag:$0x7], $0x80, s17, s12, $0xb8;
	v63 =	vld [tilespmem:$0x0]  }
0x1cf: {  	_ =	swait.ge [sflag:s10], $0x3200  }
0x1d0: {  	s28 =	sld [smem:$0x7F4]  }
0x1d1: {  	[sflag:s10] =	ssyncset.done $0x0  }
0x1d2: {  	[sflag:s10] =	ssyncadd.s32 $0xFFFFCE00  }
0x1d3: {  	[tilespmem:s17], [sflag:$0x5] =	stream.linear.gather [hbm4b:s28+s4], $0x68, $0x38;
	v63 =	vld [tilespmem:$0x0]  }
0x1d4: {  	_ =	swait.ge [sflag:s24], $0x3200  }
0x1d5: {  	[sflag:s24] =	ssyncset.done $0x0  }
0x1d6: {  	[sflag:s24] =	ssyncadd.s32 $0xFFFFCE00  }
0x1d7: {  	_ =	swait.ge [sflag:s20], $0x68  }
0x1d8: {  	[sflag:s20] =	ssyncset.done $0x0  }
0x1d9: {  	[sflag:s20] =	ssyncadd.s32 $0xFFFFFF98  }
0x1da: {  	[spmem:s3] =	stream.indirect.scatter.add.f32 [tilespmem:s15], [sflag:$0x7], $0x80, s16, s12, $0xb8;
	v63 =	vld [tilespmem:$0x0]  }
0x1db: {  	_ =	swait.ge [sflag:s10], $0x3200  }
0x1dc: {  	[sflag:s10] =	ssyncset.done $0x0  }
0x1dd: {  	[sflag:s10] =	ssyncadd.s32 $0xFFFFCE00  }
0x1de: {  	_ =	swait.ge [sflag:s19], $0x3200  }
0x1df: {  	[sflag:s19] =	ssyncset.done $0x0  }
0x1e0: {  	[sflag:s19] =	ssyncadd.s32 $0xFFFFCE00  }
0x1e1: {  	_ =	swait.ge [sflag:s23], $0x68  }
0x1e2: {  	[sflag:s23] =	ssyncset.done $0x0  }
0x1e3: {  	[sflag:s23] =	ssyncadd.s32 $0xFFFFFF98  }
0x1e4: {  	[spmem:s3] =	stream.indirect.scatter.add.f32 [tilespmem:s13], [sflag:$0x7], $0x80, s17, s12, $0xb8;
	v63 =	vld [tilespmem:$0x0]  }
0x1e5: {  	_ =	swait.ge [sflag:s10], $0x3200  }
0x1e6: {  	[sflag:s10] =	ssyncset.done $0x0  }
0x1e7: {  	s29 =	stileid.u32;
	[sflag:s10] =	ssyncadd.s32 $0xFFFFCE00  }
0x1e8: {  	s7 =	sshll.u32 s29, $0x6;
	[bflag:$0x0] =	sbarrier.arrive $0xFFFF  }
0x1e9: {  	s8 =	sshrl.u32 s2, $0x3;
	s7 =	sor.u32 $0x1C07, s7;
	s30 =	rddreg [dreg:$0xe]  }
0x1ea: {  	[hbm:s30], [sflag:s7] =	dma.local [spmem:s8], $0x2700  }
0x1eb: {  	_ =	swait.ge [sflag:s10], $0x2700  }
0x1ec: {  	s22 =	smov.u32 s2;
	s2 =	sld [smem:$0x7F5]  }
0x1ed: {  	[sflag:s10] =	ssyncset.done $0x0  }
0x1ee: {  	s8 =	sshrl.u32 @!p0 s6, $0x3;
	[sflag:s10] =	ssyncadd.s32 $0xFFFFD900  }
0x1ef: {  	[hbm:s2], [sflag:s7] =	dma.local @!p0 [spmem:s8], $0x100  }
0x1f0: {  	s7 =	simm.s32 @!p0 $0x7  }
0x1f1: {  	_ =	swait.ge @!p0 [sflag:s7], $0x100  }
0x1f2: {  	s31 =	sld [smem:$0x7F6];
	_ =	sdelay $0x1  }
0x1f3: {  	s25 =	sadd.s32 $0x1, s25  }
0x1f4: {  	p1 =	sne.s32 s25, s31  }
.Ltmp1:
0x1f5: {  	_ = 	snop;
	(pc) =	sbr.rel @p1 .LBB2_1-.Ltmp1, $3  }
0x1f6: {  	_ =	sdelay $0x1  }
0x1f7: {  	[sflag:s7] =	ssyncset.done @!p0 $0x0  }
0x1f8: {  	[sflag:s7] =	ssyncadd.s32 @!p0 $0xFFFFFF00  }
0x1f9: {  	_ =	sfence.sel $0x180000  }
0x1fa: {  	[bflag:$0x0] =	sbarrier.arrive $0xFFFF  }
0x1fb: {  	_ =	strace $0x90000047  }
0x1fc: {  	s0 =	stileid.u32;
	[bflag:$0x2] =	sbarrier.arrive $0xFFFF  }
0x1fd: {  	p0 =	sne.s32 s0, $0x0;
	s0 =	rddreg [dreg:$0x3]  }
0x1fe: {  	s0 =	sadd.s32 @!p0 $0x100000, s0  }
0x1ff: {  	[sflag:s0] =	ssyncadd.tile.s32 @!p0 $0x1;
	_ =	shalt  }
.Lfunc_end2:
_tile_overlayer_lowered:
.L_overlay_start_2:
0x200: {  	(tag) =	ssettag $0x2  }
0x201: {  	s0 =	rddreg [dreg:$0x0];
	s2 =	stileid.u32  }
0x202: {  	s1 =	rddreg [dreg:$0x1];
	p0 =	sne.s32 s2, $0x0  }
0x203: {  	s3 =	rddreg [dreg:$0x2];
	[bflag:$0x3] =	sbarrier.arrive $0xFFFF;
	s2 =	simm.s32 @!p0 $0x1C07  }
0x204: {  	[timem:s3], [sflag:s2] =	dma.local @!p0 [hbm:s0], s1  }
0x205: {  	s0 =	simm.s32 @!p0 $0x7  }
0x206: {  	_ =	swait.ge @!p0 [sflag:s0], s1  }
0x207: {  	s1 =	ssub.s32 @!p0 $0x0, s1;
	[sflag:s0] =	ssyncset.done @!p0 $0x0  }
0x208: {  	[sflag:s0] =	ssyncadd.s32 @!p0 s1  }
0x209: {  	[bflag:$0x3] =	sbarrier.arrive $0xFFFF  }
0x20a: {  	_ =	shalt  }

// kernel: kernel.9.cloned.1.call-start
scs
__scs_entry_jumppad:
0x0: {  	(pc) =	sbr.rel $0x88, $3  }
0x1: {  	(tag) =	ssettag $0x0;
	lr =	simm.s32 $0x1  }
0x2: {  	[smem:$0x3F97] =	sst lr;
	_ =	strace $0xD0000000  }
0x3: {  	_ = 	snop  }
0x4: {  	_ = 	snop  }
0x5: {  	_ = 	snop  }
0x6: {  	_ = 	snop  }
0x7: {  	_ = 	snop  }
__scs_overlays_trampoline_lowered:
0x8: {  	[smem:$0x3FA6] =	sst s0  }
0x9: {  	[smem:$0x3FA7] =	sst s1  }
0xa: {  	[smem:$0x3FA8] =	sst s2  }
0xb: {  	[smem:$0x3FA9] =	sst s3  }
0xc: {  	[smem:$0x3FAA] =	sst s4  }
0xd: {  	[smem:$0x3FAB] =	sst s5  }
0xe: {  	[smem:$0x3FAC] =	sst s6  }
0xf: {  	[smem:$0x3FAD] =	sst s7  }
0x10: {  	[smem:$0x3FAE] =	sst s8  }
0x11: {  	[smem:$0x3FAF] =	sst s9;
	s0 =	simm.s32 @!p0 $0x0  }
0x12: {  	s1 =	sld [smem:$0x3F95];
	s0 =	simm.s32 @p0 $0x1  }
0x13: {  	[smem:$0x3FB0] =	sst s0;
	s0 =	simm.s32 @!p1 $0x0  }
0x14: {  	s2 =	sld [smem:$0x3F94];
	s0 =	simm.s32 @p1 $0x1  }
0x15: {  	[smem:$0x3FB1] =	sst s0;
	s0 =	simm.s32 @!p2 $0x0  }
0x16: {  	s3 =	sld [smem:$0x3FDB];
	s0 =	simm.s32 @p2 $0x1  }
0x17: {  	s4 =	simm.s32 $0x1BF5;
	[smem:$0x3FB3] =	sst s0  }
0x18: {  	s0 =	sld [smem:$0x3F96];
	_ =	swait.ge [sflag:s4], $0x0  }
0x19: {  	s7 =	sld [smem:$0x3F97]  }
0x1a: {  	s8 =	sadd.s32 $0xFFFFE003, lr  }
0x1b: {  	s9 =	sadd.s32 $0xFFFFFEF7, lr;
	s5 =	simm.s32 $0xFFFFFFFF;
	p2 =	slt.u32 s8, $0xFFFFF086  }
0x1c: {  	p1 =	slt.u32 s9, $0xF7A;
	s5 =	simm.s32 @!p2 $0x0  }
0x1d: {  	s5 =	simm.s32 @p1 $0x1;
	p0 =	seq.s32 s7, s2  }
0x1e: {  	s7 =	smul.u32 @!p0 $0xF7A, s2;
	p2 =	seq.s32 @!p0 s5, $0x0  }
0x1f: {  	s9 =	smul.u32 $0xF7A, s1;
	s8 =	simm.s32 @!p0 $0x1BF5;
	p2 =	por !p2, p0  }
0x20: {  	[sflag:s8] =	ssyncset.s32 @!p0 $0xFFFFF086;
	s6 =	sadd.s32 @!p0 s3, s7;
	s7 =	simm.s32 @!p0 $0x108  }
0x21: {  	s3 =	sadd.s32 s3, s9;
	s6 =	sadd.s32 @!p0 $0x88, s6;
	s7 =	simm.s32 @p2 $0x1082  }
0x22: {  	[simem:s7], [sflag:s8] =	dma.local @!p0 [hbm:s6], $0xF7A  }
0x23: {  	s9 =	sor.u32 $0xD0000000, s2;
	s6 =	simm.s32 $0x108;
	_ =	swait.ge @!p0 [sflag:s8], $0x0  }
0x24: {  	s3 =	sadd.s32 $0x88, s3;
	s6 =	simm.s32 @!p1 $0x1082;
	[sflag:s4] =	ssyncset.s32 $0xFFFFF086  }
0x25: {  	[simem:s6], [sflag:s4] =	dma.local [hbm:s3], $0xF7A  }
0x26: {  	[smem:$0x3F97] =	sst s1;
	(tag) =	ssettag s2;
	_ =	strace s9  }
0x27: {  	s1 =	sld [smem:$0x3FA7]  }
0x28: {  	s2 =	sld [smem:$0x3FA8]  }
0x29: {  	s4 =	sld [smem:$0x3FAA]  }
0x2a: {  	p0 =	seq.s32 s5, $0x0;
	s5 =	sld [smem:$0x3FAB]  }
0x2b: {  	s6 =	sld [smem:$0x3FAC]  }
0x2c: {  	s7 =	sld [smem:$0x3FAD]  }
0x2d: {  	s3 =	simm.s32 $0x108;
	s8 =	sld [smem:$0x3FAE]  }
0x2e: {  	s3 =	simm.s32 @!p0 $0x1082;
	s9 =	sld [smem:$0x3FAF]  }
0x2f: {  	lr =	sadd.s32 s0, s3;
	s0 =	sld [smem:$0x3FA6]  }
0x30: {  	s3 =	sld [smem:$0x3FA9]  }
0x31: {  	[smem:$0x3FB2] =	sst s10  }
0x32: {  	s10 =	sld [smem:$0x3FB0];
	_ =	sdelay $0x3  }
0x33: {  	p0 =	seq.s32 s10, $0x1;
	s10 =	sld [smem:$0x3FB2];
	_ =	sdelay $0x3  }
0x34: {  	[smem:$0x3FB2] =	sst s10  }
0x35: {  	s10 =	sld [smem:$0x3FB1];
	_ =	sdelay $0x3  }
0x36: {  	p1 =	seq.s32 s10, $0x1;
	s10 =	sld [smem:$0x3FB2];
	_ =	sdelay $0x3  }
0x37: {  	[smem:$0x3FB2] =	sst s10  }
0x38: {  	s10 =	sld [smem:$0x3FB3]  }
0x39: {  	_ = 	snop;
	(pc) =	sbr.ind lr, $3  }
0x3a: {  	_ = 	snop  }
0x3b: {  	_ = 	snop  }
0x3c: {  	p2 =	seq.s32 s10, $0x1;
	s10 =	sld [smem:$0x3FB2]  }
0x3d: {  	_ =	shalt  }
0x3e: {  	_ =	shalt  }
0x3f: {  	_ =	shalt  }
0x40: {  	_ =	shalt  }
0x41: {  	_ =	shalt  }
0x42: {  	_ =	shalt  }
0x43: {  	_ =	shalt  }
0x44: {  	_ =	shalt  }
0x45: {  	_ =	shalt  }
0x46: {  	_ =	shalt  }
0x47: {  	_ =	shalt  }
0x48: {  	_ =	shalt  }
0x49: {  	_ =	shalt  }
0x4a: {  	_ =	shalt  }
0x4b: {  	_ =	shalt  }
0x4c: {  	_ =	shalt  }
0x4d: {  	_ =	shalt  }
0x4e: {  	_ =	shalt  }
0x4f: {  	_ =	shalt  }
0x50: {  	_ =	shalt  }
0x51: {  	_ =	shalt  }
0x52: {  	_ =	shalt  }
0x53: {  	_ =	shalt  }
0x54: {  	_ =	shalt  }
0x55: {  	_ =	shalt  }
0x56: {  	_ =	shalt  }
0x57: {  	_ =	shalt  }
0x58: {  	_ =	shalt  }
0x59: {  	_ =	shalt  }
0x5a: {  	_ =	shalt  }
0x5b: {  	_ =	shalt  }
0x5c: {  	_ =	shalt  }
0x5d: {  	_ =	shalt  }
0x5e: {  	_ =	shalt  }
0x5f: {  	_ =	shalt  }
0x60: {  	_ =	shalt  }
0x61: {  	_ =	shalt  }
0x62: {  	_ =	shalt  }
0x63: {  	_ =	shalt  }
0x64: {  	_ =	shalt  }
0x65: {  	_ =	shalt  }
0x66: {  	_ =	shalt  }
0x67: {  	_ =	shalt  }
0x68: {  	_ =	shalt  }
0x69: {  	_ =	shalt  }
0x6a: {  	_ =	shalt  }
0x6b: {  	_ =	shalt  }
0x6c: {  	_ =	shalt  }
0x6d: {  	_ =	shalt  }
0x6e: {  	_ =	shalt  }
0x6f: {  	_ =	shalt  }
0x70: {  	_ =	shalt  }
0x71: {  	_ =	shalt  }
0x72: {  	_ =	shalt  }
0x73: {  	_ =	shalt  }
0x74: {  	_ =	shalt  }
0x75: {  	_ =	shalt  }
0x76: {  	_ =	shalt  }
0x77: {  	_ =	shalt  }
0x78: {  	_ =	shalt  }
0x79: {  	_ =	shalt  }
0x7a: {  	_ =	shalt  }
0x7b: {  	_ =	shalt  }
0x7c: {  	_ =	shalt  }
0x7d: {  	_ =	shalt  }
0x7e: {  	_ =	shalt  }
0x7f: {  	_ =	shalt  }
0x80: {  	_ =	shalt  }
0x81: {  	_ =	shalt  }
0x82: {  	_ =	shalt  }
0x83: {  	_ =	shalt  }
0x84: {  	_ =	shalt  }
0x85: {  	_ =	shalt  }
0x86: {  	_ =	shalt  }
0x87: {  	_ =	shalt  }
.Lfunc_end0:
.L_simem_size_0:
called_computation.1_lowered:
.L_overlay_start_0:
0x88: {  	s2 =	sld [smem:$0x3FD9]  }
0x89: {  	s3 =	sld [smem:$0x3FFE];
	_ =	sdelay $0x1  }
0x8a: {  	s1 =	srdreg.scid  }
0x8b: {  	s0 =	sand.u32 $0x1, s1  }
0x8c: {  	s17 =	sshll.u32 s0, $0xA;
	s2 =	sadd.s32 s3, s2  }
0x8d: {  	s2 =	sadd.s32 s2, s17  }
0x8e: {  	[smem:$0x3FBE] =	sst s2  }
0x8f: {  	_ = 	snop  }
0x90: {  	s2 =	sld [smem:$0x3FD0];
	(tm) =	ssettm $0x1  }
0x91: {  	s18 =	sld [smem:$0x3FFB];
	_ =	sdelay $0x3  }
0x92: {  	_ =	strace s18  }
0x93: {  	s3 =	sld [smem:$0x3FFC];
	_ =	sdelay $0x3  }
0x94: {  	_ =	strace s3  }
0x95: {  	s3 =	sld [smem:$0x3FFD];
	_ =	sdelay $0x3  }
0x96: {  	_ =	strace s3  }
0x97: {  	_ =	strace $0x8FFFFFFF  }
0x98: {  	s19 =	sld [smem:$0x3FDB];
	_ =	sdelay $0x1  }
0x99: {  	s4 =	simm.s32 $_scs_section_size  }
0x9a: {  	s5 =	simm.s32 $_size__tile_overlayer_lowered;
	s6 =	simm.s32 $_tile_overlayer_lowered  }
0x9b: {  	s22 =	simm.s32 $0x1BFF;
	s21 =	sshll.u32 s6, $0x1;
	s3 =	sadd.s32 s4, s19  }
0x9c: {  	s7 =	simm.s32 $0x0;
	s20 =	sshll.u32 s5, $0x1;
	s5 =	sadd.s32 s21, s3  }
0x9d: {  	[timem:s7], [sflag:s22] =	dma.local [hbm:s5], s20  }
0x9e: {  	_ =	swait.ge [sflag:s22], s20  }
0x9f: {  	s4 =	ssub.s32 $0x0, s20;
	[sflag:s22] =	ssyncset.done $0x0  }
0xa0: {  	[sflag:s22] =	ssyncadd.s32 s4;
	_ =	sdelay $0x1  }
0xa1: {  	s23 =	simm.s32 $0x1B8B  }
0xa2: {  	_ =	swait.ge [sflag:s23], $0x1  }
0xa3: {  	[sflag:s23] =	ssyncset.done $0x0  }
0xa4: {  	s25 =	simm.s32 $0x1B8E;
	s24 =	sld [smem:$0x3FFE];
	[sflag:s23] =	ssyncadd.s32 $0xFFFFFFFF  }
0xa5: {  	s26 =	simm.s32 $execute0_lowered;
	[smem:$0x3FD2] =	sst s25  }
0xa6: {  	s5 =	sshll.u32 s26, $0x1;
	_ =	strace $0x80000049;
	[dreg:$0x1] =	wrdreg $0xFFFFFFFF  }
0xa7: {  	s28 =	simm.s32 $_size_execute0_lowered;
	s3 =	sadd.s32 s3, s5;
	[dreg:$0x0] =	wrdreg $0x0  }
0xa8: {  	s5 =	sshll.u32 s28, $0x1;
	[dreg:$0x2] =	wrdreg s3  }
0xa9: {  	[dreg:$0x3] =	wrdreg s5  }
0xaa: {  	[dreg:$0x4] =	wrdreg $0xC0  }
0xab: {  	_ =	task [dreg:s7], $0x5FFFF  }
0xac: {  	[dreg:$0x1] =	wrdreg $0xFFFFFFFF  }
0xad: {  	[dreg:$0x0] =	wrdreg $0x60  }
0xae: {  	[dreg:$0x2] =	wrdreg s2  }
0xaf: {  	[dreg:$0x3] =	wrdreg s24  }
0xb0: {  	[dreg:$0x4] =	wrdreg $0x0  }
0xb1: {  	[dreg:$0x5] =	wrdreg $0x9  }
0xb2: {  	_ =	task.clear_ibuf [dreg:s7], $0x6FFFF;
	_ =	strace $0x90000049  }
0xb3: {  	s29 =	simm.s32 $0x9;
	_ =	strace $0x8000004B  }
0xb4: {  	_ =	swait.ge [sflag:s29], $0x1  }
0xb5: {  	[sflag:s29] =	ssyncadd.s32 $0xFFFFFFFF  }
0xb6: {  	_ =	strace $0x9000004B  }
0xb7: {  	_ =	sfence  }
0xb8: {  	s30 =	sld [smem:$0x0];
	_ =	sdelay $0x2  }
0xb9: {  	s31 =	sshll.u32 s1, $0xD;
	s1 =	sshrl.u32 s1, $0x2  }
0xba: {  	s3 =	sand.u32 $0x4000, s31;
	s1 =	sadd.s32 s1, s30  }
0xbb: {  	s0 =	sor.u32 s3, s0;
	s1 =	sshll.u32 s1, $0x11  }
0xbc: {  	s0 =	sor.u32 s1, s0  }
0xbd: {  	s0 =	sadd.s32 $0x8F2B, s0  }
0xbe: {  	[sflag:s0] =	ssyncadd.remote.s32 $0x1  }
0xbf: {  	_ =	sfence.sel $0xFFFF  }
0xc0: {  	[dreg:$0x0] =	wrdreg $0xFFFFFFFF;
	(pc) =	sbr.abs _section_cstart, $3  }
0xc1: {  	[dreg:$0x1] =	wrdreg $0xFFFFFFFF  }
0xc2: {  	_ =	task.clear_ibuf [dreg:s7], $0x2FFFF;
	_ =	strace $0x9FFFFFFF  }
0xc3: {  	(tm) =	ssettm $0x7FFFFFFF  }
tec
execute0_lowered:
.L_overlay_start_1:
0x0: {  	(tag) =	ssettag $0x1  }
0x1: {  	s0 =	srdreg.scid  }
0x2: {  	s13 =	stileid.u32;
	s1 =	rddreg [dreg:$0x0]  }
0x3: {  	s7 =	rddreg [dreg:$0x1];
	s9 =	smul.u32 $0x4E000, s13  }
0x4: {  	s3 =	rddreg [dreg:$0x2];
	s4 =	simm.s32 $0x0;
	s6 =	sand.u32 $0x1, s0  }
0x5: {  	[smem:$0x7FF] =	sst s4;
	s10 =	sadd.s32 $0x16E00, s7;
	s9 =	sshrl.u32 s9, $0x2  }
0x6: {  	_ =	strace $0x8000004A;
	s30 =	ssub.s32 $0x2, s6;
	s9 =	sadd.s32 s9, s3  }
0x7: {  	[dreg:$0x4] =	wrdreg s10;
	s11 =	sshrl.u32 s30, $0x1;
	s31 =	sadd.s32 $0x800, s9  }
0x8: {  	s10 =	ssub.s32 s30, s11;
	s11 =	sadd.s32 $0x1000, s9;
	[dreg:$0x6] =	wrdreg s31  }
0x9: {  	s14 =	sadd.s32 $0x1800, s9;
	[dreg:$0x7] =	wrdreg s11  }
0xa: {  	s16 =	sadd.s32 $0x2000, s9;
	[dreg:$0x8] =	wrdreg s14  }
0xb: {  	s17 =	sadd.s32 $0x2800, s9;
	[dreg:$0x9] =	wrdreg s16  }
0xc: {  	s18 =	sadd.s32 $0x3000, s9;
	[dreg:$0xa] =	wrdreg s17  }
0xd: {  	s19 =	sadd.s32 $0x3800, s9;
	[dreg:$0xb] =	wrdreg s18  }
0xe: {  	s29 =	sshll.u32 s13, $0x1;
	s23 =	sadd.s32 $0x4800, s9;
	[dreg:$0xc] =	wrdreg s19  }
0xf: {  	s12 =	smul.u32 $0x13800, s13;
	s24 =	sadd.s32 $0x5000, s9;
	[dreg:$0xf] =	wrdreg s23  }
0x10: {  	s21 =	smul.u32 $0x5140, s13;
	s25 =	sadd.s32 $0x5800, s9;
	[dreg:$0x10] =	wrdreg s24  }
0x11: {  	s0 =	sor.u32 s6, s29;
	s26 =	sadd.s32 $0x6000, s9;
	[dreg:$0x11] =	wrdreg s25  }
0x12: {  	s15 =	smul.u32 $0x138800, s6;
	s28 =	sadd.s32 $0x6800, s9;
	[dreg:$0x12] =	wrdreg s26  }
0x13: {  	s6 =	smul.u32 $0x28A0, s6;
	s29 =	sadd.s32 $0x7000, s9;
	[dreg:$0x13] =	wrdreg s28  }
0x14: {  	s22 =	sadd.s32 s12, s3;
	s30 =	sadd.s32 $0x7800, s9;
	[dreg:$0x14] =	wrdreg s29  }
0x15: {  	s20 =	sadd.s32 s12, s15;
	s12 =	sadd.s32 $0x9000, s9;
	[dreg:$0x15] =	wrdreg s30  }
0x16: {  	s6 =	sadd.s32 s6, s21;
	s21 =	sadd.s32 $0xD000, s9;
	[dreg:$0x18] =	wrdreg s12  }
0x17: {  	s14 =	sadd.s32 $0x4000, s9;
	[smem:$0x7E6] =	sst s21  }
0x18: {  	s31 =	sadd.s32 $0x8000, s9;
	[dreg:$0xd] =	wrdreg s14  }
0x19: {  	s16 =	sadd.s32 $0xA800, s9;
	[dreg:$0x16] =	wrdreg s31  }
0x1a: {  	s5 =	sadd.s32 $0x2600, s7;
	s17 =	sadd.s32 $0xB000, s9;
	[dreg:$0x1b] =	wrdreg s16  }
0x1b: {  	p0 =	sne.s32 s13, $0xF;
	s18 =	sadd.s32 $0xB800, s9;
	[dreg:$0x1c] =	wrdreg s17  }
0x1c: {  	s0 =	smul.u32 $0x28A0, s0;
	s19 =	sadd.s32 $0xC000, s9;
	[dreg:$0x1d] =	wrdreg s18  }
0x1d: {  	s11 =	sshrl.u32 s20, $0x3;
	s20 =	sadd.s32 $0xC800, s9;
	[dreg:$0x1e] =	wrdreg s19  }
0x1e: {  	s13 =	simm.s32 $0x161F0;
	s23 =	sadd.s32 $0xD800, s9;
	[dreg:$0x1f] =	wrdreg s20  }
0x1f: {  	s2 =	sshrl.u32 s0, $0x3;
	s24 =	sadd.s32 $0xE000, s9;
	[smem:$0x7E7] =	sst s23  }
0x20: {  	s8 =	sadd.s32 s2, s7;
	s25 =	sadd.s32 $0xE800, s9;
	[smem:$0x7E8] =	sst s24  }
0x21: {  	s7 =	sadd.s32 $0x17000, s7;
	s26 =	sadd.s32 $0xF000, s9;
	[smem:$0x7E9] =	sst s25  }
0x22: {  	s28 =	sadd.s32 $0xF800, s9;
	s29 =	sadd.s32 $0x10000, s9;
	[smem:$0x7EA] =	sst s26  }
0x23: {  	s30 =	sadd.s32 $0x10800, s9;
	s12 =	sadd.s32 $0x12000, s9;
	[smem:$0x7EB] =	sst s28  }
0x24: {  	s21 =	sadd.s32 $0xD0, s6;
	s8 =	sadd.s32 $0xCA00, s8;
	[smem:$0x7EC] =	sst s29  }
0x25: {  	s11 =	sadd.s32 s7, s11;
	s14 =	sadd.s32 $0x9800, s9;
	[smem:$0x7ED] =	sst s30  }
0x26: {  	s31 =	sadd.s32 $0x11000, s9;
	[smem:$0x7F0] =	sst s12;
	s16 =	sadd.s32 $0x68, s0  }
0x27: {  	s0 =	sadd.s32 $0x2838, s0;
	s17 =	sadd.s32 s5, s2;
	s20 =	smax.u32 s10, $0x1  }
0x28: {  	s23 =	sadd.s32 $0x2D8, s6;
	s24 =	sadd.s32 $0x208, s6;
	[dreg:$0x5] =	wrdreg s8  }
0x29: {  	s28 =	sadd.s32 $0x270, s6;
	s29 =	sadd.s32 $0x1A0, s6;
	[dreg:$0xe] =	wrdreg s11  }
0x2a: {  	s6 =	sadd.s32 $0x138, s6;
	s10 =	simm.s32 $0x7;
	[dreg:$0x19] =	wrdreg s14  }
0x2b: {  	s12 =	simm.s32 $0x64;
	s8 =	sshrl.u32 s15, $0x3;
	[smem:$0x7EE] =	sst s31  }
0x2c: {  	s11 =	sadd.s32 $0x8800, s9;
	s15 =	sadd.s32 $0xA000, s9;
	[smem:$0x7F6] =	sst s20  }
0x2d: {  	s14 =	sadd.s32 $0x12800, s9;
	s18 =	sshrl.u32 s16, $0x3;
	[smem:$0x7F9] =	sst s28  }
0x2e: {  	s0 =	sshrl.u32 s0, $0x3;
	s26 =	sshrl.u32 s24, $0x3;
	[smem:$0x7FC] =	sst s17  }
0x2f: {  	s30 =	sshrl.u32 s29, $0x3;
	s6 =	sshrl.u32 s6, $0x3;
	[dreg:$0x17] =	wrdreg s11  }
0x30: {  	s31 =	sadd.s32 $0x4FA, s17;
	s16 =	simm.s32 $0x16120;
	[dreg:$0x1a] =	wrdreg s15  }
0x31: {  	s17 =	simm.s32 $0x16188;
	s20 =	simm.s32 $0x4;
	[smem:$0x7F1] =	sst s14  }
0x32: {  	s24 =	simm.s32 $0x3;
	s11 =	sadd.s32 $0x11800, s9;
	[smem:$0x7FD] =	sst s31  }
0x33: {  	s7 =	sadd.s32 s7, s8;
	s15 =	sadd.s32 $0x13000, s9;
	[smem:$0x7EF] =	sst s11  }
0x34: {  	s2 =	sadd.s32 s5, s18;
	s0 =	sadd.s32 s5, s0;
	[smem:$0x7F2] =	sst s15  }
0x35: {  	s14 =	simm.s32 $0x193F0;
	s18 =	simm.s32 $0x6;
	[smem:$0x7F3] =	sst s2  }
0x36: {  	[smem:$0x7F4] =	sst s0;
	s19 =	sadd.s32 $0x27000, s7;
	s0 =	sshrl.u32 s21, $0x3  }
0x37: {  	s2 =	sshrl.u32 s23, $0x3;
	s11 =	simm.s32 $0x1F7F0;
	s15 =	simm.s32 $0x1C5F0  }
0x38: {  	s21 =	simm.s32 $0x2;
	[smem:$0x7F5] =	sst s19;
	s0 =	sadd.s32 s0, s5  }
0x39: {  	s23 =	simm.s32 $0x5;
	s25 =	sadd.s32 s2, s5;
	[smem:$0x7F7] =	sst s0  }
0x3a: {  	s19 =	simm.s32 $0x1;
	[smem:$0x7F8] =	sst s25;
	s0 =	sadd.s32 s26, s5  }
0x3b: {  	s25 =	simm.s32 $0x0;
	[smem:$0x7FA] =	sst s0;
	s0 =	sadd.s32 s30, s5  }
0x3c: {  	[smem:$0x7FB] =	sst s0;
	s0 =	sadd.s32 s6, s5;
	s6 =	sadd.s32 $0x138000, s3  }
.LBB2_1:
0x3d: {  	s7 =	rddreg [dreg:$0x5];
	s8 =	simm.s32 $0x13880  }
0x3e: {  	[tilespmem:s8], [sflag:$0x7] =	stream.linear.gather [hbm4b:s7+s4], $0x28A0, $0x38;
	v63 =	vld [tilespmem:$0x0]  }
0x3f: {  	_ =	swait.ge [sflag:s10], $0x28A0  }
0x40: {  	[sflag:s10] =	ssyncset.done $0x0  }
0x41: {  	s9 =	rddreg [dreg:$0x4];
	[sflag:s10] =	ssyncadd.s32 $0xFFFFD760  }
0x42: {  	[tilespmem:s11], [sflag:$0x7] =	stream.linear.gather [hbm4b:s9+s4], $0x800, $0x38;
	v63 =	vld [tilespmem:$0x0]  }
0x43: {  	_ =	swait.ge [sflag:s10], $0x800  }
0x44: {  	[sflag:s10] =	ssyncset.done $0x0  }
0x45: {  	s26 =	rddreg [dreg:$0x7];
	[sflag:s10] =	ssyncadd.s32 $0xFFFFF800  }
0x46: {  	[spmem:s22] =	stream.linear.scatter [tilespmem:s11], [sflag:$0x6], $0x800, $0x38;
	v63 =	vld [tilespmem:$0x0]  }
0x47: {  	s2 =	smov.u32 s22;
	s22 =	rddreg [dreg:$0x6]  }
0x48: {  	[spmem:s22] =	stream.linear.scatter [tilespmem:s11], [sflag:$0x6], $0x800, $0x38;
	v63 =	vld [tilespmem:$0x0]  }
0x49: {  	s31 =	rddreg [dreg:$0x8]  }
0x4a: {  	[spmem:s26] =	stream.linear.scatter [tilespmem:s11], [sflag:$0x6], $0x800, $0x38;
	v63 =	vld [tilespmem:$0x0]  }
0x4b: {  	s9 =	rddreg [dreg:$0x9]  }
0x4c: {  	[spmem:s31] =	stream.linear.scatter [tilespmem:s11], [sflag:$0x6], $0x800, $0x38;
	v63 =	vld [tilespmem:$0x0]  }
0x4d: {  	s22 =	rddreg [dreg:$0xa]  }
0x4e: {  	[spmem:s9] =	stream.linear.scatter [tilespmem:s11], [sflag:$0x6], $0x800, $0x38;
	v63 =	vld [tilespmem:$0x0]  }
0x4f: {  	s26 =	rddreg [dreg:$0xb]  }
0x50: {  	[spmem:s22] =	stream.linear.scatter [tilespmem:s11], [sflag:$0x6], $0x800, $0x38;
	v63 =	vld [tilespmem:$0x0]  }
0x51: {  	s31 =	rddreg [dreg:$0xc]  }
0x52: {  	[spmem:s26] =	stream.linear.scatter [tilespmem:s11], [sflag:$0x6], $0x800, $0x38;
	v63 =	vld [tilespmem:$0x0]  }
0x53: {  	s9 =	rddreg [dreg:$0xd]  }
0x54: {  	[spmem:s31] =	stream.linear.scatter [tilespmem:s11], [sflag:$0x6], $0x800, $0x38;
	v63 =	vld [tilespmem:$0x0]  }
0x55: {  	s22 =	rddreg [dreg:$0xf]  }
0x56: {  	[spmem:s9] =	stream.linear.scatter [tilespmem:s11], [sflag:$0x6], $0x800, $0x38;
	v63 =	vld [tilespmem:$0x0]  }
0x57: {  	s26 =	rddreg [dreg:$0x10]  }
0x58: {  	[spmem:s22] =	stream.linear.scatter [tilespmem:s11], [sflag:$0x6], $0x800, $0x38;
	v63 =	vld [tilespmem:$0x0]  }
0x59: {  	s31 =	rddreg [dreg:$0x11]  }
0x5a: {  	[spmem:s26] =	stream.linear.scatter [tilespmem:s11], [sflag:$0x6], $0x800, $0x38;
	v63 =	vld [tilespmem:$0x0]  }
0x5b: {  	s9 =	rddreg [dreg:$0x12]  }
0x5c: {  	[spmem:s31] =	stream.linear.scatter [tilespmem:s11], [sflag:$0x6], $0x800, $0x38;
	v63 =	vld [tilespmem:$0x0]  }
0x5d: {  	s22 =	rddreg [dreg:$0x13]  }
0x5e: {  	[spmem:s9] =	stream.linear.scatter [tilespmem:s11], [sflag:$0x6], $0x800, $0x38;
	v63 =	vld [tilespmem:$0x0]  }
0x5f: {  	s26 =	rddreg [dreg:$0x14]  }
0x60: {  	[spmem:s22] =	stream.linear.scatter [tilespmem:s11], [sflag:$0x6], $0x800, $0x38;
	v63 =	vld [tilespmem:$0x0]  }
0x61: {  	s31 =	rddreg [dreg:$0x15]  }
0x62: {  	[spmem:s26] =	stream.linear.scatter [tilespmem:s11], [sflag:$0x6], $0x800, $0x38;
	v63 =	vld [tilespmem:$0x0]  }
0x63: {  	s9 =	rddreg [dreg:$0x16]  }
0x64: {  	[spmem:s31] =	stream.linear.scatter [tilespmem:s11], [sflag:$0x6], $0x800, $0x38;
	v63 =	vld [tilespmem:$0x0]  }
0x65: {  	s22 =	rddreg [dreg:$0x17]  }
0x66: {  	[spmem:s9] =	stream.linear.scatter [tilespmem:s11], [sflag:$0x6], $0x800, $0x38;
	v63 =	vld [tilespmem:$0x0]  }
0x67: {  	s26 =	rddreg [dreg:$0x18]  }
0x68: {  	[spmem:s22] =	stream.linear.scatter [tilespmem:s11], [sflag:$0x6], $0x800, $0x38;
	v63 =	vld [tilespmem:$0x0]  }
0x69: {  	s31 =	rddreg [dreg:$0x19]  }
0x6a: {  	[spmem:s26] =	stream.linear.scatter [tilespmem:s11], [sflag:$0x6], $0x800, $0x38;
	v63 =	vld [tilespmem:$0x0]  }
0x6b: {  	s9 =	rddreg [dreg:$0x1a]  }
0x6c: {  	[spmem:s31] =	stream.linear.scatter [tilespmem:s11], [sflag:$0x6], $0x800, $0x38;
	v63 =	vld [tilespmem:$0x0]  }
0x6d: {  	s22 =	rddreg [dreg:$0x1b]  }
0x6e: {  	[spmem:s9] =	stream.linear.scatter [tilespmem:s11], [sflag:$0x6], $0x800, $0x38;
	v63 =	vld [tilespmem:$0x0]  }
0x6f: {  	s26 =	rddreg [dreg:$0x1c]  }
0x70: {  	[spmem:s22] =	stream.linear.scatter [tilespmem:s11], [sflag:$0x6], $0x800, $0x38;
	v63 =	vld [tilespmem:$0x0]  }
0x71: {  	s31 =	rddreg [dreg:$0x1d]  }
0x72: {  	[spmem:s26] =	stream.linear.scatter [tilespmem:s11], [sflag:$0x6], $0x800, $0x38;
	v63 =	vld [tilespmem:$0x0]  }
0x73: {  	s9 =	rddreg [dreg:$0x1e]  }
0x74: {  	[spmem:s31] =	stream.linear.scatter [tilespmem:s11], [sflag:$0x6], $0x800, $0x38;
	v63 =	vld [tilespmem:$0x0]  }
0x75: {  	s22 =	rddreg [dreg:$0x1f]  }
0x76: {  	[spmem:s9] =	stream.linear.scatter [tilespmem:s11], [sflag:$0x6], $0x800, $0x38;
	v63 =	vld [tilespmem:$0x0]  }
0x77: {  	s26 =	sld [smem:$0x7E6]  }
0x78: {  	[spmem:s22] =	stream.linear.scatter [tilespmem:s11], [sflag:$0x6], $0x800, $0x38;
	v63 =	vld [tilespmem:$0x0]  }
0x79: {  	s31 =	sld [smem:$0x7E7]  }
0x7a: {  	[spmem:s26] =	stream.linear.scatter [tilespmem:s11], [sflag:$0x6], $0x800, $0x38;
	v63 =	vld [tilespmem:$0x0]  }
0x7b: {  	s9 =	sld [smem:$0x7E8]  }
0x7c: {  	[spmem:s31] =	stream.linear.scatter [tilespmem:s11], [sflag:$0x6], $0x800, $0x38;
	v63 =	vld [tilespmem:$0x0]  }
0x7d: {  	s22 =	sld [smem:$0x7E9]  }
0x7e: {  	[spmem:s9] =	stream.linear.scatter [tilespmem:s11], [sflag:$0x6], $0x800, $0x38;
	v63 =	vld [tilespmem:$0x0]  }
0x7f: {  	s26 =	sld [smem:$0x7EA]  }
0x80: {  	[spmem:s22] =	stream.linear.scatter [tilespmem:s11], [sflag:$0x6], $0x800, $0x38;
	v63 =	vld [tilespmem:$0x0]  }
0x81: {  	s31 =	sld [smem:$0x7EB]  }
0x82: {  	[spmem:s26] =	stream.linear.scatter [tilespmem:s11], [sflag:$0x6], $0x800, $0x38;
	v63 =	vld [tilespmem:$0x0]  }
0x83: {  	s9 =	sld [smem:$0x7EC]  }
0x84: {  	[spmem:s31] =	stream.linear.scatter [tilespmem:s11], [sflag:$0x6], $0x800, $0x38;
	v63 =	vld [tilespmem:$0x0]  }
0x85: {  	s22 =	sld [smem:$0x7ED]  }
0x86: {  	[spmem:s9] =	stream.linear.scatter [tilespmem:s11], [sflag:$0x6], $0x800, $0x38;
	v63 =	vld [tilespmem:$0x0]  }
0x87: {  	s26 =	sld [smem:$0x7EE]  }
0x88: {  	[spmem:s22] =	stream.linear.scatter [tilespmem:s11], [sflag:$0x6], $0x800, $0x38;
	v63 =	vld [tilespmem:$0x0]  }
0x89: {  	s31 =	sld [smem:$0x7EF]  }
0x8a: {  	[spmem:s26] =	stream.linear.scatter [tilespmem:s11], [sflag:$0x6], $0x800, $0x38;
	v63 =	vld [tilespmem:$0x0]  }
0x8b: {  	s9 =	sld [smem:$0x7F0]  }
0x8c: {  	[spmem:s31] =	stream.linear.scatter [tilespmem:s11], [sflag:$0x6], $0x800, $0x38;
	v63 =	vld [tilespmem:$0x0]  }
0x8d: {  	s22 =	sld [smem:$0x7F1]  }
0x8e: {  	[spmem:s9] =	stream.linear.scatter [tilespmem:s11], [sflag:$0x6], $0x800, $0x38;
	v63 =	vld [tilespmem:$0x0]  }
0x8f: {  	s26 =	sld [smem:$0x7F2]  }
0x90: {  	[spmem:s22] =	stream.linear.scatter [tilespmem:s11], [sflag:$0x6], $0x800, $0x38;
	v63 =	vld [tilespmem:$0x0]  }
0x91: {  	_ = 	snop  }
0x92: {  	[spmem:s26] =	stream.linear.scatter [tilespmem:s11], [sflag:$0x6], $0x800, $0x38;
	v63 =	vld [tilespmem:$0x0]  }
0x93: {  	s7 =	simm.s32 @!p0 $0x1F7F0  }
0x94: {  	[spmem:s6] =	stream.linear.scatter @!p0 [tilespmem:s7], [sflag:$0x6], $0x800, $0x38;
	v63 =	vld [tilespmem:$0x0]  }
0x95: {  	_ = 	snop  }
0x96: {  	[tilespmem:s13], [sflag:$0x1] =	stream.indirect.gather [hbm4b:s1+s12], $0x80, s8, s12, $0xb8;
	v63 =	vld [tilespmem:$0x0]  }
0x97: {  	s31 =	simm.s32 $0x138E8  }
0x98: {  	[tilespmem:s14], [sflag:$0x2] =	stream.indirect.gather [hbm4b:s1+s12], $0x80, s31, s12, $0xb8;
	v63 =	vld [tilespmem:$0x0]  }
0x99: {  	s9 =	sld [smem:$0x7FC];
	s8 =	simm.s32 $0x13950  }
0x9a: {  	[tilespmem:s15], [sflag:$0x3] =	stream.indirect.gather [hbm4b:s1+s12], $0x80, s8, s12, $0xb8;
	v63 =	vld [tilespmem:$0x0]  }
0x9b: {  	s22 =	sld [smem:$0x7F3]  }
0x9c: {  	[tilespmem:s16], [sflag:$0x4] =	stream.linear.gather [hbm4b:s9+s4], $0x68, $0x38;
	v63 =	vld [tilespmem:$0x0]  }
0x9d: {  	_ = 	snop  }
0x9e: {  	[tilespmem:s17], [sflag:$0x5] =	stream.linear.gather [hbm4b:s22+s4], $0x68, $0x38;
	v63 =	vld [tilespmem:$0x0]  }
0x9f: {  	_ =	swait.ge [sflag:s18], $0x800  }
0xa0: {  	[sflag:s18] =	ssyncset.done $0x0  }
0xa1: {  	[sflag:s18] =	ssyncadd.s32 $0xFFFFF800  }
0xa2: {  	_ =	swait.ge [sflag:s18], $0x800  }
0xa3: {  	[sflag:s18] =	ssyncset.done $0x0  }
0xa4: {  	[sflag:s18] =	ssyncadd.s32 $0xFFFFF800  }
0xa5: {  	_ =	swait.ge [sflag:s18], $0x800  }
0xa6: {  	[sflag:s18] =	ssyncset.done $0x0  }
0xa7: {  	[sflag:s18] =	ssyncadd.s32 $0xFFFFF800  }
0xa8: {  	_ =	swait.ge [sflag:s18], $0x800  }
0xa9: {  	[sflag:s18] =	ssyncset.done $0x0  }
0xaa: {  	[sflag:s18] =	ssyncadd.s32 $0xFFFFF800  }
0xab: {  	_ =	swait.ge [sflag:s18], $0x800  }
0xac: {  	[sflag:s18] =	ssyncset.done $0x0  }
0xad: {  	[sflag:s18] =	ssyncadd.s32 $0xFFFFF800  }
0xae: {  	_ =	swait.ge [sflag:s18], $0x800  }
0xaf: {  	[sflag:s18] =	ssyncset.done $0x0  }
0xb0: {  	[sflag:s18] =	ssyncadd.s32 $0xFFFFF800  }
0xb1: {  	_ =	swait.ge [sflag:s18], $0x800  }
0xb2: {  	[sflag:s18] =	ssyncset.done $0x0  }
0xb3: {  	[sflag:s18] =	ssyncadd.s32 $0xFFFFF800  }
0xb4: {  	_ =	swait.ge [sflag:s18], $0x800  }
0xb5: {  	[sflag:s18] =	ssyncset.done $0x0  }
0xb6: {  	[sflag:s18] =	ssyncadd.s32 $0xFFFFF800  }
0xb7: {  	_ =	swait.ge [sflag:s18], $0x800  }
0xb8: {  	[sflag:s18] =	ssyncset.done $0x0  }
0xb9: {  	[sflag:s18] =	ssyncadd.s32 $0xFFFFF800  }
0xba: {  	_ =	swait.ge [sflag:s18], $0x800  }
0xbb: {  	[sflag:s18] =	ssyncset.done $0x0  }
0xbc: {  	[sflag:s18] =	ssyncadd.s32 $0xFFFFF800  }
0xbd: {  	_ =	swait.ge [sflag:s18], $0x800  }
0xbe: {  	[sflag:s18] =	ssyncset.done $0x0  }
0xbf: {  	[sflag:s18] =	ssyncadd.s32 $0xFFFFF800  }
0xc0: {  	_ =	swait.ge [sflag:s18], $0x800  }
0xc1: {  	[sflag:s18] =	ssyncset.done $0x0  }
0xc2: {  	[sflag:s18] =	ssyncadd.s32 $0xFFFFF800  }
0xc3: {  	_ =	swait.ge [sflag:s18], $0x800  }
0xc4: {  	[sflag:s18] =	ssyncset.done $0x0  }
0xc5: {  	[sflag:s18] =	ssyncadd.s32 $0xFFFFF800  }
0xc6: {  	_ =	swait.ge [sflag:s18], $0x800  }
0xc7: {  	[sflag:s18] =	ssyncset.done $0x0  }
0xc8: {  	[sflag:s18] =	ssyncadd.s32 $0xFFFFF800  }
0xc9: {  	_ =	swait.ge [sflag:s18], $0x800  }
0xca: {  	[sflag:s18] =	ssyncset.done $0x0  }
0xcb: {  	[sflag:s18] =	ssyncadd.s32 $0xFFFFF800  }
0xcc: {  	_ =	swait.ge [sflag:s18], $0x800  }
0xcd: {  	[sflag:s18] =	ssyncset.done $0x0  }
0xce: {  	[sflag:s18] =	ssyncadd.s32 $0xFFFFF800  }
0xcf: {  	_ =	swait.ge [sflag:s18], $0x800  }
0xd0: {  	[sflag:s18] =	ssyncset.done $0x0  }
0xd1: {  	[sflag:s18] =	ssyncadd.s32 $0xFFFFF800  }
0xd2: {  	_ =	swait.ge [sflag:s18], $0x800  }
0xd3: {  	[sflag:s18] =	ssyncset.done $0x0  }
0xd4: {  	[sflag:s18] =	ssyncadd.s32 $0xFFFFF800  }
0xd5: {  	_ =	swait.ge [sflag:s18], $0x800  }
0xd6: {  	[sflag:s18] =	ssyncset.done $0x0  }
0xd7: {  	[sflag:s18] =	ssyncadd.s32 $0xFFFFF800  }
0xd8: {  	_ =	swait.ge [sflag:s18], $0x800  }
0xd9: {  	[sflag:s18] =	ssyncset.done $0x0  }
0xda: {  	[sflag:s18] =	ssyncadd.s32 $0xFFFFF800  }
0xdb: {  	_ =	swait.ge [sflag:s18], $0x800  }
0xdc: {  	[sflag:s18] =	ssyncset.done $0x0  }
0xdd: {  	[sflag:s18] =	ssyncadd.s32 $0xFFFFF800  }
0xde: {  	_ =	swait.ge [sflag:s18], $0x800  }
0xdf: {  	[sflag:s18] =	ssyncset.done $0x0  }
0xe0: {  	[sflag:s18] =	ssyncadd.s32 $0xFFFFF800  }
0xe1: {  	_ =	swait.ge [sflag:s18], $0x800  }
0xe2: {  	[sflag:s18] =	ssyncset.done $0x0  }
0xe3: {  	[sflag:s18] =	ssyncadd.s32 $0xFFFFF800  }
0xe4: {  	_ =	swait.ge [sflag:s18], $0x800  }
0xe5: {  	[sflag:s18] =	ssyncset.done $0x0  }
0xe6: {  	[sflag:s18] =	ssyncadd.s32 $0xFFFFF800  }
0xe7: {  	_ =	swait.ge [sflag:s18], $0x800  }
0xe8: {  	[sflag:s18] =	ssyncset.done $0x0  }
0xe9: {  	[sflag:s18] =	ssyncadd.s32 $0xFFFFF800  }
0xea: {  	_ =	swait.ge [sflag:s18], $0x800  }
0xeb: {  	[sflag:s18] =	ssyncset.done $0x0  }
0xec: {  	[sflag:s18] =	ssyncadd.s32 $0xFFFFF800  }
0xed: {  	_ =	swait.ge [sflag:s18], $0x800  }
0xee: {  	[sflag:s18] =	ssyncset.done $0x0  }
0xef: {  	[sflag:s18] =	ssyncadd.s32 $0xFFFFF800  }
0xf0: {  	_ =	swait.ge [sflag:s18], $0x800  }
0xf1: {  	[sflag:s18] =	ssyncset.done $0x0  }
0xf2: {  	[sflag:s18] =	ssyncadd.s32 $0xFFFFF800  }
0xf3: {  	_ =	swait.ge [sflag:s18], $0x800  }
0xf4: {  	[sflag:s18] =	ssyncset.done $0x0  }
0xf5: {  	[sflag:s18] =	ssyncadd.s32 $0xFFFFF800  }
0xf6: {  	_ =	swait.ge [sflag:s18], $0x800  }
0xf7: {  	[sflag:s18] =	ssyncset.done $0x0  }
0xf8: {  	[sflag:s18] =	ssyncadd.s32 $0xFFFFF800  }
0xf9: {  	_ =	swait.ge [sflag:s18], $0x800  }
0xfa: {  	[sflag:s18] =	ssyncset.done $0x0  }
0xfb: {  	[sflag:s18] =	ssyncadd.s32 $0xFFFFF800  }
0xfc: {  	_ =	swait.ge [sflag:s18], $0x800  }
0xfd: {  	[sflag:s18] =	ssyncset.done $0x0  }
0xfe: {  	[sflag:s18] =	ssyncadd.s32 $0xFFFFF800  }
0xff: {  	_ =	swait.ge [sflag:s18], $0x800  }
0x100: {  	[sflag:s18] =	ssyncset.done $0x0  }
0x101: {  	[sflag:s18] =	ssyncadd.s32 $0xFFFFF800  }
0x102: {  	_ =	swait.ge [sflag:s18], $0x800  }
0x103: {  	[sflag:s18] =	ssyncset.done $0x0  }
0x104: {  	[sflag:s18] =	ssyncadd.s32 $0xFFFFF800  }
0x105: {  	_ =	swait.ge [sflag:s18], $0x800  }
0x106: {  	[sflag:s18] =	ssyncset.done $0x0  }
0x107: {  	[sflag:s18] =	ssyncadd.s32 $0xFFFFF800  }
0x108: {  	_ =	swait.ge [sflag:s18], $0x800  }
0x109: {  	[sflag:s18] =	ssyncset.done $0x0  }
0x10a: {  	[sflag:s18] =	ssyncadd.s32 $0xFFFFF800  }
0x10b: {  	_ =	swait.ge [sflag:s18], $0x800  }
0x10c: {  	[sflag:s18] =	ssyncset.done $0x0  }
0x10d: {  	[sflag:s18] =	ssyncadd.s32 $0xFFFFF800  }
0x10e: {  	_ =	swait.ge [sflag:s18], $0x800  }
0x10f: {  	[sflag:s18] =	ssyncset.done $0x0  }
0x110: {  	[sflag:s18] =	ssyncadd.s32 $0xFFFFF800  }
0x111: {  	_ =	swait.ge [sflag:s18], $0x800  }
0x112: {  	[sflag:s18] =	ssyncset.done $0x0  }
0x113: {  	s7 =	simm.s32 @!p0 $0x6;
	[sflag:s18] =	ssyncadd.s32 $0xFFFFF800  }
0x114: {  	_ =	swait.ge @!p0 [sflag:s7], $0x800  }
0x115: {  	[sflag:s7] =	ssyncset.done @!p0 $0x0  }
0x116: {  	[sflag:s7] =	ssyncadd.s32 @!p0 $0xFFFFF800  }
0x117: {  	[bflag:$0x0] =	sbarrier.arrive $0xFFFF  }
0x118: {  	_ =	swait.ge [sflag:s19], $0x3200  }
0x119: {  	[sflag:s19] =	ssyncset.done $0x0  }
0x11a: {  	[sflag:s19] =	ssyncadd.s32 $0xFFFFCE00  }
0x11b: {  	_ =	swait.ge [sflag:s20], $0x68  }
0x11c: {  	[sflag:s20] =	ssyncset.done $0x0  }
0x11d: {  	[sflag:s20] =	ssyncadd.s32 $0xFFFFFF98  }
0x11e: {  	[spmem:s3] =	stream.indirect.scatter.add.f32 [tilespmem:s13], [sflag:$0x7], $0x80, s16, s12, $0xb8;
	v63 =	vld [tilespmem:$0x0]  }
0x11f: {  	_ =	swait.ge [sflag:s10], $0x3200  }
0x120: {  	s28 =	sld [smem:$0x7F7]  }
0x121: {  	[sflag:s10] =	ssyncset.done $0x0  }
0x122: {  	[sflag:s10] =	ssyncadd.s32 $0xFFFFCE00  }
0x123: {  	[tilespmem:s16], [sflag:$0x4] =	stream.linear.gather [hbm4b:s28+s4], $0x68, $0x38;
	v63 =	vld [tilespmem:$0x0]  }
0x124: {  	s26 =	simm.s32 $0x139B8  }
0x125: {  	[tilespmem:s13], [sflag:$0x1] =	stream.indirect.gather [hbm4b:s1+s12], $0x80, s26, s12, $0xb8;
	v63 =	vld [tilespmem:$0x0]  }
0x126: {  	_ =	swait.ge [sflag:s21], $0x3200  }
0x127: {  	[sflag:s21] =	ssyncset.done $0x0  }
0x128: {  	[sflag:s21] =	ssyncadd.s32 $0xFFFFCE00  }
0x129: {  	_ =	swait.ge [sflag:s23], $0x68  }
0x12a: {  	[sflag:s23] =	ssyncset.done $0x0  }
0x12b: {  	[sflag:s23] =	ssyncadd.s32 $0xFFFFFF98  }
0x12c: {  	[spmem:s3] =	stream.indirect.scatter.add.f32 [tilespmem:s14], [sflag:$0x7], $0x80, s17, s12, $0xb8;
	v63 =	vld [tilespmem:$0x0]  }
0x12d: {  	_ =	swait.ge [sflag:s10], $0x3200  }
0x12e: {  	[sflag:s10] =	ssyncset.done $0x0  }
0x12f: {  	[sflag:s10] =	ssyncadd.s32 $0xFFFFCE00  }
0x130: {  	[tilespmem:s17], [sflag:$0x5] =	stream.linear.gather [hbm4b:s0+s4], $0x68, $0x38;
	v63 =	vld [tilespmem:$0x0]  }
0x131: {  	s31 =	simm.s32 $0x13A20  }
0x132: {  	[tilespmem:s14], [sflag:$0x2] =	stream.indirect.gather [hbm4b:s1+s12], $0x80, s31, s12, $0xb8;
	v63 =	vld [tilespmem:$0x0]  }
0x133: {  	_ =	swait.ge [sflag:s24], $0x3200  }
0x134: {  	[sflag:s24] =	ssyncset.done $0x0  }
0x135: {  	[sflag:s24] =	ssyncadd.s32 $0xFFFFCE00  }
0x136: {  	_ =	swait.ge [sflag:s20], $0x68  }
0x137: {  	[sflag:s20] =	ssyncset.done $0x0  }
0x138: {  	[sflag:s20] =	ssyncadd.s32 $0xFFFFFF98  }
0x139: {  	[spmem:s3] =	stream.indirect.scatter.add.f32 [tilespmem:s15], [sflag:$0x7], $0x80, s16, s12, $0xb8;
	v63 =	vld [tilespmem:$0x0]  }
0x13a: {  	_ =	swait.ge [sflag:s10], $0x3200  }
0x13b: {  	s9 =	sld [smem:$0x7FB]  }
0x13c: {  	[sflag:s10] =	ssyncset.done $0x0  }
0x13d: {  	[sflag:s10] =	ssyncadd.s32 $0xFFFFCE00  }
0x13e: {  	[tilespmem:s16], [sflag:$0x4] =	stream.linear.gather [hbm4b:s9+s4], $0x68, $0x38;
	v63 =	vld [tilespmem:$0x0]  }
0x13f: {  	s8 =	simm.s32 $0x13A88  }
0x140: {  	[tilespmem:s15], [sflag:$0x3] =	stream.indirect.gather [hbm4b:s1+s12], $0x80, s8, s12, $0xb8;
	v63 =	vld [tilespmem:$0x0]  }
0x141: {  	_ =	swait.ge [sflag:s19], $0x3200  }
0x142: {  	[sflag:s19] =	ssyncset.done $0x0  }
0x143: {  	[sflag:s19] =	ssyncadd.s32 $0xFFFFCE00  }
0x144: {  	_ =	swait.ge [sflag:s23], $0x68  }
0x145: {  	[sflag:s23] =	ssyncset.done $0x0  }
0x146: {  	[sflag:s23] =	ssyncadd.s32 $0xFFFFFF98  }
0x147: {  	[spmem:s3] =	stream.indirect.scatter.add.f32 [tilespmem:s13], [sflag:$0x7], $0x80, s17, s12, $0xb8;
	v63 =	vld [tilespmem:$0x0]  }
0x148: {  	_ =	swait.ge [sflag:s10], $0x3200  }
0x149: {  	s30 =	sld [smem:$0x7FA]  }
0x14a: {  	[sflag:s10] =	ssyncset.done $0x0  }
0x14b: {  	[sflag:s10] =	ssyncadd.s32 $0xFFFFCE00  }
0x14c: {  	[tilespmem:s17], [sflag:$0x5] =	stream.linear.gather [hbm4b:s30+s4], $0x68, $0x38;
	v63 =	vld [tilespmem:$0x0]  }
0x14d: {  	s22 =	simm.s32 $0x13AF0  }
0x14e: {  	[tilespmem:s13], [sflag:$0x1] =	stream.indirect.gather [hbm4b:s1+s12], $0x80, s22, s12, $0xb8;
	v63 =	vld [tilespmem:$0x0]  }
0x14f: {  	_ =	swait.ge [sflag:s21], $0x3200  }
0x150: {  	[sflag:s21] =	ssyncset.done $0x0  }
0x151: {  	[sflag:s21] =	ssyncadd.s32 $0xFFFFCE00  }
0x152: {  	_ =	swait.ge [sflag:s20], $0x68  }
0x153: {  	[sflag:s20] =	ssyncset.done $0x0  }
0x154: {  	[sflag:s20] =	ssyncadd.s32 $0xFFFFFF98  }
0x155: {  	[spmem:s3] =	stream.indirect.scatter.add.f32 [tilespmem:s14], [sflag:$0x7], $0x80, s16, s12, $0xb8;
	v63 =	vld [tilespmem:$0x0]  }
0x156: {  	_ =	swait.ge [sflag:s10], $0x3200  }
0x157: {  	s8 =	sld [smem:$0x7F9];
	_ =	sdelay $0x2  }
0x158: {  	[sflag:s10] =	ssyncset.done $0x0;
	s26 =	sshrl.u32 s8, $0x3  }
0x159: {  	[sflag:s10] =	ssyncadd.s32 $0xFFFFCE00;
	s7 =	sadd.s32 s5, s26  }
0x15a: {  	[tilespmem:s16], [sflag:$0x4] =	stream.linear.gather [hbm4b:s7+s4], $0x68, $0x38;
	v63 =	vld [tilespmem:$0x0]  }
0x15b: {  	s31 =	simm.s32 $0x13B58  }
0x15c: {  	[tilespmem:s14], [sflag:$0x2] =	stream.indirect.gather [hbm4b:s1+s12], $0x80, s31, s12, $0xb8;
	v63 =	vld [tilespmem:$0x0]  }
0x15d: {  	_ =	swait.ge [sflag:s24], $0x3200  }
0x15e: {  	[sflag:s24] =	ssyncset.done $0x0  }
0x15f: {  	[sflag:s24] =	ssyncadd.s32 $0xFFFFCE00  }
0x160: {  	_ =	swait.ge [sflag:s23], $0x68  }
0x161: {  	[sflag:s23] =	ssyncset.done $0x0  }
0x162: {  	[sflag:s23] =	ssyncadd.s32 $0xFFFFFF98  }
0x163: {  	[spmem:s3] =	stream.indirect.scatter.add.f32 [tilespmem:s15], [sflag:$0x7], $0x80, s17, s12, $0xb8;
	v63 =	vld [tilespmem:$0x0]  }
0x164: {  	_ =	swait.ge [sflag:s10], $0x3200  }
0x165: {  	s28 =	sadd.s32 $0x4E, s28;
	s29 =	sld [smem:$0x7F8]  }
0x166: {  	s22 =	sadd.s32 $0x4E, s9;
	s9 =	sadd.s32 $0x4E, s0;
	[sflag:s10] =	ssyncset.done $0x0  }
0x167: {  	s26 =	simm.s32 $0x9C0;
	s7 =	sadd.s32 $0x270, s8;
	[sflag:s10] =	ssyncadd.s32 $0xFFFFCE00  }
0x168: {  	[tilespmem:s17], [sflag:$0x5] =	stream.linear.gather [hbm4b:s29+s4], $0x68, $0x38;
	v63 =	vld [tilespmem:$0x0]  }
0x169: {  	s8 =	sadd.s32 $0x4E, s30;
	s30 =	simm.s32 $0x13BC0;
	s29 =	sadd.s32 $0x4E, s29  }
.LBB2_2:
0x16a: {  	[tilespmem:s15], [sflag:$0x3] =	stream.indirect.gather [hbm4b:s1+s12], $0x80, s30, s12, $0xb8;
	v63 =	vld [tilespmem:$0x0]  }
0x16b: {  	s30 =	smov.u32 s26  }
0x16c: {  	p1 =	sne.s32 s26, $0x9240;
	s26 =	sadd.s32 $0x9C0, s26;
	_ =	swait.ge [sflag:s19], $0x3200  }
0x16d: {  	[sflag:s19] =	ssyncset.done $0x0  }
0x16e: {  	[sflag:s19] =	ssyncadd.s32 $0xFFFFCE00  }
0x16f: {  	_ =	swait.ge [sflag:s20], $0x68  }
0x170: {  	[sflag:s20] =	ssyncset.done $0x0  }
0x171: {  	[sflag:s20] =	ssyncadd.s32 $0xFFFFFF98  }
0x172: {  	[spmem:s3] =	stream.indirect.scatter.add.f32 [tilespmem:s13], [sflag:$0x7], $0x80, s16, s12, $0xb8;
	v63 =	vld [tilespmem:$0x0]  }
0x173: {  	_ =	swait.ge [sflag:s10], $0x3200  }
0x174: {  	[sflag:s10] =	ssyncset.done $0x0  }
0x175: {  	s30 =	sshra.s32 s30, $0x2;
	[sflag:s10] =	ssyncadd.s32 $0xFFFFCE00  }
0x176: {  	[tilespmem:s16], [sflag:$0x4] =	stream.linear.gather [hbm4b:s28+s4], $0x68, $0x38;
	v63 =	vld [tilespmem:$0x0]  }
0x177: {  	s31 =	sadd.s32 $0x139B8, s30  }
0x178: {  	[tilespmem:s13], [sflag:$0x1] =	stream.indirect.gather [hbm4b:s1+s12], $0x80, s31, s12, $0xb8;
	v63 =	vld [tilespmem:$0x0]  }
0x179: {  	_ =	swait.ge [sflag:s21], $0x3200  }
0x17a: {  	[sflag:s21] =	ssyncset.done $0x0  }
0x17b: {  	[sflag:s21] =	ssyncadd.s32 $0xFFFFCE00  }
0x17c: {  	_ =	swait.ge [sflag:s23], $0x68  }
0x17d: {  	[sflag:s23] =	ssyncset.done $0x0  }
0x17e: {  	[sflag:s23] =	ssyncadd.s32 $0xFFFFFF98  }
0x17f: {  	[spmem:s3] =	stream.indirect.scatter.add.f32 [tilespmem:s14], [sflag:$0x7], $0x80, s17, s12, $0xb8;
	v63 =	vld [tilespmem:$0x0]  }
0x180: {  	_ =	swait.ge [sflag:s10], $0x3200  }
0x181: {  	[sflag:s10] =	ssyncset.done $0x0  }
0x182: {  	[sflag:s10] =	ssyncadd.s32 $0xFFFFCE00  }
0x183: {  	[tilespmem:s17], [sflag:$0x5] =	stream.linear.gather [hbm4b:s9+s4], $0x68, $0x38;
	v63 =	vld [tilespmem:$0x0]  }
0x184: {  	s31 =	sadd.s32 $0x13A20, s30  }
0x185: {  	[tilespmem:s14], [sflag:$0x2] =	stream.indirect.gather [hbm4b:s1+s12], $0x80, s31, s12, $0xb8;
	v63 =	vld [tilespmem:$0x0]  }
0x186: {  	_ =	swait.ge [sflag:s24], $0x3200  }
0x187: {  	[sflag:s24] =	ssyncset.done $0x0  }
0x188: {  	[sflag:s24] =	ssyncadd.s32 $0xFFFFCE00  }
0x189: {  	_ =	swait.ge [sflag:s20], $0x68  }
0x18a: {  	[sflag:s20] =	ssyncset.done $0x0  }
0x18b: {  	[sflag:s20] =	ssyncadd.s32 $0xFFFFFF98  }
0x18c: {  	[spmem:s3] =	stream.indirect.scatter.add.f32 [tilespmem:s15], [sflag:$0x7], $0x80, s16, s12, $0xb8;
	v63 =	vld [tilespmem:$0x0]  }
0x18d: {  	_ =	swait.ge [sflag:s10], $0x3200  }
0x18e: {  	[sflag:s10] =	ssyncset.done $0x0  }
0x18f: {  	[sflag:s10] =	ssyncadd.s32 $0xFFFFCE00  }
0x190: {  	[tilespmem:s16], [sflag:$0x4] =	stream.linear.gather [hbm4b:s22+s4], $0x68, $0x38;
	v63 =	vld [tilespmem:$0x0]  }
0x191: {  	s31 =	sadd.s32 $0x13A88, s30  }
0x192: {  	[tilespmem:s15], [sflag:$0x3] =	stream.indirect.gather [hbm4b:s1+s12], $0x80, s31, s12, $0xb8;
	v63 =	vld [tilespmem:$0x0]  }
0x193: {  	_ =	swait.ge [sflag:s19], $0x3200  }
0x194: {  	[sflag:s19] =	ssyncset.done $0x0  }
0x195: {  	[sflag:s19] =	ssyncadd.s32 $0xFFFFCE00  }
0x196: {  	_ =	swait.ge [sflag:s23], $0x68  }
0x197: {  	[sflag:s23] =	ssyncset.done $0x0  }
0x198: {  	[sflag:s23] =	ssyncadd.s32 $0xFFFFFF98  }
0x199: {  	[spmem:s3] =	stream.indirect.scatter.add.f32 [tilespmem:s13], [sflag:$0x7], $0x80, s17, s12, $0xb8;
	v63 =	vld [tilespmem:$0x0]  }
0x19a: {  	_ =	swait.ge [sflag:s10], $0x3200  }
0x19b: {  	[sflag:s10] =	ssyncset.done $0x0  }
0x19c: {  	[sflag:s10] =	ssyncadd.s32 $0xFFFFCE00  }
0x19d: {  	[tilespmem:s17], [sflag:$0x5] =	stream.linear.gather [hbm4b:s8+s4], $0x68, $0x38;
	v63 =	vld [tilespmem:$0x0]  }
0x19e: {  	s31 =	sadd.s32 $0x13AF0, s30  }
0x19f: {  	[tilespmem:s13], [sflag:$0x1] =	stream.indirect.gather [hbm4b:s1+s12], $0x80, s31, s12, $0xb8;
	v63 =	vld [tilespmem:$0x0]  }
0x1a0: {  	_ =	swait.ge [sflag:s21], $0x3200  }
0x1a1: {  	[sflag:s21] =	ssyncset.done $0x0  }
0x1a2: {  	[sflag:s21] =	ssyncadd.s32 $0xFFFFCE00  }
0x1a3: {  	_ =	swait.ge [sflag:s20], $0x68  }
0x1a4: {  	[sflag:s20] =	ssyncset.done $0x0  }
0x1a5: {  	[sflag:s20] =	ssyncadd.s32 $0xFFFFFF98  }
0x1a6: {  	[spmem:s3] =	stream.indirect.scatter.add.f32 [tilespmem:s14], [sflag:$0x7], $0x80, s16, s12, $0xb8;
	v63 =	vld [tilespmem:$0x0]  }
0x1a7: {  	_ =	swait.ge [sflag:s10], $0x3200  }
0x1a8: {  	s31 =	sshrl.u32 s7, $0x3;
	[sflag:s10] =	ssyncset.done $0x0  }
0x1a9: {  	s31 =	sadd.s32 s5, s31;
	[sflag:s10] =	ssyncadd.s32 $0xFFFFCE00  }
0x1aa: {  	[tilespmem:s16], [sflag:$0x4] =	stream.linear.gather [hbm4b:s31+s4], $0x68, $0x38;
	v63 =	vld [tilespmem:$0x0]  }
0x1ab: {  	s31 =	sadd.s32 $0x13B58, s30  }
0x1ac: {  	[tilespmem:s14], [sflag:$0x2] =	stream.indirect.gather [hbm4b:s1+s12], $0x80, s31, s12, $0xb8;
	v63 =	vld [tilespmem:$0x0]  }
0x1ad: {  	_ =	swait.ge [sflag:s24], $0x3200  }
0x1ae: {  	[sflag:s24] =	ssyncset.done $0x0  }
0x1af: {  	[sflag:s24] =	ssyncadd.s32 $0xFFFFCE00  }
0x1b0: {  	_ =	swait.ge [sflag:s23], $0x68  }
0x1b1: {  	[sflag:s23] =	ssyncset.done $0x0  }
0x1b2: {  	[sflag:s23] =	ssyncadd.s32 $0xFFFFFF98  }
0x1b3: {  	[spmem:s3] =	stream.indirect.scatter.add.f32 [tilespmem:s15], [sflag:$0x7], $0x80, s17, s12, $0xb8;
	v63 =	vld [tilespmem:$0x0]  }
.Ltmp0:
0x1b4: {  	_ =	swait.ge [sflag:s10], $0x3200;
	(pc) =	sbr.rel @p1 .LBB2_2-.Ltmp0, $4  }
0x1b5: {  	s9 =	sadd.s32 $0x4E, s9;
	s22 =	sadd.s32 $0x4E, s22;
	[sflag:s10] =	ssyncset.done $0x0  }
0x1b6: {  	s8 =	sadd.s32 $0x4E, s8;
	s7 =	sadd.s32 $0x270, s7;
	[sflag:s10] =	ssyncadd.s32 $0xFFFFCE00  }
0x1b7: {  	[tilespmem:s17], [sflag:$0x5] =	stream.linear.gather [hbm4b:s29+s4], $0x68, $0x38;
	v63 =	vld [tilespmem:$0x0]  }
0x1b8: {  	s28 =	sadd.s32 $0x4E, s28;
	s30 =	sadd.s32 $0x13BC0, s30;
	s29 =	sadd.s32 $0x4E, s29  }
0x1b9: {  	[tilespmem:s15], [sflag:$0x3] =	stream.indirect.gather [hbm4b:s1+s12], $0x80, s30, s12, $0xb8;
	v63 =	vld [tilespmem:$0x0]  }
0x1ba: {  	_ =	swait.ge [sflag:s19], $0x3200  }
0x1bb: {  	[sflag:s19] =	ssyncset.done $0x0  }
0x1bc: {  	[sflag:s19] =	ssyncadd.s32 $0xFFFFCE00  }
0x1bd: {  	_ =	swait.ge [sflag:s20], $0x68  }
0x1be: {  	[sflag:s20] =	ssyncset.done $0x0  }
0x1bf: {  	[sflag:s20] =	ssyncadd.s32 $0xFFFFFF98  }
0x1c0: {  	[spmem:s3] =	stream.indirect.scatter.add.f32 [tilespmem:s13], [sflag:$0x7], $0x80, s16, s12, $0xb8;
	v63 =	vld [tilespmem:$0x0]  }
0x1c1: {  	_ =	swait.ge [sflag:s10], $0x3200  }
0x1c2: {  	s7 =	sld [smem:$0x7FD]  }
0x1c3: {  	[sflag:s10] =	ssyncset.done $0x0  }
0x1c4: {  	[sflag:s10] =	ssyncadd.s32 $0xFFFFCE00  }
0x1c5: {  	[tilespmem:s16], [sflag:$0x4] =	stream.linear.gather [hbm4b:s7+s4], $0x68, $0x38;
	v63 =	vld [tilespmem:$0x0]  }
0x1c6: {  	s26 =	simm.s32 $0x160B8  }
0x1c7: {  	[tilespmem:s13], [sflag:$0x1] =	stream.indirect.gather [hbm4b:s1+s12], $0x80, s26, s12, $0xb8;
	v63 =	vld [tilespmem:$0x0]  }
0x1c8: {  	_ =	swait.ge [sflag:s21], $0x3200  }
0x1c9: {  	[sflag:s21] =	ssyncset.done $0x0  }
0x1ca: {  	[sflag:s21] =	ssyncadd.s32 $0xFFFFCE00  }
0x1cb: {  	_ =	swait.ge [sflag:s23], $0x68  }
0x1cc: {  	[sflag:s23] =	ssyncset.done $0x0  }
0x1cd: {  	[sflag:s23] =	ssyncadd.s32 $0xFFFFFF98  }
0x1ce: {  	[spmem:s3] =	stream.indirect.scatter.add.f32 [tilespmem:s14], [sflag:$0x7], $0x80, s17, s12, $0xb8;
	v63 =	vld [tilespmem:$0x0]  }
0x1cf: {  	_ =	swait.ge [sflag:s10], $0x3200  }
0x1d0: {  	s28 =	sld [smem:$0x7F4]  }
0x1d1: {  	[sflag:s10] =	ssyncset.done $0x0  }
0x1d2: {  	[sflag:s10] =	ssyncadd.s32 $0xFFFFCE00  }
0x1d3: {  	[tilespmem:s17], [sflag:$0x5] =	stream.linear.gather [hbm4b:s28+s4], $0x68, $0x38;
	v63 =	vld [tilespmem:$0x0]  }
0x1d4: {  	_ =	swait.ge [sflag:s24], $0x3200  }
0x1d5: {  	[sflag:s24] =	ssyncset.done $0x0  }
0x1d6: {  	[sflag:s24] =	ssyncadd.s32 $0xFFFFCE00  }
0x1d7: {  	_ =	swait.ge [sflag:s20], $0x68  }
0x1d8: {  	[sflag:s20] =	ssyncset.done $0x0  }
0x1d9: {  	[sflag:s20] =	ssyncadd.s32 $0xFFFFFF98  }
0x1da: {  	[spmem:s3] =	stream.indirect.scatter.add.f32 [tilespmem:s15], [sflag:$0x7], $0x80, s16, s12, $0xb8;
	v63 =	vld [tilespmem:$0x0]  }
0x1db: {  	_ =	swait.ge [sflag:s10], $0x3200  }
0x1dc: {  	[sflag:s10] =	ssyncset.done $0x0  }
0x1dd: {  	[sflag:s10] =	ssyncadd.s32 $0xFFFFCE00  }
0x1de: {  	_ =	swait.ge [sflag:s19], $0x3200  }
0x1df: {  	[sflag:s19] =	ssyncset.done $0x0  }
0x1e0: {  	[sflag:s19] =	ssyncadd.s32 $0xFFFFCE00  }
0x1e1: {  	_ =	swait.ge [sflag:s23], $0x68  }
0x1e2: {  	[sflag:s23] =	ssyncset.done $0x0  }
0x1e3: {  	[sflag:s23] =	ssyncadd.s32 $0xFFFFFF98  }
0x1e4: {  	[spmem:s3] =	stream.indirect.scatter.add.f32 [tilespmem:s13], [sflag:$0x7], $0x80, s17, s12, $0xb8;
	v63 =	vld [tilespmem:$0x0]  }
0x1e5: {  	_ =	swait.ge [sflag:s10], $0x3200  }
0x1e6: {  	[sflag:s10] =	ssyncset.done $0x0  }
0x1e7: {  	s29 =	stileid.u32;
	[sflag:s10] =	ssyncadd.s32 $0xFFFFCE00  }
0x1e8: {  	s7 =	sshll.u32 s29, $0x6;
	[bflag:$0x0] =	sbarrier.arrive $0xFFFF  }
0x1e9: {  	s8 =	sshrl.u32 s2, $0x3;
	s7 =	sor.u32 $0x1C07, s7;
	s30 =	rddreg [dreg:$0xe]  }
0x1ea: {  	[hbm:s30], [sflag:s7] =	dma.local [spmem:s8], $0x2700  }
0x1eb: {  	_ =	swait.ge [sflag:s10], $0x2700  }
0x1ec: {  	s22 =	smov.u32 s2;
	s2 =	sld [smem:$0x7F5]  }
0x1ed: {  	[sflag:s10] =	ssyncset.done $0x0  }
0x1ee: {  	s8 =	sshrl.u32 @!p0 s6, $0x3;
	[sflag:s10] =	ssyncadd.s32 $0xFFFFD900  }
0x1ef: {  	[hbm:s2], [sflag:s7] =	dma.local @!p0 [spmem:s8], $0x100  }
0x1f0: {  	s7 =	simm.s32 @!p0 $0x7  }
0x1f1: {  	_ =	swait.ge @!p0 [sflag:s7], $0x100  }
0x1f2: {  	s31 =	sld [smem:$0x7F6];
	_ =	sdelay $0x1  }
0x1f3: {  	s25 =	sadd.s32 $0x1, s25  }
0x1f4: {  	p1 =	sne.s32 s25, s31  }
.Ltmp1:
0x1f5: {  	_ = 	snop;
	(pc) =	sbr.rel @p1 .LBB2_1-.Ltmp1, $3  }
0x1f6: {  	_ =	sdelay $0x1  }
0x1f7: {  	[sflag:s7] =	ssyncset.done @!p0 $0x0  }
0x1f8: {  	[sflag:s7] =	ssyncadd.s32 @!p0 $0xFFFFFF00  }
0x1f9: {  	_ =	sfence.sel $0x180000  }
0x1fa: {  	[bflag:$0x0] =	sbarrier.arrive $0xFFFF  }
0x1fb: {  	_ =	strace $0x9000004A  }
0x1fc: {  	s0 =	stileid.u32;
	[bflag:$0x2] =	sbarrier.arrive $0xFFFF  }
0x1fd: {  	p0 =	sne.s32 s0, $0x0;
	s0 =	rddreg [dreg:$0x3]  }
0x1fe: {  	s0 =	sadd.s32 @!p0 $0x100000, s0  }
0x1ff: {  	[sflag:s0] =	ssyncadd.tile.s32 @!p0 $0x1;
	_ =	shalt  }
.Lfunc_end2:
_tile_overlayer_lowered:
.L_overlay_start_2:
0x200: {  	(tag) =	ssettag $0x2  }
0x201: {  	s0 =	rddreg [dreg:$0x0];
	s2 =	stileid.u32  }
0x202: {  	s1 =	rddreg [dreg:$0x1];
	p0 =	sne.s32 s2, $0x0  }
0x203: {  	s3 =	rddreg [dreg:$0x2];
	[bflag:$0x3] =	sbarrier.arrive $0xFFFF;
	s2 =	simm.s32 @!p0 $0x1C07  }
0x204: {  	[timem:s3], [sflag:s2] =	dma.local @!p0 [hbm:s0], s1  }
0x205: {  	s0 =	simm.s32 @!p0 $0x7  }
0x206: {  	_ =	swait.ge @!p0 [sflag:s0], s1  }
0x207: {  	s1 =	ssub.s32 @!p0 $0x0, s1;
	[sflag:s0] =	ssyncset.done @!p0 $0x0  }
0x208: {  	[sflag:s0] =	ssyncadd.s32 @!p0 s1  }
0x209: {  	[bflag:$0x3] =	sbarrier.arrive $0xFFFF  }
0x20a: {  	_ =	shalt  }

</sc_bundles>
